<compile_context>
chip_gen: v7x
topology: tpu7x:2x2x1
jax: 0.10.2.dev20260603
libtpu: 0.0.44.dev20260713+nightly
codegen_flags: <defaults>
</compile_context>

<pallas_src>
import functools

import jax
import jax.numpy as jnp
from jax import lax
from jax.experimental import pallas as pl
from jax.experimental.pallas import tpu as pltpu
from jax.experimental.pallas import tpu_sc as plsc

_NUM_ENT = 100000
_HIDDEN = 16
_BATCH = 1024

_info = plsc.get_sparse_core_info()
_NC, _NS = _info.num_cores, _info.num_subcores
_NW = _NC * _NS
_BPW = _BATCH // _NW

_sc_mesh = plsc.VectorSubcoreMesh(core_axis_name="c", subcore_axis_name="s")


@functools.partial(
    pl.kernel,
    mesh=_sc_mesh,
    out_type=jax.ShapeDtypeStruct((_BATCH, _HIDDEN + 1), jnp.float32),
    scratch_types=[
        pltpu.VMEM((_BPW,), jnp.int32),
        pltpu.VMEM((_BPW, _HIDDEN, 128), jnp.float32),
        pltpu.VMEM((_BPW, _HIDDEN + 1), jnp.float32),
        pltpu.SemaphoreType.DMA,
    ],
    compiler_params=pltpu.CompilerParams(needs_layout_passes=False),
)
def _sc_gather(table_hbm, idx_hbm, out_hbm, idx_v, blk_v, rows_v, sem):
    wid = lax.axis_index("s") * _NC + lax.axis_index("c")
    base = wid * _BPW
    pltpu.sync_copy(idx_hbm.at[pl.ds(base, _BPW)], idx_v)
    lanes = lax.iota(jnp.int32, 16)
    zeros = jnp.zeros((16,), jnp.int32)
    es = []
    copies = []
    for g in range(_BPW // 16):
        v = idx_v[pl.ds(g * 16, 16)]
        for m in range(16):
            e = jnp.sum(jnp.where(lanes == m, v, zeros))
            es.append(e)
            eb = pl.multiple_of((e // 128) * 128, 128)
            copies.append(pltpu.async_copy(
                table_hbm.at[:, pl.ds(eb, 128)],
                blk_v.at[g * 16 + m],
                sem,
            ))
    for j, cp in enumerate(copies):
        cp.wait()
        lane = jnp.full((16,), 1, jnp.int32) * (es[j] % 128)
        val = plsc.load_gather(blk_v.at[j], [lanes, lane])
        plsc.store_scatter(rows_v, [jnp.full((16,), j, jnp.int32), lanes], val)
    ones = jnp.ones((16,), jnp.float32)
    col16 = jnp.full((16,), _HIDDEN, jnp.int32)
    for g in range(_BPW // 16):
        plsc.store_scatter(rows_v, [g * 16 + lanes, col16], ones)
    pltpu.sync_copy(rows_v, out_hbm.at[pl.ds(base, _BPW)])


_KA = _HIDDEN + 1
_BN = 2048
_NT = (_NUM_ENT + _BN - 1) // _BN


def _mm_body(wa_ref, ea_ref, out_ref):
    out_ref[...] = lax.dot_general(
        wa_ref[...], ea_ref[...],
        (((0,), (1,)), ((), ())),
        preferred_element_type=jnp.float32,
    )


def kernel(batch_data, ent_emb, W, b):
    idx = batch_data.reshape(_BATCH).astype(jnp.int32)
    ea = _sc_gather(ent_emb.T, idx)
    wa = jnp.concatenate([W.T, b.reshape(1, _NUM_ENT)], axis=0)
    out_t = pl.pallas_call(
        _mm_body,
        grid=(_NT,),
        in_specs=[
            pl.BlockSpec((_KA, _BN), lambda i: (0, i)),
            pl.BlockSpec((_BATCH, _KA), lambda i: (0, 0)),
        ],
        out_specs=pl.BlockSpec((_BN, _BATCH), lambda i: (i, 0)),
        out_shape=jax.ShapeDtypeStruct((_NUM_ENT, _BATCH), jnp.float32),
    )(wa, ea)
    return out_t.T

# --- scband reference (transcript-rebuilt; emitter-appended) ---
"""Pipeline reference for scband-entity-linear-5403068859159 (READ-ONLY COPY).

The authoritative reference and input builder live on the scoring server;
editing this copy changes nothing except your own understanding.
"""

import jax, jax.numpy as jnp
import numpy as np

NUM_ENT = 100000
HIDDEN_DIM = 16
BATCH = 1024

def setup_inputs(seed: int = 0) -> dict:
    key = jax.random.key(seed)
    k1, k2, k3, k4 = jax.random.split(key, 4)
    batch_data = jax.random.randint(k1, (BATCH, 1), 0, NUM_ENT, dtype=jnp.int64)
    # xavier_uniform with relu gain for ent_emb
    gain = float(np.sqrt(2.0))
    bound = gain * float(np.sqrt(6.0 / (NUM_ENT + HIDDEN_DIM)))
    ent_emb = jax.random.uniform(k2, (NUM_ENT, HIDDEN_DIM), minval=-bound, maxval=bound, dtype=jnp.float32)
    # nn.Linear(hidden_dim, num_ent): weight [num_ent, hidden_dim], bias [num_ent]
    lim = 1.0 / float(np.sqrt(HIDDEN_DIM))
    W = jax.random.uniform(k3, (NUM_ENT, HIDDEN_DIM), minval=-lim, maxval=lim, dtype=jnp.float32)
    b = jax.random.uniform(k4, (NUM_ENT,), minval=-lim, maxval=lim, dtype=jnp.float32)
    return {"batch_data": batch_data, "ent_emb": ent_emb, "W": W, "b": b}

def reference(batch_data, ent_emb, W, b):
    # gather embedding rows by first column of batch_data
    idx = batch_data[:, 0]
    emb = jnp.take(ent_emb, idx, axis=0)          # [B, hidden_dim]
    out = emb @ W.T + b                            # [B, num_ent]
    return out

if __name__ == "__main__":
    import jax
    _d = setup_inputs()
    print(jax.jit(kernel)(*tuple(_d.values())))

</pallas_src>

<mosaic_0001>
#map = affine_map<(d0, d1) -> (0, 0)>
#map1 = affine_map<(d0, d1) -> (0)>
module attributes {stable_mosaic.version = 14 : i64} {
  func.func @_sc_gather(%arg0: i32, %arg1: i32, %arg2: memref<16x100000xf32, #tpu.memory_space<hbm>>, %arg3: memref<1024xi32, #tpu.memory_space<hbm>>, %arg4: memref<1024x17xf32, #tpu.memory_space<hbm>>, %arg5: memref<32xi32, #tpu.memory_space<vmem>>, %arg6: memref<32x16x128xf32, #tpu.memory_space<vmem>>, %arg7: memref<32x17xf32, #tpu.memory_space<vmem>>, %arg8: memref<!tpu.dma_semaphore, #tpu.memory_space<semaphore_mem>>) attributes {dimension_semantics = [#tpu.dimension_semantics<core_parallel>, #tpu.dimension_semantics<subcore_parallel>], iteration_bounds = array<i64: 2, 16>, scalar_prefetch = 0 : i64, scratch_operands = 4 : i64, tpu.core_type = #tpu.core_type<sc_vector_subcore>, window_params = [{transform_indices = #map}, {transform_indices = #map1}, {transform_indices = #map}]} {
    %mul3A = arith.constant 2 : i32
    %mul3A_0 = arith.muli %arg1, %mul3A : i32
    %add3A = arith.addi %mul3A_0, %arg0 : i32
    %mul3A_1 = arith.constant 32 : i32
    %mul3A_2 = arith.muli %add3A, %mul3A_1 : i32
    "tpu.region"() ({
      %run_scoped3A = tpu.sem_alloc : memref<!tpu.dma_semaphore, #tpu.memory_space<semaphore_mem>>
      %dma_start3A_2850 = tpu.memref_slice %arg3[%mul3A_2] : memref<1024xi32, #tpu.memory_space<hbm>> -> memref<32xi32, #tpu.memory_space<hbm>>
      %dma_start3A_2851 = tpu.memref_slice %arg3[%mul3A_2] : memref<1024xi32, #tpu.memory_space<hbm>> -> memref<32xi32, #tpu.memory_space<hbm>>
      tpu.enqueue_dma source(%dma_start3A_2851 : memref<32xi32, #tpu.memory_space<hbm>>) target(%arg5 : memref<32xi32, #tpu.memory_space<vmem>>) target_semaphore(%run_scoped3A : memref<!tpu.dma_semaphore, #tpu.memory_space<semaphore_mem>>)
      %dma_wait3A_2852 = tpu.memref_slice %arg3[%mul3A_2] : memref<1024xi32, #tpu.memory_space<hbm>> -> memref<32xi32, #tpu.memory_space<hbm>>
      %dma_wait3A_2853 = tpu.memref_slice %arg3[%mul3A_2] : memref<1024xi32, #tpu.memory_space<hbm>> -> memref<32xi32, #tpu.memory_space<hbm>>
      tpu.wait_dma2 semaphore(%run_scoped3A : memref<!tpu.dma_semaphore, #tpu.memory_space<semaphore_mem>>) src(%dma_wait3A_2853 : memref<32xi32, #tpu.memory_space<hbm>>) dst(%arg5 : memref<32xi32, #tpu.memory_space<vmem>>)
      tpu.yield
    }) : () -> ()
    %iota3A = tpu.iota {dimensions = array<i32: 0>} : vector<16xi32>
    %broadcast_in_dim3A = arith.constant 0 : i32
    %broadcast_in_dim3A_3 = vector.broadcast %broadcast_in_dim3A : i32 to vector<16xi32>
    %get3A = arith.constant 0 : index
    %get3A_4 = tpu.vector_load %arg5[%get3A] {strides = array<i32>} : memref<32xi32, #tpu.memory_space<vmem>>, vector<16xi32>,
    %eq3A = arith.constant 0 : i32
    %eq3A_5 = vector.broadcast %eq3A : i32 to vector<16xi32>
    %eq3A_6 = arith.cmpi eq, %iota3A, %eq3A_5 : vector<16xi32>
    %select_n3A = arith.select %eq3A_6, %get3A_4, %broadcast_in_dim3A_3 : vector<16xi1>, vector<16xi32>
    %reduce_sum3A = arith.constant true
    %reduce_sum3A_7 = vector.broadcast %reduce_sum3A : i1 to vector<16xi1>
    %reduce_sum3A_8 = tpu.scan <sum>, %select_n3A masked %reduce_sum3A_7 : vector<16xi32>, vector<16xi1> -> vector<16xi32>
    %reduce_sum3A_9 = vector.extract %reduce_sum3A_8[15] : i32 from vector<16xi32>
    %jit3A = arith.constant 128 : i32
    %div3A = arith.divsi %reduce_sum3A_9, %jit3A : i32
    %sign3A = arith.constant 0 : i32
    %sign3A_10 = arith.cmpi sgt, %reduce_sum3A_9, %sign3A : i32
    %sign3A_11 = arith.extui %sign3A_10 : i1 to i32
    %sign3A_12 = arith.constant 0 : i32
    %sign3A_13 = arith.cmpi slt, %reduce_sum3A_9, %sign3A_12 : i32
    %sign3A_14 = arith.extui %sign3A_13 : i1 to i32
    %sign3A_15 = arith.subi %sign3A_11, %sign3A_14 : i32
    %sign3A_16 = arith.constant 0 : i32
    %sign3A_17 = arith.cmpi sgt, %jit3A, %sign3A_16 : i32
    %sign3A_18 = arith.extui %sign3A_17 : i1 to i32
    %sign3A_19 = arith.constant 0 : i32
    %sign3A_20 = arith.cmpi slt, %jit3A, %sign3A_19 : i32
    %sign3A_21 = arith.extui %sign3A_20 : i1 to i32
    %sign3A_22 = arith.subi %sign3A_18, %sign3A_21 : i32
    %ne3A = arith.cmpi ne, %sign3A_15, %sign3A_22 : i32
    %rem3A = arith.remsi %reduce_sum3A_9, %jit3A : i32
    %ne3A_23 = arith.constant 0 : i32
    %ne3A_24 = arith.cmpi ne, %rem3A, %ne3A_23 : i32
    %and3A = arith.andi %ne3A, %ne3A_24 : i1
    %sub3A = arith.constant 1 : i32
    %sub3A_25 = arith.subi %div3A, %sub3A : i32
    %select_n3A_26 = arith.select %and3A, %sub3A_25, %div3A : i32
    %mul3A_27 = arith.constant 128 : i32
    %mul3A_28 = arith.muli %select_n3A_26, %mul3A_27 : i32
    %multiple_of3A = tpu.assume_multiple %mul3A_28, 128 : i32
    %dma_start3A = arith.constant 0 : i32
    %dma_start3A_29 = arith.constant 0 : i32
    %dma_start3A_30 = arith.constant 0 : i32
    %dma_start3A_31 = tpu.memref_slice %arg6[%dma_start3A, %dma_start3A_29, %dma_start3A_30] : memref<32x16x128xf32, #tpu.memory_space<vmem>> -> memref<1x16x128xf32, #tpu.memory_space<vmem>>
    %dma_start3A_32 = tpu.memref_squeeze %dma_start3A_31 : memref<1x16x128xf32, #tpu.memory_space<vmem>> -> memref<16x128xf32, #tpu.memory_space<vmem>>
    %dma_start3A_33 = arith.constant 0 : i32
    %dma_start3A_34 = tpu.memref_slice %arg2[%dma_start3A_33, %multiple_of3A] : memref<16x100000xf32, #tpu.memory_space<hbm>> -> memref<16x128xf32, #tpu.memory_space<hbm>>
    %dma_start3A_35 = arith.constant 0 : i32
    %dma_start3A_36 = arith.constant 0 : i32
    %dma_start3A_37 = tpu.memref_slice %arg6[%dma_start3A, %dma_start3A_35, %dma_start3A_36] : memref<32x16x128xf32, #tpu.memory_space<vmem>> -> memref<1x16x128xf32, #tpu.memory_space<vmem>>
    %dma_start3A_38 = tpu.memref_squeeze %dma_start3A_37 : memref<1x16x128xf32, #tpu.memory_space<vmem>> -> memref<16x128xf32, #tpu.memory_space<vmem>>
    %dma_start3A_39 = arith.constant 0 : i32
    %dma_start3A_40 = tpu.memref_slice %arg2[%dma_start3A_39, %multiple_of3A] : memref<16x100000xf32, #tpu.memory_space<hbm>> -> memref<16x128xf32, #tpu.memory_space<hbm>>
    tpu.enqueue_dma source(%dma_start3A_40 : memref<16x128xf32, #tpu.memory_space<hbm>>) target(%dma_start3A_38 : memref<16x128xf32, #tpu.memory_space<vmem>>) target_semaphore(%arg8 : memref<!tpu.dma_semaphore, #tpu.memory_space<semaphore_mem>>)
    %eq3A_41 = arith.constant 1 : i32
    %eq3A_42 = vector.broadcast %eq3A_41 : i32 to vector<16xi32>
    %eq3A_43 = arith.cmpi eq, %iota3A, %eq3A_42 : vector<16xi32>
    %select_n3A_44 = arith.select %eq3A_43, %get3A_4, %broadcast_in_dim3A_3 : vector<16xi1>, vector<16xi32>
    %reduce_sum3A_45 = arith.constant true
    %reduce_sum3A_46 = vector.broadcast %reduce_sum3A_45 : i1 to vector<16xi1>
    %reduce_sum3A_47 = tpu.scan <sum>, %select_n3A_44 masked %reduce_sum3A_46 : vector<16xi32>, vector<16xi1> -> vector<16xi32>
    %reduce_sum3A_48 = vector.extract %reduce_sum3A_47[15] : i32 from vector<16xi32>
    %jit3A_49 = arith.constant 128 : i32
    %div3A_50 = arith.divsi %reduce_sum3A_48, %jit3A_49 : i32
    %sign3A_51 = arith.constant 0 : i32
    %sign3A_52 = arith.cmpi sgt, %reduce_sum3A_48, %sign3A_51 : i32
    %sign3A_53 = arith.extui %sign3A_52 : i1 to i32
    %sign3A_54 = arith.constant 0 : i32
    %sign3A_55 = arith.cmpi slt, %reduce_sum3A_48, %sign3A_54 : i32
    %sign3A_56 = arith.extui %sign3A_55 : i1 to i32
    %sign3A_57 = arith.subi %sign3A_53, %sign3A_56 : i32
    %sign3A_58 = arith.constant 0 : i32
    %sign3A_59 = arith.cmpi sgt, %jit3A_49, %sign3A_58 : i32
    %sign3A_60 = arith.extui %sign3A_59 : i1 to i32
    %sign3A_61 = arith.constant 0 : i32
    %sign3A_62 = arith.cmpi slt, %jit3A_49, %sign3A_61 : i32
    %sign3A_63 = arith.extui %sign3A_62 : i1 to i32
    %sign3A_64 = arith.subi %sign3A_60, %sign3A_63 : i32
    %ne3A_65 = arith.cmpi ne, %sign3A_57, %sign3A_64 : i32
    %rem3A_66 = arith.remsi %reduce_sum3A_48, %jit3A_49 : i32
    %ne3A_67 = arith.constant 0 : i32
    %ne3A_68 = arith.cmpi ne, %rem3A_66, %ne3A_67 : i32
    %and3A_69 = arith.andi %ne3A_65, %ne3A_68 : i1
    %sub3A_70 = arith.constant 1 : i32
    %sub3A_71 = arith.subi %div3A_50, %sub3A_70 : i32
    %select_n3A_72 = arith.select %and3A_69, %sub3A_71, %div3A_50 : i32
    %mul3A_73 = arith.constant 128 : i32
    %mul3A_74 = arith.muli %select_n3A_72, %mul3A_73 : i32
    %multiple_of3A_75 = tpu.assume_multiple %mul3A_74, 128 : i32
    %dma_start3A_76 = arith.constant 1 : i32
    %dma_start3A_77 = arith.constant 0 : i32
    %dma_start3A_78 = arith.constant 0 : i32
    %dma_start3A_79 = tpu.memref_slice %arg6[%dma_start3A_76, %dma_start3A_77, %dma_start3A_78] : memref<32x16x128xf32, #tpu.memory_space<vmem>> -> memref<1x16x128xf32, #tpu.memory_space<vmem>>
    %dma_start3A_80 = tpu.memref_squeeze %dma_start3A_79 : memref<1x16x128xf32, #tpu.memory_space<vmem>> -> memref<16x128xf32, #tpu.memory_space<vmem>>
    %dma_start3A_81 = arith.constant 0 : i32
    %dma_start3A_82 = tpu.memref_slice %arg2[%dma_start3A_81, %multiple_of3A_75] : memref<16x100000xf32, #tpu.memory_space<hbm>> -> memref<16x128xf32, #tpu.memory_space<hbm>>
    %dma_start3A_83 = arith.constant 0 : i32
    %dma_start3A_84 = arith.constant 0 : i32
    %dma_start3A_85 = tpu.memref_slice %arg6[%dma_start3A_76, %dma_start3A_83, %dma_start3A_84] : memref<32x16x128xf32, #tpu.memory_space<vmem>> -> memref<1x16x128xf32, #tpu.memory_space<vmem>>
    %dma_start3A_86 = tpu.memref_squeeze %dma_start3A_85 : memref<1x16x128xf32, #tpu.memory_space<vmem>> -> memref<16x128xf32, #tpu.memory_space<vmem>>
    %dma_start3A_87 = arith.constant 0 : i32
    %dma_start3A_88 = tpu.memref_slice %arg2[%dma_start3A_87, %multiple_of3A_75] : memref<16x100000xf32, #tpu.memory_space<hbm>> -> memref<16x128xf32, #tpu.memory_space<hbm>>
    tpu.enqueue_dma source(%dma_start3A_88 : memref<16x128xf32, #tpu.memory_space<hbm>>) target(%dma_start3A_86 : memref<16x128xf32, #tpu.memory_space<vmem>>) target_semaphore(%arg8 : memref<!tpu.dma_semaphore, #tpu.memory_space<semaphore_mem>>)
    %eq3A_89 = arith.constant 2 : i32
    %eq3A_90 = vector.broadcast %eq3A_89 : i32 to vector<16xi32>
    %eq3A_91 = arith.cmpi eq, %iota3A, %eq3A_90 : vector<16xi32>
    %select_n3A_92 = arith.select %eq3A_91, %get3A_4, %broadcast_in_dim3A_3 : vector<16xi1>, vector<16xi32>
    %reduce_sum3A_93 = arith.constant true
    %reduce_sum3A_94 = vector.broadcast %reduce_sum3A_93 : i1 to vector<16xi1>
    %reduce_sum3A_95 = tpu.scan <sum>, %select_n3A_92 masked %reduce_sum3A_94 : vector<16xi32>, vector<16xi1> -> vector<16xi32>
    %reduce_sum3A_96 = vector.extract %reduce_sum3A_95[15] : i32 from vector<16xi32>
    %jit3A_97 = arith.constant 128 : i32
    %div3A_98 = arith.divsi %reduce_sum3A_96, %jit3A_97 : i32
    %sign3A_99 = arith.constant 0 : i32
    %sign3A_100 = arith.cmpi sgt, %reduce_sum3A_96, %sign3A_99 : i32
    %sign3A_101 = arith.extui %sign3A_100 : i1 to i32
    %sign3A_102 = arith.constant 0 : i32
    %sign3A_103 = arith.cmpi slt, %reduce_sum3A_96, %sign3A_102 : i32
    %sign3A_104 = arith.extui %sign3A_103 : i1 to i32
    %sign3A_105 = arith.subi %sign3A_101, %sign3A_104 : i32
    %sign3A_106 = arith.constant 0 : i32
    %sign3A_107 = arith.cmpi sgt, %jit3A_97, %sign3A_106 : i32
    %sign3A_108 = arith.extui %sign3A_107 : i1 to i32
    %sign3A_109 = arith.constant 0 : i32
    %sign3A_110 = arith.cmpi slt, %jit3A_97, %sign3A_109 : i32
    %sign3A_111 = arith.extui %sign3A_110 : i1 to i32
    %sign3A_112 = arith.subi %sign3A_108, %sign3A_111 : i32
    %ne3A_113 = arith.cmpi ne, %sign3A_105, %sign3A_112 : i32
    %rem3A_114 = arith.remsi %reduce_sum3A_96, %jit3A_97 : i32
    %ne3A_115 = arith.constant 0 : i32
    %ne3A_116 = arith.cmpi ne, %rem3A_114, %ne3A_115 : i32
    %and3A_117 = arith.andi %ne3A_113, %ne3A_116 : i1
    %sub3A_118 = arith.constant 1 : i32
    %sub3A_119 = arith.subi %div3A_98, %sub3A_118 : i32
    %select_n3A_120 = arith.select %and3A_117, %sub3A_119, %div3A_98 : i32
    %mul3A_121 = arith.constant 128 : i32
    %mul3A_122 = arith.muli %select_n3A_120, %mul3A_121 : i32
    %multiple_of3A_123 = tpu.assume_multiple %mul3A_122, 128 : i32
    %dma_start3A_124 = arith.constant 2 : i32
    %dma_start3A_125 = arith.constant 0 : i32
    %dma_start3A_126 = arith.constant 0 : i32
    %dma_start3A_127 = tpu.memref_slice %arg6[%dma_start3A_124, %dma_start3A_125, %dma_start3A_126] : memref<32x16x128xf32, #tpu.memory_space<vmem>> -> memref<1x16x128xf32, #tpu.memory_space<vmem>>
    %dma_start3A_128 = tpu.memref_squeeze %dma_start3A_127 : memref<1x16x128xf32, #tpu.memory_space<vmem>> -> memref<16x128xf32, #tpu.memory_space<vmem>>
    %dma_start3A_129 = arith.constant 0 : i32
    %dma_start3A_130 = tpu.memref_slice %arg2[%dma_start3A_129, %multiple_of3A_123] : memref<16x100000xf32, #tpu.memory_space<hbm>> -> memref<16x128xf32, #tpu.memory_space<hbm>>
    %dma_start3A_131 = arith.constant 0 : i32
    %dma_start3A_132 = arith.constant 0 : i32
    %dma_start3A_133 = tpu.memref_slice %arg6[%dma_start3A_124, %dma_start3A_131, %dma_start3A_132] : memref<32x16x128xf32, #tpu.memory_space<vmem>> -> memref<1x16x128xf32, #tpu.memory_space<vmem>>
    %dma_start3A_134 = tpu.memref_squeeze %dma_start3A_133 : memref<1x16x128xf32, #tpu.memory_space<vmem>> -> memref<16x128xf32, #tpu.memory_space<vmem>>
    %dma_start3A_135 = arith.constant 0 : i32
    %dma_start3A_136 = tpu.memref_slice %arg2[%dma_start3A_135, %multiple_of3A_123] : memref<16x100000xf32, #tpu.memory_space<hbm>> -> memref<16x128xf32, #tpu.memory_space<hbm>>
    tpu.enqueue_dma source(%dma_start3A_136 : memref<16x128xf32, #tpu.memory_space<hbm>>) target(%dma_start3A_134 : memref<16x128xf32, #tpu.memory_space<vmem>>) target_semaphore(%arg8 : memref<!tpu.dma_semaphore, #tpu.memory_space<semaphore_mem>>)
    %eq3A_137 = arith.constant 3 : i32
    %eq3A_138 = vector.broadcast %eq3A_137 : i32 to vector<16xi32>
    %eq3A_139 = arith.cmpi eq, %iota3A, %eq3A_138 : vector<16xi32>
    %select_n3A_140 = arith.select %eq3A_139, %get3A_4, %broadcast_in_dim3A_3 : vector<16xi1>, vector<16xi32>
    %reduce_sum3A_141 = arith.constant true
    %reduce_sum3A_142 = vector.broadcast %reduce_sum3A_141 : i1 to vector<16xi1>
    %reduce_sum3A_143 = tpu.scan <sum>, %select_n3A_140 masked %reduce_sum3A_142 : vector<16xi32>, vector<16xi1> -> vector<16xi32>
    %reduce_sum3A_144 = vector.extract %reduce_sum3A_143[15] : i32 from vector<16xi32>
    %jit3A_145 = arith.constant 128 : i32
    %div3A_146 = arith.divsi %reduce_sum3A_144, %jit3A_145 : i32
    %sign3A_147 = arith.constant 0 : i32
    %sign3A_148 = arith.cmpi sgt, %reduce_sum3A_144, %sign3A_147 : i32
    %sign3A_149 = arith.extui %sign3A_148 : i1 to i32
    %sign3A_150 = arith.constant 0 : i32
    %sign3A_151 = arith.cmpi slt, %reduce_sum3A_144, %sign3A_150 : i32
    %sign3A_152 = arith.extui %sign3A_151 : i1 to i32
    %sign3A_153 = arith.subi %sign3A_149, %sign3A_152 : i32
    %sign3A_154 = arith.constant 0 : i32
    %sign3A_155 = arith.cmpi sgt, %jit3A_145, %sign3A_154 : i32
    %sign3A_156 = arith.extui %sign3A_155 : i1 to i32
    %sign3A_157 = arith.constant 0 : i32
    %sign3A_158 = arith.cmpi slt, %jit3A_145, %sign3A_157 : i32
    %sign3A_159 = arith.extui %sign3A_158 : i1 to i32
    %sign3A_160 = arith.subi %sign3A_156, %sign3A_159 : i32
    %ne3A_161 = arith.cmpi ne, %sign3A_153, %sign3A_160 : i32
    %rem3A_162 = arith.remsi %reduce_sum3A_144, %jit3A_145 : i32
    %ne3A_163 = arith.constant 0 : i32
    %ne3A_164 = arith.cmpi ne, %rem3A_162, %ne3A_163 : i32
    %and3A_165 = arith.andi %ne3A_161, %ne3A_164 : i1
    %sub3A_166 = arith.constant 1 : i32
    %sub3A_167 = arith.subi %div3A_146, %sub3A_166 : i32
    %select_n3A_168 = arith.select %and3A_165, %sub3A_167, %div3A_146 : i32
    %mul3A_169 = arith.constant 128 : i32
    %mul3A_170 = arith.muli %select_n3A_168, %mul3A_169 : i32
    %multiple_of3A_171 = tpu.assume_multiple %mul3A_170, 128 : i32
    %dma_start3A_172 = arith.constant 3 : i32
    %dma_start3A_173 = arith.constant 0 : i32
    %dma_start3A_174 = arith.constant 0 : i32
    %dma_start3A_175 = tpu.memref_slice %arg6[%dma_start3A_172, %dma_start3A_173, %dma_start3A_174] : memref<32x16x128xf32, #tpu.memory_space<vmem>> -> memref<1x16x128xf32, #tpu.memory_space<vmem>>
    %dma_start3A_176 = tpu.memref_squeeze %dma_start3A_175 : memref<1x16x128xf32, #tpu.memory_space<vmem>> -> memref<16x128xf32, #tpu.memory_space<vmem>>
    %dma_start3A_177 = arith.constant 0 : i32
    %dma_start3A_178 = tpu.memref_slice %arg2[%dma_start3A_177, %multiple_of3A_171] : memref<16x100000xf32, #tpu.memory_space<hbm>> -> memref<16x128xf32, #tpu.memory_space<hbm>>
    %dma_start3A_179 = arith.constant 0 : i32
    %dma_start3A_180 = arith.constant 0 : i32
    %dma_start3A_181 = tpu.memref_slice %arg6[%dma_start3A_172, %dma_start3A_179, %dma_start3A_180] : memref<32x16x128xf32, #tpu.memory_space<vmem>> -> memref<1x16x128xf32, #tpu.memory_space<vmem>>
    %dma_start3A_182 = tpu.memref_squeeze %dma_start3A_181 : memref<1x16x128xf32, #tpu.memory_space<vmem>> -> memref<16x128xf32, #tpu.memory_space<vmem>>
    %dma_start3A_183 = arith.constant 0 : i32
    %dma_start3A_184 = tpu.memref_slice %arg2[%dma_start3A_183, %multiple_of3A_171] : memref<16x100000xf32, #tpu.memory_space<hbm>> -> memref<16x128xf32, #tpu.memory_space<hbm>>
    tpu.enqueue_dma source(%dma_start3A_184 : memref<16x128xf32, #tpu.memory_space<hbm>>) target(%dma_start3A_182 : memref<16x128xf32, #tpu.memory_space<vmem>>) target_semaphore(%arg8 : memref<!tpu.dma_semaphore, #tpu.memory_space<semaphore_mem>>)
    %eq3A_185 = arith.constant 4 : i32
    %eq3A_186 = vector.broadcast %eq3A_185 : i32 to vector<16xi32>
    %eq3A_187 = arith.cmpi eq, %iota3A, %eq3A_186 : vector<16xi32>
    %select_n3A_188 = arith.select %eq3A_187, %get3A_4, %broadcast_in_dim3A_3 : vector<16xi1>, vector<16xi32>
    %reduce_sum3A_189 = arith.constant true
    %reduce_sum3A_190 = vector.broadcast %reduce_sum3A_189 : i1 to vector<16xi1>
    %reduce_sum3A_191 = tpu.scan <sum>, %select_n3A_188 masked %reduce_sum3A_190 : vector<16xi32>, vector<16xi1> -> vector<16xi32>
    %reduce_sum3A_192 = vector.extract %reduce_sum3A_191[15] : i32 from vector<16xi32>
    %jit3A_193 = arith.constant 128 : i32
    %div3A_194 = arith.divsi %reduce_sum3A_192, %jit3A_193 : i32
    %sign3A_195 = arith.constant 0 : i32
    %sign3A_196 = arith.cmpi sgt, %reduce_sum3A_192, %sign3A_195 : i32
    %sign3A_197 = arith.extui %sign3A_196 : i1 to i32
    %sign3A_198 = arith.constant 0 : i32
    %sign3A_199 = arith.cmpi slt, %reduce_sum3A_192, %sign3A_198 : i32
    %sign3A_200 = arith.extui %sign3A_199 : i1 to i32
    %sign3A_201 = arith.subi %sign3A_197, %sign3A_200 : i32
    %sign3A_202 = arith.constant 0 : i32
    %sign3A_203 = arith.cmpi sgt, %jit3A_193, %sign3A_202 : i32
    %sign3A_204 = arith.extui %sign3A_203 : i1 to i32
    %sign3A_205 = arith.constant 0 : i32
    %sign3A_206 = arith.cmpi slt, %jit3A_193, %sign3A_205 : i32
    %sign3A_207 = arith.extui %sign3A_206 : i1 to i32
    %sign3A_208 = arith.subi %sign3A_204, %sign3A_207 : i32
    %ne3A_209 = arith.cmpi ne, %sign3A_201, %sign3A_208 : i32
    %rem3A_210 = arith.remsi %reduce_sum3A_192, %jit3A_193 : i32
    %ne3A_211 = arith.constant 0 : i32
    %ne3A_212 = arith.cmpi ne, %rem3A_210, %ne3A_211 : i32
    %and3A_213 = arith.andi %ne3A_209, %ne3A_212 : i1
    %sub3A_214 = arith.constant 1 : i32
    %sub3A_215 = arith.subi %div3A_194, %sub3A_214 : i32
    %select_n3A_216 = arith.select %and3A_213, %sub3A_215, %div3A_194 : i32
    %mul3A_217 = arith.constant 128 : i32
    %mul3A_218 = arith.muli %select_n3A_216, %mul3A_217 : i32
    %multiple_of3A_219 = tpu.assume_multiple %mul3A_218, 128 : i32
    %dma_start3A_220 = arith.constant 4 : i32
    %dma_start3A_221 = arith.constant 0 : i32
    %dma_start3A_222 = arith.constant 0 : i32
    %dma_start3A_223 = tpu.memref_slice %arg6[%dma_start3A_220, %dma_start3A_221, %dma_start3A_222] : memref<32x16x128xf32, #tpu.memory_space<vmem>> -> memref<1x16x128xf32, #tpu.memory_space<vmem>>
    %dma_start3A_224 = tpu.memref_squeeze %dma_start3A_223 : memref<1x16x128xf32, #tpu.memory_space<vmem>> -> memref<16x128xf32, #tpu.memory_space<vmem>>
    %dma_start3A_225 = arith.constant 0 : i32
    %dma_start3A_226 = tpu.memref_slice %arg2[%dma_start3A_225, %multiple_of3A_219] : memref<16x100000xf32, #tpu.memory_space<hbm>> -> memref<16x128xf32, #tpu.memory_space<hbm>>
    %dma_start3A_227 = arith.constant 0 : i32
    %dma_start3A_228 = arith.constant 0 : i32
    %dma_start3A_229 = tpu.memref_slice %arg6[%dma_start3A_220, %dma_start3A_227, %dma_start3A_228] : memref<32x16x128xf32, #tpu.memory_space<vmem>> -> memref<1x16x128xf32, #tpu.memory_space<vmem>>
    %dma_start3A_230 = tpu.memref_squeeze %dma_start3A_229 : memref<1x16x128xf32, #tpu.memory_space<vmem>> -> memref<16x128xf32, #tpu.memory_space<vmem>>
    %dma_start3A_231 = arith.constant 0 : i32
    %dma_start3A_232 = tpu.memref_slice %arg2[%dma_start3A_231, %multiple_of3A_219] : memref<16x100000xf32, #tpu.memory_space<hbm>> -> memref<16x128xf32, #tpu.memory_space<hbm>>
    tpu.enqueue_dma source(%dma_start3A_232 : memref<16x128xf32, #tpu.memory_space<hbm>>) target(%dma_start3A_230 : memref<16x128xf32, #tpu.memory_space<vmem>>) target_semaphore(%arg8 : memref<!tpu.dma_semaphore, #tpu.memory_space<semaphore_mem>>)
    %eq3A_233 = arith.constant 5 : i32
    %eq3A_234 = vector.broadcast %eq3A_233 : i32 to vector<16xi32>
    %eq3A_235 = arith.cmpi eq, %iota3A, %eq3A_234 : vector<16xi32>
    %select_n3A_236 = arith.select %eq3A_235, %get3A_4, %broadcast_in_dim3A_3 : vector<16xi1>, vector<16xi32>
    %reduce_sum3A_237 = arith.constant true
    %reduce_sum3A_238 = vector.broadcast %reduce_sum3A_237 : i1 to vector<16xi1>
    %reduce_sum3A_239 = tpu.scan <sum>, %select_n3A_236 masked %reduce_sum3A_238 : vector<16xi32>, vector<16xi1> -> vector<16xi32>
    %reduce_sum3A_240 = vector.extract %reduce_sum3A_239[15] : i32 from vector<16xi32>
    %jit3A_241 = arith.constant 128 : i32
    %div3A_242 = arith.divsi %reduce_sum3A_240, %jit3A_241 : i32
    %sign3A_243 = arith.constant 0 : i32
    %sign3A_244 = arith.cmpi sgt, %reduce_sum3A_240, %sign3A_243 : i32
    %sign3A_245 = arith.extui %sign3A_244 : i1 to i32
    %sign3A_246 = arith.constant 0 : i32
    %sign3A_247 = arith.cmpi slt, %reduce_sum3A_240, %sign3A_246 : i32
    %sign3A_248 = arith.extui %sign3A_247 : i1 to i32
    %sign3A_249 = arith.subi %sign3A_245, %sign3A_248 : i32
    %sign3A_250 = arith.constant 0 : i32
    %sign3A_251 = arith.cmpi sgt, %jit3A_241, %sign3A_250 : i32
    %sign3A_252 = arith.extui %sign3A_251 : i1 to i32
    %sign3A_253 = arith.constant 0 : i32
    %sign3A_254 = arith.cmpi slt, %jit3A_241, %sign3A_253 : i32
    %sign3A_255 = arith.extui %sign3A_254 : i1 to i32
    %sign3A_256 = arith.subi %sign3A_252, %sign3A_255 : i32
    %ne3A_257 = arith.cmpi ne, %sign3A_249, %sign3A_256 : i32
    %rem3A_258 = arith.remsi %reduce_sum3A_240, %jit3A_241 : i32
    %ne3A_259 = arith.constant 0 : i32
    %ne3A_260 = arith.cmpi ne, %rem3A_258, %ne3A_259 : i32
    %and3A_261 = arith.andi %ne3A_257, %ne3A_260 : i1
    %sub3A_262 = arith.constant 1 : i32
    %sub3A_263 = arith.subi %div3A_242, %sub3A_262 : i32
    %select_n3A_264 = arith.select %and3A_261, %sub3A_263, %div3A_242 : i32
    %mul3A_265 = arith.constant 128 : i32
    %mul3A_266 = arith.muli %select_n3A_264, %mul3A_265 : i32
    %multiple_of3A_267 = tpu.assume_multiple %mul3A_266, 128 : i32
    %dma_start3A_268 = arith.constant 5 : i32
    %dma_start3A_269 = arith.constant 0 : i32
    %dma_start3A_270 = arith.constant 0 : i32
    %dma_start3A_271 = tpu.memref_slice %arg6[%dma_start3A_268, %dma_start3A_269, %dma_start3A_270] : memref<32x16x128xf32, #tpu.memory_space<vmem>> -> memref<1x16x128xf32, #tpu.memory_space<vmem>>
    %dma_start3A_272 = tpu.memref_squeeze %dma_start3A_271 : memref<1x16x128xf32, #tpu.memory_space<vmem>> -> memref<16x128xf32, #tpu.memory_space<vmem>>
    %dma_start3A_273 = arith.constant 0 : i32
    %dma_start3A_274 = tpu.memref_slice %arg2[%dma_start3A_273, %multiple_of3A_267] : memref<16x100000xf32, #tpu.memory_space<hbm>> -> memref<16x128xf32, #tpu.memory_space<hbm>>
    %dma_start3A_275 = arith.constant 0 : i32
    %dma_start3A_276 = arith.constant 0 : i32
    %dma_start3A_277 = tpu.memref_slice %arg6[%dma_start3A_268, %dma_start3A_275, %dma_start3A_276] : memref<32x16x128xf32, #tpu.memory_space<vmem>> -> memref<1x16x128xf32, #tpu.memory_space<vmem>>
    %dma_start3A_278 = tpu.memref_squeeze %dma_start3A_277 : memref<1x16x128xf32, #tpu.memory_space<vmem>> -> memref<16x128xf32, #tpu.memory_space<vmem>>
    %dma_start3A_279 = arith.constant 0 : i32
    %dma_start3A_280 = tpu.memref_slice %arg2[%dma_start3A_279, %multiple_of3A_267] : memref<16x100000xf32, #tpu.memory_space<hbm>> -> memref<16x128xf32, #tpu.memory_space<hbm>>
    tpu.enqueue_dma source(%dma_start3A_280 : memref<16x128xf32, #tpu.memory_space<hbm>>) target(%dma_start3A_278 : memref<16x128xf32, #tpu.memory_space<vmem>>) target_semaphore(%arg8 : memref<!tpu.dma_semaphore, #tpu.memory_space<semaphore_mem>>)
    %eq3A_281 = arith.constant 6 : i32
    %eq3A_282 = vector.broadcast %eq3A_281 : i32 to vector<16xi32>
    %eq3A_283 = arith.cmpi eq, %iota3A, %eq3A_282 : vector<16xi32>
    %select_n3A_284 = arith.select %eq3A_283, %get3A_4, %broadcast_in_dim3A_3 : vector<16xi1>, vector<16xi32>
    %reduce_sum3A_285 = arith.constant true
    %reduce_sum3A_286 = vector.broadcast %reduce_sum3A_285 : i1 to vector<16xi1>
    %reduce_sum3A_287 = tpu.scan <sum>, %select_n3A_284 masked %reduce_sum3A_286 : vector<16xi32>, vector<16xi1> -> vector<16xi32>
    %reduce_sum3A_288 = vector.extract %reduce_sum3A_287[15] : i32 from vector<16xi32>
    %jit3A_289 = arith.constant 128 : i32
    %div3A_290 = arith.divsi %reduce_sum3A_288, %jit3A_289 : i32
    %sign3A_291 = arith.constant 0 : i32
    %sign3A_292 = arith.cmpi sgt, %reduce_sum3A_288, %sign3A_291 : i32
    %sign3A_293 = arith.extui %sign3A_292 : i1 to i32
    %sign3A_294 = arith.constant 0 : i32
    %sign3A_295 = arith.cmpi slt, %reduce_sum3A_288, %sign3A_294 : i32
    %sign3A_296 = arith.extui %sign3A_295 : i1 to i32
    %sign3A_297 = arith.subi %sign3A_293, %sign3A_296 : i32
    %sign3A_298 = arith.constant 0 : i32
    %sign3A_299 = arith.cmpi sgt, %jit3A_289, %sign3A_298 : i32
    %sign3A_300 = arith.extui %sign3A_299 : i1 to i32
    %sign3A_301 = arith.constant 0 : i32
    %sign3A_302 = arith.cmpi slt, %jit3A_289, %sign3A_301 : i32
    %sign3A_303 = arith.extui %sign3A_302 : i1 to i32
    %sign3A_304 = arith.subi %sign3A_300, %sign3A_303 : i32
    %ne3A_305 = arith.cmpi ne, %sign3A_297, %sign3A_304 : i32
    %rem3A_306 = arith.remsi %reduce_sum3A_288, %jit3A_289 : i32
    %ne3A_307 = arith.constant 0 : i32
    %ne3A_308 = arith.cmpi ne, %rem3A_306, %ne3A_307 : i32
    %and3A_309 = arith.andi %ne3A_305, %ne3A_308 : i1
    %sub3A_310 = arith.constant 1 : i32
    %sub3A_311 = arith.subi %div3A_290, %sub3A_310 : i32
    %select_n3A_312 = arith.select %and3A_309, %sub3A_311, %div3A_290 : i32
    %mul3A_313 = arith.constant 128 : i32
    %mul3A_314 = arith.muli %select_n3A_312, %mul3A_313 : i32
    %multiple_of3A_315 = tpu.assume_multiple %mul3A_314, 128 : i32
    %dma_start3A_316 = arith.constant 6 : i32
    %dma_start3A_317 = arith.constant 0 : i32
    %dma_start3A_318 = arith.constant 0 : i32
    %dma_start3A_319 = tpu.memref_slice %arg6[%dma_start3A_316, %dma_start3A_317, %dma_start3A_318] : memref<32x16x128xf32, #tpu.memory_space<vmem>> -> memref<1x16x128xf32, #tpu.memory_space<vmem>>
    %dma_start3A_320 = tpu.memref_squeeze %dma_start3A_319 : memref<1x16x128xf32, #tpu.memory_space<vmem>> -> memref<16x128xf32, #tpu.memory_space<vmem>>
    %dma_start3A_321 = arith.constant 0 : i32
    %dma_start3A_322 = tpu.memref_slice %arg2[%dma_start3A_321, %multiple_of3A_315] : memref<16x100000xf32, #tpu.memory_space<hbm>> -> memref<16x128xf32, #tpu.memory_space<hbm>>
    %dma_start3A_323 = arith.constant 0 : i32
    %dma_start3A_324 = arith.constant 0 : i32
    %dma_start3A_325 = tpu.memref_slice %arg6[%dma_start3A_316, %dma_start3A_323, %dma_start3A_324] : memref<32x16x128xf32, #tpu.memory_space<vmem>> -> memref<1x16x128xf32, #tpu.memory_space<vmem>>
    %dma_start3A_326 = tpu.memref_squeeze %dma_start3A_325 : memref<1x16x128xf32, #tpu.memory_space<vmem>> -> memref<16x128xf32, #tpu.memory_space<vmem>>
    %dma_start3A_327 = arith.constant 0 : i32
    %dma_start3A_328 = tpu.memref_slice %arg2[%dma_start3A_327, %multiple_of3A_315] : memref<16x100000xf32, #tpu.memory_space<hbm>> -> memref<16x128xf32, #tpu.memory_space<hbm>>
    tpu.enqueue_dma source(%dma_start3A_328 : memref<16x128xf32, #tpu.memory_space<hbm>>) target(%dma_start3A_326 : memref<16x128xf32, #tpu.memory_space<vmem>>) target_semaphore(%arg8 : memref<!tpu.dma_semaphore, #tpu.memory_space<semaphore_mem>>)
    %eq3A_329 = arith.constant 7 : i32
    %eq3A_330 = vector.broadcast %eq3A_329 : i32 to vector<16xi32>
    %eq3A_331 = arith.cmpi eq, %iota3A, %eq3A_330 : vector<16xi32>
    %select_n3A_332 = arith.select %eq3A_331, %get3A_4, %broadcast_in_dim3A_3 : vector<16xi1>, vector<16xi32>
    %reduce_sum3A_333 = arith.constant true
    %reduce_sum3A_334 = vector.broadcast %reduce_sum3A_333 : i1 to vector<16xi1>
    %reduce_sum3A_335 = tpu.scan <sum>, %select_n3A_332 masked %reduce_sum3A_334 : vector<16xi32>, vector<16xi1> -> vector<16xi32>
    %reduce_sum3A_336 = vector.extract %reduce_sum3A_335[15] : i32 from vector<16xi32>
    %jit3A_337 = arith.constant 128 : i32
    %div3A_338 = arith.divsi %reduce_sum3A_336, %jit3A_337 : i32
    %sign3A_339 = arith.constant 0 : i32
    %sign3A_340 = arith.cmpi sgt, %reduce_sum3A_336, %sign3A_339 : i32
    %sign3A_341 = arith.extui %sign3A_340 : i1 to i32
    %sign3A_342 = arith.constant 0 : i32
    %sign3A_343 = arith.cmpi slt, %reduce_sum3A_336, %sign3A_342 : i32
    %sign3A_344 = arith.extui %sign3A_343 : i1 to i32
    %sign3A_345 = arith.subi %sign3A_341, %sign3A_344 : i32
    %sign3A_346 = arith.constant 0 : i32
    %sign3A_347 = arith.cmpi sgt, %jit3A_337, %sign3A_346 : i32
    %sign3A_348 = arith.extui %sign3A_347 : i1 to i32
    %sign3A_349 = arith.constant 0 : i32
    %sign3A_350 = arith.cmpi slt, %jit3A_337, %sign3A_349 : i32
    %sign3A_351 = arith.extui %sign3A_350 : i1 to i32
    %sign3A_352 = arith.subi %sign3A_348, %sign3A_351 : i32
    %ne3A_353 = arith.cmpi ne, %sign3A_345, %sign3A_352 : i32
    %rem3A_354 = arith.remsi %reduce_sum3A_336, %jit3A_337 : i32
    %ne3A_355 = arith.constant 0 : i32
    %ne3A_356 = arith.cmpi ne, %rem3A_354, %ne3A_355 : i32
    %and3A_357 = arith.andi %ne3A_353, %ne3A_356 : i1
    %sub3A_358 = arith.constant 1 : i32
    %sub3A_359 = arith.subi %div3A_338, %sub3A_358 : i32
    %select_n3A_360 = arith.select %and3A_357, %sub3A_359, %div3A_338 : i32
    %mul3A_361 = arith.constant 128 : i32
    %mul3A_362 = arith.muli %select_n3A_360, %mul3A_361 : i32
    %multiple_of3A_363 = tpu.assume_multiple %mul3A_362, 128 : i32
    %dma_start3A_364 = arith.constant 7 : i32
    %dma_start3A_365 = arith.constant 0 : i32
    %dma_start3A_366 = arith.constant 0 : i32
    %dma_start3A_367 = tpu.memref_slice %arg6[%dma_start3A_364, %dma_start3A_365, %dma_start3A_366] : memref<32x16x128xf32, #tpu.memory_space<vmem>> -> memref<1x16x128xf32, #tpu.memory_space<vmem>>
    %dma_start3A_368 = tpu.memref_squeeze %dma_start3A_367 : memref<1x16x128xf32, #tpu.memory_space<vmem>> -> memref<16x128xf32, #tpu.memory_space<vmem>>
    %dma_start3A_369 = arith.constant 0 : i32
    %dma_start3A_370 = tpu.memref_slice %arg2[%dma_start3A_369, %multiple_of3A_363] : memref<16x100000xf32, #tpu.memory_space<hbm>> -> memref<16x128xf32, #tpu.memory_space<hbm>>
    %dma_start3A_371 = arith.constant 0 : i32
    %dma_start3A_372 = arith.constant 0 : i32
    %dma_start3A_373 = tpu.memref_slice %arg6[%dma_start3A_364, %dma_start3A_371, %dma_start3A_372] : memref<32x16x128xf32, #tpu.memory_space<vmem>> -> memref<1x16x128xf32, #tpu.memory_space<vmem>>
    %dma_start3A_374 = tpu.memref_squeeze %dma_start3A_373 : memref<1x16x128xf32, #tpu.memory_space<vmem>> -> memref<16x128xf32, #tpu.memory_space<vmem>>
    %dma_start3A_375 = arith.constant 0 : i32
    %dma_start3A_376 = tpu.memref_slice %arg2[%dma_start3A_375, %multiple_of3A_363] : memref<16x100000xf32, #tpu.memory_space<hbm>> -> memref<16x128xf32, #tpu.memory_space<hbm>>
    tpu.enqueue_dma source(%dma_start3A_376 : memref<16x128xf32, #tpu.memory_space<hbm>>) target(%dma_start3A_374 : memref<16x128xf32, #tpu.memory_space<vmem>>) target_semaphore(%arg8 : memref<!tpu.dma_semaphore, #tpu.memory_space<semaphore_mem>>)
    %eq3A_377 = arith.constant 8 : i32
    %eq3A_378 = vector.broadcast %eq3A_377 : i32 to vector<16xi32>
    %eq3A_379 = arith.cmpi eq, %iota3A, %eq3A_378 : vector<16xi32>
    %select_n3A_380 = arith.select %eq3A_379, %get3A_4, %broadcast_in_dim3A_3 : vector<16xi1>, vector<16xi32>
    %reduce_sum3A_381 = arith.constant true
    %reduce_sum3A_382 = vector.broadcast %reduce_sum3A_381 : i1 to vector<16xi1>
    %reduce_sum3A_383 = tpu.scan <sum>, %select_n3A_380 masked %reduce_sum3A_382 : vector<16xi32>, vector<16xi1> -> vector<16xi32>
    %reduce_sum3A_384 = vector.extract %reduce_sum3A_383[15] : i32 from vector<16xi32>
    %jit3A_385 = arith.constant 128 : i32
    %div3A_386 = arith.divsi %reduce_sum3A_384, %jit3A_385 : i32
    %sign3A_387 = arith.constant 0 : i32
    %sign3A_388 = arith.cmpi sgt, %reduce_sum3A_384, %sign3A_387 : i32
    %sign3A_389 = arith.extui %sign3A_388 : i1 to i32
    %sign3A_390 = arith.constant 0 : i32
    %sign3A_391 = arith.cmpi slt, %reduce_sum3A_384, %sign3A_390 : i32
    %sign3A_392 = arith.extui %sign3A_391 : i1 to i32
    %sign3A_393 = arith.subi %sign3A_389, %sign3A_392 : i32
    %sign3A_394 = arith.constant 0 : i32
    %sign3A_395 = arith.cmpi sgt, %jit3A_385, %sign3A_394 : i32
    %sign3A_396 = arith.extui %sign3A_395 : i1 to i32
    %sign3A_397 = arith.constant 0 : i32
    %sign3A_398 = arith.cmpi slt, %jit3A_385, %sign3A_397 : i32
    %sign3A_399 = arith.extui %sign3A_398 : i1 to i32
    %sign3A_400 = arith.subi %sign3A_396, %sign3A_399 : i32
    %ne3A_401 = arith.cmpi ne, %sign3A_393, %sign3A_400 : i32
    %rem3A_402 = arith.remsi %reduce_sum3A_384, %jit3A_385 : i32
    %ne3A_403 = arith.constant 0 : i32
    %ne3A_404 = arith.cmpi ne, %rem3A_402, %ne3A_403 : i32
    %and3A_405 = arith.andi %ne3A_401, %ne3A_404 : i1
    %sub3A_406 = arith.constant 1 : i32
    %sub3A_407 = arith.subi %div3A_386, %sub3A_406 : i32
    %select_n3A_408 = arith.select %and3A_405, %sub3A_407, %div3A_386 : i32
    %mul3A_409 = arith.constant 128 : i32
    %mul3A_410 = arith.muli %select_n3A_408, %mul3A_409 : i32
    %multiple_of3A_411 = tpu.assume_multiple %mul3A_410, 128 : i32
    %dma_start3A_412 = arith.constant 8 : i32
    %dma_start3A_413 = arith.constant 0 : i32
    %dma_start3A_414 = arith.constant 0 : i32
    %dma_start3A_415 = tpu.memref_slice %arg6[%dma_start3A_412, %dma_start3A_413, %dma_start3A_414] : memref<32x16x128xf32, #tpu.memory_space<vmem>> -> memref<1x16x128xf32, #tpu.memory_space<vmem>>
    %dma_start3A_416 = tpu.memref_squeeze %dma_start3A_415 : memref<1x16x128xf32, #tpu.memory_space<vmem>> -> memref<16x128xf32, #tpu.memory_space<vmem>>
    %dma_start3A_417 = arith.constant 0 : i32
    %dma_start3A_418 = tpu.memref_slice %arg2[%dma_start3A_417, %multiple_of3A_411] : memref<16x100000xf32, #tpu.memory_space<hbm>> -> memref<16x128xf32, #tpu.memory_space<hbm>>
    %dma_start3A_419 = arith.constant 0 : i32
    %dma_start3A_420 = arith.constant 0 : i32
    %dma_start3A_421 = tpu.memref_slice %arg6[%dma_start3A_412, %dma_start3A_419, %dma_start3A_420] : memref<32x16x128xf32, #tpu.memory_space<vmem>> -> memref<1x16x128xf32, #tpu.memory_space<vmem>>
    %dma_start3A_422 = tpu.memref_squeeze %dma_start3A_421 : memref<1x16x128xf32, #tpu.memory_space<vmem>> -> memref<16x128xf32, #tpu.memory_space<vmem>>
    %dma_start3A_423 = arith.constant 0 : i32
    %dma_start3A_424 = tpu.memref_slice %arg2[%dma_start3A_423, %multiple_of3A_411] : memref<16x100000xf32, #tpu.memory_space<hbm>> -> memref<16x128xf32, #tpu.memory_space<hbm>>
    tpu.enqueue_dma source(%dma_start3A_424 : memref<16x128xf32, #tpu.memory_space<hbm>>) target(%dma_start3A_422 : memref<16x128xf32, #tpu.memory_space<vmem>>) target_semaphore(%arg8 : memref<!tpu.dma_semaphore, #tpu.memory_space<semaphore_mem>>)
    %eq3A_425 = arith.constant 9 : i32
    %eq3A_426 = vector.broadcast %eq3A_425 : i32 to vector<16xi32>
    %eq3A_427 = arith.cmpi eq, %iota3A, %eq3A_426 : vector<16xi32>
    %select_n3A_428 = arith.select %eq3A_427, %get3A_4, %broadcast_in_dim3A_3 : vector<16xi1>, vector<16xi32>
    %reduce_sum3A_429 = arith.constant true
    %reduce_sum3A_430 = vector.broadcast %reduce_sum3A_429 : i1 to vector<16xi1>
    %reduce_sum3A_431 = tpu.scan <sum>, %select_n3A_428 masked %reduce_sum3A_430 : vector<16xi32>, vector<16xi1> -> vector<16xi32>
    %reduce_sum3A_432 = vector.extract %reduce_sum3A_431[15] : i32 from vector<16xi32>
    %jit3A_433 = arith.constant 128 : i32
    %div3A_434 = arith.divsi %reduce_sum3A_432, %jit3A_433 : i32
    %sign3A_435 = arith.constant 0 : i32
    %sign3A_436 = arith.cmpi sgt, %reduce_sum3A_432, %sign3A_435 : i32
    %sign3A_437 = arith.extui %sign3A_436 : i1 to i32
    %sign3A_438 = arith.constant 0 : i32
    %sign3A_439 = arith.cmpi slt, %reduce_sum3A_432, %sign3A_438 : i32
    %sign3A_440 = arith.extui %sign3A_439 : i1 to i32
    %sign3A_441 = arith.subi %sign3A_437, %sign3A_440 : i32
    %sign3A_442 = arith.constant 0 : i32
    %sign3A_443 = arith.cmpi sgt, %jit3A_433, %sign3A_442 : i32
    %sign3A_444 = arith.extui %sign3A_443 : i1 to i32
    %sign3A_445 = arith.constant 0 : i32
    %sign3A_446 = arith.cmpi slt, %jit3A_433, %sign3A_445 : i32
    %sign3A_447 = arith.extui %sign3A_446 : i1 to i32
    %sign3A_448 = arith.subi %sign3A_444, %sign3A_447 : i32
    %ne3A_449 = arith.cmpi ne, %sign3A_441, %sign3A_448 : i32
    %rem3A_450 = arith.remsi %reduce_sum3A_432, %jit3A_433 : i32
    %ne3A_451 = arith.constant 0 : i32
    %ne3A_452 = arith.cmpi ne, %rem3A_450, %ne3A_451 : i32
    %and3A_453 = arith.andi %ne3A_449, %ne3A_452 : i1
    %sub3A_454 = arith.constant 1 : i32
    %sub3A_455 = arith.subi %div3A_434, %sub3A_454 : i32
    %select_n3A_456 = arith.select %and3A_453, %sub3A_455, %div3A_434 : i32
    %mul3A_457 = arith.constant 128 : i32
    %mul3A_458 = arith.muli %select_n3A_456, %mul3A_457 : i32
    %multiple_of3A_459 = tpu.assume_multiple %mul3A_458, 128 : i32
    %dma_start3A_460 = arith.constant 9 : i32
    %dma_start3A_461 = arith.constant 0 : i32
    %dma_start3A_462 = arith.constant 0 : i32
    %dma_start3A_463 = tpu.memref_slice %arg6[%dma_start3A_460, %dma_start3A_461, %dma_start3A_462] : memref<32x16x128xf32, #tpu.memory_space<vmem>> -> memref<1x16x128xf32, #tpu.memory_space<vmem>>
    %dma_start3A_464 = tpu.memref_squeeze %dma_start3A_463 : memref<1x16x128xf32, #tpu.memory_space<vmem>> -> memref<16x128xf32, #tpu.memory_space<vmem>>
    %dma_start3A_465 = arith.constant 0 : i32
    %dma_start3A_466 = tpu.memref_slice %arg2[%dma_start3A_465, %multiple_of3A_459] : memref<16x100000xf32, #tpu.memory_space<hbm>> -> memref<16x128xf32, #tpu.memory_space<hbm>>
    %dma_start3A_467 = arith.constant 0 : i32
    %dma_start3A_468 = arith.constant 0 : i32
    %dma_start3A_469 = tpu.memref_slice %arg6[%dma_start3A_460, %dma_start3A_467, %dma_start3A_468] : memref<32x16x128xf32, #tpu.memory_space<vmem>> -> memref<1x16x128xf32, #tpu.memory_space<vmem>>
    %dma_start3A_470 = tpu.memref_squeeze %dma_start3A_469 : memref<1x16x128xf32, #tpu.memory_space<vmem>> -> memref<16x128xf32, #tpu.memory_space<vmem>>
    %dma_start3A_471 = arith.constant 0 : i32
    %dma_start3A_472 = tpu.memref_slice %arg2[%dma_start3A_471, %multiple_of3A_459] : memref<16x100000xf32, #tpu.memory_space<hbm>> -> memref<16x128xf32, #tpu.memory_space<hbm>>
    tpu.enqueue_dma source(%dma_start3A_472 : memref<16x128xf32, #tpu.memory_space<hbm>>) target(%dma_start3A_470 : memref<16x128xf32, #tpu.memory_space<vmem>>) target_semaphore(%arg8 : memref<!tpu.dma_semaphore, #tpu.memory_space<semaphore_mem>>)
    %eq3A_473 = arith.constant 10 : i32
    %eq3A_474 = vector.broadcast %eq3A_473 : i32 to vector<16xi32>
    %eq3A_475 = arith.cmpi eq, %iota3A, %eq3A_474 : vector<16xi32>
    %select_n3A_476 = arith.select %eq3A_475, %get3A_4, %broadcast_in_dim3A_3 : vector<16xi1>, vector<16xi32>
    %reduce_sum3A_477 = arith.constant true
    %reduce_sum3A_478 = vector.broadcast %reduce_sum3A_477 : i1 to vector<16xi1>
    %reduce_sum3A_479 = tpu.scan <sum>, %select_n3A_476 masked %reduce_sum3A_478 : vector<16xi32>, vector<16xi1> -> vector<16xi32>
    %reduce_sum3A_480 = vector.extract %reduce_sum3A_479[15] : i32 from vector<16xi32>
    %jit3A_481 = arith.constant 128 : i32
    %div3A_482 = arith.divsi %reduce_sum3A_480, %jit3A_481 : i32
    %sign3A_483 = arith.constant 0 : i32
    %sign3A_484 = arith.cmpi sgt, %reduce_sum3A_480, %sign3A_483 : i32
    %sign3A_485 = arith.extui %sign3A_484 : i1 to i32
    %sign3A_486 = arith.constant 0 : i32
    %sign3A_487 = arith.cmpi slt, %reduce_sum3A_480, %sign3A_486 : i32
    %sign3A_488 = arith.extui %sign3A_487 : i1 to i32
    %sign3A_489 = arith.subi %sign3A_485, %sign3A_488 : i32
    %sign3A_490 = arith.constant 0 : i32
    %sign3A_491 = arith.cmpi sgt, %jit3A_481, %sign3A_490 : i32
    %sign3A_492 = arith.extui %sign3A_491 : i1 to i32
    %sign3A_493 = arith.constant 0 : i32
    %sign3A_494 = arith.cmpi slt, %jit3A_481, %sign3A_493 : i32
    %sign3A_495 = arith.extui %sign3A_494 : i1 to i32
    %sign3A_496 = arith.subi %sign3A_492, %sign3A_495 : i32
    %ne3A_497 = arith.cmpi ne, %sign3A_489, %sign3A_496 : i32
    %rem3A_498 = arith.remsi %reduce_sum3A_480, %jit3A_481 : i32
    %ne3A_499 = arith.constant 0 : i32
    %ne3A_500 = arith.cmpi ne, %rem3A_498, %ne3A_499 : i32
    %and3A_501 = arith.andi %ne3A_497, %ne3A_500 : i1
    %sub3A_502 = arith.constant 1 : i32
    %sub3A_503 = arith.subi %div3A_482, %sub3A_502 : i32
    %select_n3A_504 = arith.select %and3A_501, %sub3A_503, %div3A_482 : i32
    %mul3A_505 = arith.constant 128 : i32
    %mul3A_506 = arith.muli %select_n3A_504, %mul3A_505 : i32
    %multiple_of3A_507 = tpu.assume_multiple %mul3A_506, 128 : i32
    %dma_start3A_508 = arith.constant 10 : i32
    %dma_start3A_509 = arith.constant 0 : i32
    %dma_start3A_510 = arith.constant 0 : i32
    %dma_start3A_511 = tpu.memref_slice %arg6[%dma_start3A_508, %dma_start3A_509, %dma_start3A_510] : memref<32x16x128xf32, #tpu.memory_space<vmem>> -> memref<1x16x128xf32, #tpu.memory_space<vmem>>
    %dma_start3A_512 = tpu.memref_squeeze %dma_start3A_511 : memref<1x16x128xf32, #tpu.memory_space<vmem>> -> memref<16x128xf32, #tpu.memory_space<vmem>>
    %dma_start3A_513 = arith.constant 0 : i32
    %dma_start3A_514 = tpu.memref_slice %arg2[%dma_start3A_513, %multiple_of3A_507] : memref<16x100000xf32, #tpu.memory_space<hbm>> -> memref<16x128xf32, #tpu.memory_space<hbm>>
    %dma_start3A_515 = arith.constant 0 : i32
    %dma_start3A_516 = arith.constant 0 : i32
    %dma_start3A_517 = tpu.memref_slice %arg6[%dma_start3A_508, %dma_start3A_515, %dma_start3A_516] : memref<32x16x128xf32, #tpu.memory_space<vmem>> -> memref<1x16x128xf32, #tpu.memory_space<vmem>>
    %dma_start3A_518 = tpu.memref_squeeze %dma_start3A_517 : memref<1x16x128xf32, #tpu.memory_space<vmem>> -> memref<16x128xf32, #tpu.memory_space<vmem>>
    %dma_start3A_519 = arith.constant 0 : i32
    %dma_start3A_520 = tpu.memref_slice %arg2[%dma_start3A_519, %multiple_of3A_507] : memref<16x100000xf32, #tpu.memory_space<hbm>> -> memref<16x128xf32, #tpu.memory_space<hbm>>
    tpu.enqueue_dma source(%dma_start3A_520 : memref<16x128xf32, #tpu.memory_space<hbm>>) target(%dma_start3A_518 : memref<16x128xf32, #tpu.memory_space<vmem>>) target_semaphore(%arg8 : memref<!tpu.dma_semaphore, #tpu.memory_space<semaphore_mem>>)
    %eq3A_521 = arith.constant 11 : i32
    %eq3A_522 = vector.broadcast %eq3A_521 : i32 to vector<16xi32>
    %eq3A_523 = arith.cmpi eq, %iota3A, %eq3A_522 : vector<16xi32>
    %select_n3A_524 = arith.select %eq3A_523, %get3A_4, %broadcast_in_dim3A_3 : vector<16xi1>, vector<16xi32>
    %reduce_sum3A_525 = arith.constant true
    %reduce_sum3A_526 = vector.broadcast %reduce_sum3A_525 : i1 to vector<16xi1>
    %reduce_sum3A_527 = tpu.scan <sum>, %select_n3A_524 masked %reduce_sum3A_526 : vector<16xi32>, vector<16xi1> -> vector<16xi32>
    %reduce_sum3A_528 = vector.extract %reduce_sum3A_527[15] : i32 from vector<16xi32>
    %jit3A_529 = arith.constant 128 : i32
    %div3A_530 = arith.divsi %reduce_sum3A_528, %jit3A_529 : i32
    %sign3A_531 = arith.constant 0 : i32
    %sign3A_532 = arith.cmpi sgt, %reduce_sum3A_528, %sign3A_531 : i32
    %sign3A_533 = arith.extui %sign3A_532 : i1 to i32
    %sign3A_534 = arith.constant 0 : i32
    %sign3A_535 = arith.cmpi slt, %reduce_sum3A_528, %sign3A_534 : i32
    %sign3A_536 = arith.extui %sign3A_535 : i1 to i32
    %sign3A_537 = arith.subi %sign3A_533, %sign3A_536 : i32
    %sign3A_538 = arith.constant 0 : i32
    %sign3A_539 = arith.cmpi sgt, %jit3A_529, %sign3A_538 : i32
    %sign3A_540 = arith.extui %sign3A_539 : i1 to i32
    %sign3A_541 = arith.constant 0 : i32
    %sign3A_542 = arith.cmpi slt, %jit3A_529, %sign3A_541 : i32
    %sign3A_543 = arith.extui %sign3A_542 : i1 to i32
    %sign3A_544 = arith.subi %sign3A_540, %sign3A_543 : i32
    %ne3A_545 = arith.cmpi ne, %sign3A_537, %sign3A_544 : i32
    %rem3A_546 = arith.remsi %reduce_sum3A_528, %jit3A_529 : i32
    %ne3A_547 = arith.constant 0 : i32
    %ne3A_548 = arith.cmpi ne, %rem3A_546, %ne3A_547 : i32
    %and3A_549 = arith.andi %ne3A_545, %ne3A_548 : i1
    %sub3A_550 = arith.constant 1 : i32
    %sub3A_551 = arith.subi %div3A_530, %sub3A_550 : i32
    %select_n3A_552 = arith.select %and3A_549, %sub3A_551, %div3A_530 : i32
    %mul3A_553 = arith.constant 128 : i32
    %mul3A_554 = arith.muli %select_n3A_552, %mul3A_553 : i32
    %multiple_of3A_555 = tpu.assume_multiple %mul3A_554, 128 : i32
    %dma_start3A_556 = arith.constant 11 : i32
    %dma_start3A_557 = arith.constant 0 : i32
    %dma_start3A_558 = arith.constant 0 : i32
    %dma_start3A_559 = tpu.memref_slice %arg6[%dma_start3A_556, %dma_start3A_557, %dma_start3A_558] : memref<32x16x128xf32, #tpu.memory_space<vmem>> -> memref<1x16x128xf32, #tpu.memory_space<vmem>>
    %dma_start3A_560 = tpu.memref_squeeze %dma_start3A_559 : memref<1x16x128xf32, #tpu.memory_space<vmem>> -> memref<16x128xf32, #tpu.memory_space<vmem>>
    %dma_start3A_561 = arith.constant 0 : i32
    %dma_start3A_562 = tpu.memref_slice %arg2[%dma_start3A_561, %multiple_of3A_555] : memref<16x100000xf32, #tpu.memory_space<hbm>> -> memref<16x128xf32, #tpu.memory_space<hbm>>
    %dma_start3A_563 = arith.constant 0 : i32
    %dma_start3A_564 = arith.constant 0 : i32
    %dma_start3A_565 = tpu.memref_slice %arg6[%dma_start3A_556, %dma_start3A_563, %dma_start3A_564] : memref<32x16x128xf32, #tpu.memory_space<vmem>> -> memref<1x16x128xf32, #tpu.memory_space<vmem>>
    %dma_start3A_566 = tpu.memref_squeeze %dma_start3A_565 : memref<1x16x128xf32, #tpu.memory_space<vmem>> -> memref<16x128xf32, #tpu.memory_space<vmem>>
    %dma_start3A_567 = arith.constant 0 : i32
    %dma_start3A_568 = tpu.memref_slice %arg2[%dma_start3A_567, %multiple_of3A_555] : memref<16x100000xf32, #tpu.memory_space<hbm>> -> memref<16x128xf32, #tpu.memory_space<hbm>>
    tpu.enqueue_dma source(%dma_start3A_568 : memref<16x128xf32, #tpu.memory_space<hbm>>) target(%dma_start3A_566 : memref<16x128xf32, #tpu.memory_space<vmem>>) target_semaphore(%arg8 : memref<!tpu.dma_semaphore, #tpu.memory_space<semaphore_mem>>)
    %eq3A_569 = arith.constant 12 : i32
    %eq3A_570 = vector.broadcast %eq3A_569 : i32 to vector<16xi32>
    %eq3A_571 = arith.cmpi eq, %iota3A, %eq3A_570 : vector<16xi32>
    %select_n3A_572 = arith.select %eq3A_571, %get3A_4, %broadcast_in_dim3A_3 : vector<16xi1>, vector<16xi32>
    %reduce_sum3A_573 = arith.constant true
    %reduce_sum3A_574 = vector.broadcast %reduce_sum3A_573 : i1 to vector<16xi1>
    %reduce_sum3A_575 = tpu.scan <sum>, %select_n3A_572 masked %reduce_sum3A_574 : vector<16xi32>, vector<16xi1> -> vector<16xi32>
    %reduce_sum3A_576 = vector.extract %reduce_sum3A_575[15] : i32 from vector<16xi32>
    %jit3A_577 = arith.constant 128 : i32
    %div3A_578 = arith.divsi %reduce_sum3A_576, %jit3A_577 : i32
    %sign3A_579 = arith.constant 0 : i32
    %sign3A_580 = arith.cmpi sgt, %reduce_sum3A_576, %sign3A_579 : i32
    %sign3A_581 = arith.extui %sign3A_580 : i1 to i32
    %sign3A_582 = arith.constant 0 : i32
    %sign3A_583 = arith.cmpi slt, %reduce_sum3A_576, %sign3A_582 : i32
    %sign3A_584 = arith.extui %sign3A_583 : i1 to i32
    %sign3A_585 = arith.subi %sign3A_581, %sign3A_584 : i32
    %sign3A_586 = arith.constant 0 : i32
    %sign3A_587 = arith.cmpi sgt, %jit3A_577, %sign3A_586 : i32
    %sign3A_588 = arith.extui %sign3A_587 : i1 to i32
    %sign3A_589 = arith.constant 0 : i32
    %sign3A_590 = arith.cmpi slt, %jit3A_577, %sign3A_589 : i32
    %sign3A_591 = arith.extui %sign3A_590 : i1 to i32
    %sign3A_592 = arith.subi %sign3A_588, %sign3A_591 : i32
    %ne3A_593 = arith.cmpi ne, %sign3A_585, %sign3A_592 : i32
    %rem3A_594 = arith.remsi %reduce_sum3A_576, %jit3A_577 : i32
    %ne3A_595 = arith.constant 0 : i32
    %ne3A_596 = arith.cmpi ne, %rem3A_594, %ne3A_595 : i32
    %and3A_597 = arith.andi %ne3A_593, %ne3A_596 : i1
    %sub3A_598 = arith.constant 1 : i32
    %sub3A_599 = arith.subi %div3A_578, %sub3A_598 : i32
    %select_n3A_600 = arith.select %and3A_597, %sub3A_599, %div3A_578 : i32
    %mul3A_601 = arith.constant 128 : i32
    %mul3A_602 = arith.muli %select_n3A_600, %mul3A_601 : i32
    %multiple_of3A_603 = tpu.assume_multiple %mul3A_602, 128 : i32
    %dma_start3A_604 = arith.constant 12 : i32
    %dma_start3A_605 = arith.constant 0 : i32
    %dma_start3A_606 = arith.constant 0 : i32
    %dma_start3A_607 = tpu.memref_slice %arg6[%dma_start3A_604, %dma_start3A_605, %dma_start3A_606] : memref<32x16x128xf32, #tpu.memory_space<vmem>> -> memref<1x16x128xf32, #tpu.memory_space<vmem>>
    %dma_start3A_608 = tpu.memref_squeeze %dma_start3A_607 : memref<1x16x128xf32, #tpu.memory_space<vmem>> -> memref<16x128xf32, #tpu.memory_space<vmem>>
    %dma_start3A_609 = arith.constant 0 : i32
    %dma_start3A_610 = tpu.memref_slice %arg2[%dma_start3A_609, %multiple_of3A_603] : memref<16x100000xf32, #tpu.memory_space<hbm>> -> memref<16x128xf32, #tpu.memory_space<hbm>>
    %dma_start3A_611 = arith.constant 0 : i32
    %dma_start3A_612 = arith.constant 0 : i32
    %dma_start3A_613 = tpu.memref_slice %arg6[%dma_start3A_604, %dma_start3A_611, %dma_start3A_612] : memref<32x16x128xf32, #tpu.memory_space<vmem>> -> memref<1x16x128xf32, #tpu.memory_space<vmem>>
    %dma_start3A_614 = tpu.memref_squeeze %dma_start3A_613 : memref<1x16x128xf32, #tpu.memory_space<vmem>> -> memref<16x128xf32, #tpu.memory_space<vmem>>
    %dma_start3A_615 = arith.constant 0 : i32
    %dma_start3A_616 = tpu.memref_slice %arg2[%dma_start3A_615, %multiple_of3A_603] : memref<16x100000xf32, #tpu.memory_space<hbm>> -> memref<16x128xf32, #tpu.memory_space<hbm>>
    tpu.enqueue_dma source(%dma_start3A_616 : memref<16x128xf32, #tpu.memory_space<hbm>>) target(%dma_start3A_614 : memref<16x128xf32, #tpu.memory_space<vmem>>) target_semaphore(%arg8 : memref<!tpu.dma_semaphore, #tpu.memory_space<semaphore_mem>>)
    %eq3A_617 = arith.constant 13 : i32
    %eq3A_618 = vector.broadcast %eq3A_617 : i32 to vector<16xi32>
    %eq3A_619 = arith.cmpi eq, %iota3A, %eq3A_618 : vector<16xi32>
    %select_n3A_620 = arith.select %eq3A_619, %get3A_4, %broadcast_in_dim3A_3 : vector<16xi1>, vector<16xi32>
    %reduce_sum3A_621 = arith.constant true
    %reduce_sum3A_622 = vector.broadcast %reduce_sum3A_621 : i1 to vector<16xi1>
    %reduce_sum3A_623 = tpu.scan <sum>, %select_n3A_620 masked %reduce_sum3A_622 : vector<16xi32>, vector<16xi1> -> vector<16xi32>
    %reduce_sum3A_624 = vector.extract %reduce_sum3A_623[15] : i32 from vector<16xi32>
    %jit3A_625 = arith.constant 128 : i32
    %div3A_626 = arith.divsi %reduce_sum3A_624, %jit3A_625 : i32
    %sign3A_627 = arith.constant 0 : i32
    %sign3A_628 = arith.cmpi sgt, %reduce_sum3A_624, %sign3A_627 : i32
    %sign3A_629 = arith.extui %sign3A_628 : i1 to i32
    %sign3A_630 = arith.constant 0 : i32
    %sign3A_631 = arith.cmpi slt, %reduce_sum3A_624, %sign3A_630 : i32
    %sign3A_632 = arith.extui %sign3A_631 : i1 to i32
    %sign3A_633 = arith.subi %sign3A_629, %sign3A_632 : i32
    %sign3A_634 = arith.constant 0 : i32
    %sign3A_635 = arith.cmpi sgt, %jit3A_625, %sign3A_634 : i32
    %sign3A_636 = arith.extui %sign3A_635 : i1 to i32
    %sign3A_637 = arith.constant 0 : i32
    %sign3A_638 = arith.cmpi slt, %jit3A_625, %sign3A_637 : i32
    %sign3A_639 = arith.extui %sign3A_638 : i1 to i32
    %sign3A_640 = arith.subi %sign3A_636, %sign3A_639 : i32
    %ne3A_641 = arith.cmpi ne, %sign3A_633, %sign3A_640 : i32
    %rem3A_642 = arith.remsi %reduce_sum3A_624, %jit3A_625 : i32
    %ne3A_643 = arith.constant 0 : i32
    %ne3A_644 = arith.cmpi ne, %rem3A_642, %ne3A_643 : i32
    %and3A_645 = arith.andi %ne3A_641, %ne3A_644 : i1
    %sub3A_646 = arith.constant 1 : i32
    %sub3A_647 = arith.subi %div3A_626, %sub3A_646 : i32
    %select_n3A_648 = arith.select %and3A_645, %sub3A_647, %div3A_626 : i32
    %mul3A_649 = arith.constant 128 : i32
    %mul3A_650 = arith.muli %select_n3A_648, %mul3A_649 : i32
    %multiple_of3A_651 = tpu.assume_multiple %mul3A_650, 128 : i32
    %dma_start3A_652 = arith.constant 13 : i32
    %dma_start3A_653 = arith.constant 0 : i32
    %dma_start3A_654 = arith.constant 0 : i32
    %dma_start3A_655 = tpu.memref_slice %arg6[%dma_start3A_652, %dma_start3A_653, %dma_start3A_654] : memref<32x16x128xf32, #tpu.memory_space<vmem>> -> memref<1x16x128xf32, #tpu.memory_space<vmem>>
    %dma_start3A_656 = tpu.memref_squeeze %dma_start3A_655 : memref<1x16x128xf32, #tpu.memory_space<vmem>> -> memref<16x128xf32, #tpu.memory_space<vmem>>
    %dma_start3A_657 = arith.constant 0 : i32
    %dma_start3A_658 = tpu.memref_slice %arg2[%dma_start3A_657, %multiple_of3A_651] : memref<16x100000xf32, #tpu.memory_space<hbm>> -> memref<16x128xf32, #tpu.memory_space<hbm>>
    %dma_start3A_659 = arith.constant 0 : i32
    %dma_start3A_660 = arith.constant 0 : i32
    %dma_start3A_661 = tpu.memref_slice %arg6[%dma_start3A_652, %dma_start3A_659, %dma_start3A_660] : memref<32x16x128xf32, #tpu.memory_space<vmem>> -> memref<1x16x128xf32, #tpu.memory_space<vmem>>
    %dma_start3A_662 = tpu.memref_squeeze %dma_start3A_661 : memref<1x16x128xf32, #tpu.memory_space<vmem>> -> memref<16x128xf32, #tpu.memory_space<vmem>>
    %dma_start3A_663 = arith.constant 0 : i32
    %dma_start3A_664 = tpu.memref_slice %arg2[%dma_start3A_663, %multiple_of3A_651] : memref<16x100000xf32, #tpu.memory_space<hbm>> -> memref<16x128xf32, #tpu.memory_space<hbm>>
    tpu.enqueue_dma source(%dma_start3A_664 : memref<16x128xf32, #tpu.memory_space<hbm>>) target(%dma_start3A_662 : memref<16x128xf32, #tpu.memory_space<vmem>>) target_semaphore(%arg8 : memref<!tpu.dma_semaphore, #tpu.memory_space<semaphore_mem>>)
    %eq3A_665 = arith.constant 14 : i32
    %eq3A_666 = vector.broadcast %eq3A_665 : i32 to vector<16xi32>
    %eq3A_667 = arith.cmpi eq, %iota3A, %eq3A_666 : vector<16xi32>
    %select_n3A_668 = arith.select %eq3A_667, %get3A_4, %broadcast_in_dim3A_3 : vector<16xi1>, vector<16xi32>
    %reduce_sum3A_669 = arith.constant true
    %reduce_sum3A_670 = vector.broadcast %reduce_sum3A_669 : i1 to vector<16xi1>
    %reduce_sum3A_671 = tpu.scan <sum>, %select_n3A_668 masked %reduce_sum3A_670 : vector<16xi32>, vector<16xi1> -> vector<16xi32>
    %reduce_sum3A_672 = vector.extract %reduce_sum3A_671[15] : i32 from vector<16xi32>
    %jit3A_673 = arith.constant 128 : i32
    %div3A_674 = arith.divsi %reduce_sum3A_672, %jit3A_673 : i32
    %sign3A_675 = arith.constant 0 : i32
    %sign3A_676 = arith.cmpi sgt, %reduce_sum3A_672, %sign3A_675 : i32
    %sign3A_677 = arith.extui %sign3A_676 : i1 to i32
    %sign3A_678 = arith.constant 0 : i32
    %sign3A_679 = arith.cmpi slt, %reduce_sum3A_672, %sign3A_678 : i32
    %sign3A_680 = arith.extui %sign3A_679 : i1 to i32
    %sign3A_681 = arith.subi %sign3A_677, %sign3A_680 : i32
    %sign3A_682 = arith.constant 0 : i32
    %sign3A_683 = arith.cmpi sgt, %jit3A_673, %sign3A_682 : i32
    %sign3A_684 = arith.extui %sign3A_683 : i1 to i32
    %sign3A_685 = arith.constant 0 : i32
    %sign3A_686 = arith.cmpi slt, %jit3A_673, %sign3A_685 : i32
    %sign3A_687 = arith.extui %sign3A_686 : i1 to i32
    %sign3A_688 = arith.subi %sign3A_684, %sign3A_687 : i32
    %ne3A_689 = arith.cmpi ne, %sign3A_681, %sign3A_688 : i32
    %rem3A_690 = arith.remsi %reduce_sum3A_672, %jit3A_673 : i32
    %ne3A_691 = arith.constant 0 : i32
    %ne3A_692 = arith.cmpi ne, %rem3A_690, %ne3A_691 : i32
    %and3A_693 = arith.andi %ne3A_689, %ne3A_692 : i1
    %sub3A_694 = arith.constant 1 : i32
    %sub3A_695 = arith.subi %div3A_674, %sub3A_694 : i32
    %select_n3A_696 = arith.select %and3A_693, %sub3A_695, %div3A_674 : i32
    %mul3A_697 = arith.constant 128 : i32
    %mul3A_698 = arith.muli %select_n3A_696, %mul3A_697 : i32
    %multiple_of3A_699 = tpu.assume_multiple %mul3A_698, 128 : i32
    %dma_start3A_700 = arith.constant 14 : i32
    %dma_start3A_701 = arith.constant 0 : i32
    %dma_start3A_702 = arith.constant 0 : i32
    %dma_start3A_703 = tpu.memref_slice %arg6[%dma_start3A_700, %dma_start3A_701, %dma_start3A_702] : memref<32x16x128xf32, #tpu.memory_space<vmem>> -> memref<1x16x128xf32, #tpu.memory_space<vmem>>
    %dma_start3A_704 = tpu.memref_squeeze %dma_start3A_703 : memref<1x16x128xf32, #tpu.memory_space<vmem>> -> memref<16x128xf32, #tpu.memory_space<vmem>>
    %dma_start3A_705 = arith.constant 0 : i32
    %dma_start3A_706 = tpu.memref_slice %arg2[%dma_start3A_705, %multiple_of3A_699] : memref<16x100000xf32, #tpu.memory_space<hbm>> -> memref<16x128xf32, #tpu.memory_space<hbm>>
    %dma_start3A_707 = arith.constant 0 : i32
    %dma_start3A_708 = arith.constant 0 : i32
    %dma_start3A_709 = tpu.memref_slice %arg6[%dma_start3A_700, %dma_start3A_707, %dma_start3A_708] : memref<32x16x128xf32, #tpu.memory_space<vmem>> -> memref<1x16x128xf32, #tpu.memory_space<vmem>>
    %dma_start3A_710 = tpu.memref_squeeze %dma_start3A_709 : memref<1x16x128xf32, #tpu.memory_space<vmem>> -> memref<16x128xf32, #tpu.memory_space<vmem>>
    %dma_start3A_711 = arith.constant 0 : i32
    %dma_start3A_712 = tpu.memref_slice %arg2[%dma_start3A_711, %multiple_of3A_699] : memref<16x100000xf32, #tpu.memory_space<hbm>> -> memref<16x128xf32, #tpu.memory_space<hbm>>
    tpu.enqueue_dma source(%dma_start3A_712 : memref<16x128xf32, #tpu.memory_space<hbm>>) target(%dma_start3A_710 : memref<16x128xf32, #tpu.memory_space<vmem>>) target_semaphore(%arg8 : memref<!tpu.dma_semaphore, #tpu.memory_space<semaphore_mem>>)
    %eq3A_713 = arith.constant 15 : i32
    %eq3A_714 = vector.broadcast %eq3A_713 : i32 to vector<16xi32>
    %eq3A_715 = arith.cmpi eq, %iota3A, %eq3A_714 : vector<16xi32>
    %select_n3A_716 = arith.select %eq3A_715, %get3A_4, %broadcast_in_dim3A_3 : vector<16xi1>, vector<16xi32>
    %reduce_sum3A_717 = arith.constant true
    %reduce_sum3A_718 = vector.broadcast %reduce_sum3A_717 : i1 to vector<16xi1>
    %reduce_sum3A_719 = tpu.scan <sum>, %select_n3A_716 masked %reduce_sum3A_718 : vector<16xi32>, vector<16xi1> -> vector<16xi32>
    %reduce_sum3A_720 = vector.extract %reduce_sum3A_719[15] : i32 from vector<16xi32>
    %jit3A_721 = arith.constant 128 : i32
    %div3A_722 = arith.divsi %reduce_sum3A_720, %jit3A_721 : i32
    %sign3A_723 = arith.constant 0 : i32
    %sign3A_724 = arith.cmpi sgt, %reduce_sum3A_720, %sign3A_723 : i32
    %sign3A_725 = arith.extui %sign3A_724 : i1 to i32
    %sign3A_726 = arith.constant 0 : i32
    %sign3A_727 = arith.cmpi slt, %reduce_sum3A_720, %sign3A_726 : i32
    %sign3A_728 = arith.extui %sign3A_727 : i1 to i32
    %sign3A_729 = arith.subi %sign3A_725, %sign3A_728 : i32
    %sign3A_730 = arith.constant 0 : i32
    %sign3A_731 = arith.cmpi sgt, %jit3A_721, %sign3A_730 : i32
    %sign3A_732 = arith.extui %sign3A_731 : i1 to i32
    %sign3A_733 = arith.constant 0 : i32
    %sign3A_734 = arith.cmpi slt, %jit3A_721, %sign3A_733 : i32
    %sign3A_735 = arith.extui %sign3A_734 : i1 to i32
    %sign3A_736 = arith.subi %sign3A_732, %sign3A_735 : i32
    %ne3A_737 = arith.cmpi ne, %sign3A_729, %sign3A_736 : i32
    %rem3A_738 = arith.remsi %reduce_sum3A_720, %jit3A_721 : i32
    %ne3A_739 = arith.constant 0 : i32
    %ne3A_740 = arith.cmpi ne, %rem3A_738, %ne3A_739 : i32
    %and3A_741 = arith.andi %ne3A_737, %ne3A_740 : i1
    %sub3A_742 = arith.constant 1 : i32
    %sub3A_743 = arith.subi %div3A_722, %sub3A_742 : i32
    %select_n3A_744 = arith.select %and3A_741, %sub3A_743, %div3A_722 : i32
    %mul3A_745 = arith.constant 128 : i32
    %mul3A_746 = arith.muli %select_n3A_744, %mul3A_745 : i32
    %multiple_of3A_747 = tpu.assume_multiple %mul3A_746, 128 : i32
    %dma_start3A_748 = arith.constant 15 : i32
    %dma_start3A_749 = arith.constant 0 : i32
    %dma_start3A_750 = arith.constant 0 : i32
    %dma_start3A_751 = tpu.memref_slice %arg6[%dma_start3A_748, %dma_start3A_749, %dma_start3A_750] : memref<32x16x128xf32, #tpu.memory_space<vmem>> -> memref<1x16x128xf32, #tpu.memory_space<vmem>>
    %dma_start3A_752 = tpu.memref_squeeze %dma_start3A_751 : memref<1x16x128xf32, #tpu.memory_space<vmem>> -> memref<16x128xf32, #tpu.memory_space<vmem>>
    %dma_start3A_753 = arith.constant 0 : i32
    %dma_start3A_754 = tpu.memref_slice %arg2[%dma_start3A_753, %multiple_of3A_747] : memref<16x100000xf32, #tpu.memory_space<hbm>> -> memref<16x128xf32, #tpu.memory_space<hbm>>
    %dma_start3A_755 = arith.constant 0 : i32
    %dma_start3A_756 = arith.constant 0 : i32
    %dma_start3A_757 = tpu.memref_slice %arg6[%dma_start3A_748, %dma_start3A_755, %dma_start3A_756] : memref<32x16x128xf32, #tpu.memory_space<vmem>> -> memref<1x16x128xf32, #tpu.memory_space<vmem>>
    %dma_start3A_758 = tpu.memref_squeeze %dma_start3A_757 : memref<1x16x128xf32, #tpu.memory_space<vmem>> -> memref<16x128xf32, #tpu.memory_space<vmem>>
    %dma_start3A_759 = arith.constant 0 : i32
    %dma_start3A_760 = tpu.memref_slice %arg2[%dma_start3A_759, %multiple_of3A_747] : memref<16x100000xf32, #tpu.memory_space<hbm>> -> memref<16x128xf32, #tpu.memory_space<hbm>>
    tpu.enqueue_dma source(%dma_start3A_760 : memref<16x128xf32, #tpu.memory_space<hbm>>) target(%dma_start3A_758 : memref<16x128xf32, #tpu.memory_space<vmem>>) target_semaphore(%arg8 : memref<!tpu.dma_semaphore, #tpu.memory_space<semaphore_mem>>)
    %get3A_761 = arith.constant 16 : index
    %get3A_762 = tpu.vector_load %arg5[%get3A_761] {strides = array<i32>} : memref<32xi32, #tpu.memory_space<vmem>>, vector<16xi32>,
    %eq3A_763 = arith.constant 0 : i32
    %eq3A_764 = vector.broadcast %eq3A_763 : i32 to vector<16xi32>
    %eq3A_765 = arith.cmpi eq, %iota3A, %eq3A_764 : vector<16xi32>
    %select_n3A_766 = arith.select %eq3A_765, %get3A_762, %broadcast_in_dim3A_3 : vector<16xi1>, vector<16xi32>
    %reduce_sum3A_767 = arith.constant true
    %reduce_sum3A_768 = vector.broadcast %reduce_sum3A_767 : i1 to vector<16xi1>
    %reduce_sum3A_769 = tpu.scan <sum>, %select_n3A_766 masked %reduce_sum3A_768 : vector<16xi32>, vector<16xi1> -> vector<16xi32>
    %reduce_sum3A_770 = vector.extract %reduce_sum3A_769[15] : i32 from vector<16xi32>
    %jit3A_771 = arith.constant 128 : i32
    %div3A_772 = arith.divsi %reduce_sum3A_770, %jit3A_771 : i32
    %sign3A_773 = arith.constant 0 : i32
    %sign3A_774 = arith.cmpi sgt, %reduce_sum3A_770, %sign3A_773 : i32
    %sign3A_775 = arith.extui %sign3A_774 : i1 to i32
    %sign3A_776 = arith.constant 0 : i32
    %sign3A_777 = arith.cmpi slt, %reduce_sum3A_770, %sign3A_776 : i32
    %sign3A_778 = arith.extui %sign3A_777 : i1 to i32
    %sign3A_779 = arith.subi %sign3A_775, %sign3A_778 : i32
    %sign3A_780 = arith.constant 0 : i32
    %sign3A_781 = arith.cmpi sgt, %jit3A_771, %sign3A_780 : i32
    %sign3A_782 = arith.extui %sign3A_781 : i1 to i32
    %sign3A_783 = arith.constant 0 : i32
    %sign3A_784 = arith.cmpi slt, %jit3A_771, %sign3A_783 : i32
    %sign3A_785 = arith.extui %sign3A_784 : i1 to i32
    %sign3A_786 = arith.subi %sign3A_782, %sign3A_785 : i32
    %ne3A_787 = arith.cmpi ne, %sign3A_779, %sign3A_786 : i32
    %rem3A_788 = arith.remsi %reduce_sum3A_770, %jit3A_771 : i32
    %ne3A_789 = arith.constant 0 : i32
    %ne3A_790 = arith.cmpi ne, %rem3A_788, %ne3A_789 : i32
    %and3A_791 = arith.andi %ne3A_787, %ne3A_790 : i1
    %sub3A_792 = arith.constant 1 : i32
    %sub3A_793 = arith.subi %div3A_772, %sub3A_792 : i32
    %select_n3A_794 = arith.select %and3A_791, %sub3A_793, %div3A_772 : i32
    %mul3A_795 = arith.constant 128 : i32
    %mul3A_796 = arith.muli %select_n3A_794, %mul3A_795 : i32
    %multiple_of3A_797 = tpu.assume_multiple %mul3A_796, 128 : i32
    %dma_start3A_798 = arith.constant 16 : i32
    %dma_start3A_799 = arith.constant 0 : i32
    %dma_start3A_800 = arith.constant 0 : i32
    %dma_start3A_801 = tpu.memref_slice %arg6[%dma_start3A_798, %dma_start3A_799, %dma_start3A_800] : memref<32x16x128xf32, #tpu.memory_space<vmem>> -> memref<1x16x128xf32, #tpu.memory_space<vmem>>
    %dma_start3A_802 = tpu.memref_squeeze %dma_start3A_801 : memref<1x16x128xf32, #tpu.memory_space<vmem>> -> memref<16x128xf32, #tpu.memory_space<vmem>>
    %dma_start3A_803 = arith.constant 0 : i32
    %dma_start3A_804 = tpu.memref_slice %arg2[%dma_start3A_803, %multiple_of3A_797] : memref<16x100000xf32, #tpu.memory_space<hbm>> -> memref<16x128xf32, #tpu.memory_space<hbm>>
    %dma_start3A_805 = arith.constant 0 : i32
    %dma_start3A_806 = arith.constant 0 : i32
    %dma_start3A_807 = tpu.memref_slice %arg6[%dma_start3A_798, %dma_start3A_805, %dma_start3A_806] : memref<32x16x128xf32, #tpu.memory_space<vmem>> -> memref<1x16x128xf32, #tpu.memory_space<vmem>>
    %dma_start3A_808 = tpu.memref_squeeze %dma_start3A_807 : memref<1x16x128xf32, #tpu.memory_space<vmem>> -> memref<16x128xf32, #tpu.memory_space<vmem>>
    %dma_start3A_809 = arith.constant 0 : i32
    %dma_start3A_810 = tpu.memref_slice %arg2[%dma_start3A_809, %multiple_of3A_797] : memref<16x100000xf32, #tpu.memory_space<hbm>> -> memref<16x128xf32, #tpu.memory_space<hbm>>
    tpu.enqueue_dma source(%dma_start3A_810 : memref<16x128xf32, #tpu.memory_space<hbm>>) target(%dma_start3A_808 : memref<16x128xf32, #tpu.memory_space<vmem>>) target_semaphore(%arg8 : memref<!tpu.dma_semaphore, #tpu.memory_space<semaphore_mem>>)
    %eq3A_811 = arith.constant 1 : i32
    %eq3A_812 = vector.broadcast %eq3A_811 : i32 to vector<16xi32>
    %eq3A_813 = arith.cmpi eq, %iota3A, %eq3A_812 : vector<16xi32>
    %select_n3A_814 = arith.select %eq3A_813, %get3A_762, %broadcast_in_dim3A_3 : vector<16xi1>, vector<16xi32>
    %reduce_sum3A_815 = arith.constant true
    %reduce_sum3A_816 = vector.broadcast %reduce_sum3A_815 : i1 to vector<16xi1>
    %reduce_sum3A_817 = tpu.scan <sum>, %select_n3A_814 masked %reduce_sum3A_816 : vector<16xi32>, vector<16xi1> -> vector<16xi32>
    %reduce_sum3A_818 = vector.extract %reduce_sum3A_817[15] : i32 from vector<16xi32>
    %jit3A_819 = arith.constant 128 : i32
    %div3A_820 = arith.divsi %reduce_sum3A_818, %jit3A_819 : i32
    %sign3A_821 = arith.constant 0 : i32
    %sign3A_822 = arith.cmpi sgt, %reduce_sum3A_818, %sign3A_821 : i32
    %sign3A_823 = arith.extui %sign3A_822 : i1 to i32
    %sign3A_824 = arith.constant 0 : i32
    %sign3A_825 = arith.cmpi slt, %reduce_sum3A_818, %sign3A_824 : i32
    %sign3A_826 = arith.extui %sign3A_825 : i1 to i32
    %sign3A_827 = arith.subi %sign3A_823, %sign3A_826 : i32
    %sign3A_828 = arith.constant 0 : i32
    %sign3A_829 = arith.cmpi sgt, %jit3A_819, %sign3A_828 : i32
    %sign3A_830 = arith.extui %sign3A_829 : i1 to i32
    %sign3A_831 = arith.constant 0 : i32
    %sign3A_832 = arith.cmpi slt, %jit3A_819, %sign3A_831 : i32
    %sign3A_833 = arith.extui %sign3A_832 : i1 to i32
    %sign3A_834 = arith.subi %sign3A_830, %sign3A_833 : i32
    %ne3A_835 = arith.cmpi ne, %sign3A_827, %sign3A_834 : i32
    %rem3A_836 = arith.remsi %reduce_sum3A_818, %jit3A_819 : i32
    %ne3A_837 = arith.constant 0 : i32
    %ne3A_838 = arith.cmpi ne, %rem3A_836, %ne3A_837 : i32
    %and3A_839 = arith.andi %ne3A_835, %ne3A_838 : i1
    %sub3A_840 = arith.constant 1 : i32
    %sub3A_841 = arith.subi %div3A_820, %sub3A_840 : i32
    %select_n3A_842 = arith.select %and3A_839, %sub3A_841, %div3A_820 : i32
    %mul3A_843 = arith.constant 128 : i32
    %mul3A_844 = arith.muli %select_n3A_842, %mul3A_843 : i32
    %multiple_of3A_845 = tpu.assume_multiple %mul3A_844, 128 : i32
    %dma_start3A_846 = arith.constant 17 : i32
    %dma_start3A_847 = arith.constant 0 : i32
    %dma_start3A_848 = arith.constant 0 : i32
    %dma_start3A_849 = tpu.memref_slice %arg6[%dma_start3A_846, %dma_start3A_847, %dma_start3A_848] : memref<32x16x128xf32, #tpu.memory_space<vmem>> -> memref<1x16x128xf32, #tpu.memory_space<vmem>>
    %dma_start3A_850 = tpu.memref_squeeze %dma_start3A_849 : memref<1x16x128xf32, #tpu.memory_space<vmem>> -> memref<16x128xf32, #tpu.memory_space<vmem>>
    %dma_start3A_851 = arith.constant 0 : i32
    %dma_start3A_852 = tpu.memref_slice %arg2[%dma_start3A_851, %multiple_of3A_845] : memref<16x100000xf32, #tpu.memory_space<hbm>> -> memref<16x128xf32, #tpu.memory_space<hbm>>
    %dma_start3A_853 = arith.constant 0 : i32
    %dma_start3A_854 = arith.constant 0 : i32
    %dma_start3A_855 = tpu.memref_slice %arg6[%dma_start3A_846, %dma_start3A_853, %dma_start3A_854] : memref<32x16x128xf32, #tpu.memory_space<vmem>> -> memref<1x16x128xf32, #tpu.memory_space<vmem>>
    %dma_start3A_856 = tpu.memref_squeeze %dma_start3A_855 : memref<1x16x128xf32, #tpu.memory_space<vmem>> -> memref<16x128xf32, #tpu.memory_space<vmem>>
    %dma_start3A_857 = arith.constant 0 : i32
    %dma_start3A_858 = tpu.memref_slice %arg2[%dma_start3A_857, %multiple_of3A_845] : memref<16x100000xf32, #tpu.memory_space<hbm>> -> memref<16x128xf32, #tpu.memory_space<hbm>>
    tpu.enqueue_dma source(%dma_start3A_858 : memref<16x128xf32, #tpu.memory_space<hbm>>) target(%dma_start3A_856 : memref<16x128xf32, #tpu.memory_space<vmem>>) target_semaphore(%arg8 : memref<!tpu.dma_semaphore, #tpu.memory_space<semaphore_mem>>)
    %eq3A_859 = arith.constant 2 : i32
    %eq3A_860 = vector.broadcast %eq3A_859 : i32 to vector<16xi32>
    %eq3A_861 = arith.cmpi eq, %iota3A, %eq3A_860 : vector<16xi32>
    %select_n3A_862 = arith.select %eq3A_861, %get3A_762, %broadcast_in_dim3A_3 : vector<16xi1>, vector<16xi32>
    %reduce_sum3A_863 = arith.constant true
    %reduce_sum3A_864 = vector.broadcast %reduce_sum3A_863 : i1 to vector<16xi1>
    %reduce_sum3A_865 = tpu.scan <sum>, %select_n3A_862 masked %reduce_sum3A_864 : vector<16xi32>, vector<16xi1> -> vector<16xi32>
    %reduce_sum3A_866 = vector.extract %reduce_sum3A_865[15] : i32 from vector<16xi32>
    %jit3A_867 = arith.constant 128 : i32
    %div3A_868 = arith.divsi %reduce_sum3A_866, %jit3A_867 : i32
    %sign3A_869 = arith.constant 0 : i32
    %sign3A_870 = arith.cmpi sgt, %reduce_sum3A_866, %sign3A_869 : i32
    %sign3A_871 = arith.extui %sign3A_870 : i1 to i32
    %sign3A_872 = arith.constant 0 : i32
    %sign3A_873 = arith.cmpi slt, %reduce_sum3A_866, %sign3A_872 : i32
    %sign3A_874 = arith.extui %sign3A_873 : i1 to i32
    %sign3A_875 = arith.subi %sign3A_871, %sign3A_874 : i32
    %sign3A_876 = arith.constant 0 : i32
    %sign3A_877 = arith.cmpi sgt, %jit3A_867, %sign3A_876 : i32
    %sign3A_878 = arith.extui %sign3A_877 : i1 to i32
    %sign3A_879 = arith.constant 0 : i32
    %sign3A_880 = arith.cmpi slt, %jit3A_867, %sign3A_879 : i32
    %sign3A_881 = arith.extui %sign3A_880 : i1 to i32
    %sign3A_882 = arith.subi %sign3A_878, %sign3A_881 : i32
    %ne3A_883 = arith.cmpi ne, %sign3A_875, %sign3A_882 : i32
    %rem3A_884 = arith.remsi %reduce_sum3A_866, %jit3A_867 : i32
    %ne3A_885 = arith.constant 0 : i32
    %ne3A_886 = arith.cmpi ne, %rem3A_884, %ne3A_885 : i32
    %and3A_887 = arith.andi %ne3A_883, %ne3A_886 : i1
    %sub3A_888 = arith.constant 1 : i32
    %sub3A_889 = arith.subi %div3A_868, %sub3A_888 : i32
    %select_n3A_890 = arith.select %and3A_887, %sub3A_889, %div3A_868 : i32
    %mul3A_891 = arith.constant 128 : i32
    %mul3A_892 = arith.muli %select_n3A_890, %mul3A_891 : i32
    %multiple_of3A_893 = tpu.assume_multiple %mul3A_892, 128 : i32
    %dma_start3A_894 = arith.constant 18 : i32
    %dma_start3A_895 = arith.constant 0 : i32
    %dma_start3A_896 = arith.constant 0 : i32
    %dma_start3A_897 = tpu.memref_slice %arg6[%dma_start3A_894, %dma_start3A_895, %dma_start3A_896] : memref<32x16x128xf32, #tpu.memory_space<vmem>> -> memref<1x16x128xf32, #tpu.memory_space<vmem>>
    %dma_start3A_898 = tpu.memref_squeeze %dma_start3A_897 : memref<1x16x128xf32, #tpu.memory_space<vmem>> -> memref<16x128xf32, #tpu.memory_space<vmem>>
    %dma_start3A_899 = arith.constant 0 : i32
    %dma_start3A_900 = tpu.memref_slice %arg2[%dma_start3A_899, %multiple_of3A_893] : memref<16x100000xf32, #tpu.memory_space<hbm>> -> memref<16x128xf32, #tpu.memory_space<hbm>>
    %dma_start3A_901 = arith.constant 0 : i32
    %dma_start3A_902 = arith.constant 0 : i32
    %dma_start3A_903 = tpu.memref_slice %arg6[%dma_start3A_894, %dma_start3A_901, %dma_start3A_902] : memref<32x16x128xf32, #tpu.memory_space<vmem>> -> memref<1x16x128xf32, #tpu.memory_space<vmem>>
    %dma_start3A_904 = tpu.memref_squeeze %dma_start3A_903 : memref<1x16x128xf32, #tpu.memory_space<vmem>> -> memref<16x128xf32, #tpu.memory_space<vmem>>
    %dma_start3A_905 = arith.constant 0 : i32
    %dma_start3A_906 = tpu.memref_slice %arg2[%dma_start3A_905, %multiple_of3A_893] : memref<16x100000xf32, #tpu.memory_space<hbm>> -> memref<16x128xf32, #tpu.memory_space<hbm>>
    tpu.enqueue_dma source(%dma_start3A_906 : memref<16x128xf32, #tpu.memory_space<hbm>>) target(%dma_start3A_904 : memref<16x128xf32, #tpu.memory_space<vmem>>) target_semaphore(%arg8 : memref<!tpu.dma_semaphore, #tpu.memory_space<semaphore_mem>>)
    %eq3A_907 = arith.constant 3 : i32
    %eq3A_908 = vector.broadcast %eq3A_907 : i32 to vector<16xi32>
    %eq3A_909 = arith.cmpi eq, %iota3A, %eq3A_908 : vector<16xi32>
    %select_n3A_910 = arith.select %eq3A_909, %get3A_762, %broadcast_in_dim3A_3 : vector<16xi1>, vector<16xi32>
    %reduce_sum3A_911 = arith.constant true
    %reduce_sum3A_912 = vector.broadcast %reduce_sum3A_911 : i1 to vector<16xi1>
    %reduce_sum3A_913 = tpu.scan <sum>, %select_n3A_910 masked %reduce_sum3A_912 : vector<16xi32>, vector<16xi1> -> vector<16xi32>
    %reduce_sum3A_914 = vector.extract %reduce_sum3A_913[15] : i32 from vector<16xi32>
    %jit3A_915 = arith.constant 128 : i32
    %div3A_916 = arith.divsi %reduce_sum3A_914, %jit3A_915 : i32
    %sign3A_917 = arith.constant 0 : i32
    %sign3A_918 = arith.cmpi sgt, %reduce_sum3A_914, %sign3A_917 : i32
    %sign3A_919 = arith.extui %sign3A_918 : i1 to i32
    %sign3A_920 = arith.constant 0 : i32
    %sign3A_921 = arith.cmpi slt, %reduce_sum3A_914, %sign3A_920 : i32
    %sign3A_922 = arith.extui %sign3A_921 : i1 to i32
    %sign3A_923 = arith.subi %sign3A_919, %sign3A_922 : i32
    %sign3A_924 = arith.constant 0 : i32
    %sign3A_925 = arith.cmpi sgt, %jit3A_915, %sign3A_924 : i32
    %sign3A_926 = arith.extui %sign3A_925 : i1 to i32
    %sign3A_927 = arith.constant 0 : i32
    %sign3A_928 = arith.cmpi slt, %jit3A_915, %sign3A_927 : i32
    %sign3A_929 = arith.extui %sign3A_928 : i1 to i32
    %sign3A_930 = arith.subi %sign3A_926, %sign3A_929 : i32
    %ne3A_931 = arith.cmpi ne, %sign3A_923, %sign3A_930 : i32
    %rem3A_932 = arith.remsi %reduce_sum3A_914, %jit3A_915 : i32
    %ne3A_933 = arith.constant 0 : i32
    %ne3A_934 = arith.cmpi ne, %rem3A_932, %ne3A_933 : i32
    %and3A_935 = arith.andi %ne3A_931, %ne3A_934 : i1
    %sub3A_936 = arith.constant 1 : i32
    %sub3A_937 = arith.subi %div3A_916, %sub3A_936 : i32
    %select_n3A_938 = arith.select %and3A_935, %sub3A_937, %div3A_916 : i32
    %mul3A_939 = arith.constant 128 : i32
    %mul3A_940 = arith.muli %select_n3A_938, %mul3A_939 : i32
    %multiple_of3A_941 = tpu.assume_multiple %mul3A_940, 128 : i32
    %dma_start3A_942 = arith.constant 19 : i32
    %dma_start3A_943 = arith.constant 0 : i32
    %dma_start3A_944 = arith.constant 0 : i32
    %dma_start3A_945 = tpu.memref_slice %arg6[%dma_start3A_942, %dma_start3A_943, %dma_start3A_944] : memref<32x16x128xf32, #tpu.memory_space<vmem>> -> memref<1x16x128xf32, #tpu.memory_space<vmem>>
    %dma_start3A_946 = tpu.memref_squeeze %dma_start3A_945 : memref<1x16x128xf32, #tpu.memory_space<vmem>> -> memref<16x128xf32, #tpu.memory_space<vmem>>
    %dma_start3A_947 = arith.constant 0 : i32
    %dma_start3A_948 = tpu.memref_slice %arg2[%dma_start3A_947, %multiple_of3A_941] : memref<16x100000xf32, #tpu.memory_space<hbm>> -> memref<16x128xf32, #tpu.memory_space<hbm>>
    %dma_start3A_949 = arith.constant 0 : i32
    %dma_start3A_950 = arith.constant 0 : i32
    %dma_start3A_951 = tpu.memref_slice %arg6[%dma_start3A_942, %dma_start3A_949, %dma_start3A_950] : memref<32x16x128xf32, #tpu.memory_space<vmem>> -> memref<1x16x128xf32, #tpu.memory_space<vmem>>
    %dma_start3A_952 = tpu.memref_squeeze %dma_start3A_951 : memref<1x16x128xf32, #tpu.memory_space<vmem>> -> memref<16x128xf32, #tpu.memory_space<vmem>>
    %dma_start3A_953 = arith.constant 0 : i32
    %dma_start3A_954 = tpu.memref_slice %arg2[%dma_start3A_953, %multiple_of3A_941] : memref<16x100000xf32, #tpu.memory_space<hbm>> -> memref<16x128xf32, #tpu.memory_space<hbm>>
    tpu.enqueue_dma source(%dma_start3A_954 : memref<16x128xf32, #tpu.memory_space<hbm>>) target(%dma_start3A_952 : memref<16x128xf32, #tpu.memory_space<vmem>>) target_semaphore(%arg8 : memref<!tpu.dma_semaphore, #tpu.memory_space<semaphore_mem>>)
    %eq3A_955 = arith.constant 4 : i32
    %eq3A_956 = vector.broadcast %eq3A_955 : i32 to vector<16xi32>
    %eq3A_957 = arith.cmpi eq, %iota3A, %eq3A_956 : vector<16xi32>
    %select_n3A_958 = arith.select %eq3A_957, %get3A_762, %broadcast_in_dim3A_3 : vector<16xi1>, vector<16xi32>
    %reduce_sum3A_959 = arith.constant true
    %reduce_sum3A_960 = vector.broadcast %reduce_sum3A_959 : i1 to vector<16xi1>
    %reduce_sum3A_961 = tpu.scan <sum>, %select_n3A_958 masked %reduce_sum3A_960 : vector<16xi32>, vector<16xi1> -> vector<16xi32>
    %reduce_sum3A_962 = vector.extract %reduce_sum3A_961[15] : i32 from vector<16xi32>
    %jit3A_963 = arith.constant 128 : i32
    %div3A_964 = arith.divsi %reduce_sum3A_962, %jit3A_963 : i32
    %sign3A_965 = arith.constant 0 : i32
    %sign3A_966 = arith.cmpi sgt, %reduce_sum3A_962, %sign3A_965 : i32
    %sign3A_967 = arith.extui %sign3A_966 : i1 to i32
    %sign3A_968 = arith.constant 0 : i32
    %sign3A_969 = arith.cmpi slt, %reduce_sum3A_962, %sign3A_968 : i32
    %sign3A_970 = arith.extui %sign3A_969 : i1 to i32
    %sign3A_971 = arith.subi %sign3A_967, %sign3A_970 : i32
    %sign3A_972 = arith.constant 0 : i32
    %sign3A_973 = arith.cmpi sgt, %jit3A_963, %sign3A_972 : i32
    %sign3A_974 = arith.extui %sign3A_973 : i1 to i32
    %sign3A_975 = arith.constant 0 : i32
    %sign3A_976 = arith.cmpi slt, %jit3A_963, %sign3A_975 : i32
    %sign3A_977 = arith.extui %sign3A_976 : i1 to i32
    %sign3A_978 = arith.subi %sign3A_974, %sign3A_977 : i32
    %ne3A_979 = arith.cmpi ne, %sign3A_971, %sign3A_978 : i32
    %rem3A_980 = arith.remsi %reduce_sum3A_962, %jit3A_963 : i32
    %ne3A_981 = arith.constant 0 : i32
    %ne3A_982 = arith.cmpi ne, %rem3A_980, %ne3A_981 : i32
    %and3A_983 = arith.andi %ne3A_979, %ne3A_982 : i1
    %sub3A_984 = arith.constant 1 : i32
    %sub3A_985 = arith.subi %div3A_964, %sub3A_984 : i32
    %select_n3A_986 = arith.select %and3A_983, %sub3A_985, %div3A_964 : i32
    %mul3A_987 = arith.constant 128 : i32
    %mul3A_988 = arith.muli %select_n3A_986, %mul3A_987 : i32
    %multiple_of3A_989 = tpu.assume_multiple %mul3A_988, 128 : i32
    %dma_start3A_990 = arith.constant 20 : i32
    %dma_start3A_991 = arith.constant 0 : i32
    %dma_start3A_992 = arith.constant 0 : i32
    %dma_start3A_993 = tpu.memref_slice %arg6[%dma_start3A_990, %dma_start3A_991, %dma_start3A_992] : memref<32x16x128xf32, #tpu.memory_space<vmem>> -> memref<1x16x128xf32, #tpu.memory_space<vmem>>
    %dma_start3A_994 = tpu.memref_squeeze %dma_start3A_993 : memref<1x16x128xf32, #tpu.memory_space<vmem>> -> memref<16x128xf32, #tpu.memory_space<vmem>>
    %dma_start3A_995 = arith.constant 0 : i32
    %dma_start3A_996 = tpu.memref_slice %arg2[%dma_start3A_995, %multiple_of3A_989] : memref<16x100000xf32, #tpu.memory_space<hbm>> -> memref<16x128xf32, #tpu.memory_space<hbm>>
    %dma_start3A_997 = arith.constant 0 : i32
    %dma_start3A_998 = arith.constant 0 : i32
    %dma_start3A_999 = tpu.memref_slice %arg6[%dma_start3A_990, %dma_start3A_997, %dma_start3A_998] : memref<32x16x128xf32, #tpu.memory_space<vmem>> -> memref<1x16x128xf32, #tpu.memory_space<vmem>>
    %dma_start3A_1000 = tpu.memref_squeeze %dma_start3A_999 : memref<1x16x128xf32, #tpu.memory_space<vmem>> -> memref<16x128xf32, #tpu.memory_space<vmem>>
    %dma_start3A_1001 = arith.constant 0 : i32
    %dma_start3A_1002 = tpu.memref_slice %arg2[%dma_start3A_1001, %multiple_of3A_989] : memref<16x100000xf32, #tpu.memory_space<hbm>> -> memref<16x128xf32, #tpu.memory_space<hbm>>
    tpu.enqueue_dma source(%dma_start3A_1002 : memref<16x128xf32, #tpu.memory_space<hbm>>) target(%dma_start3A_1000 : memref<16x128xf32, #tpu.memory_space<vmem>>) target_semaphore(%arg8 : memref<!tpu.dma_semaphore, #tpu.memory_space<semaphore_mem>>)
    %eq3A_1003 = arith.constant 5 : i32
    %eq3A_1004 = vector.broadcast %eq3A_1003 : i32 to vector<16xi32>
    %eq3A_1005 = arith.cmpi eq, %iota3A, %eq3A_1004 : vector<16xi32>
    %select_n3A_1006 = arith.select %eq3A_1005, %get3A_762, %broadcast_in_dim3A_3 : vector<16xi1>, vector<16xi32>
    %reduce_sum3A_1007 = arith.constant true
    %reduce_sum3A_1008 = vector.broadcast %reduce_sum3A_1007 : i1 to vector<16xi1>
    %reduce_sum3A_1009 = tpu.scan <sum>, %select_n3A_1006 masked %reduce_sum3A_1008 : vector<16xi32>, vector<16xi1> -> vector<16xi32>
    %reduce_sum3A_1010 = vector.extract %reduce_sum3A_1009[15] : i32 from vector<16xi32>
    %jit3A_1011 = arith.constant 128 : i32
    %div3A_1012 = arith.divsi %reduce_sum3A_1010, %jit3A_1011 : i32
    %sign3A_1013 = arith.constant 0 : i32
    %sign3A_1014 = arith.cmpi sgt, %reduce_sum3A_1010, %sign3A_1013 : i32
    %sign3A_1015 = arith.extui %sign3A_1014 : i1 to i32
    %sign3A_1016 = arith.constant 0 : i32
    %sign3A_1017 = arith.cmpi slt, %reduce_sum3A_1010, %sign3A_1016 : i32
    %sign3A_1018 = arith.extui %sign3A_1017 : i1 to i32
    %sign3A_1019 = arith.subi %sign3A_1015, %sign3A_1018 : i32
    %sign3A_1020 = arith.constant 0 : i32
    %sign3A_1021 = arith.cmpi sgt, %jit3A_1011, %sign3A_1020 : i32
    %sign3A_1022 = arith.extui %sign3A_1021 : i1 to i32
    %sign3A_1023 = arith.constant 0 : i32
    %sign3A_1024 = arith.cmpi slt, %jit3A_1011, %sign3A_1023 : i32
    %sign3A_1025 = arith.extui %sign3A_1024 : i1 to i32
    %sign3A_1026 = arith.subi %sign3A_1022, %sign3A_1025 : i32
    %ne3A_1027 = arith.cmpi ne, %sign3A_1019, %sign3A_1026 : i32
    %rem3A_1028 = arith.remsi %reduce_sum3A_1010, %jit3A_1011 : i32
    %ne3A_1029 = arith.constant 0 : i32
    %ne3A_1030 = arith.cmpi ne, %rem3A_1028, %ne3A_1029 : i32
    %and3A_1031 = arith.andi %ne3A_1027, %ne3A_1030 : i1
    %sub3A_1032 = arith.constant 1 : i32
    %sub3A_1033 = arith.subi %div3A_1012, %sub3A_1032 : i32
    %select_n3A_1034 = arith.select %and3A_1031, %sub3A_1033, %div3A_1012 : i32
    %mul3A_1035 = arith.constant 128 : i32
    %mul3A_1036 = arith.muli %select_n3A_1034, %mul3A_1035 : i32
    %multiple_of3A_1037 = tpu.assume_multiple %mul3A_1036, 128 : i32
    %dma_start3A_1038 = arith.constant 21 : i32
    %dma_start3A_1039 = arith.constant 0 : i32
    %dma_start3A_1040 = arith.constant 0 : i32
    %dma_start3A_1041 = tpu.memref_slice %arg6[%dma_start3A_1038, %dma_start3A_1039, %dma_start3A_1040] : memref<32x16x128xf32, #tpu.memory_space<vmem>> -> memref<1x16x128xf32, #tpu.memory_space<vmem>>
    %dma_start3A_1042 = tpu.memref_squeeze %dma_start3A_1041 : memref<1x16x128xf32, #tpu.memory_space<vmem>> -> memref<16x128xf32, #tpu.memory_space<vmem>>
    %dma_start3A_1043 = arith.constant 0 : i32
    %dma_start3A_1044 = tpu.memref_slice %arg2[%dma_start3A_1043, %multiple_of3A_1037] : memref<16x100000xf32, #tpu.memory_space<hbm>> -> memref<16x128xf32, #tpu.memory_space<hbm>>
    %dma_start3A_1045 = arith.constant 0 : i32
    %dma_start3A_1046 = arith.constant 0 : i32
    %dma_start3A_1047 = tpu.memref_slice %arg6[%dma_start3A_1038, %dma_start3A_1045, %dma_start3A_1046] : memref<32x16x128xf32, #tpu.memory_space<vmem>> -> memref<1x16x128xf32, #tpu.memory_space<vmem>>
    %dma_start3A_1048 = tpu.memref_squeeze %dma_start3A_1047 : memref<1x16x128xf32, #tpu.memory_space<vmem>> -> memref<16x128xf32, #tpu.memory_space<vmem>>
    %dma_start3A_1049 = arith.constant 0 : i32
    %dma_start3A_1050 = tpu.memref_slice %arg2[%dma_start3A_1049, %multiple_of3A_1037] : memref<16x100000xf32, #tpu.memory_space<hbm>> -> memref<16x128xf32, #tpu.memory_space<hbm>>
    tpu.enqueue_dma source(%dma_start3A_1050 : memref<16x128xf32, #tpu.memory_space<hbm>>) target(%dma_start3A_1048 : memref<16x128xf32, #tpu.memory_space<vmem>>) target_semaphore(%arg8 : memref<!tpu.dma_semaphore, #tpu.memory_space<semaphore_mem>>)
    %eq3A_1051 = arith.constant 6 : i32
    %eq3A_1052 = vector.broadcast %eq3A_1051 : i32 to vector<16xi32>
    %eq3A_1053 = arith.cmpi eq, %iota3A, %eq3A_1052 : vector<16xi32>
    %select_n3A_1054 = arith.select %eq3A_1053, %get3A_762, %broadcast_in_dim3A_3 : vector<16xi1>, vector<16xi32>
    %reduce_sum3A_1055 = arith.constant true
    %reduce_sum3A_1056 = vector.broadcast %reduce_sum3A_1055 : i1 to vector<16xi1>
    %reduce_sum3A_1057 = tpu.scan <sum>, %select_n3A_1054 masked %reduce_sum3A_1056 : vector<16xi32>, vector<16xi1> -> vector<16xi32>
    %reduce_sum3A_1058 = vector.extract %reduce_sum3A_1057[15] : i32 from vector<16xi32>
    %jit3A_1059 = arith.constant 128 : i32
    %div3A_1060 = arith.divsi %reduce_sum3A_1058, %jit3A_1059 : i32
    %sign3A_1061 = arith.constant 0 : i32
    %sign3A_1062 = arith.cmpi sgt, %reduce_sum3A_1058, %sign3A_1061 : i32
    %sign3A_1063 = arith.extui %sign3A_1062 : i1 to i32
    %sign3A_1064 = arith.constant 0 : i32
    %sign3A_1065 = arith.cmpi slt, %reduce_sum3A_1058, %sign3A_1064 : i32
    %sign3A_1066 = arith.extui %sign3A_1065 : i1 to i32
    %sign3A_1067 = arith.subi %sign3A_1063, %sign3A_1066 : i32
    %sign3A_1068 = arith.constant 0 : i32
    %sign3A_1069 = arith.cmpi sgt, %jit3A_1059, %sign3A_1068 : i32
    %sign3A_1070 = arith.extui %sign3A_1069 : i1 to i32
    %sign3A_1071 = arith.constant 0 : i32
    %sign3A_1072 = arith.cmpi slt, %jit3A_1059, %sign3A_1071 : i32
    %sign3A_1073 = arith.extui %sign3A_1072 : i1 to i32
    %sign3A_1074 = arith.subi %sign3A_1070, %sign3A_1073 : i32
    %ne3A_1075 = arith.cmpi ne, %sign3A_1067, %sign3A_1074 : i32
    %rem3A_1076 = arith.remsi %reduce_sum3A_1058, %jit3A_1059 : i32
    %ne3A_1077 = arith.constant 0 : i32
    %ne3A_1078 = arith.cmpi ne, %rem3A_1076, %ne3A_1077 : i32
    %and3A_1079 = arith.andi %ne3A_1075, %ne3A_1078 : i1
    %sub3A_1080 = arith.constant 1 : i32
    %sub3A_1081 = arith.subi %div3A_1060, %sub3A_1080 : i32
    %select_n3A_1082 = arith.select %and3A_1079, %sub3A_1081, %div3A_1060 : i32
    %mul3A_1083 = arith.constant 128 : i32
    %mul3A_1084 = arith.muli %select_n3A_1082, %mul3A_1083 : i32
    %multiple_of3A_1085 = tpu.assume_multiple %mul3A_1084, 128 : i32
    %dma_start3A_1086 = arith.constant 22 : i32
    %dma_start3A_1087 = arith.constant 0 : i32
    %dma_start3A_1088 = arith.constant 0 : i32
    %dma_start3A_1089 = tpu.memref_slice %arg6[%dma_start3A_1086, %dma_start3A_1087, %dma_start3A_1088] : memref<32x16x128xf32, #tpu.memory_space<vmem>> -> memref<1x16x128xf32, #tpu.memory_space<vmem>>
    %dma_start3A_1090 = tpu.memref_squeeze %dma_start3A_1089 : memref<1x16x128xf32, #tpu.memory_space<vmem>> -> memref<16x128xf32, #tpu.memory_space<vmem>>
    %dma_start3A_1091 = arith.constant 0 : i32
    %dma_start3A_1092 = tpu.memref_slice %arg2[%dma_start3A_1091, %multiple_of3A_1085] : memref<16x100000xf32, #tpu.memory_space<hbm>> -> memref<16x128xf32, #tpu.memory_space<hbm>>
    %dma_start3A_1093 = arith.constant 0 : i32
    %dma_start3A_1094 = arith.constant 0 : i32
    %dma_start3A_1095 = tpu.memref_slice %arg6[%dma_start3A_1086, %dma_start3A_1093, %dma_start3A_1094] : memref<32x16x128xf32, #tpu.memory_space<vmem>> -> memref<1x16x128xf32, #tpu.memory_space<vmem>>
    %dma_start3A_1096 = tpu.memref_squeeze %dma_start3A_1095 : memref<1x16x128xf32, #tpu.memory_space<vmem>> -> memref<16x128xf32, #tpu.memory_space<vmem>>
    %dma_start3A_1097 = arith.constant 0 : i32
    %dma_start3A_1098 = tpu.memref_slice %arg2[%dma_start3A_1097, %multiple_of3A_1085] : memref<16x100000xf32, #tpu.memory_space<hbm>> -> memref<16x128xf32, #tpu.memory_space<hbm>>
    tpu.enqueue_dma source(%dma_start3A_1098 : memref<16x128xf32, #tpu.memory_space<hbm>>) target(%dma_start3A_1096 : memref<16x128xf32, #tpu.memory_space<vmem>>) target_semaphore(%arg8 : memref<!tpu.dma_semaphore, #tpu.memory_space<semaphore_mem>>)
    %eq3A_1099 = arith.constant 7 : i32
    %eq3A_1100 = vector.broadcast %eq3A_1099 : i32 to vector<16xi32>
    %eq3A_1101 = arith.cmpi eq, %iota3A, %eq3A_1100 : vector<16xi32>
    %select_n3A_1102 = arith.select %eq3A_1101, %get3A_762, %broadcast_in_dim3A_3 : vector<16xi1>, vector<16xi32>
    %reduce_sum3A_1103 = arith.constant true
    %reduce_sum3A_1104 = vector.broadcast %reduce_sum3A_1103 : i1 to vector<16xi1>
    %reduce_sum3A_1105 = tpu.scan <sum>, %select_n3A_1102 masked %reduce_sum3A_1104 : vector<16xi32>, vector<16xi1> -> vector<16xi32>
    %reduce_sum3A_1106 = vector.extract %reduce_sum3A_1105[15] : i32 from vector<16xi32>
    %jit3A_1107 = arith.constant 128 : i32
    %div3A_1108 = arith.divsi %reduce_sum3A_1106, %jit3A_1107 : i32
    %sign3A_1109 = arith.constant 0 : i32
    %sign3A_1110 = arith.cmpi sgt, %reduce_sum3A_1106, %sign3A_1109 : i32
    %sign3A_1111 = arith.extui %sign3A_1110 : i1 to i32
    %sign3A_1112 = arith.constant 0 : i32
    %sign3A_1113 = arith.cmpi slt, %reduce_sum3A_1106, %sign3A_1112 : i32
    %sign3A_1114 = arith.extui %sign3A_1113 : i1 to i32
    %sign3A_1115 = arith.subi %sign3A_1111, %sign3A_1114 : i32
    %sign3A_1116 = arith.constant 0 : i32
    %sign3A_1117 = arith.cmpi sgt, %jit3A_1107, %sign3A_1116 : i32
    %sign3A_1118 = arith.extui %sign3A_1117 : i1 to i32
    %sign3A_1119 = arith.constant 0 : i32
    %sign3A_1120 = arith.cmpi slt, %jit3A_1107, %sign3A_1119 : i32
    %sign3A_1121 = arith.extui %sign3A_1120 : i1 to i32
    %sign3A_1122 = arith.subi %sign3A_1118, %sign3A_1121 : i32
    %ne3A_1123 = arith.cmpi ne, %sign3A_1115, %sign3A_1122 : i32
    %rem3A_1124 = arith.remsi %reduce_sum3A_1106, %jit3A_1107 : i32
    %ne3A_1125 = arith.constant 0 : i32
    %ne3A_1126 = arith.cmpi ne, %rem3A_1124, %ne3A_1125 : i32
    %and3A_1127 = arith.andi %ne3A_1123, %ne3A_1126 : i1
    %sub3A_1128 = arith.constant 1 : i32
    %sub3A_1129 = arith.subi %div3A_1108, %sub3A_1128 : i32
    %select_n3A_1130 = arith.select %and3A_1127, %sub3A_1129, %div3A_1108 : i32
    %mul3A_1131 = arith.constant 128 : i32
    %mul3A_1132 = arith.muli %select_n3A_1130, %mul3A_1131 : i32
    %multiple_of3A_1133 = tpu.assume_multiple %mul3A_1132, 128 : i32
    %dma_start3A_1134 = arith.constant 23 : i32
    %dma_start3A_1135 = arith.constant 0 : i32
    %dma_start3A_1136 = arith.constant 0 : i32
    %dma_start3A_1137 = tpu.memref_slice %arg6[%dma_start3A_1134, %dma_start3A_1135, %dma_start3A_1136] : memref<32x16x128xf32, #tpu.memory_space<vmem>> -> memref<1x16x128xf32, #tpu.memory_space<vmem>>
    %dma_start3A_1138 = tpu.memref_squeeze %dma_start3A_1137 : memref<1x16x128xf32, #tpu.memory_space<vmem>> -> memref<16x128xf32, #tpu.memory_space<vmem>>
    %dma_start3A_1139 = arith.constant 0 : i32
    %dma_start3A_1140 = tpu.memref_slice %arg2[%dma_start3A_1139, %multiple_of3A_1133] : memref<16x100000xf32, #tpu.memory_space<hbm>> -> memref<16x128xf32, #tpu.memory_space<hbm>>
    %dma_start3A_1141 = arith.constant 0 : i32
    %dma_start3A_1142 = arith.constant 0 : i32
    %dma_start3A_1143 = tpu.memref_slice %arg6[%dma_start3A_1134, %dma_start3A_1141, %dma_start3A_1142] : memref<32x16x128xf32, #tpu.memory_space<vmem>> -> memref<1x16x128xf32, #tpu.memory_space<vmem>>
    %dma_start3A_1144 = tpu.memref_squeeze %dma_start3A_1143 : memref<1x16x128xf32, #tpu.memory_space<vmem>> -> memref<16x128xf32, #tpu.memory_space<vmem>>
    %dma_start3A_1145 = arith.constant 0 : i32
    %dma_start3A_1146 = tpu.memref_slice %arg2[%dma_start3A_1145, %multiple_of3A_1133] : memref<16x100000xf32, #tpu.memory_space<hbm>> -> memref<16x128xf32, #tpu.memory_space<hbm>>
    tpu.enqueue_dma source(%dma_start3A_1146 : memref<16x128xf32, #tpu.memory_space<hbm>>) target(%dma_start3A_1144 : memref<16x128xf32, #tpu.memory_space<vmem>>) target_semaphore(%arg8 : memref<!tpu.dma_semaphore, #tpu.memory_space<semaphore_mem>>)
    %eq3A_1147 = arith.constant 8 : i32
    %eq3A_1148 = vector.broadcast %eq3A_1147 : i32 to vector<16xi32>
    %eq3A_1149 = arith.cmpi eq, %iota3A, %eq3A_1148 : vector<16xi32>
    %select_n3A_1150 = arith.select %eq3A_1149, %get3A_762, %broadcast_in_dim3A_3 : vector<16xi1>, vector<16xi32>
    %reduce_sum3A_1151 = arith.constant true
    %reduce_sum3A_1152 = vector.broadcast %reduce_sum3A_1151 : i1 to vector<16xi1>
    %reduce_sum3A_1153 = tpu.scan <sum>, %select_n3A_1150 masked %reduce_sum3A_1152 : vector<16xi32>, vector<16xi1> -> vector<16xi32>
    %reduce_sum3A_1154 = vector.extract %reduce_sum3A_1153[15] : i32 from vector<16xi32>
    %jit3A_1155 = arith.constant 128 : i32
    %div3A_1156 = arith.divsi %reduce_sum3A_1154, %jit3A_1155 : i32
    %sign3A_1157 = arith.constant 0 : i32
    %sign3A_1158 = arith.cmpi sgt, %reduce_sum3A_1154, %sign3A_1157 : i32
    %sign3A_1159 = arith.extui %sign3A_1158 : i1 to i32
    %sign3A_1160 = arith.constant 0 : i32
    %sign3A_1161 = arith.cmpi slt, %reduce_sum3A_1154, %sign3A_1160 : i32
    %sign3A_1162 = arith.extui %sign3A_1161 : i1 to i32
    %sign3A_1163 = arith.subi %sign3A_1159, %sign3A_1162 : i32
    %sign3A_1164 = arith.constant 0 : i32
    %sign3A_1165 = arith.cmpi sgt, %jit3A_1155, %sign3A_1164 : i32
    %sign3A_1166 = arith.extui %sign3A_1165 : i1 to i32
    %sign3A_1167 = arith.constant 0 : i32
    %sign3A_1168 = arith.cmpi slt, %jit3A_1155, %sign3A_1167 : i32
    %sign3A_1169 = arith.extui %sign3A_1168 : i1 to i32
    %sign3A_1170 = arith.subi %sign3A_1166, %sign3A_1169 : i32
    %ne3A_1171 = arith.cmpi ne, %sign3A_1163, %sign3A_1170 : i32
    %rem3A_1172 = arith.remsi %reduce_sum3A_1154, %jit3A_1155 : i32
    %ne3A_1173 = arith.constant 0 : i32
    %ne3A_1174 = arith.cmpi ne, %rem3A_1172, %ne3A_1173 : i32
    %and3A_1175 = arith.andi %ne3A_1171, %ne3A_1174 : i1
    %sub3A_1176 = arith.constant 1 : i32
    %sub3A_1177 = arith.subi %div3A_1156, %sub3A_1176 : i32
    %select_n3A_1178 = arith.select %and3A_1175, %sub3A_1177, %div3A_1156 : i32
    %mul3A_1179 = arith.constant 128 : i32
    %mul3A_1180 = arith.muli %select_n3A_1178, %mul3A_1179 : i32
    %multiple_of3A_1181 = tpu.assume_multiple %mul3A_1180, 128 : i32
    %dma_start3A_1182 = arith.constant 24 : i32
    %dma_start3A_1183 = arith.constant 0 : i32
    %dma_start3A_1184 = arith.constant 0 : i32
    %dma_start3A_1185 = tpu.memref_slice %arg6[%dma_start3A_1182, %dma_start3A_1183, %dma_start3A_1184] : memref<32x16x128xf32, #tpu.memory_space<vmem>> -> memref<1x16x128xf32, #tpu.memory_space<vmem>>
    %dma_start3A_1186 = tpu.memref_squeeze %dma_start3A_1185 : memref<1x16x128xf32, #tpu.memory_space<vmem>> -> memref<16x128xf32, #tpu.memory_space<vmem>>
    %dma_start3A_1187 = arith.constant 0 : i32
    %dma_start3A_1188 = tpu.memref_slice %arg2[%dma_start3A_1187, %multiple_of3A_1181] : memref<16x100000xf32, #tpu.memory_space<hbm>> -> memref<16x128xf32, #tpu.memory_space<hbm>>
    %dma_start3A_1189 = arith.constant 0 : i32
    %dma_start3A_1190 = arith.constant 0 : i32
    %dma_start3A_1191 = tpu.memref_slice %arg6[%dma_start3A_1182, %dma_start3A_1189, %dma_start3A_1190] : memref<32x16x128xf32, #tpu.memory_space<vmem>> -> memref<1x16x128xf32, #tpu.memory_space<vmem>>
    %dma_start3A_1192 = tpu.memref_squeeze %dma_start3A_1191 : memref<1x16x128xf32, #tpu.memory_space<vmem>> -> memref<16x128xf32, #tpu.memory_space<vmem>>
    %dma_start3A_1193 = arith.constant 0 : i32
    %dma_start3A_1194 = tpu.memref_slice %arg2[%dma_start3A_1193, %multiple_of3A_1181] : memref<16x100000xf32, #tpu.memory_space<hbm>> -> memref<16x128xf32, #tpu.memory_space<hbm>>
    tpu.enqueue_dma source(%dma_start3A_1194 : memref<16x128xf32, #tpu.memory_space<hbm>>) target(%dma_start3A_1192 : memref<16x128xf32, #tpu.memory_space<vmem>>) target_semaphore(%arg8 : memref<!tpu.dma_semaphore, #tpu.memory_space<semaphore_mem>>)
    %eq3A_1195 = arith.constant 9 : i32
    %eq3A_1196 = vector.broadcast %eq3A_1195 : i32 to vector<16xi32>
    %eq3A_1197 = arith.cmpi eq, %iota3A, %eq3A_1196 : vector<16xi32>
    %select_n3A_1198 = arith.select %eq3A_1197, %get3A_762, %broadcast_in_dim3A_3 : vector<16xi1>, vector<16xi32>
    %reduce_sum3A_1199 = arith.constant true
    %reduce_sum3A_1200 = vector.broadcast %reduce_sum3A_1199 : i1 to vector<16xi1>
    %reduce_sum3A_1201 = tpu.scan <sum>, %select_n3A_1198 masked %reduce_sum3A_1200 : vector<16xi32>, vector<16xi1> -> vector<16xi32>
    %reduce_sum3A_1202 = vector.extract %reduce_sum3A_1201[15] : i32 from vector<16xi32>
    %jit3A_1203 = arith.constant 128 : i32
    %div3A_1204 = arith.divsi %reduce_sum3A_1202, %jit3A_1203 : i32
    %sign3A_1205 = arith.constant 0 : i32
    %sign3A_1206 = arith.cmpi sgt, %reduce_sum3A_1202, %sign3A_1205 : i32
    %sign3A_1207 = arith.extui %sign3A_1206 : i1 to i32
    %sign3A_1208 = arith.constant 0 : i32
    %sign3A_1209 = arith.cmpi slt, %reduce_sum3A_1202, %sign3A_1208 : i32
    %sign3A_1210 = arith.extui %sign3A_1209 : i1 to i32
    %sign3A_1211 = arith.subi %sign3A_1207, %sign3A_1210 : i32
    %sign3A_1212 = arith.constant 0 : i32
    %sign3A_1213 = arith.cmpi sgt, %jit3A_1203, %sign3A_1212 : i32
    %sign3A_1214 = arith.extui %sign3A_1213 : i1 to i32
    %sign3A_1215 = arith.constant 0 : i32
    %sign3A_1216 = arith.cmpi slt, %jit3A_1203, %sign3A_1215 : i32
    %sign3A_1217 = arith.extui %sign3A_1216 : i1 to i32
    %sign3A_1218 = arith.subi %sign3A_1214, %sign3A_1217 : i32
    %ne3A_1219 = arith.cmpi ne, %sign3A_1211, %sign3A_1218 : i32
    %rem3A_1220 = arith.remsi %reduce_sum3A_1202, %jit3A_1203 : i32
    %ne3A_1221 = arith.constant 0 : i32
    %ne3A_1222 = arith.cmpi ne, %rem3A_1220, %ne3A_1221 : i32
    %and3A_1223 = arith.andi %ne3A_1219, %ne3A_1222 : i1
    %sub3A_1224 = arith.constant 1 : i32
    %sub3A_1225 = arith.subi %div3A_1204, %sub3A_1224 : i32
    %select_n3A_1226 = arith.select %and3A_1223, %sub3A_1225, %div3A_1204 : i32
    %mul3A_1227 = arith.constant 128 : i32
    %mul3A_1228 = arith.muli %select_n3A_1226, %mul3A_1227 : i32
    %multiple_of3A_1229 = tpu.assume_multiple %mul3A_1228, 128 : i32
    %dma_start3A_1230 = arith.constant 25 : i32
    %dma_start3A_1231 = arith.constant 0 : i32
    %dma_start3A_1232 = arith.constant 0 : i32
    %dma_start3A_1233 = tpu.memref_slice %arg6[%dma_start3A_1230, %dma_start3A_1231, %dma_start3A_1232] : memref<32x16x128xf32, #tpu.memory_space<vmem>> -> memref<1x16x128xf32, #tpu.memory_space<vmem>>
    %dma_start3A_1234 = tpu.memref_squeeze %dma_start3A_1233 : memref<1x16x128xf32, #tpu.memory_space<vmem>> -> memref<16x128xf32, #tpu.memory_space<vmem>>
    %dma_start3A_1235 = arith.constant 0 : i32
    %dma_start3A_1236 = tpu.memref_slice %arg2[%dma_start3A_1235, %multiple_of3A_1229] : memref<16x100000xf32, #tpu.memory_space<hbm>> -> memref<16x128xf32, #tpu.memory_space<hbm>>
    %dma_start3A_1237 = arith.constant 0 : i32
    %dma_start3A_1238 = arith.constant 0 : i32
    %dma_start3A_1239 = tpu.memref_slice %arg6[%dma_start3A_1230, %dma_start3A_1237, %dma_start3A_1238] : memref<32x16x128xf32, #tpu.memory_space<vmem>> -> memref<1x16x128xf32, #tpu.memory_space<vmem>>
    %dma_start3A_1240 = tpu.memref_squeeze %dma_start3A_1239 : memref<1x16x128xf32, #tpu.memory_space<vmem>> -> memref<16x128xf32, #tpu.memory_space<vmem>>
    %dma_start3A_1241 = arith.constant 0 : i32
    %dma_start3A_1242 = tpu.memref_slice %arg2[%dma_start3A_1241, %multiple_of3A_1229] : memref<16x100000xf32, #tpu.memory_space<hbm>> -> memref<16x128xf32, #tpu.memory_space<hbm>>
    tpu.enqueue_dma source(%dma_start3A_1242 : memref<16x128xf32, #tpu.memory_space<hbm>>) target(%dma_start3A_1240 : memref<16x128xf32, #tpu.memory_space<vmem>>) target_semaphore(%arg8 : memref<!tpu.dma_semaphore, #tpu.memory_space<semaphore_mem>>)
    %eq3A_1243 = arith.constant 10 : i32
    %eq3A_1244 = vector.broadcast %eq3A_1243 : i32 to vector<16xi32>
    %eq3A_1245 = arith.cmpi eq, %iota3A, %eq3A_1244 : vector<16xi32>
    %select_n3A_1246 = arith.select %eq3A_1245, %get3A_762, %broadcast_in_dim3A_3 : vector<16xi1>, vector<16xi32>
    %reduce_sum3A_1247 = arith.constant true
    %reduce_sum3A_1248 = vector.broadcast %reduce_sum3A_1247 : i1 to vector<16xi1>
    %reduce_sum3A_1249 = tpu.scan <sum>, %select_n3A_1246 masked %reduce_sum3A_1248 : vector<16xi32>, vector<16xi1> -> vector<16xi32>
    %reduce_sum3A_1250 = vector.extract %reduce_sum3A_1249[15] : i32 from vector<16xi32>
    %jit3A_1251 = arith.constant 128 : i32
    %div3A_1252 = arith.divsi %reduce_sum3A_1250, %jit3A_1251 : i32
    %sign3A_1253 = arith.constant 0 : i32
    %sign3A_1254 = arith.cmpi sgt, %reduce_sum3A_1250, %sign3A_1253 : i32
    %sign3A_1255 = arith.extui %sign3A_1254 : i1 to i32
    %sign3A_1256 = arith.constant 0 : i32
    %sign3A_1257 = arith.cmpi slt, %reduce_sum3A_1250, %sign3A_1256 : i32
    %sign3A_1258 = arith.extui %sign3A_1257 : i1 to i32
    %sign3A_1259 = arith.subi %sign3A_1255, %sign3A_1258 : i32
    %sign3A_1260 = arith.constant 0 : i32
    %sign3A_1261 = arith.cmpi sgt, %jit3A_1251, %sign3A_1260 : i32
    %sign3A_1262 = arith.extui %sign3A_1261 : i1 to i32
    %sign3A_1263 = arith.constant 0 : i32
    %sign3A_1264 = arith.cmpi slt, %jit3A_1251, %sign3A_1263 : i32
    %sign3A_1265 = arith.extui %sign3A_1264 : i1 to i32
    %sign3A_1266 = arith.subi %sign3A_1262, %sign3A_1265 : i32
    %ne3A_1267 = arith.cmpi ne, %sign3A_1259, %sign3A_1266 : i32
    %rem3A_1268 = arith.remsi %reduce_sum3A_1250, %jit3A_1251 : i32
    %ne3A_1269 = arith.constant 0 : i32
    %ne3A_1270 = arith.cmpi ne, %rem3A_1268, %ne3A_1269 : i32
    %and3A_1271 = arith.andi %ne3A_1267, %ne3A_1270 : i1
    %sub3A_1272 = arith.constant 1 : i32
    %sub3A_1273 = arith.subi %div3A_1252, %sub3A_1272 : i32
    %select_n3A_1274 = arith.select %and3A_1271, %sub3A_1273, %div3A_1252 : i32
    %mul3A_1275 = arith.constant 128 : i32
    %mul3A_1276 = arith.muli %select_n3A_1274, %mul3A_1275 : i32
    %multiple_of3A_1277 = tpu.assume_multiple %mul3A_1276, 128 : i32
    %dma_start3A_1278 = arith.constant 26 : i32
    %dma_start3A_1279 = arith.constant 0 : i32
    %dma_start3A_1280 = arith.constant 0 : i32
    %dma_start3A_1281 = tpu.memref_slice %arg6[%dma_start3A_1278, %dma_start3A_1279, %dma_start3A_1280] : memref<32x16x128xf32, #tpu.memory_space<vmem>> -> memref<1x16x128xf32, #tpu.memory_space<vmem>>
    %dma_start3A_1282 = tpu.memref_squeeze %dma_start3A_1281 : memref<1x16x128xf32, #tpu.memory_space<vmem>> -> memref<16x128xf32, #tpu.memory_space<vmem>>
    %dma_start3A_1283 = arith.constant 0 : i32
    %dma_start3A_1284 = tpu.memref_slice %arg2[%dma_start3A_1283, %multiple_of3A_1277] : memref<16x100000xf32, #tpu.memory_space<hbm>> -> memref<16x128xf32, #tpu.memory_space<hbm>>
    %dma_start3A_1285 = arith.constant 0 : i32
    %dma_start3A_1286 = arith.constant 0 : i32
    %dma_start3A_1287 = tpu.memref_slice %arg6[%dma_start3A_1278, %dma_start3A_1285, %dma_start3A_1286] : memref<32x16x128xf32, #tpu.memory_space<vmem>> -> memref<1x16x128xf32, #tpu.memory_space<vmem>>
    %dma_start3A_1288 = tpu.memref_squeeze %dma_start3A_1287 : memref<1x16x128xf32, #tpu.memory_space<vmem>> -> memref<16x128xf32, #tpu.memory_space<vmem>>
    %dma_start3A_1289 = arith.constant 0 : i32
    %dma_start3A_1290 = tpu.memref_slice %arg2[%dma_start3A_1289, %multiple_of3A_1277] : memref<16x100000xf32, #tpu.memory_space<hbm>> -> memref<16x128xf32, #tpu.memory_space<hbm>>
    tpu.enqueue_dma source(%dma_start3A_1290 : memref<16x128xf32, #tpu.memory_space<hbm>>) target(%dma_start3A_1288 : memref<16x128xf32, #tpu.memory_space<vmem>>) target_semaphore(%arg8 : memref<!tpu.dma_semaphore, #tpu.memory_space<semaphore_mem>>)
    %eq3A_1291 = arith.constant 11 : i32
    %eq3A_1292 = vector.broadcast %eq3A_1291 : i32 to vector<16xi32>
    %eq3A_1293 = arith.cmpi eq, %iota3A, %eq3A_1292 : vector<16xi32>
    %select_n3A_1294 = arith.select %eq3A_1293, %get3A_762, %broadcast_in_dim3A_3 : vector<16xi1>, vector<16xi32>
    %reduce_sum3A_1295 = arith.constant true
    %reduce_sum3A_1296 = vector.broadcast %reduce_sum3A_1295 : i1 to vector<16xi1>
    %reduce_sum3A_1297 = tpu.scan <sum>, %select_n3A_1294 masked %reduce_sum3A_1296 : vector<16xi32>, vector<16xi1> -> vector<16xi32>
    %reduce_sum3A_1298 = vector.extract %reduce_sum3A_1297[15] : i32 from vector<16xi32>
    %jit3A_1299 = arith.constant 128 : i32
    %div3A_1300 = arith.divsi %reduce_sum3A_1298, %jit3A_1299 : i32
    %sign3A_1301 = arith.constant 0 : i32
    %sign3A_1302 = arith.cmpi sgt, %reduce_sum3A_1298, %sign3A_1301 : i32
    %sign3A_1303 = arith.extui %sign3A_1302 : i1 to i32
    %sign3A_1304 = arith.constant 0 : i32
    %sign3A_1305 = arith.cmpi slt, %reduce_sum3A_1298, %sign3A_1304 : i32
    %sign3A_1306 = arith.extui %sign3A_1305 : i1 to i32
    %sign3A_1307 = arith.subi %sign3A_1303, %sign3A_1306 : i32
    %sign3A_1308 = arith.constant 0 : i32
    %sign3A_1309 = arith.cmpi sgt, %jit3A_1299, %sign3A_1308 : i32
    %sign3A_1310 = arith.extui %sign3A_1309 : i1 to i32
    %sign3A_1311 = arith.constant 0 : i32
    %sign3A_1312 = arith.cmpi slt, %jit3A_1299, %sign3A_1311 : i32
    %sign3A_1313 = arith.extui %sign3A_1312 : i1 to i32
    %sign3A_1314 = arith.subi %sign3A_1310, %sign3A_1313 : i32
    %ne3A_1315 = arith.cmpi ne, %sign3A_1307, %sign3A_1314 : i32
    %rem3A_1316 = arith.remsi %reduce_sum3A_1298, %jit3A_1299 : i32
    %ne3A_1317 = arith.constant 0 : i32
    %ne3A_1318 = arith.cmpi ne, %rem3A_1316, %ne3A_1317 : i32
    %and3A_1319 = arith.andi %ne3A_1315, %ne3A_1318 : i1
    %sub3A_1320 = arith.constant 1 : i32
    %sub3A_1321 = arith.subi %div3A_1300, %sub3A_1320 : i32
    %select_n3A_1322 = arith.select %and3A_1319, %sub3A_1321, %div3A_1300 : i32
    %mul3A_1323 = arith.constant 128 : i32
    %mul3A_1324 = arith.muli %select_n3A_1322, %mul3A_1323 : i32
    %multiple_of3A_1325 = tpu.assume_multiple %mul3A_1324, 128 : i32
    %dma_start3A_1326 = arith.constant 27 : i32
    %dma_start3A_1327 = arith.constant 0 : i32
    %dma_start3A_1328 = arith.constant 0 : i32
    %dma_start3A_1329 = tpu.memref_slice %arg6[%dma_start3A_1326, %dma_start3A_1327, %dma_start3A_1328] : memref<32x16x128xf32, #tpu.memory_space<vmem>> -> memref<1x16x128xf32, #tpu.memory_space<vmem>>
    %dma_start3A_1330 = tpu.memref_squeeze %dma_start3A_1329 : memref<1x16x128xf32, #tpu.memory_space<vmem>> -> memref<16x128xf32, #tpu.memory_space<vmem>>
    %dma_start3A_1331 = arith.constant 0 : i32
    %dma_start3A_1332 = tpu.memref_slice %arg2[%dma_start3A_1331, %multiple_of3A_1325] : memref<16x100000xf32, #tpu.memory_space<hbm>> -> memref<16x128xf32, #tpu.memory_space<hbm>>
    %dma_start3A_1333 = arith.constant 0 : i32
    %dma_start3A_1334 = arith.constant 0 : i32
    %dma_start3A_1335 = tpu.memref_slice %arg6[%dma_start3A_1326, %dma_start3A_1333, %dma_start3A_1334] : memref<32x16x128xf32, #tpu.memory_space<vmem>> -> memref<1x16x128xf32, #tpu.memory_space<vmem>>
    %dma_start3A_1336 = tpu.memref_squeeze %dma_start3A_1335 : memref<1x16x128xf32, #tpu.memory_space<vmem>> -> memref<16x128xf32, #tpu.memory_space<vmem>>
    %dma_start3A_1337 = arith.constant 0 : i32
    %dma_start3A_1338 = tpu.memref_slice %arg2[%dma_start3A_1337, %multiple_of3A_1325] : memref<16x100000xf32, #tpu.memory_space<hbm>> -> memref<16x128xf32, #tpu.memory_space<hbm>>
    tpu.enqueue_dma source(%dma_start3A_1338 : memref<16x128xf32, #tpu.memory_space<hbm>>) target(%dma_start3A_1336 : memref<16x128xf32, #tpu.memory_space<vmem>>) target_semaphore(%arg8 : memref<!tpu.dma_semaphore, #tpu.memory_space<semaphore_mem>>)
    %eq3A_1339 = arith.constant 12 : i32
    %eq3A_1340 = vector.broadcast %eq3A_1339 : i32 to vector<16xi32>
    %eq3A_1341 = arith.cmpi eq, %iota3A, %eq3A_1340 : vector<16xi32>
    %select_n3A_1342 = arith.select %eq3A_1341, %get3A_762, %broadcast_in_dim3A_3 : vector<16xi1>, vector<16xi32>
    %reduce_sum3A_1343 = arith.constant true
    %reduce_sum3A_1344 = vector.broadcast %reduce_sum3A_1343 : i1 to vector<16xi1>
    %reduce_sum3A_1345 = tpu.scan <sum>, %select_n3A_1342 masked %reduce_sum3A_1344 : vector<16xi32>, vector<16xi1> -> vector<16xi32>
    %reduce_sum3A_1346 = vector.extract %reduce_sum3A_1345[15] : i32 from vector<16xi32>
    %jit3A_1347 = arith.constant 128 : i32
    %div3A_1348 = arith.divsi %reduce_sum3A_1346, %jit3A_1347 : i32
    %sign3A_1349 = arith.constant 0 : i32
    %sign3A_1350 = arith.cmpi sgt, %reduce_sum3A_1346, %sign3A_1349 : i32
    %sign3A_1351 = arith.extui %sign3A_1350 : i1 to i32
    %sign3A_1352 = arith.constant 0 : i32
    %sign3A_1353 = arith.cmpi slt, %reduce_sum3A_1346, %sign3A_1352 : i32
    %sign3A_1354 = arith.extui %sign3A_1353 : i1 to i32
    %sign3A_1355 = arith.subi %sign3A_1351, %sign3A_1354 : i32
    %sign3A_1356 = arith.constant 0 : i32
    %sign3A_1357 = arith.cmpi sgt, %jit3A_1347, %sign3A_1356 : i32
    %sign3A_1358 = arith.extui %sign3A_1357 : i1 to i32
    %sign3A_1359 = arith.constant 0 : i32
    %sign3A_1360 = arith.cmpi slt, %jit3A_1347, %sign3A_1359 : i32
    %sign3A_1361 = arith.extui %sign3A_1360 : i1 to i32
    %sign3A_1362 = arith.subi %sign3A_1358, %sign3A_1361 : i32
    %ne3A_1363 = arith.cmpi ne, %sign3A_1355, %sign3A_1362 : i32
    %rem3A_1364 = arith.remsi %reduce_sum3A_1346, %jit3A_1347 : i32
    %ne3A_1365 = arith.constant 0 : i32
    %ne3A_1366 = arith.cmpi ne, %rem3A_1364, %ne3A_1365 : i32
    %and3A_1367 = arith.andi %ne3A_1363, %ne3A_1366 : i1
    %sub3A_1368 = arith.constant 1 : i32
    %sub3A_1369 = arith.subi %div3A_1348, %sub3A_1368 : i32
    %select_n3A_1370 = arith.select %and3A_1367, %sub3A_1369, %div3A_1348 : i32
    %mul3A_1371 = arith.constant 128 : i32
    %mul3A_1372 = arith.muli %select_n3A_1370, %mul3A_1371 : i32
    %multiple_of3A_1373 = tpu.assume_multiple %mul3A_1372, 128 : i32
    %dma_start3A_1374 = arith.constant 28 : i32
    %dma_start3A_1375 = arith.constant 0 : i32
    %dma_start3A_1376 = arith.constant 0 : i32
    %dma_start3A_1377 = tpu.memref_slice %arg6[%dma_start3A_1374, %dma_start3A_1375, %dma_start3A_1376] : memref<32x16x128xf32, #tpu.memory_space<vmem>> -> memref<1x16x128xf32, #tpu.memory_space<vmem>>
    %dma_start3A_1378 = tpu.memref_squeeze %dma_start3A_1377 : memref<1x16x128xf32, #tpu.memory_space<vmem>> -> memref<16x128xf32, #tpu.memory_space<vmem>>
    %dma_start3A_1379 = arith.constant 0 : i32
    %dma_start3A_1380 = tpu.memref_slice %arg2[%dma_start3A_1379, %multiple_of3A_1373] : memref<16x100000xf32, #tpu.memory_space<hbm>> -> memref<16x128xf32, #tpu.memory_space<hbm>>
    %dma_start3A_1381 = arith.constant 0 : i32
    %dma_start3A_1382 = arith.constant 0 : i32
    %dma_start3A_1383 = tpu.memref_slice %arg6[%dma_start3A_1374, %dma_start3A_1381, %dma_start3A_1382] : memref<32x16x128xf32, #tpu.memory_space<vmem>> -> memref<1x16x128xf32, #tpu.memory_space<vmem>>
    %dma_start3A_1384 = tpu.memref_squeeze %dma_start3A_1383 : memref<1x16x128xf32, #tpu.memory_space<vmem>> -> memref<16x128xf32, #tpu.memory_space<vmem>>
    %dma_start3A_1385 = arith.constant 0 : i32
    %dma_start3A_1386 = tpu.memref_slice %arg2[%dma_start3A_1385, %multiple_of3A_1373] : memref<16x100000xf32, #tpu.memory_space<hbm>> -> memref<16x128xf32, #tpu.memory_space<hbm>>
    tpu.enqueue_dma source(%dma_start3A_1386 : memref<16x128xf32, #tpu.memory_space<hbm>>) target(%dma_start3A_1384 : memref<16x128xf32, #tpu.memory_space<vmem>>) target_semaphore(%arg8 : memref<!tpu.dma_semaphore, #tpu.memory_space<semaphore_mem>>)
    %eq3A_1387 = arith.constant 13 : i32
    %eq3A_1388 = vector.broadcast %eq3A_1387 : i32 to vector<16xi32>
    %eq3A_1389 = arith.cmpi eq, %iota3A, %eq3A_1388 : vector<16xi32>
    %select_n3A_1390 = arith.select %eq3A_1389, %get3A_762, %broadcast_in_dim3A_3 : vector<16xi1>, vector<16xi32>
    %reduce_sum3A_1391 = arith.constant true
    %reduce_sum3A_1392 = vector.broadcast %reduce_sum3A_1391 : i1 to vector<16xi1>
    %reduce_sum3A_1393 = tpu.scan <sum>, %select_n3A_1390 masked %reduce_sum3A_1392 : vector<16xi32>, vector<16xi1> -> vector<16xi32>
    %reduce_sum3A_1394 = vector.extract %reduce_sum3A_1393[15] : i32 from vector<16xi32>
    %jit3A_1395 = arith.constant 128 : i32
    %div3A_1396 = arith.divsi %reduce_sum3A_1394, %jit3A_1395 : i32
    %sign3A_1397 = arith.constant 0 : i32
    %sign3A_1398 = arith.cmpi sgt, %reduce_sum3A_1394, %sign3A_1397 : i32
    %sign3A_1399 = arith.extui %sign3A_1398 : i1 to i32
    %sign3A_1400 = arith.constant 0 : i32
    %sign3A_1401 = arith.cmpi slt, %reduce_sum3A_1394, %sign3A_1400 : i32
    %sign3A_1402 = arith.extui %sign3A_1401 : i1 to i32
    %sign3A_1403 = arith.subi %sign3A_1399, %sign3A_1402 : i32
    %sign3A_1404 = arith.constant 0 : i32
    %sign3A_1405 = arith.cmpi sgt, %jit3A_1395, %sign3A_1404 : i32
    %sign3A_1406 = arith.extui %sign3A_1405 : i1 to i32
    %sign3A_1407 = arith.constant 0 : i32
    %sign3A_1408 = arith.cmpi slt, %jit3A_1395, %sign3A_1407 : i32
    %sign3A_1409 = arith.extui %sign3A_1408 : i1 to i32
    %sign3A_1410 = arith.subi %sign3A_1406, %sign3A_1409 : i32
    %ne3A_1411 = arith.cmpi ne, %sign3A_1403, %sign3A_1410 : i32
    %rem3A_1412 = arith.remsi %reduce_sum3A_1394, %jit3A_1395 : i32
    %ne3A_1413 = arith.constant 0 : i32
    %ne3A_1414 = arith.cmpi ne, %rem3A_1412, %ne3A_1413 : i32
    %and3A_1415 = arith.andi %ne3A_1411, %ne3A_1414 : i1
    %sub3A_1416 = arith.constant 1 : i32
    %sub3A_1417 = arith.subi %div3A_1396, %sub3A_1416 : i32
    %select_n3A_1418 = arith.select %and3A_1415, %sub3A_1417, %div3A_1396 : i32
    %mul3A_1419 = arith.constant 128 : i32
    %mul3A_1420 = arith.muli %select_n3A_1418, %mul3A_1419 : i32
    %multiple_of3A_1421 = tpu.assume_multiple %mul3A_1420, 128 : i32
    %dma_start3A_1422 = arith.constant 29 : i32
    %dma_start3A_1423 = arith.constant 0 : i32
    %dma_start3A_1424 = arith.constant 0 : i32
    %dma_start3A_1425 = tpu.memref_slice %arg6[%dma_start3A_1422, %dma_start3A_1423, %dma_start3A_1424] : memref<32x16x128xf32, #tpu.memory_space<vmem>> -> memref<1x16x128xf32, #tpu.memory_space<vmem>>
    %dma_start3A_1426 = tpu.memref_squeeze %dma_start3A_1425 : memref<1x16x128xf32, #tpu.memory_space<vmem>> -> memref<16x128xf32, #tpu.memory_space<vmem>>
    %dma_start3A_1427 = arith.constant 0 : i32
    %dma_start3A_1428 = tpu.memref_slice %arg2[%dma_start3A_1427, %multiple_of3A_1421] : memref<16x100000xf32, #tpu.memory_space<hbm>> -> memref<16x128xf32, #tpu.memory_space<hbm>>
    %dma_start3A_1429 = arith.constant 0 : i32
    %dma_start3A_1430 = arith.constant 0 : i32
    %dma_start3A_1431 = tpu.memref_slice %arg6[%dma_start3A_1422, %dma_start3A_1429, %dma_start3A_1430] : memref<32x16x128xf32, #tpu.memory_space<vmem>> -> memref<1x16x128xf32, #tpu.memory_space<vmem>>
    %dma_start3A_1432 = tpu.memref_squeeze %dma_start3A_1431 : memref<1x16x128xf32, #tpu.memory_space<vmem>> -> memref<16x128xf32, #tpu.memory_space<vmem>>
    %dma_start3A_1433 = arith.constant 0 : i32
    %dma_start3A_1434 = tpu.memref_slice %arg2[%dma_start3A_1433, %multiple_of3A_1421] : memref<16x100000xf32, #tpu.memory_space<hbm>> -> memref<16x128xf32, #tpu.memory_space<hbm>>
    tpu.enqueue_dma source(%dma_start3A_1434 : memref<16x128xf32, #tpu.memory_space<hbm>>) target(%dma_start3A_1432 : memref<16x128xf32, #tpu.memory_space<vmem>>) target_semaphore(%arg8 : memref<!tpu.dma_semaphore, #tpu.memory_space<semaphore_mem>>)
    %eq3A_1435 = arith.constant 14 : i32
    %eq3A_1436 = vector.broadcast %eq3A_1435 : i32 to vector<16xi32>
    %eq3A_1437 = arith.cmpi eq, %iota3A, %eq3A_1436 : vector<16xi32>
    %select_n3A_1438 = arith.select %eq3A_1437, %get3A_762, %broadcast_in_dim3A_3 : vector<16xi1>, vector<16xi32>
    %reduce_sum3A_1439 = arith.constant true
    %reduce_sum3A_1440 = vector.broadcast %reduce_sum3A_1439 : i1 to vector<16xi1>
    %reduce_sum3A_1441 = tpu.scan <sum>, %select_n3A_1438 masked %reduce_sum3A_1440 : vector<16xi32>, vector<16xi1> -> vector<16xi32>
    %reduce_sum3A_1442 = vector.extract %reduce_sum3A_1441[15] : i32 from vector<16xi32>
    %jit3A_1443 = arith.constant 128 : i32
    %div3A_1444 = arith.divsi %reduce_sum3A_1442, %jit3A_1443 : i32
    %sign3A_1445 = arith.constant 0 : i32
    %sign3A_1446 = arith.cmpi sgt, %reduce_sum3A_1442, %sign3A_1445 : i32
    %sign3A_1447 = arith.extui %sign3A_1446 : i1 to i32
    %sign3A_1448 = arith.constant 0 : i32
    %sign3A_1449 = arith.cmpi slt, %reduce_sum3A_1442, %sign3A_1448 : i32
    %sign3A_1450 = arith.extui %sign3A_1449 : i1 to i32
    %sign3A_1451 = arith.subi %sign3A_1447, %sign3A_1450 : i32
    %sign3A_1452 = arith.constant 0 : i32
    %sign3A_1453 = arith.cmpi sgt, %jit3A_1443, %sign3A_1452 : i32
    %sign3A_1454 = arith.extui %sign3A_1453 : i1 to i32
    %sign3A_1455 = arith.constant 0 : i32
    %sign3A_1456 = arith.cmpi slt, %jit3A_1443, %sign3A_1455 : i32
    %sign3A_1457 = arith.extui %sign3A_1456 : i1 to i32
    %sign3A_1458 = arith.subi %sign3A_1454, %sign3A_1457 : i32
    %ne3A_1459 = arith.cmpi ne, %sign3A_1451, %sign3A_1458 : i32
    %rem3A_1460 = arith.remsi %reduce_sum3A_1442, %jit3A_1443 : i32
    %ne3A_1461 = arith.constant 0 : i32
    %ne3A_1462 = arith.cmpi ne, %rem3A_1460, %ne3A_1461 : i32
    %and3A_1463 = arith.andi %ne3A_1459, %ne3A_1462 : i1
    %sub3A_1464 = arith.constant 1 : i32
    %sub3A_1465 = arith.subi %div3A_1444, %sub3A_1464 : i32
    %select_n3A_1466 = arith.select %and3A_1463, %sub3A_1465, %div3A_1444 : i32
    %mul3A_1467 = arith.constant 128 : i32
    %mul3A_1468 = arith.muli %select_n3A_1466, %mul3A_1467 : i32
    %multiple_of3A_1469 = tpu.assume_multiple %mul3A_1468, 128 : i32
    %dma_start3A_1470 = arith.constant 30 : i32
    %dma_start3A_1471 = arith.constant 0 : i32
    %dma_start3A_1472 = arith.constant 0 : i32
    %dma_start3A_1473 = tpu.memref_slice %arg6[%dma_start3A_1470, %dma_start3A_1471, %dma_start3A_1472] : memref<32x16x128xf32, #tpu.memory_space<vmem>> -> memref<1x16x128xf32, #tpu.memory_space<vmem>>
    %dma_start3A_1474 = tpu.memref_squeeze %dma_start3A_1473 : memref<1x16x128xf32, #tpu.memory_space<vmem>> -> memref<16x128xf32, #tpu.memory_space<vmem>>
    %dma_start3A_1475 = arith.constant 0 : i32
    %dma_start3A_1476 = tpu.memref_slice %arg2[%dma_start3A_1475, %multiple_of3A_1469] : memref<16x100000xf32, #tpu.memory_space<hbm>> -> memref<16x128xf32, #tpu.memory_space<hbm>>
    %dma_start3A_1477 = arith.constant 0 : i32
    %dma_start3A_1478 = arith.constant 0 : i32
    %dma_start3A_1479 = tpu.memref_slice %arg6[%dma_start3A_1470, %dma_start3A_1477, %dma_start3A_1478] : memref<32x16x128xf32, #tpu.memory_space<vmem>> -> memref<1x16x128xf32, #tpu.memory_space<vmem>>
    %dma_start3A_1480 = tpu.memref_squeeze %dma_start3A_1479 : memref<1x16x128xf32, #tpu.memory_space<vmem>> -> memref<16x128xf32, #tpu.memory_space<vmem>>
    %dma_start3A_1481 = arith.constant 0 : i32
    %dma_start3A_1482 = tpu.memref_slice %arg2[%dma_start3A_1481, %multiple_of3A_1469] : memref<16x100000xf32, #tpu.memory_space<hbm>> -> memref<16x128xf32, #tpu.memory_space<hbm>>
    tpu.enqueue_dma source(%dma_start3A_1482 : memref<16x128xf32, #tpu.memory_space<hbm>>) target(%dma_start3A_1480 : memref<16x128xf32, #tpu.memory_space<vmem>>) target_semaphore(%arg8 : memref<!tpu.dma_semaphore, #tpu.memory_space<semaphore_mem>>)
    %eq3A_1483 = arith.constant 15 : i32
    %eq3A_1484 = vector.broadcast %eq3A_1483 : i32 to vector<16xi32>
    %eq3A_1485 = arith.cmpi eq, %iota3A, %eq3A_1484 : vector<16xi32>
    %select_n3A_1486 = arith.select %eq3A_1485, %get3A_762, %broadcast_in_dim3A_3 : vector<16xi1>, vector<16xi32>
    %reduce_sum3A_1487 = arith.constant true
    %reduce_sum3A_1488 = vector.broadcast %reduce_sum3A_1487 : i1 to vector<16xi1>
    %reduce_sum3A_1489 = tpu.scan <sum>, %select_n3A_1486 masked %reduce_sum3A_1488 : vector<16xi32>, vector<16xi1> -> vector<16xi32>
    %reduce_sum3A_1490 = vector.extract %reduce_sum3A_1489[15] : i32 from vector<16xi32>
    %jit3A_1491 = arith.constant 128 : i32
    %div3A_1492 = arith.divsi %reduce_sum3A_1490, %jit3A_1491 : i32
    %sign3A_1493 = arith.constant 0 : i32
    %sign3A_1494 = arith.cmpi sgt, %reduce_sum3A_1490, %sign3A_1493 : i32
    %sign3A_1495 = arith.extui %sign3A_1494 : i1 to i32
    %sign3A_1496 = arith.constant 0 : i32
    %sign3A_1497 = arith.cmpi slt, %reduce_sum3A_1490, %sign3A_1496 : i32
    %sign3A_1498 = arith.extui %sign3A_1497 : i1 to i32
    %sign3A_1499 = arith.subi %sign3A_1495, %sign3A_1498 : i32
    %sign3A_1500 = arith.constant 0 : i32
    %sign3A_1501 = arith.cmpi sgt, %jit3A_1491, %sign3A_1500 : i32
    %sign3A_1502 = arith.extui %sign3A_1501 : i1 to i32
    %sign3A_1503 = arith.constant 0 : i32
    %sign3A_1504 = arith.cmpi slt, %jit3A_1491, %sign3A_1503 : i32
    %sign3A_1505 = arith.extui %sign3A_1504 : i1 to i32
    %sign3A_1506 = arith.subi %sign3A_1502, %sign3A_1505 : i32
    %ne3A_1507 = arith.cmpi ne, %sign3A_1499, %sign3A_1506 : i32
    %rem3A_1508 = arith.remsi %reduce_sum3A_1490, %jit3A_1491 : i32
    %ne3A_1509 = arith.constant 0 : i32
    %ne3A_1510 = arith.cmpi ne, %rem3A_1508, %ne3A_1509 : i32
    %and3A_1511 = arith.andi %ne3A_1507, %ne3A_1510 : i1
    %sub3A_1512 = arith.constant 1 : i32
    %sub3A_1513 = arith.subi %div3A_1492, %sub3A_1512 : i32
    %select_n3A_1514 = arith.select %and3A_1511, %sub3A_1513, %div3A_1492 : i32
    %mul3A_1515 = arith.constant 128 : i32
    %mul3A_1516 = arith.muli %select_n3A_1514, %mul3A_1515 : i32
    %multiple_of3A_1517 = tpu.assume_multiple %mul3A_1516, 128 : i32
    %dma_start3A_1518 = arith.constant 31 : i32
    %dma_start3A_1519 = arith.constant 0 : i32
    %dma_start3A_1520 = arith.constant 0 : i32
    %dma_start3A_1521 = tpu.memref_slice %arg6[%dma_start3A_1518, %dma_start3A_1519, %dma_start3A_1520] : memref<32x16x128xf32, #tpu.memory_space<vmem>> -> memref<1x16x128xf32, #tpu.memory_space<vmem>>
    %dma_start3A_1522 = tpu.memref_squeeze %dma_start3A_1521 : memref<1x16x128xf32, #tpu.memory_space<vmem>> -> memref<16x128xf32, #tpu.memory_space<vmem>>
    %dma_start3A_1523 = arith.constant 0 : i32
    %dma_start3A_1524 = tpu.memref_slice %arg2[%dma_start3A_1523, %multiple_of3A_1517] : memref<16x100000xf32, #tpu.memory_space<hbm>> -> memref<16x128xf32, #tpu.memory_space<hbm>>
    %dma_start3A_1525 = arith.constant 0 : i32
    %dma_start3A_1526 = arith.constant 0 : i32
    %dma_start3A_1527 = tpu.memref_slice %arg6[%dma_start3A_1518, %dma_start3A_1525, %dma_start3A_1526] : memref<32x16x128xf32, #tpu.memory_space<vmem>> -> memref<1x16x128xf32, #tpu.memory_space<vmem>>
    %dma_start3A_1528 = tpu.memref_squeeze %dma_start3A_1527 : memref<1x16x128xf32, #tpu.memory_space<vmem>> -> memref<16x128xf32, #tpu.memory_space<vmem>>
    %dma_start3A_1529 = arith.constant 0 : i32
    %dma_start3A_1530 = tpu.memref_slice %arg2[%dma_start3A_1529, %multiple_of3A_1517] : memref<16x100000xf32, #tpu.memory_space<hbm>> -> memref<16x128xf32, #tpu.memory_space<hbm>>
    tpu.enqueue_dma source(%dma_start3A_1530 : memref<16x128xf32, #tpu.memory_space<hbm>>) target(%dma_start3A_1528 : memref<16x128xf32, #tpu.memory_space<vmem>>) target_semaphore(%arg8 : memref<!tpu.dma_semaphore, #tpu.memory_space<semaphore_mem>>)
    %dma_wait3A = arith.constant 0 : i32
    %dma_wait3A_1531 = arith.constant 0 : i32
    %dma_wait3A_1532 = arith.constant 0 : i32
    %dma_wait3A_1533 = tpu.memref_slice %arg6[%dma_wait3A, %dma_wait3A_1531, %dma_wait3A_1532] : memref<32x16x128xf32, #tpu.memory_space<vmem>> -> memref<1x16x128xf32, #tpu.memory_space<vmem>>
    %dma_wait3A_1534 = tpu.memref_squeeze %dma_wait3A_1533 : memref<1x16x128xf32, #tpu.memory_space<vmem>> -> memref<16x128xf32, #tpu.memory_space<vmem>>
    %dma_wait3A_1535 = arith.constant 0 : i32
    %dma_wait3A_1536 = tpu.memref_slice %arg2[%dma_wait3A_1535, %multiple_of3A] : memref<16x100000xf32, #tpu.memory_space<hbm>> -> memref<16x128xf32, #tpu.memory_space<hbm>>
    %dma_wait3A_1537 = arith.constant 0 : i32
    %dma_wait3A_1538 = arith.constant 0 : i32
    %dma_wait3A_1539 = tpu.memref_slice %arg6[%dma_wait3A, %dma_wait3A_1537, %dma_wait3A_1538] : memref<32x16x128xf32, #tpu.memory_space<vmem>> -> memref<1x16x128xf32, #tpu.memory_space<vmem>>
    %dma_wait3A_1540 = tpu.memref_squeeze %dma_wait3A_1539 : memref<1x16x128xf32, #tpu.memory_space<vmem>> -> memref<16x128xf32, #tpu.memory_space<vmem>>
    %dma_wait3A_1541 = arith.constant 0 : i32
    %dma_wait3A_1542 = tpu.memref_slice %arg2[%dma_wait3A_1541, %multiple_of3A] : memref<16x100000xf32, #tpu.memory_space<hbm>> -> memref<16x128xf32, #tpu.memory_space<hbm>>
    tpu.wait_dma2 semaphore(%arg8 : memref<!tpu.dma_semaphore, #tpu.memory_space<semaphore_mem>>) src(%dma_wait3A_1542 : memref<16x128xf32, #tpu.memory_space<hbm>>) dst(%dma_wait3A_1540 : memref<16x128xf32, #tpu.memory_space<vmem>>)
    %broadcast_in_dim3A_1543 = arith.constant 1 : i32
    %broadcast_in_dim3A_1544 = vector.broadcast %broadcast_in_dim3A_1543 : i32 to vector<16xi32>
    %jit3A_1545 = arith.constant 128 : i32
    %eq3A_1546 = arith.constant 0 : i32
    %eq3A_1547 = arith.cmpi eq, %jit3A_1545, %eq3A_1546 : i32
    %jit3A_1548 = arith.constant 1 : i32
    %select_n3A_1549 = arith.select %eq3A_1547, %jit3A_1548, %jit3A_1545 : i32
    %rem3A_1550 = arith.remsi %reduce_sum3A_9, %select_n3A_1549 : i32
    %ne3A_1551 = arith.constant 0 : i32
    %ne3A_1552 = arith.cmpi ne, %rem3A_1550, %ne3A_1551 : i32
    %lt3A = arith.constant 0 : i32
    %lt3A_1553 = arith.cmpi slt, %rem3A_1550, %lt3A : i32
    %lt3A_1554 = arith.constant 0 : i32
    %lt3A_1555 = arith.cmpi slt, %select_n3A_1549, %lt3A_1554 : i32
    %ne3A_1556 = arith.xori %lt3A_1553, %lt3A_1555 : i1
    %and3A_1557 = arith.andi %ne3A_1556, %ne3A_1552 : i1
    %add3A_1558 = arith.addi %rem3A_1550, %select_n3A_1549 : i32
    %select_n3A_1559 = arith.select %and3A_1557, %add3A_1558, %rem3A_1550 : i32
    %mul3A_1560 = vector.broadcast %select_n3A_1559 : i32 to vector<16xi32>
    %mul3A_1561 = arith.muli %broadcast_in_dim3A_1544, %mul3A_1560 : vector<16xi32>
    %gather3A = arith.constant 0 : i32
    %gather3A_1562 = arith.constant 0 : i32
    %gather3A_1563 = arith.constant 0 : i32
    %gather3A_1564 = tpu.memref_slice %arg6[%gather3A, %gather3A_1562, %gather3A_1563] : memref<32x16x128xf32, #tpu.memory_space<vmem>> -> memref<1x16x128xf32, #tpu.memory_space<vmem>>
    %gather3A_1565 = tpu.memref_squeeze %gather3A_1564 : memref<1x16x128xf32, #tpu.memory_space<vmem>> -> memref<16x128xf32, #tpu.memory_space<vmem>>
    %gather3A_1566 = tpu.vector_load_idx %gather3A_1565[%iota3A, %mul3A_1561] : memref<16x128xf32, #tpu.memory_space<vmem>>[vector<16xi32>, vector<16xi32>], vector<16xf32>,
    %broadcast_in_dim3A_1567 = arith.constant 0 : i32
    %broadcast_in_dim3A_1568 = vector.broadcast %broadcast_in_dim3A_1567 : i32 to vector<16xi32>
    tpu.vector_store_idx %arg7[%broadcast_in_dim3A_1568, %iota3A], %gather3A_1566 : memref<32x17xf32, #tpu.memory_space<vmem>>[vector<16xi32>, vector<16xi32>], vector<16xf32>,
    %dma_wait3A_1569 = arith.constant 1 : i32
    %dma_wait3A_1570 = arith.constant 0 : i32
    %dma_wait3A_1571 = arith.constant 0 : i32
    %dma_wait3A_1572 = tpu.memref_slice %arg6[%dma_wait3A_1569, %dma_wait3A_1570, %dma_wait3A_1571] : memref<32x16x128xf32, #tpu.memory_space<vmem>> -> memref<1x16x128xf32, #tpu.memory_space<vmem>>
    %dma_wait3A_1573 = tpu.memref_squeeze %dma_wait3A_1572 : memref<1x16x128xf32, #tpu.memory_space<vmem>> -> memref<16x128xf32, #tpu.memory_space<vmem>>
    %dma_wait3A_1574 = arith.constant 0 : i32
    %dma_wait3A_1575 = tpu.memref_slice %arg2[%dma_wait3A_1574, %multiple_of3A_75] : memref<16x100000xf32, #tpu.memory_space<hbm>> -> memref<16x128xf32, #tpu.memory_space<hbm>>
    %dma_wait3A_1576 = arith.constant 0 : i32
    %dma_wait3A_1577 = arith.constant 0 : i32
    %dma_wait3A_1578 = tpu.memref_slice %arg6[%dma_wait3A_1569, %dma_wait3A_1576, %dma_wait3A_1577] : memref<32x16x128xf32, #tpu.memory_space<vmem>> -> memref<1x16x128xf32, #tpu.memory_space<vmem>>
    %dma_wait3A_1579 = tpu.memref_squeeze %dma_wait3A_1578 : memref<1x16x128xf32, #tpu.memory_space<vmem>> -> memref<16x128xf32, #tpu.memory_space<vmem>>
    %dma_wait3A_1580 = arith.constant 0 : i32
    %dma_wait3A_1581 = tpu.memref_slice %arg2[%dma_wait3A_1580, %multiple_of3A_75] : memref<16x100000xf32, #tpu.memory_space<hbm>> -> memref<16x128xf32, #tpu.memory_space<hbm>>
    tpu.wait_dma2 semaphore(%arg8 : memref<!tpu.dma_semaphore, #tpu.memory_space<semaphore_mem>>) src(%dma_wait3A_1581 : memref<16x128xf32, #tpu.memory_space<hbm>>) dst(%dma_wait3A_1579 : memref<16x128xf32, #tpu.memory_space<vmem>>)
    %broadcast_in_dim3A_1582 = arith.constant 1 : i32
    %broadcast_in_dim3A_1583 = vector.broadcast %broadcast_in_dim3A_1582 : i32 to vector<16xi32>
    %jit3A_1584 = arith.constant 128 : i32
    %eq3A_1585 = arith.constant 0 : i32
    %eq3A_1586 = arith.cmpi eq, %jit3A_1584, %eq3A_1585 : i32
    %jit3A_1587 = arith.constant 1 : i32
    %select_n3A_1588 = arith.select %eq3A_1586, %jit3A_1587, %jit3A_1584 : i32
    %rem3A_1589 = arith.remsi %reduce_sum3A_48, %select_n3A_1588 : i32
    %ne3A_1590 = arith.constant 0 : i32
    %ne3A_1591 = arith.cmpi ne, %rem3A_1589, %ne3A_1590 : i32
    %lt3A_1592 = arith.constant 0 : i32
    %lt3A_1593 = arith.cmpi slt, %rem3A_1589, %lt3A_1592 : i32
    %lt3A_1594 = arith.constant 0 : i32
    %lt3A_1595 = arith.cmpi slt, %select_n3A_1588, %lt3A_1594 : i32
    %ne3A_1596 = arith.xori %lt3A_1593, %lt3A_1595 : i1
    %and3A_1597 = arith.andi %ne3A_1596, %ne3A_1591 : i1
    %add3A_1598 = arith.addi %rem3A_1589, %select_n3A_1588 : i32
    %select_n3A_1599 = arith.select %and3A_1597, %add3A_1598, %rem3A_1589 : i32
    %mul3A_1600 = vector.broadcast %select_n3A_1599 : i32 to vector<16xi32>
    %mul3A_1601 = arith.muli %broadcast_in_dim3A_1583, %mul3A_1600 : vector<16xi32>
    %gather3A_1602 = arith.constant 1 : i32
    %gather3A_1603 = arith.constant 0 : i32
    %gather3A_1604 = arith.constant 0 : i32
    %gather3A_1605 = tpu.memref_slice %arg6[%gather3A_1602, %gather3A_1603, %gather3A_1604] : memref<32x16x128xf32, #tpu.memory_space<vmem>> -> memref<1x16x128xf32, #tpu.memory_space<vmem>>
    %gather3A_1606 = tpu.memref_squeeze %gather3A_1605 : memref<1x16x128xf32, #tpu.memory_space<vmem>> -> memref<16x128xf32, #tpu.memory_space<vmem>>
    %gather3A_1607 = tpu.vector_load_idx %gather3A_1606[%iota3A, %mul3A_1601] : memref<16x128xf32, #tpu.memory_space<vmem>>[vector<16xi32>, vector<16xi32>], vector<16xf32>,
    %broadcast_in_dim3A_1608 = arith.constant 1 : i32
    %broadcast_in_dim3A_1609 = vector.broadcast %broadcast_in_dim3A_1608 : i32 to vector<16xi32>
    tpu.vector_store_idx %arg7[%broadcast_in_dim3A_1609, %iota3A], %gather3A_1607 : memref<32x17xf32, #tpu.memory_space<vmem>>[vector<16xi32>, vector<16xi32>], vector<16xf32>,
    %dma_wait3A_1610 = arith.constant 2 : i32
    %dma_wait3A_1611 = arith.constant 0 : i32
    %dma_wait3A_1612 = arith.constant 0 : i32
    %dma_wait3A_1613 = tpu.memref_slice %arg6[%dma_wait3A_1610, %dma_wait3A_1611, %dma_wait3A_1612] : memref<32x16x128xf32, #tpu.memory_space<vmem>> -> memref<1x16x128xf32, #tpu.memory_space<vmem>>
    %dma_wait3A_1614 = tpu.memref_squeeze %dma_wait3A_1613 : memref<1x16x128xf32, #tpu.memory_space<vmem>> -> memref<16x128xf32, #tpu.memory_space<vmem>>
    %dma_wait3A_1615 = arith.constant 0 : i32
    %dma_wait3A_1616 = tpu.memref_slice %arg2[%dma_wait3A_1615, %multiple_of3A_123] : memref<16x100000xf32, #tpu.memory_space<hbm>> -> memref<16x128xf32, #tpu.memory_space<hbm>>
    %dma_wait3A_1617 = arith.constant 0 : i32
    %dma_wait3A_1618 = arith.constant 0 : i32
    %dma_wait3A_1619 = tpu.memref_slice %arg6[%dma_wait3A_1610, %dma_wait3A_1617, %dma_wait3A_1618] : memref<32x16x128xf32, #tpu.memory_space<vmem>> -> memref<1x16x128xf32, #tpu.memory_space<vmem>>
    %dma_wait3A_1620 = tpu.memref_squeeze %dma_wait3A_1619 : memref<1x16x128xf32, #tpu.memory_space<vmem>> -> memref<16x128xf32, #tpu.memory_space<vmem>>
    %dma_wait3A_1621 = arith.constant 0 : i32
    %dma_wait3A_1622 = tpu.memref_slice %arg2[%dma_wait3A_1621, %multiple_of3A_123] : memref<16x100000xf32, #tpu.memory_space<hbm>> -> memref<16x128xf32, #tpu.memory_space<hbm>>
    tpu.wait_dma2 semaphore(%arg8 : memref<!tpu.dma_semaphore, #tpu.memory_space<semaphore_mem>>) src(%dma_wait3A_1622 : memref<16x128xf32, #tpu.memory_space<hbm>>) dst(%dma_wait3A_1620 : memref<16x128xf32, #tpu.memory_space<vmem>>)
    %broadcast_in_dim3A_1623 = arith.constant 1 : i32
    %broadcast_in_dim3A_1624 = vector.broadcast %broadcast_in_dim3A_1623 : i32 to vector<16xi32>
    %jit3A_1625 = arith.constant 128 : i32
    %eq3A_1626 = arith.constant 0 : i32
    %eq3A_1627 = arith.cmpi eq, %jit3A_1625, %eq3A_1626 : i32
    %jit3A_1628 = arith.constant 1 : i32
    %select_n3A_1629 = arith.select %eq3A_1627, %jit3A_1628, %jit3A_1625 : i32
    %rem3A_1630 = arith.remsi %reduce_sum3A_96, %select_n3A_1629 : i32
    %ne3A_1631 = arith.constant 0 : i32
    %ne3A_1632 = arith.cmpi ne, %rem3A_1630, %ne3A_1631 : i32
    %lt3A_1633 = arith.constant 0 : i32
    %lt3A_1634 = arith.cmpi slt, %rem3A_1630, %lt3A_1633 : i32
    %lt3A_1635 = arith.constant 0 : i32
    %lt3A_1636 = arith.cmpi slt, %select_n3A_1629, %lt3A_1635 : i32
    %ne3A_1637 = arith.xori %lt3A_1634, %lt3A_1636 : i1
    %and3A_1638 = arith.andi %ne3A_1637, %ne3A_1632 : i1
    %add3A_1639 = arith.addi %rem3A_1630, %select_n3A_1629 : i32
    %select_n3A_1640 = arith.select %and3A_1638, %add3A_1639, %rem3A_1630 : i32
    %mul3A_1641 = vector.broadcast %select_n3A_1640 : i32 to vector<16xi32>
    %mul3A_1642 = arith.muli %broadcast_in_dim3A_1624, %mul3A_1641 : vector<16xi32>
    %gather3A_1643 = arith.constant 2 : i32
    %gather3A_1644 = arith.constant 0 : i32
    %gather3A_1645 = arith.constant 0 : i32
    %gather3A_1646 = tpu.memref_slice %arg6[%gather3A_1643, %gather3A_1644, %gather3A_1645] : memref<32x16x128xf32, #tpu.memory_space<vmem>> -> memref<1x16x128xf32, #tpu.memory_space<vmem>>
    %gather3A_1647 = tpu.memref_squeeze %gather3A_1646 : memref<1x16x128xf32, #tpu.memory_space<vmem>> -> memref<16x128xf32, #tpu.memory_space<vmem>>
    %gather3A_1648 = tpu.vector_load_idx %gather3A_1647[%iota3A, %mul3A_1642] : memref<16x128xf32, #tpu.memory_space<vmem>>[vector<16xi32>, vector<16xi32>], vector<16xf32>,
    %broadcast_in_dim3A_1649 = arith.constant 2 : i32
    %broadcast_in_dim3A_1650 = vector.broadcast %broadcast_in_dim3A_1649 : i32 to vector<16xi32>
    tpu.vector_store_idx %arg7[%broadcast_in_dim3A_1650, %iota3A], %gather3A_1648 : memref<32x17xf32, #tpu.memory_space<vmem>>[vector<16xi32>, vector<16xi32>], vector<16xf32>,
    %dma_wait3A_1651 = arith.constant 3 : i32
    %dma_wait3A_1652 = arith.constant 0 : i32
    %dma_wait3A_1653 = arith.constant 0 : i32
    %dma_wait3A_1654 = tpu.memref_slice %arg6[%dma_wait3A_1651, %dma_wait3A_1652, %dma_wait3A_1653] : memref<32x16x128xf32, #tpu.memory_space<vmem>> -> memref<1x16x128xf32, #tpu.memory_space<vmem>>
    %dma_wait3A_1655 = tpu.memref_squeeze %dma_wait3A_1654 : memref<1x16x128xf32, #tpu.memory_space<vmem>> -> memref<16x128xf32, #tpu.memory_space<vmem>>
    %dma_wait3A_1656 = arith.constant 0 : i32
    %dma_wait3A_1657 = tpu.memref_slice %arg2[%dma_wait3A_1656, %multiple_of3A_171] : memref<16x100000xf32, #tpu.memory_space<hbm>> -> memref<16x128xf32, #tpu.memory_space<hbm>>
    %dma_wait3A_1658 = arith.constant 0 : i32
    %dma_wait3A_1659 = arith.constant 0 : i32
    %dma_wait3A_1660 = tpu.memref_slice %arg6[%dma_wait3A_1651, %dma_wait3A_1658, %dma_wait3A_1659] : memref<32x16x128xf32, #tpu.memory_space<vmem>> -> memref<1x16x128xf32, #tpu.memory_space<vmem>>
    %dma_wait3A_1661 = tpu.memref_squeeze %dma_wait3A_1660 : memref<1x16x128xf32, #tpu.memory_space<vmem>> -> memref<16x128xf32, #tpu.memory_space<vmem>>
    %dma_wait3A_1662 = arith.constant 0 : i32
    %dma_wait3A_1663 = tpu.memref_slice %arg2[%dma_wait3A_1662, %multiple_of3A_171] : memref<16x100000xf32, #tpu.memory_space<hbm>> -> memref<16x128xf32, #tpu.memory_space<hbm>>
    tpu.wait_dma2 semaphore(%arg8 : memref<!tpu.dma_semaphore, #tpu.memory_space<semaphore_mem>>) src(%dma_wait3A_1663 : memref<16x128xf32, #tpu.memory_space<hbm>>) dst(%dma_wait3A_1661 : memref<16x128xf32, #tpu.memory_space<vmem>>)
    %broadcast_in_dim3A_1664 = arith.constant 1 : i32
    %broadcast_in_dim3A_1665 = vector.broadcast %broadcast_in_dim3A_1664 : i32 to vector<16xi32>
    %jit3A_1666 = arith.constant 128 : i32
    %eq3A_1667 = arith.constant 0 : i32
    %eq3A_1668 = arith.cmpi eq, %jit3A_1666, %eq3A_1667 : i32
    %jit3A_1669 = arith.constant 1 : i32
    %select_n3A_1670 = arith.select %eq3A_1668, %jit3A_1669, %jit3A_1666 : i32
    %rem3A_1671 = arith.remsi %reduce_sum3A_144, %select_n3A_1670 : i32
    %ne3A_1672 = arith.constant 0 : i32
    %ne3A_1673 = arith.cmpi ne, %rem3A_1671, %ne3A_1672 : i32
    %lt3A_1674 = arith.constant 0 : i32
    %lt3A_1675 = arith.cmpi slt, %rem3A_1671, %lt3A_1674 : i32
    %lt3A_1676 = arith.constant 0 : i32
    %lt3A_1677 = arith.cmpi slt, %select_n3A_1670, %lt3A_1676 : i32
    %ne3A_1678 = arith.xori %lt3A_1675, %lt3A_1677 : i1
    %and3A_1679 = arith.andi %ne3A_1678, %ne3A_1673 : i1
    %add3A_1680 = arith.addi %rem3A_1671, %select_n3A_1670 : i32
    %select_n3A_1681 = arith.select %and3A_1679, %add3A_1680, %rem3A_1671 : i32
    %mul3A_1682 = vector.broadcast %select_n3A_1681 : i32 to vector<16xi32>
    %mul3A_1683 = arith.muli %broadcast_in_dim3A_1665, %mul3A_1682 : vector<16xi32>
    %gather3A_1684 = arith.constant 3 : i32
    %gather3A_1685 = arith.constant 0 : i32
    %gather3A_1686 = arith.constant 0 : i32
    %gather3A_1687 = tpu.memref_slice %arg6[%gather3A_1684, %gather3A_1685, %gather3A_1686] : memref<32x16x128xf32, #tpu.memory_space<vmem>> -> memref<1x16x128xf32, #tpu.memory_space<vmem>>
    %gather3A_1688 = tpu.memref_squeeze %gather3A_1687 : memref<1x16x128xf32, #tpu.memory_space<vmem>> -> memref<16x128xf32, #tpu.memory_space<vmem>>
    %gather3A_1689 = tpu.vector_load_idx %gather3A_1688[%iota3A, %mul3A_1683] : memref<16x128xf32, #tpu.memory_space<vmem>>[vector<16xi32>, vector<16xi32>], vector<16xf32>,
    %broadcast_in_dim3A_1690 = arith.constant 3 : i32
    %broadcast_in_dim3A_1691 = vector.broadcast %broadcast_in_dim3A_1690 : i32 to vector<16xi32>
    tpu.vector_store_idx %arg7[%broadcast_in_dim3A_1691, %iota3A], %gather3A_1689 : memref<32x17xf32, #tpu.memory_space<vmem>>[vector<16xi32>, vector<16xi32>], vector<16xf32>,
    %dma_wait3A_1692 = arith.constant 4 : i32
    %dma_wait3A_1693 = arith.constant 0 : i32
    %dma_wait3A_1694 = arith.constant 0 : i32
    %dma_wait3A_1695 = tpu.memref_slice %arg6[%dma_wait3A_1692, %dma_wait3A_1693, %dma_wait3A_1694] : memref<32x16x128xf32, #tpu.memory_space<vmem>> -> memref<1x16x128xf32, #tpu.memory_space<vmem>>
    %dma_wait3A_1696 = tpu.memref_squeeze %dma_wait3A_1695 : memref<1x16x128xf32, #tpu.memory_space<vmem>> -> memref<16x128xf32, #tpu.memory_space<vmem>>
    %dma_wait3A_1697 = arith.constant 0 : i32
    %dma_wait3A_1698 = tpu.memref_slice %arg2[%dma_wait3A_1697, %multiple_of3A_219] : memref<16x100000xf32, #tpu.memory_space<hbm>> -> memref<16x128xf32, #tpu.memory_space<hbm>>
    %dma_wait3A_1699 = arith.constant 0 : i32
    %dma_wait3A_1700 = arith.constant 0 : i32
    %dma_wait3A_1701 = tpu.memref_slice %arg6[%dma_wait3A_1692, %dma_wait3A_1699, %dma_wait3A_1700] : memref<32x16x128xf32, #tpu.memory_space<vmem>> -> memref<1x16x128xf32, #tpu.memory_space<vmem>>
    %dma_wait3A_1702 = tpu.memref_squeeze %dma_wait3A_1701 : memref<1x16x128xf32, #tpu.memory_space<vmem>> -> memref<16x128xf32, #tpu.memory_space<vmem>>
    %dma_wait3A_1703 = arith.constant 0 : i32
    %dma_wait3A_1704 = tpu.memref_slice %arg2[%dma_wait3A_1703, %multiple_of3A_219] : memref<16x100000xf32, #tpu.memory_space<hbm>> -> memref<16x128xf32, #tpu.memory_space<hbm>>
    tpu.wait_dma2 semaphore(%arg8 : memref<!tpu.dma_semaphore, #tpu.memory_space<semaphore_mem>>) src(%dma_wait3A_1704 : memref<16x128xf32, #tpu.memory_space<hbm>>) dst(%dma_wait3A_1702 : memref<16x128xf32, #tpu.memory_space<vmem>>)
    %broadcast_in_dim3A_1705 = arith.constant 1 : i32
    %broadcast_in_dim3A_1706 = vector.broadcast %broadcast_in_dim3A_1705 : i32 to vector<16xi32>
    %jit3A_1707 = arith.constant 128 : i32
    %eq3A_1708 = arith.constant 0 : i32
    %eq3A_1709 = arith.cmpi eq, %jit3A_1707, %eq3A_1708 : i32
    %jit3A_1710 = arith.constant 1 : i32
    %select_n3A_1711 = arith.select %eq3A_1709, %jit3A_1710, %jit3A_1707 : i32
    %rem3A_1712 = arith.remsi %reduce_sum3A_192, %select_n3A_1711 : i32
    %ne3A_1713 = arith.constant 0 : i32
    %ne3A_1714 = arith.cmpi ne, %rem3A_1712, %ne3A_1713 : i32
    %lt3A_1715 = arith.constant 0 : i32
    %lt3A_1716 = arith.cmpi slt, %rem3A_1712, %lt3A_1715 : i32
    %lt3A_1717 = arith.constant 0 : i32
    %lt3A_1718 = arith.cmpi slt, %select_n3A_1711, %lt3A_1717 : i32
    %ne3A_1719 = arith.xori %lt3A_1716, %lt3A_1718 : i1
    %and3A_1720 = arith.andi %ne3A_1719, %ne3A_1714 : i1
    %add3A_1721 = arith.addi %rem3A_1712, %select_n3A_1711 : i32
    %select_n3A_1722 = arith.select %and3A_1720, %add3A_1721, %rem3A_1712 : i32
    %mul3A_1723 = vector.broadcast %select_n3A_1722 : i32 to vector<16xi32>
    %mul3A_1724 = arith.muli %broadcast_in_dim3A_1706, %mul3A_1723 : vector<16xi32>
    %gather3A_1725 = arith.constant 4 : i32
    %gather3A_1726 = arith.constant 0 : i32
    %gather3A_1727 = arith.constant 0 : i32
    %gather3A_1728 = tpu.memref_slice %arg6[%gather3A_1725, %gather3A_1726, %gather3A_1727] : memref<32x16x128xf32, #tpu.memory_space<vmem>> -> memref<1x16x128xf32, #tpu.memory_space<vmem>>
    %gather3A_1729 = tpu.memref_squeeze %gather3A_1728 : memref<1x16x128xf32, #tpu.memory_space<vmem>> -> memref<16x128xf32, #tpu.memory_space<vmem>>
    %gather3A_1730 = tpu.vector_load_idx %gather3A_1729[%iota3A, %mul3A_1724] : memref<16x128xf32, #tpu.memory_space<vmem>>[vector<16xi32>, vector<16xi32>], vector<16xf32>,
    %broadcast_in_dim3A_1731 = arith.constant 4 : i32
    %broadcast_in_dim3A_1732 = vector.broadcast %broadcast_in_dim3A_1731 : i32 to vector<16xi32>
    tpu.vector_store_idx %arg7[%broadcast_in_dim3A_1732, %iota3A], %gather3A_1730 : memref<32x17xf32, #tpu.memory_space<vmem>>[vector<16xi32>, vector<16xi32>], vector<16xf32>,
    %dma_wait3A_1733 = arith.constant 5 : i32
    %dma_wait3A_1734 = arith.constant 0 : i32
    %dma_wait3A_1735 = arith.constant 0 : i32
    %dma_wait3A_1736 = tpu.memref_slice %arg6[%dma_wait3A_1733, %dma_wait3A_1734, %dma_wait3A_1735] : memref<32x16x128xf32, #tpu.memory_space<vmem>> -> memref<1x16x128xf32, #tpu.memory_space<vmem>>
    %dma_wait3A_1737 = tpu.memref_squeeze %dma_wait3A_1736 : memref<1x16x128xf32, #tpu.memory_space<vmem>> -> memref<16x128xf32, #tpu.memory_space<vmem>>
    %dma_wait3A_1738 = arith.constant 0 : i32
    %dma_wait3A_1739 = tpu.memref_slice %arg2[%dma_wait3A_1738, %multiple_of3A_267] : memref<16x100000xf32, #tpu.memory_space<hbm>> -> memref<16x128xf32, #tpu.memory_space<hbm>>
    %dma_wait3A_1740 = arith.constant 0 : i32
    %dma_wait3A_1741 = arith.constant 0 : i32
    %dma_wait3A_1742 = tpu.memref_slice %arg6[%dma_wait3A_1733, %dma_wait3A_1740, %dma_wait3A_1741] : memref<32x16x128xf32, #tpu.memory_space<vmem>> -> memref<1x16x128xf32, #tpu.memory_space<vmem>>
    %dma_wait3A_1743 = tpu.memref_squeeze %dma_wait3A_1742 : memref<1x16x128xf32, #tpu.memory_space<vmem>> -> memref<16x128xf32, #tpu.memory_space<vmem>>
    %dma_wait3A_1744 = arith.constant 0 : i32
    %dma_wait3A_1745 = tpu.memref_slice %arg2[%dma_wait3A_1744, %multiple_of3A_267] : memref<16x100000xf32, #tpu.memory_space<hbm>> -> memref<16x128xf32, #tpu.memory_space<hbm>>
    tpu.wait_dma2 semaphore(%arg8 : memref<!tpu.dma_semaphore, #tpu.memory_space<semaphore_mem>>) src(%dma_wait3A_1745 : memref<16x128xf32, #tpu.memory_space<hbm>>) dst(%dma_wait3A_1743 : memref<16x128xf32, #tpu.memory_space<vmem>>)
    %broadcast_in_dim3A_1746 = arith.constant 1 : i32
    %broadcast_in_dim3A_1747 = vector.broadcast %broadcast_in_dim3A_1746 : i32 to vector<16xi32>
    %jit3A_1748 = arith.constant 128 : i32
    %eq3A_1749 = arith.constant 0 : i32
    %eq3A_1750 = arith.cmpi eq, %jit3A_1748, %eq3A_1749 : i32
    %jit3A_1751 = arith.constant 1 : i32
    %select_n3A_1752 = arith.select %eq3A_1750, %jit3A_1751, %jit3A_1748 : i32
    %rem3A_1753 = arith.remsi %reduce_sum3A_240, %select_n3A_1752 : i32
    %ne3A_1754 = arith.constant 0 : i32
    %ne3A_1755 = arith.cmpi ne, %rem3A_1753, %ne3A_1754 : i32
    %lt3A_1756 = arith.constant 0 : i32
    %lt3A_1757 = arith.cmpi slt, %rem3A_1753, %lt3A_1756 : i32
    %lt3A_1758 = arith.constant 0 : i32
    %lt3A_1759 = arith.cmpi slt, %select_n3A_1752, %lt3A_1758 : i32
    %ne3A_1760 = arith.xori %lt3A_1757, %lt3A_1759 : i1
    %and3A_1761 = arith.andi %ne3A_1760, %ne3A_1755 : i1
    %add3A_1762 = arith.addi %rem3A_1753, %select_n3A_1752 : i32
    %select_n3A_1763 = arith.select %and3A_1761, %add3A_1762, %rem3A_1753 : i32
    %mul3A_1764 = vector.broadcast %select_n3A_1763 : i32 to vector<16xi32>
    %mul3A_1765 = arith.muli %broadcast_in_dim3A_1747, %mul3A_1764 : vector<16xi32>
    %gather3A_1766 = arith.constant 5 : i32
    %gather3A_1767 = arith.constant 0 : i32
    %gather3A_1768 = arith.constant 0 : i32
    %gather3A_1769 = tpu.memref_slice %arg6[%gather3A_1766, %gather3A_1767, %gather3A_1768] : memref<32x16x128xf32, #tpu.memory_space<vmem>> -> memref<1x16x128xf32, #tpu.memory_space<vmem>>
    %gather3A_1770 = tpu.memref_squeeze %gather3A_1769 : memref<1x16x128xf32, #tpu.memory_space<vmem>> -> memref<16x128xf32, #tpu.memory_space<vmem>>
    %gather3A_1771 = tpu.vector_load_idx %gather3A_1770[%iota3A, %mul3A_1765] : memref<16x128xf32, #tpu.memory_space<vmem>>[vector<16xi32>, vector<16xi32>], vector<16xf32>,
    %broadcast_in_dim3A_1772 = arith.constant 5 : i32
    %broadcast_in_dim3A_1773 = vector.broadcast %broadcast_in_dim3A_1772 : i32 to vector<16xi32>
    tpu.vector_store_idx %arg7[%broadcast_in_dim3A_1773, %iota3A], %gather3A_1771 : memref<32x17xf32, #tpu.memory_space<vmem>>[vector<16xi32>, vector<16xi32>], vector<16xf32>,
    %dma_wait3A_1774 = arith.constant 6 : i32
    %dma_wait3A_1775 = arith.constant 0 : i32
    %dma_wait3A_1776 = arith.constant 0 : i32
    %dma_wait3A_1777 = tpu.memref_slice %arg6[%dma_wait3A_1774, %dma_wait3A_1775, %dma_wait3A_1776] : memref<32x16x128xf32, #tpu.memory_space<vmem>> -> memref<1x16x128xf32, #tpu.memory_space<vmem>>
    %dma_wait3A_1778 = tpu.memref_squeeze %dma_wait3A_1777 : memref<1x16x128xf32, #tpu.memory_space<vmem>> -> memref<16x128xf32, #tpu.memory_space<vmem>>
    %dma_wait3A_1779 = arith.constant 0 : i32
    %dma_wait3A_1780 = tpu.memref_slice %arg2[%dma_wait3A_1779, %multiple_of3A_315] : memref<16x100000xf32, #tpu.memory_space<hbm>> -> memref<16x128xf32, #tpu.memory_space<hbm>>
    %dma_wait3A_1781 = arith.constant 0 : i32
    %dma_wait3A_1782 = arith.constant 0 : i32
    %dma_wait3A_1783 = tpu.memref_slice %arg6[%dma_wait3A_1774, %dma_wait3A_1781, %dma_wait3A_1782] : memref<32x16x128xf32, #tpu.memory_space<vmem>> -> memref<1x16x128xf32, #tpu.memory_space<vmem>>
    %dma_wait3A_1784 = tpu.memref_squeeze %dma_wait3A_1783 : memref<1x16x128xf32, #tpu.memory_space<vmem>> -> memref<16x128xf32, #tpu.memory_space<vmem>>
    %dma_wait3A_1785 = arith.constant 0 : i32
    %dma_wait3A_1786 = tpu.memref_slice %arg2[%dma_wait3A_1785, %multiple_of3A_315] : memref<16x100000xf32, #tpu.memory_space<hbm>> -> memref<16x128xf32, #tpu.memory_space<hbm>>
    tpu.wait_dma2 semaphore(%arg8 : memref<!tpu.dma_semaphore, #tpu.memory_space<semaphore_mem>>) src(%dma_wait3A_1786 : memref<16x128xf32, #tpu.memory_space<hbm>>) dst(%dma_wait3A_1784 : memref<16x128xf32, #tpu.memory_space<vmem>>)
    %broadcast_in_dim3A_1787 = arith.constant 1 : i32
    %broadcast_in_dim3A_1788 = vector.broadcast %broadcast_in_dim3A_1787 : i32 to vector<16xi32>
    %jit3A_1789 = arith.constant 128 : i32
    %eq3A_1790 = arith.constant 0 : i32
    %eq3A_1791 = arith.cmpi eq, %jit3A_1789, %eq3A_1790 : i32
    %jit3A_1792 = arith.constant 1 : i32
    %select_n3A_1793 = arith.select %eq3A_1791, %jit3A_1792, %jit3A_1789 : i32
    %rem3A_1794 = arith.remsi %reduce_sum3A_288, %select_n3A_1793 : i32
    %ne3A_1795 = arith.constant 0 : i32
    %ne3A_1796 = arith.cmpi ne, %rem3A_1794, %ne3A_1795 : i32
    %lt3A_1797 = arith.constant 0 : i32
    %lt3A_1798 = arith.cmpi slt, %rem3A_1794, %lt3A_1797 : i32
    %lt3A_1799 = arith.constant 0 : i32
    %lt3A_1800 = arith.cmpi slt, %select_n3A_1793, %lt3A_1799 : i32
    %ne3A_1801 = arith.xori %lt3A_1798, %lt3A_1800 : i1
    %and3A_1802 = arith.andi %ne3A_1801, %ne3A_1796 : i1
    %add3A_1803 = arith.addi %rem3A_1794, %select_n3A_1793 : i32
    %select_n3A_1804 = arith.select %and3A_1802, %add3A_1803, %rem3A_1794 : i32
    %mul3A_1805 = vector.broadcast %select_n3A_1804 : i32 to vector<16xi32>
    %mul3A_1806 = arith.muli %broadcast_in_dim3A_1788, %mul3A_1805 : vector<16xi32>
    %gather3A_1807 = arith.constant 6 : i32
    %gather3A_1808 = arith.constant 0 : i32
    %gather3A_1809 = arith.constant 0 : i32
    %gather3A_1810 = tpu.memref_slice %arg6[%gather3A_1807, %gather3A_1808, %gather3A_1809] : memref<32x16x128xf32, #tpu.memory_space<vmem>> -> memref<1x16x128xf32, #tpu.memory_space<vmem>>
    %gather3A_1811 = tpu.memref_squeeze %gather3A_1810 : memref<1x16x128xf32, #tpu.memory_space<vmem>> -> memref<16x128xf32, #tpu.memory_space<vmem>>
    %gather3A_1812 = tpu.vector_load_idx %gather3A_1811[%iota3A, %mul3A_1806] : memref<16x128xf32, #tpu.memory_space<vmem>>[vector<16xi32>, vector<16xi32>], vector<16xf32>,
    %broadcast_in_dim3A_1813 = arith.constant 6 : i32
    %broadcast_in_dim3A_1814 = vector.broadcast %broadcast_in_dim3A_1813 : i32 to vector<16xi32>
    tpu.vector_store_idx %arg7[%broadcast_in_dim3A_1814, %iota3A], %gather3A_1812 : memref<32x17xf32, #tpu.memory_space<vmem>>[vector<16xi32>, vector<16xi32>], vector<16xf32>,
    %dma_wait3A_1815 = arith.constant 7 : i32
    %dma_wait3A_1816 = arith.constant 0 : i32
    %dma_wait3A_1817 = arith.constant 0 : i32
    %dma_wait3A_1818 = tpu.memref_slice %arg6[%dma_wait3A_1815, %dma_wait3A_1816, %dma_wait3A_1817] : memref<32x16x128xf32, #tpu.memory_space<vmem>> -> memref<1x16x128xf32, #tpu.memory_space<vmem>>
    %dma_wait3A_1819 = tpu.memref_squeeze %dma_wait3A_1818 : memref<1x16x128xf32, #tpu.memory_space<vmem>> -> memref<16x128xf32, #tpu.memory_space<vmem>>
    %dma_wait3A_1820 = arith.constant 0 : i32
    %dma_wait3A_1821 = tpu.memref_slice %arg2[%dma_wait3A_1820, %multiple_of3A_363] : memref<16x100000xf32, #tpu.memory_space<hbm>> -> memref<16x128xf32, #tpu.memory_space<hbm>>
    %dma_wait3A_1822 = arith.constant 0 : i32
    %dma_wait3A_1823 = arith.constant 0 : i32
    %dma_wait3A_1824 = tpu.memref_slice %arg6[%dma_wait3A_1815, %dma_wait3A_1822, %dma_wait3A_1823] : memref<32x16x128xf32, #tpu.memory_space<vmem>> -> memref<1x16x128xf32, #tpu.memory_space<vmem>>
    %dma_wait3A_1825 = tpu.memref_squeeze %dma_wait3A_1824 : memref<1x16x128xf32, #tpu.memory_space<vmem>> -> memref<16x128xf32, #tpu.memory_space<vmem>>
    %dma_wait3A_1826 = arith.constant 0 : i32
    %dma_wait3A_1827 = tpu.memref_slice %arg2[%dma_wait3A_1826, %multiple_of3A_363] : memref<16x100000xf32, #tpu.memory_space<hbm>> -> memref<16x128xf32, #tpu.memory_space<hbm>>
    tpu.wait_dma2 semaphore(%arg8 : memref<!tpu.dma_semaphore, #tpu.memory_space<semaphore_mem>>) src(%dma_wait3A_1827 : memref<16x128xf32, #tpu.memory_space<hbm>>) dst(%dma_wait3A_1825 : memref<16x128xf32, #tpu.memory_space<vmem>>)
    %broadcast_in_dim3A_1828 = arith.constant 1 : i32
    %broadcast_in_dim3A_1829 = vector.broadcast %broadcast_in_dim3A_1828 : i32 to vector<16xi32>
    %jit3A_1830 = arith.constant 128 : i32
    %eq3A_1831 = arith.constant 0 : i32
    %eq3A_1832 = arith.cmpi eq, %jit3A_1830, %eq3A_1831 : i32
    %jit3A_1833 = arith.constant 1 : i32
    %select_n3A_1834 = arith.select %eq3A_1832, %jit3A_1833, %jit3A_1830 : i32
    %rem3A_1835 = arith.remsi %reduce_sum3A_336, %select_n3A_1834 : i32
    %ne3A_1836 = arith.constant 0 : i32
    %ne3A_1837 = arith.cmpi ne, %rem3A_1835, %ne3A_1836 : i32
    %lt3A_1838 = arith.constant 0 : i32
    %lt3A_1839 = arith.cmpi slt, %rem3A_1835, %lt3A_1838 : i32
    %lt3A_1840 = arith.constant 0 : i32
    %lt3A_1841 = arith.cmpi slt, %select_n3A_1834, %lt3A_1840 : i32
    %ne3A_1842 = arith.xori %lt3A_1839, %lt3A_1841 : i1
    %and3A_1843 = arith.andi %ne3A_1842, %ne3A_1837 : i1
    %add3A_1844 = arith.addi %rem3A_1835, %select_n3A_1834 : i32
    %select_n3A_1845 = arith.select %and3A_1843, %add3A_1844, %rem3A_1835 : i32
    %mul3A_1846 = vector.broadcast %select_n3A_1845 : i32 to vector<16xi32>
    %mul3A_1847 = arith.muli %broadcast_in_dim3A_1829, %mul3A_1846 : vector<16xi32>
    %gather3A_1848 = arith.constant 7 : i32
    %gather3A_1849 = arith.constant 0 : i32
    %gather3A_1850 = arith.constant 0 : i32
    %gather3A_1851 = tpu.memref_slice %arg6[%gather3A_1848, %gather3A_1849, %gather3A_1850] : memref<32x16x128xf32, #tpu.memory_space<vmem>> -> memref<1x16x128xf32, #tpu.memory_space<vmem>>
    %gather3A_1852 = tpu.memref_squeeze %gather3A_1851 : memref<1x16x128xf32, #tpu.memory_space<vmem>> -> memref<16x128xf32, #tpu.memory_space<vmem>>
    %gather3A_1853 = tpu.vector_load_idx %gather3A_1852[%iota3A, %mul3A_1847] : memref<16x128xf32, #tpu.memory_space<vmem>>[vector<16xi32>, vector<16xi32>], vector<16xf32>,
    %broadcast_in_dim3A_1854 = arith.constant 7 : i32
    %broadcast_in_dim3A_1855 = vector.broadcast %broadcast_in_dim3A_1854 : i32 to vector<16xi32>
    tpu.vector_store_idx %arg7[%broadcast_in_dim3A_1855, %iota3A], %gather3A_1853 : memref<32x17xf32, #tpu.memory_space<vmem>>[vector<16xi32>, vector<16xi32>], vector<16xf32>,
    %dma_wait3A_1856 = arith.constant 8 : i32
    %dma_wait3A_1857 = arith.constant 0 : i32
    %dma_wait3A_1858 = arith.constant 0 : i32
    %dma_wait3A_1859 = tpu.memref_slice %arg6[%dma_wait3A_1856, %dma_wait3A_1857, %dma_wait3A_1858] : memref<32x16x128xf32, #tpu.memory_space<vmem>> -> memref<1x16x128xf32, #tpu.memory_space<vmem>>
    %dma_wait3A_1860 = tpu.memref_squeeze %dma_wait3A_1859 : memref<1x16x128xf32, #tpu.memory_space<vmem>> -> memref<16x128xf32, #tpu.memory_space<vmem>>
    %dma_wait3A_1861 = arith.constant 0 : i32
    %dma_wait3A_1862 = tpu.memref_slice %arg2[%dma_wait3A_1861, %multiple_of3A_411] : memref<16x100000xf32, #tpu.memory_space<hbm>> -> memref<16x128xf32, #tpu.memory_space<hbm>>
    %dma_wait3A_1863 = arith.constant 0 : i32
    %dma_wait3A_1864 = arith.constant 0 : i32
    %dma_wait3A_1865 = tpu.memref_slice %arg6[%dma_wait3A_1856, %dma_wait3A_1863, %dma_wait3A_1864] : memref<32x16x128xf32, #tpu.memory_space<vmem>> -> memref<1x16x128xf32, #tpu.memory_space<vmem>>
    %dma_wait3A_1866 = tpu.memref_squeeze %dma_wait3A_1865 : memref<1x16x128xf32, #tpu.memory_space<vmem>> -> memref<16x128xf32, #tpu.memory_space<vmem>>
    %dma_wait3A_1867 = arith.constant 0 : i32
    %dma_wait3A_1868 = tpu.memref_slice %arg2[%dma_wait3A_1867, %multiple_of3A_411] : memref<16x100000xf32, #tpu.memory_space<hbm>> -> memref<16x128xf32, #tpu.memory_space<hbm>>
    tpu.wait_dma2 semaphore(%arg8 : memref<!tpu.dma_semaphore, #tpu.memory_space<semaphore_mem>>) src(%dma_wait3A_1868 : memref<16x128xf32, #tpu.memory_space<hbm>>) dst(%dma_wait3A_1866 : memref<16x128xf32, #tpu.memory_space<vmem>>)
    %broadcast_in_dim3A_1869 = arith.constant 1 : i32
    %broadcast_in_dim3A_1870 = vector.broadcast %broadcast_in_dim3A_1869 : i32 to vector<16xi32>
    %jit3A_1871 = arith.constant 128 : i32
    %eq3A_1872 = arith.constant 0 : i32
    %eq3A_1873 = arith.cmpi eq, %jit3A_1871, %eq3A_1872 : i32
    %jit3A_1874 = arith.constant 1 : i32
    %select_n3A_1875 = arith.select %eq3A_1873, %jit3A_1874, %jit3A_1871 : i32
    %rem3A_1876 = arith.remsi %reduce_sum3A_384, %select_n3A_1875 : i32
    %ne3A_1877 = arith.constant 0 : i32
    %ne3A_1878 = arith.cmpi ne, %rem3A_1876, %ne3A_1877 : i32
    %lt3A_1879 = arith.constant 0 : i32
    %lt3A_1880 = arith.cmpi slt, %rem3A_1876, %lt3A_1879 : i32
    %lt3A_1881 = arith.constant 0 : i32
    %lt3A_1882 = arith.cmpi slt, %select_n3A_1875, %lt3A_1881 : i32
    %ne3A_1883 = arith.xori %lt3A_1880, %lt3A_1882 : i1
    %and3A_1884 = arith.andi %ne3A_1883, %ne3A_1878 : i1
    %add3A_1885 = arith.addi %rem3A_1876, %select_n3A_1875 : i32
    %select_n3A_1886 = arith.select %and3A_1884, %add3A_1885, %rem3A_1876 : i32
    %mul3A_1887 = vector.broadcast %select_n3A_1886 : i32 to vector<16xi32>
    %mul3A_1888 = arith.muli %broadcast_in_dim3A_1870, %mul3A_1887 : vector<16xi32>
    %gather3A_1889 = arith.constant 8 : i32
    %gather3A_1890 = arith.constant 0 : i32
    %gather3A_1891 = arith.constant 0 : i32
    %gather3A_1892 = tpu.memref_slice %arg6[%gather3A_1889, %gather3A_1890, %gather3A_1891] : memref<32x16x128xf32, #tpu.memory_space<vmem>> -> memref<1x16x128xf32, #tpu.memory_space<vmem>>
    %gather3A_1893 = tpu.memref_squeeze %gather3A_1892 : memref<1x16x128xf32, #tpu.memory_space<vmem>> -> memref<16x128xf32, #tpu.memory_space<vmem>>
    %gather3A_1894 = tpu.vector_load_idx %gather3A_1893[%iota3A, %mul3A_1888] : memref<16x128xf32, #tpu.memory_space<vmem>>[vector<16xi32>, vector<16xi32>], vector<16xf32>,
    %broadcast_in_dim3A_1895 = arith.constant 8 : i32
    %broadcast_in_dim3A_1896 = vector.broadcast %broadcast_in_dim3A_1895 : i32 to vector<16xi32>
    tpu.vector_store_idx %arg7[%broadcast_in_dim3A_1896, %iota3A], %gather3A_1894 : memref<32x17xf32, #tpu.memory_space<vmem>>[vector<16xi32>, vector<16xi32>], vector<16xf32>,
    %dma_wait3A_1897 = arith.constant 9 : i32
    %dma_wait3A_1898 = arith.constant 0 : i32
    %dma_wait3A_1899 = arith.constant 0 : i32
    %dma_wait3A_1900 = tpu.memref_slice %arg6[%dma_wait3A_1897, %dma_wait3A_1898, %dma_wait3A_1899] : memref<32x16x128xf32, #tpu.memory_space<vmem>> -> memref<1x16x128xf32, #tpu.memory_space<vmem>>
    %dma_wait3A_1901 = tpu.memref_squeeze %dma_wait3A_1900 : memref<1x16x128xf32, #tpu.memory_space<vmem>> -> memref<16x128xf32, #tpu.memory_space<vmem>>
    %dma_wait3A_1902 = arith.constant 0 : i32
    %dma_wait3A_1903 = tpu.memref_slice %arg2[%dma_wait3A_1902, %multiple_of3A_459] : memref<16x100000xf32, #tpu.memory_space<hbm>> -> memref<16x128xf32, #tpu.memory_space<hbm>>
    %dma_wait3A_1904 = arith.constant 0 : i32
    %dma_wait3A_1905 = arith.constant 0 : i32
    %dma_wait3A_1906 = tpu.memref_slice %arg6[%dma_wait3A_1897, %dma_wait3A_1904, %dma_wait3A_1905] : memref<32x16x128xf32, #tpu.memory_space<vmem>> -> memref<1x16x128xf32, #tpu.memory_space<vmem>>
    %dma_wait3A_1907 = tpu.memref_squeeze %dma_wait3A_1906 : memref<1x16x128xf32, #tpu.memory_space<vmem>> -> memref<16x128xf32, #tpu.memory_space<vmem>>
    %dma_wait3A_1908 = arith.constant 0 : i32
    %dma_wait3A_1909 = tpu.memref_slice %arg2[%dma_wait3A_1908, %multiple_of3A_459] : memref<16x100000xf32, #tpu.memory_space<hbm>> -> memref<16x128xf32, #tpu.memory_space<hbm>>
    tpu.wait_dma2 semaphore(%arg8 : memref<!tpu.dma_semaphore, #tpu.memory_space<semaphore_mem>>) src(%dma_wait3A_1909 : memref<16x128xf32, #tpu.memory_space<hbm>>) dst(%dma_wait3A_1907 : memref<16x128xf32, #tpu.memory_space<vmem>>)
    %broadcast_in_dim3A_1910 = arith.constant 1 : i32
    %broadcast_in_dim3A_1911 = vector.broadcast %broadcast_in_dim3A_1910 : i32 to vector<16xi32>
    %jit3A_1912 = arith.constant 128 : i32
    %eq3A_1913 = arith.constant 0 : i32
    %eq3A_1914 = arith.cmpi eq, %jit3A_1912, %eq3A_1913 : i32
    %jit3A_1915 = arith.constant 1 : i32
    %select_n3A_1916 = arith.select %eq3A_1914, %jit3A_1915, %jit3A_1912 : i32
    %rem3A_1917 = arith.remsi %reduce_sum3A_432, %select_n3A_1916 : i32
    %ne3A_1918 = arith.constant 0 : i32
    %ne3A_1919 = arith.cmpi ne, %rem3A_1917, %ne3A_1918 : i32
    %lt3A_1920 = arith.constant 0 : i32
    %lt3A_1921 = arith.cmpi slt, %rem3A_1917, %lt3A_1920 : i32
    %lt3A_1922 = arith.constant 0 : i32
    %lt3A_1923 = arith.cmpi slt, %select_n3A_1916, %lt3A_1922 : i32
    %ne3A_1924 = arith.xori %lt3A_1921, %lt3A_1923 : i1
    %and3A_1925 = arith.andi %ne3A_1924, %ne3A_1919 : i1
    %add3A_1926 = arith.addi %rem3A_1917, %select_n3A_1916 : i32
    %select_n3A_1927 = arith.select %and3A_1925, %add3A_1926, %rem3A_1917 : i32
    %mul3A_1928 = vector.broadcast %select_n3A_1927 : i32 to vector<16xi32>
    %mul3A_1929 = arith.muli %broadcast_in_dim3A_1911, %mul3A_1928 : vector<16xi32>
    %gather3A_1930 = arith.constant 9 : i32
    %gather3A_1931 = arith.constant 0 : i32
    %gather3A_1932 = arith.constant 0 : i32
    %gather3A_1933 = tpu.memref_slice %arg6[%gather3A_1930, %gather3A_1931, %gather3A_1932] : memref<32x16x128xf32, #tpu.memory_space<vmem>> -> memref<1x16x128xf32, #tpu.memory_space<vmem>>
    %gather3A_1934 = tpu.memref_squeeze %gather3A_1933 : memref<1x16x128xf32, #tpu.memory_space<vmem>> -> memref<16x128xf32, #tpu.memory_space<vmem>>
    %gather3A_1935 = tpu.vector_load_idx %gather3A_1934[%iota3A, %mul3A_1929] : memref<16x128xf32, #tpu.memory_space<vmem>>[vector<16xi32>, vector<16xi32>], vector<16xf32>,
    %broadcast_in_dim3A_1936 = arith.constant 9 : i32
    %broadcast_in_dim3A_1937 = vector.broadcast %broadcast_in_dim3A_1936 : i32 to vector<16xi32>
    tpu.vector_store_idx %arg7[%broadcast_in_dim3A_1937, %iota3A], %gather3A_1935 : memref<32x17xf32, #tpu.memory_space<vmem>>[vector<16xi32>, vector<16xi32>], vector<16xf32>,
    %dma_wait3A_1938 = arith.constant 10 : i32
    %dma_wait3A_1939 = arith.constant 0 : i32
    %dma_wait3A_1940 = arith.constant 0 : i32
    %dma_wait3A_1941 = tpu.memref_slice %arg6[%dma_wait3A_1938, %dma_wait3A_1939, %dma_wait3A_1940] : memref<32x16x128xf32, #tpu.memory_space<vmem>> -> memref<1x16x128xf32, #tpu.memory_space<vmem>>
    %dma_wait3A_1942 = tpu.memref_squeeze %dma_wait3A_1941 : memref<1x16x128xf32, #tpu.memory_space<vmem>> -> memref<16x128xf32, #tpu.memory_space<vmem>>
    %dma_wait3A_1943 = arith.constant 0 : i32
    %dma_wait3A_1944 = tpu.memref_slice %arg2[%dma_wait3A_1943, %multiple_of3A_507] : memref<16x100000xf32, #tpu.memory_space<hbm>> -> memref<16x128xf32, #tpu.memory_space<hbm>>
    %dma_wait3A_1945 = arith.constant 0 : i32
    %dma_wait3A_1946 = arith.constant 0 : i32
    %dma_wait3A_1947 = tpu.memref_slice %arg6[%dma_wait3A_1938, %dma_wait3A_1945, %dma_wait3A_1946] : memref<32x16x128xf32, #tpu.memory_space<vmem>> -> memref<1x16x128xf32, #tpu.memory_space<vmem>>
    %dma_wait3A_1948 = tpu.memref_squeeze %dma_wait3A_1947 : memref<1x16x128xf32, #tpu.memory_space<vmem>> -> memref<16x128xf32, #tpu.memory_space<vmem>>
    %dma_wait3A_1949 = arith.constant 0 : i32
    %dma_wait3A_1950 = tpu.memref_slice %arg2[%dma_wait3A_1949, %multiple_of3A_507] : memref<16x100000xf32, #tpu.memory_space<hbm>> -> memref<16x128xf32, #tpu.memory_space<hbm>>
    tpu.wait_dma2 semaphore(%arg8 : memref<!tpu.dma_semaphore, #tpu.memory_space<semaphore_mem>>) src(%dma_wait3A_1950 : memref<16x128xf32, #tpu.memory_space<hbm>>) dst(%dma_wait3A_1948 : memref<16x128xf32, #tpu.memory_space<vmem>>)
    %broadcast_in_dim3A_1951 = arith.constant 1 : i32
    %broadcast_in_dim3A_1952 = vector.broadcast %broadcast_in_dim3A_1951 : i32 to vector<16xi32>
    %jit3A_1953 = arith.constant 128 : i32
    %eq3A_1954 = arith.constant 0 : i32
    %eq3A_1955 = arith.cmpi eq, %jit3A_1953, %eq3A_1954 : i32
    %jit3A_1956 = arith.constant 1 : i32
    %select_n3A_1957 = arith.select %eq3A_1955, %jit3A_1956, %jit3A_1953 : i32
    %rem3A_1958 = arith.remsi %reduce_sum3A_480, %select_n3A_1957 : i32
    %ne3A_1959 = arith.constant 0 : i32
    %ne3A_1960 = arith.cmpi ne, %rem3A_1958, %ne3A_1959 : i32
    %lt3A_1961 = arith.constant 0 : i32
    %lt3A_1962 = arith.cmpi slt, %rem3A_1958, %lt3A_1961 : i32
    %lt3A_1963 = arith.constant 0 : i32
    %lt3A_1964 = arith.cmpi slt, %select_n3A_1957, %lt3A_1963 : i32
    %ne3A_1965 = arith.xori %lt3A_1962, %lt3A_1964 : i1
    %and3A_1966 = arith.andi %ne3A_1965, %ne3A_1960 : i1
    %add3A_1967 = arith.addi %rem3A_1958, %select_n3A_1957 : i32
    %select_n3A_1968 = arith.select %and3A_1966, %add3A_1967, %rem3A_1958 : i32
    %mul3A_1969 = vector.broadcast %select_n3A_1968 : i32 to vector<16xi32>
    %mul3A_1970 = arith.muli %broadcast_in_dim3A_1952, %mul3A_1969 : vector<16xi32>
    %gather3A_1971 = arith.constant 10 : i32
    %gather3A_1972 = arith.constant 0 : i32
    %gather3A_1973 = arith.constant 0 : i32
    %gather3A_1974 = tpu.memref_slice %arg6[%gather3A_1971, %gather3A_1972, %gather3A_1973] : memref<32x16x128xf32, #tpu.memory_space<vmem>> -> memref<1x16x128xf32, #tpu.memory_space<vmem>>
    %gather3A_1975 = tpu.memref_squeeze %gather3A_1974 : memref<1x16x128xf32, #tpu.memory_space<vmem>> -> memref<16x128xf32, #tpu.memory_space<vmem>>
    %gather3A_1976 = tpu.vector_load_idx %gather3A_1975[%iota3A, %mul3A_1970] : memref<16x128xf32, #tpu.memory_space<vmem>>[vector<16xi32>, vector<16xi32>], vector<16xf32>,
    %broadcast_in_dim3A_1977 = arith.constant 10 : i32
    %broadcast_in_dim3A_1978 = vector.broadcast %broadcast_in_dim3A_1977 : i32 to vector<16xi32>
    tpu.vector_store_idx %arg7[%broadcast_in_dim3A_1978, %iota3A], %gather3A_1976 : memref<32x17xf32, #tpu.memory_space<vmem>>[vector<16xi32>, vector<16xi32>], vector<16xf32>,
    %dma_wait3A_1979 = arith.constant 11 : i32
    %dma_wait3A_1980 = arith.constant 0 : i32
    %dma_wait3A_1981 = arith.constant 0 : i32
    %dma_wait3A_1982 = tpu.memref_slice %arg6[%dma_wait3A_1979, %dma_wait3A_1980, %dma_wait3A_1981] : memref<32x16x128xf32, #tpu.memory_space<vmem>> -> memref<1x16x128xf32, #tpu.memory_space<vmem>>
    %dma_wait3A_1983 = tpu.memref_squeeze %dma_wait3A_1982 : memref<1x16x128xf32, #tpu.memory_space<vmem>> -> memref<16x128xf32, #tpu.memory_space<vmem>>
    %dma_wait3A_1984 = arith.constant 0 : i32
    %dma_wait3A_1985 = tpu.memref_slice %arg2[%dma_wait3A_1984, %multiple_of3A_555] : memref<16x100000xf32, #tpu.memory_space<hbm>> -> memref<16x128xf32, #tpu.memory_space<hbm>>
    %dma_wait3A_1986 = arith.constant 0 : i32
    %dma_wait3A_1987 = arith.constant 0 : i32
    %dma_wait3A_1988 = tpu.memref_slice %arg6[%dma_wait3A_1979, %dma_wait3A_1986, %dma_wait3A_1987] : memref<32x16x128xf32, #tpu.memory_space<vmem>> -> memref<1x16x128xf32, #tpu.memory_space<vmem>>
    %dma_wait3A_1989 = tpu.memref_squeeze %dma_wait3A_1988 : memref<1x16x128xf32, #tpu.memory_space<vmem>> -> memref<16x128xf32, #tpu.memory_space<vmem>>
    %dma_wait3A_1990 = arith.constant 0 : i32
    %dma_wait3A_1991 = tpu.memref_slice %arg2[%dma_wait3A_1990, %multiple_of3A_555] : memref<16x100000xf32, #tpu.memory_space<hbm>> -> memref<16x128xf32, #tpu.memory_space<hbm>>
    tpu.wait_dma2 semaphore(%arg8 : memref<!tpu.dma_semaphore, #tpu.memory_space<semaphore_mem>>) src(%dma_wait3A_1991 : memref<16x128xf32, #tpu.memory_space<hbm>>) dst(%dma_wait3A_1989 : memref<16x128xf32, #tpu.memory_space<vmem>>)
    %broadcast_in_dim3A_1992 = arith.constant 1 : i32
    %broadcast_in_dim3A_1993 = vector.broadcast %broadcast_in_dim3A_1992 : i32 to vector<16xi32>
    %jit3A_1994 = arith.constant 128 : i32
    %eq3A_1995 = arith.constant 0 : i32
    %eq3A_1996 = arith.cmpi eq, %jit3A_1994, %eq3A_1995 : i32
    %jit3A_1997 = arith.constant 1 : i32
    %select_n3A_1998 = arith.select %eq3A_1996, %jit3A_1997, %jit3A_1994 : i32
    %rem3A_1999 = arith.remsi %reduce_sum3A_528, %select_n3A_1998 : i32
    %ne3A_2000 = arith.constant 0 : i32
    %ne3A_2001 = arith.cmpi ne, %rem3A_1999, %ne3A_2000 : i32
    %lt3A_2002 = arith.constant 0 : i32
    %lt3A_2003 = arith.cmpi slt, %rem3A_1999, %lt3A_2002 : i32
    %lt3A_2004 = arith.constant 0 : i32
    %lt3A_2005 = arith.cmpi slt, %select_n3A_1998, %lt3A_2004 : i32
    %ne3A_2006 = arith.xori %lt3A_2003, %lt3A_2005 : i1
    %and3A_2007 = arith.andi %ne3A_2006, %ne3A_2001 : i1
    %add3A_2008 = arith.addi %rem3A_1999, %select_n3A_1998 : i32
    %select_n3A_2009 = arith.select %and3A_2007, %add3A_2008, %rem3A_1999 : i32
    %mul3A_2010 = vector.broadcast %select_n3A_2009 : i32 to vector<16xi32>
    %mul3A_2011 = arith.muli %broadcast_in_dim3A_1993, %mul3A_2010 : vector<16xi32>
    %gather3A_2012 = arith.constant 11 : i32
    %gather3A_2013 = arith.constant 0 : i32
    %gather3A_2014 = arith.constant 0 : i32
    %gather3A_2015 = tpu.memref_slice %arg6[%gather3A_2012, %gather3A_2013, %gather3A_2014] : memref<32x16x128xf32, #tpu.memory_space<vmem>> -> memref<1x16x128xf32, #tpu.memory_space<vmem>>
    %gather3A_2016 = tpu.memref_squeeze %gather3A_2015 : memref<1x16x128xf32, #tpu.memory_space<vmem>> -> memref<16x128xf32, #tpu.memory_space<vmem>>
    %gather3A_2017 = tpu.vector_load_idx %gather3A_2016[%iota3A, %mul3A_2011] : memref<16x128xf32, #tpu.memory_space<vmem>>[vector<16xi32>, vector<16xi32>], vector<16xf32>,
    %broadcast_in_dim3A_2018 = arith.constant 11 : i32
    %broadcast_in_dim3A_2019 = vector.broadcast %broadcast_in_dim3A_2018 : i32 to vector<16xi32>
    tpu.vector_store_idx %arg7[%broadcast_in_dim3A_2019, %iota3A], %gather3A_2017 : memref<32x17xf32, #tpu.memory_space<vmem>>[vector<16xi32>, vector<16xi32>], vector<16xf32>,
    %dma_wait3A_2020 = arith.constant 12 : i32
    %dma_wait3A_2021 = arith.constant 0 : i32
    %dma_wait3A_2022 = arith.constant 0 : i32
    %dma_wait3A_2023 = tpu.memref_slice %arg6[%dma_wait3A_2020, %dma_wait3A_2021, %dma_wait3A_2022] : memref<32x16x128xf32, #tpu.memory_space<vmem>> -> memref<1x16x128xf32, #tpu.memory_space<vmem>>
    %dma_wait3A_2024 = tpu.memref_squeeze %dma_wait3A_2023 : memref<1x16x128xf32, #tpu.memory_space<vmem>> -> memref<16x128xf32, #tpu.memory_space<vmem>>
    %dma_wait3A_2025 = arith.constant 0 : i32
    %dma_wait3A_2026 = tpu.memref_slice %arg2[%dma_wait3A_2025, %multiple_of3A_603] : memref<16x100000xf32, #tpu.memory_space<hbm>> -> memref<16x128xf32, #tpu.memory_space<hbm>>
    %dma_wait3A_2027 = arith.constant 0 : i32
    %dma_wait3A_2028 = arith.constant 0 : i32
    %dma_wait3A_2029 = tpu.memref_slice %arg6[%dma_wait3A_2020, %dma_wait3A_2027, %dma_wait3A_2028] : memref<32x16x128xf32, #tpu.memory_space<vmem>> -> memref<1x16x128xf32, #tpu.memory_space<vmem>>
    %dma_wait3A_2030 = tpu.memref_squeeze %dma_wait3A_2029 : memref<1x16x128xf32, #tpu.memory_space<vmem>> -> memref<16x128xf32, #tpu.memory_space<vmem>>
    %dma_wait3A_2031 = arith.constant 0 : i32
    %dma_wait3A_2032 = tpu.memref_slice %arg2[%dma_wait3A_2031, %multiple_of3A_603] : memref<16x100000xf32, #tpu.memory_space<hbm>> -> memref<16x128xf32, #tpu.memory_space<hbm>>
    tpu.wait_dma2 semaphore(%arg8 : memref<!tpu.dma_semaphore, #tpu.memory_space<semaphore_mem>>) src(%dma_wait3A_2032 : memref<16x128xf32, #tpu.memory_space<hbm>>) dst(%dma_wait3A_2030 : memref<16x128xf32, #tpu.memory_space<vmem>>)
    %broadcast_in_dim3A_2033 = arith.constant 1 : i32
    %broadcast_in_dim3A_2034 = vector.broadcast %broadcast_in_dim3A_2033 : i32 to vector<16xi32>
    %jit3A_2035 = arith.constant 128 : i32
    %eq3A_2036 = arith.constant 0 : i32
    %eq3A_2037 = arith.cmpi eq, %jit3A_2035, %eq3A_2036 : i32
    %jit3A_2038 = arith.constant 1 : i32
    %select_n3A_2039 = arith.select %eq3A_2037, %jit3A_2038, %jit3A_2035 : i32
    %rem3A_2040 = arith.remsi %reduce_sum3A_576, %select_n3A_2039 : i32
    %ne3A_2041 = arith.constant 0 : i32
    %ne3A_2042 = arith.cmpi ne, %rem3A_2040, %ne3A_2041 : i32
    %lt3A_2043 = arith.constant 0 : i32
    %lt3A_2044 = arith.cmpi slt, %rem3A_2040, %lt3A_2043 : i32
    %lt3A_2045 = arith.constant 0 : i32
    %lt3A_2046 = arith.cmpi slt, %select_n3A_2039, %lt3A_2045 : i32
    %ne3A_2047 = arith.xori %lt3A_2044, %lt3A_2046 : i1
    %and3A_2048 = arith.andi %ne3A_2047, %ne3A_2042 : i1
    %add3A_2049 = arith.addi %rem3A_2040, %select_n3A_2039 : i32
    %select_n3A_2050 = arith.select %and3A_2048, %add3A_2049, %rem3A_2040 : i32
    %mul3A_2051 = vector.broadcast %select_n3A_2050 : i32 to vector<16xi32>
    %mul3A_2052 = arith.muli %broadcast_in_dim3A_2034, %mul3A_2051 : vector<16xi32>
    %gather3A_2053 = arith.constant 12 : i32
    %gather3A_2054 = arith.constant 0 : i32
    %gather3A_2055 = arith.constant 0 : i32
    %gather3A_2056 = tpu.memref_slice %arg6[%gather3A_2053, %gather3A_2054, %gather3A_2055] : memref<32x16x128xf32, #tpu.memory_space<vmem>> -> memref<1x16x128xf32, #tpu.memory_space<vmem>>
    %gather3A_2057 = tpu.memref_squeeze %gather3A_2056 : memref<1x16x128xf32, #tpu.memory_space<vmem>> -> memref<16x128xf32, #tpu.memory_space<vmem>>
    %gather3A_2058 = tpu.vector_load_idx %gather3A_2057[%iota3A, %mul3A_2052] : memref<16x128xf32, #tpu.memory_space<vmem>>[vector<16xi32>, vector<16xi32>], vector<16xf32>,
    %broadcast_in_dim3A_2059 = arith.constant 12 : i32
    %broadcast_in_dim3A_2060 = vector.broadcast %broadcast_in_dim3A_2059 : i32 to vector<16xi32>
    tpu.vector_store_idx %arg7[%broadcast_in_dim3A_2060, %iota3A], %gather3A_2058 : memref<32x17xf32, #tpu.memory_space<vmem>>[vector<16xi32>, vector<16xi32>], vector<16xf32>,
    %dma_wait3A_2061 = arith.constant 13 : i32
    %dma_wait3A_2062 = arith.constant 0 : i32
    %dma_wait3A_2063 = arith.constant 0 : i32
    %dma_wait3A_2064 = tpu.memref_slice %arg6[%dma_wait3A_2061, %dma_wait3A_2062, %dma_wait3A_2063] : memref<32x16x128xf32, #tpu.memory_space<vmem>> -> memref<1x16x128xf32, #tpu.memory_space<vmem>>
    %dma_wait3A_2065 = tpu.memref_squeeze %dma_wait3A_2064 : memref<1x16x128xf32, #tpu.memory_space<vmem>> -> memref<16x128xf32, #tpu.memory_space<vmem>>
    %dma_wait3A_2066 = arith.constant 0 : i32
    %dma_wait3A_2067 = tpu.memref_slice %arg2[%dma_wait3A_2066, %multiple_of3A_651] : memref<16x100000xf32, #tpu.memory_space<hbm>> -> memref<16x128xf32, #tpu.memory_space<hbm>>
    %dma_wait3A_2068 = arith.constant 0 : i32
    %dma_wait3A_2069 = arith.constant 0 : i32
    %dma_wait3A_2070 = tpu.memref_slice %arg6[%dma_wait3A_2061, %dma_wait3A_2068, %dma_wait3A_2069] : memref<32x16x128xf32, #tpu.memory_space<vmem>> -> memref<1x16x128xf32, #tpu.memory_space<vmem>>
    %dma_wait3A_2071 = tpu.memref_squeeze %dma_wait3A_2070 : memref<1x16x128xf32, #tpu.memory_space<vmem>> -> memref<16x128xf32, #tpu.memory_space<vmem>>
    %dma_wait3A_2072 = arith.constant 0 : i32
    %dma_wait3A_2073 = tpu.memref_slice %arg2[%dma_wait3A_2072, %multiple_of3A_651] : memref<16x100000xf32, #tpu.memory_space<hbm>> -> memref<16x128xf32, #tpu.memory_space<hbm>>
    tpu.wait_dma2 semaphore(%arg8 : memref<!tpu.dma_semaphore, #tpu.memory_space<semaphore_mem>>) src(%dma_wait3A_2073 : memref<16x128xf32, #tpu.memory_space<hbm>>) dst(%dma_wait3A_2071 : memref<16x128xf32, #tpu.memory_space<vmem>>)
    %broadcast_in_dim3A_2074 = arith.constant 1 : i32
    %broadcast_in_dim3A_2075 = vector.broadcast %broadcast_in_dim3A_2074 : i32 to vector<16xi32>
    %jit3A_2076 = arith.constant 128 : i32
    %eq3A_2077 = arith.constant 0 : i32
    %eq3A_2078 = arith.cmpi eq, %jit3A_2076, %eq3A_2077 : i32
    %jit3A_2079 = arith.constant 1 : i32
    %select_n3A_2080 = arith.select %eq3A_2078, %jit3A_2079, %jit3A_2076 : i32
    %rem3A_2081 = arith.remsi %reduce_sum3A_624, %select_n3A_2080 : i32
    %ne3A_2082 = arith.constant 0 : i32
    %ne3A_2083 = arith.cmpi ne, %rem3A_2081, %ne3A_2082 : i32
    %lt3A_2084 = arith.constant 0 : i32
    %lt3A_2085 = arith.cmpi slt, %rem3A_2081, %lt3A_2084 : i32
    %lt3A_2086 = arith.constant 0 : i32
    %lt3A_2087 = arith.cmpi slt, %select_n3A_2080, %lt3A_2086 : i32
    %ne3A_2088 = arith.xori %lt3A_2085, %lt3A_2087 : i1
    %and3A_2089 = arith.andi %ne3A_2088, %ne3A_2083 : i1
    %add3A_2090 = arith.addi %rem3A_2081, %select_n3A_2080 : i32
    %select_n3A_2091 = arith.select %and3A_2089, %add3A_2090, %rem3A_2081 : i32
    %mul3A_2092 = vector.broadcast %select_n3A_2091 : i32 to vector<16xi32>
    %mul3A_2093 = arith.muli %broadcast_in_dim3A_2075, %mul3A_2092 : vector<16xi32>
    %gather3A_2094 = arith.constant 13 : i32
    %gather3A_2095 = arith.constant 0 : i32
    %gather3A_2096 = arith.constant 0 : i32
    %gather3A_2097 = tpu.memref_slice %arg6[%gather3A_2094, %gather3A_2095, %gather3A_2096] : memref<32x16x128xf32, #tpu.memory_space<vmem>> -> memref<1x16x128xf32, #tpu.memory_space<vmem>>
    %gather3A_2098 = tpu.memref_squeeze %gather3A_2097 : memref<1x16x128xf32, #tpu.memory_space<vmem>> -> memref<16x128xf32, #tpu.memory_space<vmem>>
    %gather3A_2099 = tpu.vector_load_idx %gather3A_2098[%iota3A, %mul3A_2093] : memref<16x128xf32, #tpu.memory_space<vmem>>[vector<16xi32>, vector<16xi32>], vector<16xf32>,
    %broadcast_in_dim3A_2100 = arith.constant 13 : i32
    %broadcast_in_dim3A_2101 = vector.broadcast %broadcast_in_dim3A_2100 : i32 to vector<16xi32>
    tpu.vector_store_idx %arg7[%broadcast_in_dim3A_2101, %iota3A], %gather3A_2099 : memref<32x17xf32, #tpu.memory_space<vmem>>[vector<16xi32>, vector<16xi32>], vector<16xf32>,
    %dma_wait3A_2102 = arith.constant 14 : i32
    %dma_wait3A_2103 = arith.constant 0 : i32
    %dma_wait3A_2104 = arith.constant 0 : i32
    %dma_wait3A_2105 = tpu.memref_slice %arg6[%dma_wait3A_2102, %dma_wait3A_2103, %dma_wait3A_2104] : memref<32x16x128xf32, #tpu.memory_space<vmem>> -> memref<1x16x128xf32, #tpu.memory_space<vmem>>
    %dma_wait3A_2106 = tpu.memref_squeeze %dma_wait3A_2105 : memref<1x16x128xf32, #tpu.memory_space<vmem>> -> memref<16x128xf32, #tpu.memory_space<vmem>>
    %dma_wait3A_2107 = arith.constant 0 : i32
    %dma_wait3A_2108 = tpu.memref_slice %arg2[%dma_wait3A_2107, %multiple_of3A_699] : memref<16x100000xf32, #tpu.memory_space<hbm>> -> memref<16x128xf32, #tpu.memory_space<hbm>>
    %dma_wait3A_2109 = arith.constant 0 : i32
    %dma_wait3A_2110 = arith.constant 0 : i32
    %dma_wait3A_2111 = tpu.memref_slice %arg6[%dma_wait3A_2102, %dma_wait3A_2109, %dma_wait3A_2110] : memref<32x16x128xf32, #tpu.memory_space<vmem>> -> memref<1x16x128xf32, #tpu.memory_space<vmem>>
    %dma_wait3A_2112 = tpu.memref_squeeze %dma_wait3A_2111 : memref<1x16x128xf32, #tpu.memory_space<vmem>> -> memref<16x128xf32, #tpu.memory_space<vmem>>
    %dma_wait3A_2113 = arith.constant 0 : i32
    %dma_wait3A_2114 = tpu.memref_slice %arg2[%dma_wait3A_2113, %multiple_of3A_699] : memref<16x100000xf32, #tpu.memory_space<hbm>> -> memref<16x128xf32, #tpu.memory_space<hbm>>
    tpu.wait_dma2 semaphore(%arg8 : memref<!tpu.dma_semaphore, #tpu.memory_space<semaphore_mem>>) src(%dma_wait3A_2114 : memref<16x128xf32, #tpu.memory_space<hbm>>) dst(%dma_wait3A_2112 : memref<16x128xf32, #tpu.memory_space<vmem>>)
    %broadcast_in_dim3A_2115 = arith.constant 1 : i32
    %broadcast_in_dim3A_2116 = vector.broadcast %broadcast_in_dim3A_2115 : i32 to vector<16xi32>
    %jit3A_2117 = arith.constant 128 : i32
    %eq3A_2118 = arith.constant 0 : i32
    %eq3A_2119 = arith.cmpi eq, %jit3A_2117, %eq3A_2118 : i32
    %jit3A_2120 = arith.constant 1 : i32
    %select_n3A_2121 = arith.select %eq3A_2119, %jit3A_2120, %jit3A_2117 : i32
    %rem3A_2122 = arith.remsi %reduce_sum3A_672, %select_n3A_2121 : i32
    %ne3A_2123 = arith.constant 0 : i32
    %ne3A_2124 = arith.cmpi ne, %rem3A_2122, %ne3A_2123 : i32
    %lt3A_2125 = arith.constant 0 : i32
    %lt3A_2126 = arith.cmpi slt, %rem3A_2122, %lt3A_2125 : i32
    %lt3A_2127 = arith.constant 0 : i32
    %lt3A_2128 = arith.cmpi slt, %select_n3A_2121, %lt3A_2127 : i32
    %ne3A_2129 = arith.xori %lt3A_2126, %lt3A_2128 : i1
    %and3A_2130 = arith.andi %ne3A_2129, %ne3A_2124 : i1
    %add3A_2131 = arith.addi %rem3A_2122, %select_n3A_2121 : i32
    %select_n3A_2132 = arith.select %and3A_2130, %add3A_2131, %rem3A_2122 : i32
    %mul3A_2133 = vector.broadcast %select_n3A_2132 : i32 to vector<16xi32>
    %mul3A_2134 = arith.muli %broadcast_in_dim3A_2116, %mul3A_2133 : vector<16xi32>
    %gather3A_2135 = arith.constant 14 : i32
    %gather3A_2136 = arith.constant 0 : i32
    %gather3A_2137 = arith.constant 0 : i32
    %gather3A_2138 = tpu.memref_slice %arg6[%gather3A_2135, %gather3A_2136, %gather3A_2137] : memref<32x16x128xf32, #tpu.memory_space<vmem>> -> memref<1x16x128xf32, #tpu.memory_space<vmem>>
    %gather3A_2139 = tpu.memref_squeeze %gather3A_2138 : memref<1x16x128xf32, #tpu.memory_space<vmem>> -> memref<16x128xf32, #tpu.memory_space<vmem>>
    %gather3A_2140 = tpu.vector_load_idx %gather3A_2139[%iota3A, %mul3A_2134] : memref<16x128xf32, #tpu.memory_space<vmem>>[vector<16xi32>, vector<16xi32>], vector<16xf32>,
    %broadcast_in_dim3A_2141 = arith.constant 14 : i32
    %broadcast_in_dim3A_2142 = vector.broadcast %broadcast_in_dim3A_2141 : i32 to vector<16xi32>
    tpu.vector_store_idx %arg7[%broadcast_in_dim3A_2142, %iota3A], %gather3A_2140 : memref<32x17xf32, #tpu.memory_space<vmem>>[vector<16xi32>, vector<16xi32>], vector<16xf32>,
    %dma_wait3A_2143 = arith.constant 15 : i32
    %dma_wait3A_2144 = arith.constant 0 : i32
    %dma_wait3A_2145 = arith.constant 0 : i32
    %dma_wait3A_2146 = tpu.memref_slice %arg6[%dma_wait3A_2143, %dma_wait3A_2144, %dma_wait3A_2145] : memref<32x16x128xf32, #tpu.memory_space<vmem>> -> memref<1x16x128xf32, #tpu.memory_space<vmem>>
    %dma_wait3A_2147 = tpu.memref_squeeze %dma_wait3A_2146 : memref<1x16x128xf32, #tpu.memory_space<vmem>> -> memref<16x128xf32, #tpu.memory_space<vmem>>
    %dma_wait3A_2148 = arith.constant 0 : i32
    %dma_wait3A_2149 = tpu.memref_slice %arg2[%dma_wait3A_2148, %multiple_of3A_747] : memref<16x100000xf32, #tpu.memory_space<hbm>> -> memref<16x128xf32, #tpu.memory_space<hbm>>
    %dma_wait3A_2150 = arith.constant 0 : i32
    %dma_wait3A_2151 = arith.constant 0 : i32
    %dma_wait3A_2152 = tpu.memref_slice %arg6[%dma_wait3A_2143, %dma_wait3A_2150, %dma_wait3A_2151] : memref<32x16x128xf32, #tpu.memory_space<vmem>> -> memref<1x16x128xf32, #tpu.memory_space<vmem>>
    %dma_wait3A_2153 = tpu.memref_squeeze %dma_wait3A_2152 : memref<1x16x128xf32, #tpu.memory_space<vmem>> -> memref<16x128xf32, #tpu.memory_space<vmem>>
    %dma_wait3A_2154 = arith.constant 0 : i32
    %dma_wait3A_2155 = tpu.memref_slice %arg2[%dma_wait3A_2154, %multiple_of3A_747] : memref<16x100000xf32, #tpu.memory_space<hbm>> -> memref<16x128xf32, #tpu.memory_space<hbm>>
    tpu.wait_dma2 semaphore(%arg8 : memref<!tpu.dma_semaphore, #tpu.memory_space<semaphore_mem>>) src(%dma_wait3A_2155 : memref<16x128xf32, #tpu.memory_space<hbm>>) dst(%dma_wait3A_2153 : memref<16x128xf32, #tpu.memory_space<vmem>>)
    %broadcast_in_dim3A_2156 = arith.constant 1 : i32
    %broadcast_in_dim3A_2157 = vector.broadcast %broadcast_in_dim3A_2156 : i32 to vector<16xi32>
    %jit3A_2158 = arith.constant 128 : i32
    %eq3A_2159 = arith.constant 0 : i32
    %eq3A_2160 = arith.cmpi eq, %jit3A_2158, %eq3A_2159 : i32
    %jit3A_2161 = arith.constant 1 : i32
    %select_n3A_2162 = arith.select %eq3A_2160, %jit3A_2161, %jit3A_2158 : i32
    %rem3A_2163 = arith.remsi %reduce_sum3A_720, %select_n3A_2162 : i32
    %ne3A_2164 = arith.constant 0 : i32
    %ne3A_2165 = arith.cmpi ne, %rem3A_2163, %ne3A_2164 : i32
    %lt3A_2166 = arith.constant 0 : i32
    %lt3A_2167 = arith.cmpi slt, %rem3A_2163, %lt3A_2166 : i32
    %lt3A_2168 = arith.constant 0 : i32
    %lt3A_2169 = arith.cmpi slt, %select_n3A_2162, %lt3A_2168 : i32
    %ne3A_2170 = arith.xori %lt3A_2167, %lt3A_2169 : i1
    %and3A_2171 = arith.andi %ne3A_2170, %ne3A_2165 : i1
    %add3A_2172 = arith.addi %rem3A_2163, %select_n3A_2162 : i32
    %select_n3A_2173 = arith.select %and3A_2171, %add3A_2172, %rem3A_2163 : i32
    %mul3A_2174 = vector.broadcast %select_n3A_2173 : i32 to vector<16xi32>
    %mul3A_2175 = arith.muli %broadcast_in_dim3A_2157, %mul3A_2174 : vector<16xi32>
    %gather3A_2176 = arith.constant 15 : i32
    %gather3A_2177 = arith.constant 0 : i32
    %gather3A_2178 = arith.constant 0 : i32
    %gather3A_2179 = tpu.memref_slice %arg6[%gather3A_2176, %gather3A_2177, %gather3A_2178] : memref<32x16x128xf32, #tpu.memory_space<vmem>> -> memref<1x16x128xf32, #tpu.memory_space<vmem>>
    %gather3A_2180 = tpu.memref_squeeze %gather3A_2179 : memref<1x16x128xf32, #tpu.memory_space<vmem>> -> memref<16x128xf32, #tpu.memory_space<vmem>>
    %gather3A_2181 = tpu.vector_load_idx %gather3A_2180[%iota3A, %mul3A_2175] : memref<16x128xf32, #tpu.memory_space<vmem>>[vector<16xi32>, vector<16xi32>], vector<16xf32>,
    %broadcast_in_dim3A_2182 = arith.constant 15 : i32
    %broadcast_in_dim3A_2183 = vector.broadcast %broadcast_in_dim3A_2182 : i32 to vector<16xi32>
    tpu.vector_store_idx %arg7[%broadcast_in_dim3A_2183, %iota3A], %gather3A_2181 : memref<32x17xf32, #tpu.memory_space<vmem>>[vector<16xi32>, vector<16xi32>], vector<16xf32>,
    %dma_wait3A_2184 = arith.constant 16 : i32
    %dma_wait3A_2185 = arith.constant 0 : i32
    %dma_wait3A_2186 = arith.constant 0 : i32
    %dma_wait3A_2187 = tpu.memref_slice %arg6[%dma_wait3A_2184, %dma_wait3A_2185, %dma_wait3A_2186] : memref<32x16x128xf32, #tpu.memory_space<vmem>> -> memref<1x16x128xf32, #tpu.memory_space<vmem>>
    %dma_wait3A_2188 = tpu.memref_squeeze %dma_wait3A_2187 : memref<1x16x128xf32, #tpu.memory_space<vmem>> -> memref<16x128xf32, #tpu.memory_space<vmem>>
    %dma_wait3A_2189 = arith.constant 0 : i32
    %dma_wait3A_2190 = tpu.memref_slice %arg2[%dma_wait3A_2189, %multiple_of3A_797] : memref<16x100000xf32, #tpu.memory_space<hbm>> -> memref<16x128xf32, #tpu.memory_space<hbm>>
    %dma_wait3A_2191 = arith.constant 0 : i32
    %dma_wait3A_2192 = arith.constant 0 : i32
    %dma_wait3A_2193 = tpu.memref_slice %arg6[%dma_wait3A_2184, %dma_wait3A_2191, %dma_wait3A_2192] : memref<32x16x128xf32, #tpu.memory_space<vmem>> -> memref<1x16x128xf32, #tpu.memory_space<vmem>>
    %dma_wait3A_2194 = tpu.memref_squeeze %dma_wait3A_2193 : memref<1x16x128xf32, #tpu.memory_space<vmem>> -> memref<16x128xf32, #tpu.memory_space<vmem>>
    %dma_wait3A_2195 = arith.constant 0 : i32
    %dma_wait3A_2196 = tpu.memref_slice %arg2[%dma_wait3A_2195, %multiple_of3A_797] : memref<16x100000xf32, #tpu.memory_space<hbm>> -> memref<16x128xf32, #tpu.memory_space<hbm>>
    tpu.wait_dma2 semaphore(%arg8 : memref<!tpu.dma_semaphore, #tpu.memory_space<semaphore_mem>>) src(%dma_wait3A_2196 : memref<16x128xf32, #tpu.memory_space<hbm>>) dst(%dma_wait3A_2194 : memref<16x128xf32, #tpu.memory_space<vmem>>)
    %broadcast_in_dim3A_2197 = arith.constant 1 : i32
    %broadcast_in_dim3A_2198 = vector.broadcast %broadcast_in_dim3A_2197 : i32 to vector<16xi32>
    %jit3A_2199 = arith.constant 128 : i32
    %eq3A_2200 = arith.constant 0 : i32
    %eq3A_2201 = arith.cmpi eq, %jit3A_2199, %eq3A_2200 : i32
    %jit3A_2202 = arith.constant 1 : i32
    %select_n3A_2203 = arith.select %eq3A_2201, %jit3A_2202, %jit3A_2199 : i32
    %rem3A_2204 = arith.remsi %reduce_sum3A_770, %select_n3A_2203 : i32
    %ne3A_2205 = arith.constant 0 : i32
    %ne3A_2206 = arith.cmpi ne, %rem3A_2204, %ne3A_2205 : i32
    %lt3A_2207 = arith.constant 0 : i32
    %lt3A_2208 = arith.cmpi slt, %rem3A_2204, %lt3A_2207 : i32
    %lt3A_2209 = arith.constant 0 : i32
    %lt3A_2210 = arith.cmpi slt, %select_n3A_2203, %lt3A_2209 : i32
    %ne3A_2211 = arith.xori %lt3A_2208, %lt3A_2210 : i1
    %and3A_2212 = arith.andi %ne3A_2211, %ne3A_2206 : i1
    %add3A_2213 = arith.addi %rem3A_2204, %select_n3A_2203 : i32
    %select_n3A_2214 = arith.select %and3A_2212, %add3A_2213, %rem3A_2204 : i32
    %mul3A_2215 = vector.broadcast %select_n3A_2214 : i32 to vector<16xi32>
    %mul3A_2216 = arith.muli %broadcast_in_dim3A_2198, %mul3A_2215 : vector<16xi32>
    %gather3A_2217 = arith.constant 16 : i32
    %gather3A_2218 = arith.constant 0 : i32
    %gather3A_2219 = arith.constant 0 : i32
    %gather3A_2220 = tpu.memref_slice %arg6[%gather3A_2217, %gather3A_2218, %gather3A_2219] : memref<32x16x128xf32, #tpu.memory_space<vmem>> -> memref<1x16x128xf32, #tpu.memory_space<vmem>>
    %gather3A_2221 = tpu.memref_squeeze %gather3A_2220 : memref<1x16x128xf32, #tpu.memory_space<vmem>> -> memref<16x128xf32, #tpu.memory_space<vmem>>
    %gather3A_2222 = tpu.vector_load_idx %gather3A_2221[%iota3A, %mul3A_2216] : memref<16x128xf32, #tpu.memory_space<vmem>>[vector<16xi32>, vector<16xi32>], vector<16xf32>,
    %broadcast_in_dim3A_2223 = arith.constant 16 : i32
    %broadcast_in_dim3A_2224 = vector.broadcast %broadcast_in_dim3A_2223 : i32 to vector<16xi32>
    tpu.vector_store_idx %arg7[%broadcast_in_dim3A_2224, %iota3A], %gather3A_2222 : memref<32x17xf32, #tpu.memory_space<vmem>>[vector<16xi32>, vector<16xi32>], vector<16xf32>,
    %dma_wait3A_2225 = arith.constant 17 : i32
    %dma_wait3A_2226 = arith.constant 0 : i32
    %dma_wait3A_2227 = arith.constant 0 : i32
    %dma_wait3A_2228 = tpu.memref_slice %arg6[%dma_wait3A_2225, %dma_wait3A_2226, %dma_wait3A_2227] : memref<32x16x128xf32, #tpu.memory_space<vmem>> -> memref<1x16x128xf32, #tpu.memory_space<vmem>>
    %dma_wait3A_2229 = tpu.memref_squeeze %dma_wait3A_2228 : memref<1x16x128xf32, #tpu.memory_space<vmem>> -> memref<16x128xf32, #tpu.memory_space<vmem>>
    %dma_wait3A_2230 = arith.constant 0 : i32
    %dma_wait3A_2231 = tpu.memref_slice %arg2[%dma_wait3A_2230, %multiple_of3A_845] : memref<16x100000xf32, #tpu.memory_space<hbm>> -> memref<16x128xf32, #tpu.memory_space<hbm>>
    %dma_wait3A_2232 = arith.constant 0 : i32
    %dma_wait3A_2233 = arith.constant 0 : i32
    %dma_wait3A_2234 = tpu.memref_slice %arg6[%dma_wait3A_2225, %dma_wait3A_2232, %dma_wait3A_2233] : memref<32x16x128xf32, #tpu.memory_space<vmem>> -> memref<1x16x128xf32, #tpu.memory_space<vmem>>
    %dma_wait3A_2235 = tpu.memref_squeeze %dma_wait3A_2234 : memref<1x16x128xf32, #tpu.memory_space<vmem>> -> memref<16x128xf32, #tpu.memory_space<vmem>>
    %dma_wait3A_2236 = arith.constant 0 : i32
    %dma_wait3A_2237 = tpu.memref_slice %arg2[%dma_wait3A_2236, %multiple_of3A_845] : memref<16x100000xf32, #tpu.memory_space<hbm>> -> memref<16x128xf32, #tpu.memory_space<hbm>>
    tpu.wait_dma2 semaphore(%arg8 : memref<!tpu.dma_semaphore, #tpu.memory_space<semaphore_mem>>) src(%dma_wait3A_2237 : memref<16x128xf32, #tpu.memory_space<hbm>>) dst(%dma_wait3A_2235 : memref<16x128xf32, #tpu.memory_space<vmem>>)
    %broadcast_in_dim3A_2238 = arith.constant 1 : i32
    %broadcast_in_dim3A_2239 = vector.broadcast %broadcast_in_dim3A_2238 : i32 to vector<16xi32>
    %jit3A_2240 = arith.constant 128 : i32
    %eq3A_2241 = arith.constant 0 : i32
    %eq3A_2242 = arith.cmpi eq, %jit3A_2240, %eq3A_2241 : i32
    %jit3A_2243 = arith.constant 1 : i32
    %select_n3A_2244 = arith.select %eq3A_2242, %jit3A_2243, %jit3A_2240 : i32
    %rem3A_2245 = arith.remsi %reduce_sum3A_818, %select_n3A_2244 : i32
    %ne3A_2246 = arith.constant 0 : i32
    %ne3A_2247 = arith.cmpi ne, %rem3A_2245, %ne3A_2246 : i32
    %lt3A_2248 = arith.constant 0 : i32
    %lt3A_2249 = arith.cmpi slt, %rem3A_2245, %lt3A_2248 : i32
    %lt3A_2250 = arith.constant 0 : i32
    %lt3A_2251 = arith.cmpi slt, %select_n3A_2244, %lt3A_2250 : i32
    %ne3A_2252 = arith.xori %lt3A_2249, %lt3A_2251 : i1
    %and3A_2253 = arith.andi %ne3A_2252, %ne3A_2247 : i1
    %add3A_2254 = arith.addi %rem3A_2245, %select_n3A_2244 : i32
    %select_n3A_2255 = arith.select %and3A_2253, %add3A_2254, %rem3A_2245 : i32
    %mul3A_2256 = vector.broadcast %select_n3A_2255 : i32 to vector<16xi32>
    %mul3A_2257 = arith.muli %broadcast_in_dim3A_2239, %mul3A_2256 : vector<16xi32>
    %gather3A_2258 = arith.constant 17 : i32
    %gather3A_2259 = arith.constant 0 : i32
    %gather3A_2260 = arith.constant 0 : i32
    %gather3A_2261 = tpu.memref_slice %arg6[%gather3A_2258, %gather3A_2259, %gather3A_2260] : memref<32x16x128xf32, #tpu.memory_space<vmem>> -> memref<1x16x128xf32, #tpu.memory_space<vmem>>
    %gather3A_2262 = tpu.memref_squeeze %gather3A_2261 : memref<1x16x128xf32, #tpu.memory_space<vmem>> -> memref<16x128xf32, #tpu.memory_space<vmem>>
    %gather3A_2263 = tpu.vector_load_idx %gather3A_2262[%iota3A, %mul3A_2257] : memref<16x128xf32, #tpu.memory_space<vmem>>[vector<16xi32>, vector<16xi32>], vector<16xf32>,
    %broadcast_in_dim3A_2264 = arith.constant 17 : i32
    %broadcast_in_dim3A_2265 = vector.broadcast %broadcast_in_dim3A_2264 : i32 to vector<16xi32>
    tpu.vector_store_idx %arg7[%broadcast_in_dim3A_2265, %iota3A], %gather3A_2263 : memref<32x17xf32, #tpu.memory_space<vmem>>[vector<16xi32>, vector<16xi32>], vector<16xf32>,
    %dma_wait3A_2266 = arith.constant 18 : i32
    %dma_wait3A_2267 = arith.constant 0 : i32
    %dma_wait3A_2268 = arith.constant 0 : i32
    %dma_wait3A_2269 = tpu.memref_slice %arg6[%dma_wait3A_2266, %dma_wait3A_2267, %dma_wait3A_2268] : memref<32x16x128xf32, #tpu.memory_space<vmem>> -> memref<1x16x128xf32, #tpu.memory_space<vmem>>
    %dma_wait3A_2270 = tpu.memref_squeeze %dma_wait3A_2269 : memref<1x16x128xf32, #tpu.memory_space<vmem>> -> memref<16x128xf32, #tpu.memory_space<vmem>>
    %dma_wait3A_2271 = arith.constant 0 : i32
    %dma_wait3A_2272 = tpu.memref_slice %arg2[%dma_wait3A_2271, %multiple_of3A_893] : memref<16x100000xf32, #tpu.memory_space<hbm>> -> memref<16x128xf32, #tpu.memory_space<hbm>>
    %dma_wait3A_2273 = arith.constant 0 : i32
    %dma_wait3A_2274 = arith.constant 0 : i32
    %dma_wait3A_2275 = tpu.memref_slice %arg6[%dma_wait3A_2266, %dma_wait3A_2273, %dma_wait3A_2274] : memref<32x16x128xf32, #tpu.memory_space<vmem>> -> memref<1x16x128xf32, #tpu.memory_space<vmem>>
    %dma_wait3A_2276 = tpu.memref_squeeze %dma_wait3A_2275 : memref<1x16x128xf32, #tpu.memory_space<vmem>> -> memref<16x128xf32, #tpu.memory_space<vmem>>
    %dma_wait3A_2277 = arith.constant 0 : i32
    %dma_wait3A_2278 = tpu.memref_slice %arg2[%dma_wait3A_2277, %multiple_of3A_893] : memref<16x100000xf32, #tpu.memory_space<hbm>> -> memref<16x128xf32, #tpu.memory_space<hbm>>
    tpu.wait_dma2 semaphore(%arg8 : memref<!tpu.dma_semaphore, #tpu.memory_space<semaphore_mem>>) src(%dma_wait3A_2278 : memref<16x128xf32, #tpu.memory_space<hbm>>) dst(%dma_wait3A_2276 : memref<16x128xf32, #tpu.memory_space<vmem>>)
    %broadcast_in_dim3A_2279 = arith.constant 1 : i32
    %broadcast_in_dim3A_2280 = vector.broadcast %broadcast_in_dim3A_2279 : i32 to vector<16xi32>
    %jit3A_2281 = arith.constant 128 : i32
    %eq3A_2282 = arith.constant 0 : i32
    %eq3A_2283 = arith.cmpi eq, %jit3A_2281, %eq3A_2282 : i32
    %jit3A_2284 = arith.constant 1 : i32
    %select_n3A_2285 = arith.select %eq3A_2283, %jit3A_2284, %jit3A_2281 : i32
    %rem3A_2286 = arith.remsi %reduce_sum3A_866, %select_n3A_2285 : i32
    %ne3A_2287 = arith.constant 0 : i32
    %ne3A_2288 = arith.cmpi ne, %rem3A_2286, %ne3A_2287 : i32
    %lt3A_2289 = arith.constant 0 : i32
    %lt3A_2290 = arith.cmpi slt, %rem3A_2286, %lt3A_2289 : i32
    %lt3A_2291 = arith.constant 0 : i32
    %lt3A_2292 = arith.cmpi slt, %select_n3A_2285, %lt3A_2291 : i32
    %ne3A_2293 = arith.xori %lt3A_2290, %lt3A_2292 : i1
    %and3A_2294 = arith.andi %ne3A_2293, %ne3A_2288 : i1
    %add3A_2295 = arith.addi %rem3A_2286, %select_n3A_2285 : i32
    %select_n3A_2296 = arith.select %and3A_2294, %add3A_2295, %rem3A_2286 : i32
    %mul3A_2297 = vector.broadcast %select_n3A_2296 : i32 to vector<16xi32>
    %mul3A_2298 = arith.muli %broadcast_in_dim3A_2280, %mul3A_2297 : vector<16xi32>
    %gather3A_2299 = arith.constant 18 : i32
    %gather3A_2300 = arith.constant 0 : i32
    %gather3A_2301 = arith.constant 0 : i32
    %gather3A_2302 = tpu.memref_slice %arg6[%gather3A_2299, %gather3A_2300, %gather3A_2301] : memref<32x16x128xf32, #tpu.memory_space<vmem>> -> memref<1x16x128xf32, #tpu.memory_space<vmem>>
    %gather3A_2303 = tpu.memref_squeeze %gather3A_2302 : memref<1x16x128xf32, #tpu.memory_space<vmem>> -> memref<16x128xf32, #tpu.memory_space<vmem>>
    %gather3A_2304 = tpu.vector_load_idx %gather3A_2303[%iota3A, %mul3A_2298] : memref<16x128xf32, #tpu.memory_space<vmem>>[vector<16xi32>, vector<16xi32>], vector<16xf32>,
    %broadcast_in_dim3A_2305 = arith.constant 18 : i32
    %broadcast_in_dim3A_2306 = vector.broadcast %broadcast_in_dim3A_2305 : i32 to vector<16xi32>
    tpu.vector_store_idx %arg7[%broadcast_in_dim3A_2306, %iota3A], %gather3A_2304 : memref<32x17xf32, #tpu.memory_space<vmem>>[vector<16xi32>, vector<16xi32>], vector<16xf32>,
    %dma_wait3A_2307 = arith.constant 19 : i32
    %dma_wait3A_2308 = arith.constant 0 : i32
    %dma_wait3A_2309 = arith.constant 0 : i32
    %dma_wait3A_2310 = tpu.memref_slice %arg6[%dma_wait3A_2307, %dma_wait3A_2308, %dma_wait3A_2309] : memref<32x16x128xf32, #tpu.memory_space<vmem>> -> memref<1x16x128xf32, #tpu.memory_space<vmem>>
    %dma_wait3A_2311 = tpu.memref_squeeze %dma_wait3A_2310 : memref<1x16x128xf32, #tpu.memory_space<vmem>> -> memref<16x128xf32, #tpu.memory_space<vmem>>
    %dma_wait3A_2312 = arith.constant 0 : i32
    %dma_wait3A_2313 = tpu.memref_slice %arg2[%dma_wait3A_2312, %multiple_of3A_941] : memref<16x100000xf32, #tpu.memory_space<hbm>> -> memref<16x128xf32, #tpu.memory_space<hbm>>
    %dma_wait3A_2314 = arith.constant 0 : i32
    %dma_wait3A_2315 = arith.constant 0 : i32
    %dma_wait3A_2316 = tpu.memref_slice %arg6[%dma_wait3A_2307, %dma_wait3A_2314, %dma_wait3A_2315] : memref<32x16x128xf32, #tpu.memory_space<vmem>> -> memref<1x16x128xf32, #tpu.memory_space<vmem>>
    %dma_wait3A_2317 = tpu.memref_squeeze %dma_wait3A_2316 : memref<1x16x128xf32, #tpu.memory_space<vmem>> -> memref<16x128xf32, #tpu.memory_space<vmem>>
    %dma_wait3A_2318 = arith.constant 0 : i32
    %dma_wait3A_2319 = tpu.memref_slice %arg2[%dma_wait3A_2318, %multiple_of3A_941] : memref<16x100000xf32, #tpu.memory_space<hbm>> -> memref<16x128xf32, #tpu.memory_space<hbm>>
    tpu.wait_dma2 semaphore(%arg8 : memref<!tpu.dma_semaphore, #tpu.memory_space<semaphore_mem>>) src(%dma_wait3A_2319 : memref<16x128xf32, #tpu.memory_space<hbm>>) dst(%dma_wait3A_2317 : memref<16x128xf32, #tpu.memory_space<vmem>>)
    %broadcast_in_dim3A_2320 = arith.constant 1 : i32
    %broadcast_in_dim3A_2321 = vector.broadcast %broadcast_in_dim3A_2320 : i32 to vector<16xi32>
    %jit3A_2322 = arith.constant 128 : i32
    %eq3A_2323 = arith.constant 0 : i32
    %eq3A_2324 = arith.cmpi eq, %jit3A_2322, %eq3A_2323 : i32
    %jit3A_2325 = arith.constant 1 : i32
    %select_n3A_2326 = arith.select %eq3A_2324, %jit3A_2325, %jit3A_2322 : i32
    %rem3A_2327 = arith.remsi %reduce_sum3A_914, %select_n3A_2326 : i32
    %ne3A_2328 = arith.constant 0 : i32
    %ne3A_2329 = arith.cmpi ne, %rem3A_2327, %ne3A_2328 : i32
    %lt3A_2330 = arith.constant 0 : i32
    %lt3A_2331 = arith.cmpi slt, %rem3A_2327, %lt3A_2330 : i32
    %lt3A_2332 = arith.constant 0 : i32
    %lt3A_2333 = arith.cmpi slt, %select_n3A_2326, %lt3A_2332 : i32
    %ne3A_2334 = arith.xori %lt3A_2331, %lt3A_2333 : i1
    %and3A_2335 = arith.andi %ne3A_2334, %ne3A_2329 : i1
    %add3A_2336 = arith.addi %rem3A_2327, %select_n3A_2326 : i32
    %select_n3A_2337 = arith.select %and3A_2335, %add3A_2336, %rem3A_2327 : i32
    %mul3A_2338 = vector.broadcast %select_n3A_2337 : i32 to vector<16xi32>
    %mul3A_2339 = arith.muli %broadcast_in_dim3A_2321, %mul3A_2338 : vector<16xi32>
    %gather3A_2340 = arith.constant 19 : i32
    %gather3A_2341 = arith.constant 0 : i32
    %gather3A_2342 = arith.constant 0 : i32
    %gather3A_2343 = tpu.memref_slice %arg6[%gather3A_2340, %gather3A_2341, %gather3A_2342] : memref<32x16x128xf32, #tpu.memory_space<vmem>> -> memref<1x16x128xf32, #tpu.memory_space<vmem>>
    %gather3A_2344 = tpu.memref_squeeze %gather3A_2343 : memref<1x16x128xf32, #tpu.memory_space<vmem>> -> memref<16x128xf32, #tpu.memory_space<vmem>>
    %gather3A_2345 = tpu.vector_load_idx %gather3A_2344[%iota3A, %mul3A_2339] : memref<16x128xf32, #tpu.memory_space<vmem>>[vector<16xi32>, vector<16xi32>], vector<16xf32>,
    %broadcast_in_dim3A_2346 = arith.constant 19 : i32
    %broadcast_in_dim3A_2347 = vector.broadcast %broadcast_in_dim3A_2346 : i32 to vector<16xi32>
    tpu.vector_store_idx %arg7[%broadcast_in_dim3A_2347, %iota3A], %gather3A_2345 : memref<32x17xf32, #tpu.memory_space<vmem>>[vector<16xi32>, vector<16xi32>], vector<16xf32>,
    %dma_wait3A_2348 = arith.constant 20 : i32
    %dma_wait3A_2349 = arith.constant 0 : i32
    %dma_wait3A_2350 = arith.constant 0 : i32
    %dma_wait3A_2351 = tpu.memref_slice %arg6[%dma_wait3A_2348, %dma_wait3A_2349, %dma_wait3A_2350] : memref<32x16x128xf32, #tpu.memory_space<vmem>> -> memref<1x16x128xf32, #tpu.memory_space<vmem>>
    %dma_wait3A_2352 = tpu.memref_squeeze %dma_wait3A_2351 : memref<1x16x128xf32, #tpu.memory_space<vmem>> -> memref<16x128xf32, #tpu.memory_space<vmem>>
    %dma_wait3A_2353 = arith.constant 0 : i32
    %dma_wait3A_2354 = tpu.memref_slice %arg2[%dma_wait3A_2353, %multiple_of3A_989] : memref<16x100000xf32, #tpu.memory_space<hbm>> -> memref<16x128xf32, #tpu.memory_space<hbm>>
    %dma_wait3A_2355 = arith.constant 0 : i32
    %dma_wait3A_2356 = arith.constant 0 : i32
    %dma_wait3A_2357 = tpu.memref_slice %arg6[%dma_wait3A_2348, %dma_wait3A_2355, %dma_wait3A_2356] : memref<32x16x128xf32, #tpu.memory_space<vmem>> -> memref<1x16x128xf32, #tpu.memory_space<vmem>>
    %dma_wait3A_2358 = tpu.memref_squeeze %dma_wait3A_2357 : memref<1x16x128xf32, #tpu.memory_space<vmem>> -> memref<16x128xf32, #tpu.memory_space<vmem>>
    %dma_wait3A_2359 = arith.constant 0 : i32
    %dma_wait3A_2360 = tpu.memref_slice %arg2[%dma_wait3A_2359, %multiple_of3A_989] : memref<16x100000xf32, #tpu.memory_space<hbm>> -> memref<16x128xf32, #tpu.memory_space<hbm>>
    tpu.wait_dma2 semaphore(%arg8 : memref<!tpu.dma_semaphore, #tpu.memory_space<semaphore_mem>>) src(%dma_wait3A_2360 : memref<16x128xf32, #tpu.memory_space<hbm>>) dst(%dma_wait3A_2358 : memref<16x128xf32, #tpu.memory_space<vmem>>)
    %broadcast_in_dim3A_2361 = arith.constant 1 : i32
    %broadcast_in_dim3A_2362 = vector.broadcast %broadcast_in_dim3A_2361 : i32 to vector<16xi32>
    %jit3A_2363 = arith.constant 128 : i32
    %eq3A_2364 = arith.constant 0 : i32
    %eq3A_2365 = arith.cmpi eq, %jit3A_2363, %eq3A_2364 : i32
    %jit3A_2366 = arith.constant 1 : i32
    %select_n3A_2367 = arith.select %eq3A_2365, %jit3A_2366, %jit3A_2363 : i32
    %rem3A_2368 = arith.remsi %reduce_sum3A_962, %select_n3A_2367 : i32
    %ne3A_2369 = arith.constant 0 : i32
    %ne3A_2370 = arith.cmpi ne, %rem3A_2368, %ne3A_2369 : i32
    %lt3A_2371 = arith.constant 0 : i32
    %lt3A_2372 = arith.cmpi slt, %rem3A_2368, %lt3A_2371 : i32
    %lt3A_2373 = arith.constant 0 : i32
    %lt3A_2374 = arith.cmpi slt, %select_n3A_2367, %lt3A_2373 : i32
    %ne3A_2375 = arith.xori %lt3A_2372, %lt3A_2374 : i1
    %and3A_2376 = arith.andi %ne3A_2375, %ne3A_2370 : i1
    %add3A_2377 = arith.addi %rem3A_2368, %select_n3A_2367 : i32
    %select_n3A_2378 = arith.select %and3A_2376, %add3A_2377, %rem3A_2368 : i32
    %mul3A_2379 = vector.broadcast %select_n3A_2378 : i32 to vector<16xi32>
    %mul3A_2380 = arith.muli %broadcast_in_dim3A_2362, %mul3A_2379 : vector<16xi32>
    %gather3A_2381 = arith.constant 20 : i32
    %gather3A_2382 = arith.constant 0 : i32
    %gather3A_2383 = arith.constant 0 : i32
    %gather3A_2384 = tpu.memref_slice %arg6[%gather3A_2381, %gather3A_2382, %gather3A_2383] : memref<32x16x128xf32, #tpu.memory_space<vmem>> -> memref<1x16x128xf32, #tpu.memory_space<vmem>>
    %gather3A_2385 = tpu.memref_squeeze %gather3A_2384 : memref<1x16x128xf32, #tpu.memory_space<vmem>> -> memref<16x128xf32, #tpu.memory_space<vmem>>
    %gather3A_2386 = tpu.vector_load_idx %gather3A_2385[%iota3A, %mul3A_2380] : memref<16x128xf32, #tpu.memory_space<vmem>>[vector<16xi32>, vector<16xi32>], vector<16xf32>,
    %broadcast_in_dim3A_2387 = arith.constant 20 : i32
    %broadcast_in_dim3A_2388 = vector.broadcast %broadcast_in_dim3A_2387 : i32 to vector<16xi32>
    tpu.vector_store_idx %arg7[%broadcast_in_dim3A_2388, %iota3A], %gather3A_2386 : memref<32x17xf32, #tpu.memory_space<vmem>>[vector<16xi32>, vector<16xi32>], vector<16xf32>,
    %dma_wait3A_2389 = arith.constant 21 : i32
    %dma_wait3A_2390 = arith.constant 0 : i32
    %dma_wait3A_2391 = arith.constant 0 : i32
    %dma_wait3A_2392 = tpu.memref_slice %arg6[%dma_wait3A_2389, %dma_wait3A_2390, %dma_wait3A_2391] : memref<32x16x128xf32, #tpu.memory_space<vmem>> -> memref<1x16x128xf32, #tpu.memory_space<vmem>>
    %dma_wait3A_2393 = tpu.memref_squeeze %dma_wait3A_2392 : memref<1x16x128xf32, #tpu.memory_space<vmem>> -> memref<16x128xf32, #tpu.memory_space<vmem>>
    %dma_wait3A_2394 = arith.constant 0 : i32
    %dma_wait3A_2395 = tpu.memref_slice %arg2[%dma_wait3A_2394, %multiple_of3A_1037] : memref<16x100000xf32, #tpu.memory_space<hbm>> -> memref<16x128xf32, #tpu.memory_space<hbm>>
    %dma_wait3A_2396 = arith.constant 0 : i32
    %dma_wait3A_2397 = arith.constant 0 : i32
    %dma_wait3A_2398 = tpu.memref_slice %arg6[%dma_wait3A_2389, %dma_wait3A_2396, %dma_wait3A_2397] : memref<32x16x128xf32, #tpu.memory_space<vmem>> -> memref<1x16x128xf32, #tpu.memory_space<vmem>>
    %dma_wait3A_2399 = tpu.memref_squeeze %dma_wait3A_2398 : memref<1x16x128xf32, #tpu.memory_space<vmem>> -> memref<16x128xf32, #tpu.memory_space<vmem>>
    %dma_wait3A_2400 = arith.constant 0 : i32
    %dma_wait3A_2401 = tpu.memref_slice %arg2[%dma_wait3A_2400, %multiple_of3A_1037] : memref<16x100000xf32, #tpu.memory_space<hbm>> -> memref<16x128xf32, #tpu.memory_space<hbm>>
    tpu.wait_dma2 semaphore(%arg8 : memref<!tpu.dma_semaphore, #tpu.memory_space<semaphore_mem>>) src(%dma_wait3A_2401 : memref<16x128xf32, #tpu.memory_space<hbm>>) dst(%dma_wait3A_2399 : memref<16x128xf32, #tpu.memory_space<vmem>>)
    %broadcast_in_dim3A_2402 = arith.constant 1 : i32
    %broadcast_in_dim3A_2403 = vector.broadcast %broadcast_in_dim3A_2402 : i32 to vector<16xi32>
    %jit3A_2404 = arith.constant 128 : i32
    %eq3A_2405 = arith.constant 0 : i32
    %eq3A_2406 = arith.cmpi eq, %jit3A_2404, %eq3A_2405 : i32
    %jit3A_2407 = arith.constant 1 : i32
    %select_n3A_2408 = arith.select %eq3A_2406, %jit3A_2407, %jit3A_2404 : i32
    %rem3A_2409 = arith.remsi %reduce_sum3A_1010, %select_n3A_2408 : i32
    %ne3A_2410 = arith.constant 0 : i32
    %ne3A_2411 = arith.cmpi ne, %rem3A_2409, %ne3A_2410 : i32
    %lt3A_2412 = arith.constant 0 : i32
    %lt3A_2413 = arith.cmpi slt, %rem3A_2409, %lt3A_2412 : i32
    %lt3A_2414 = arith.constant 0 : i32
    %lt3A_2415 = arith.cmpi slt, %select_n3A_2408, %lt3A_2414 : i32
    %ne3A_2416 = arith.xori %lt3A_2413, %lt3A_2415 : i1
    %and3A_2417 = arith.andi %ne3A_2416, %ne3A_2411 : i1
    %add3A_2418 = arith.addi %rem3A_2409, %select_n3A_2408 : i32
    %select_n3A_2419 = arith.select %and3A_2417, %add3A_2418, %rem3A_2409 : i32
    %mul3A_2420 = vector.broadcast %select_n3A_2419 : i32 to vector<16xi32>
    %mul3A_2421 = arith.muli %broadcast_in_dim3A_2403, %mul3A_2420 : vector<16xi32>
    %gather3A_2422 = arith.constant 21 : i32
    %gather3A_2423 = arith.constant 0 : i32
    %gather3A_2424 = arith.constant 0 : i32
    %gather3A_2425 = tpu.memref_slice %arg6[%gather3A_2422, %gather3A_2423, %gather3A_2424] : memref<32x16x128xf32, #tpu.memory_space<vmem>> -> memref<1x16x128xf32, #tpu.memory_space<vmem>>
    %gather3A_2426 = tpu.memref_squeeze %gather3A_2425 : memref<1x16x128xf32, #tpu.memory_space<vmem>> -> memref<16x128xf32, #tpu.memory_space<vmem>>
    %gather3A_2427 = tpu.vector_load_idx %gather3A_2426[%iota3A, %mul3A_2421] : memref<16x128xf32, #tpu.memory_space<vmem>>[vector<16xi32>, vector<16xi32>], vector<16xf32>,
    %broadcast_in_dim3A_2428 = arith.constant 21 : i32
    %broadcast_in_dim3A_2429 = vector.broadcast %broadcast_in_dim3A_2428 : i32 to vector<16xi32>
    tpu.vector_store_idx %arg7[%broadcast_in_dim3A_2429, %iota3A], %gather3A_2427 : memref<32x17xf32, #tpu.memory_space<vmem>>[vector<16xi32>, vector<16xi32>], vector<16xf32>,
    %dma_wait3A_2430 = arith.constant 22 : i32
    %dma_wait3A_2431 = arith.constant 0 : i32
    %dma_wait3A_2432 = arith.constant 0 : i32
    %dma_wait3A_2433 = tpu.memref_slice %arg6[%dma_wait3A_2430, %dma_wait3A_2431, %dma_wait3A_2432] : memref<32x16x128xf32, #tpu.memory_space<vmem>> -> memref<1x16x128xf32, #tpu.memory_space<vmem>>
    %dma_wait3A_2434 = tpu.memref_squeeze %dma_wait3A_2433 : memref<1x16x128xf32, #tpu.memory_space<vmem>> -> memref<16x128xf32, #tpu.memory_space<vmem>>
    %dma_wait3A_2435 = arith.constant 0 : i32
    %dma_wait3A_2436 = tpu.memref_slice %arg2[%dma_wait3A_2435, %multiple_of3A_1085] : memref<16x100000xf32, #tpu.memory_space<hbm>> -> memref<16x128xf32, #tpu.memory_space<hbm>>
    %dma_wait3A_2437 = arith.constant 0 : i32
    %dma_wait3A_2438 = arith.constant 0 : i32
    %dma_wait3A_2439 = tpu.memref_slice %arg6[%dma_wait3A_2430, %dma_wait3A_2437, %dma_wait3A_2438] : memref<32x16x128xf32, #tpu.memory_space<vmem>> -> memref<1x16x128xf32, #tpu.memory_space<vmem>>
    %dma_wait3A_2440 = tpu.memref_squeeze %dma_wait3A_2439 : memref<1x16x128xf32, #tpu.memory_space<vmem>> -> memref<16x128xf32, #tpu.memory_space<vmem>>
    %dma_wait3A_2441 = arith.constant 0 : i32
    %dma_wait3A_2442 = tpu.memref_slice %arg2[%dma_wait3A_2441, %multiple_of3A_1085] : memref<16x100000xf32, #tpu.memory_space<hbm>> -> memref<16x128xf32, #tpu.memory_space<hbm>>
    tpu.wait_dma2 semaphore(%arg8 : memref<!tpu.dma_semaphore, #tpu.memory_space<semaphore_mem>>) src(%dma_wait3A_2442 : memref<16x128xf32, #tpu.memory_space<hbm>>) dst(%dma_wait3A_2440 : memref<16x128xf32, #tpu.memory_space<vmem>>)
    %broadcast_in_dim3A_2443 = arith.constant 1 : i32
    %broadcast_in_dim3A_2444 = vector.broadcast %broadcast_in_dim3A_2443 : i32 to vector<16xi32>
    %jit3A_2445 = arith.constant 128 : i32
    %eq3A_2446 = arith.constant 0 : i32
    %eq3A_2447 = arith.cmpi eq, %jit3A_2445, %eq3A_2446 : i32
    %jit3A_2448 = arith.constant 1 : i32
    %select_n3A_2449 = arith.select %eq3A_2447, %jit3A_2448, %jit3A_2445 : i32
    %rem3A_2450 = arith.remsi %reduce_sum3A_1058, %select_n3A_2449 : i32
    %ne3A_2451 = arith.constant 0 : i32
    %ne3A_2452 = arith.cmpi ne, %rem3A_2450, %ne3A_2451 : i32
    %lt3A_2453 = arith.constant 0 : i32
    %lt3A_2454 = arith.cmpi slt, %rem3A_2450, %lt3A_2453 : i32
    %lt3A_2455 = arith.constant 0 : i32
    %lt3A_2456 = arith.cmpi slt, %select_n3A_2449, %lt3A_2455 : i32
    %ne3A_2457 = arith.xori %lt3A_2454, %lt3A_2456 : i1
    %and3A_2458 = arith.andi %ne3A_2457, %ne3A_2452 : i1
    %add3A_2459 = arith.addi %rem3A_2450, %select_n3A_2449 : i32
    %select_n3A_2460 = arith.select %and3A_2458, %add3A_2459, %rem3A_2450 : i32
    %mul3A_2461 = vector.broadcast %select_n3A_2460 : i32 to vector<16xi32>
    %mul3A_2462 = arith.muli %broadcast_in_dim3A_2444, %mul3A_2461 : vector<16xi32>
    %gather3A_2463 = arith.constant 22 : i32
    %gather3A_2464 = arith.constant 0 : i32
    %gather3A_2465 = arith.constant 0 : i32
    %gather3A_2466 = tpu.memref_slice %arg6[%gather3A_2463, %gather3A_2464, %gather3A_2465] : memref<32x16x128xf32, #tpu.memory_space<vmem>> -> memref<1x16x128xf32, #tpu.memory_space<vmem>>
    %gather3A_2467 = tpu.memref_squeeze %gather3A_2466 : memref<1x16x128xf32, #tpu.memory_space<vmem>> -> memref<16x128xf32, #tpu.memory_space<vmem>>
    %gather3A_2468 = tpu.vector_load_idx %gather3A_2467[%iota3A, %mul3A_2462] : memref<16x128xf32, #tpu.memory_space<vmem>>[vector<16xi32>, vector<16xi32>], vector<16xf32>,
    %broadcast_in_dim3A_2469 = arith.constant 22 : i32
    %broadcast_in_dim3A_2470 = vector.broadcast %broadcast_in_dim3A_2469 : i32 to vector<16xi32>
    tpu.vector_store_idx %arg7[%broadcast_in_dim3A_2470, %iota3A], %gather3A_2468 : memref<32x17xf32, #tpu.memory_space<vmem>>[vector<16xi32>, vector<16xi32>], vector<16xf32>,
    %dma_wait3A_2471 = arith.constant 23 : i32
    %dma_wait3A_2472 = arith.constant 0 : i32
    %dma_wait3A_2473 = arith.constant 0 : i32
    %dma_wait3A_2474 = tpu.memref_slice %arg6[%dma_wait3A_2471, %dma_wait3A_2472, %dma_wait3A_2473] : memref<32x16x128xf32, #tpu.memory_space<vmem>> -> memref<1x16x128xf32, #tpu.memory_space<vmem>>
    %dma_wait3A_2475 = tpu.memref_squeeze %dma_wait3A_2474 : memref<1x16x128xf32, #tpu.memory_space<vmem>> -> memref<16x128xf32, #tpu.memory_space<vmem>>
    %dma_wait3A_2476 = arith.constant 0 : i32
    %dma_wait3A_2477 = tpu.memref_slice %arg2[%dma_wait3A_2476, %multiple_of3A_1133] : memref<16x100000xf32, #tpu.memory_space<hbm>> -> memref<16x128xf32, #tpu.memory_space<hbm>>
    %dma_wait3A_2478 = arith.constant 0 : i32
    %dma_wait3A_2479 = arith.constant 0 : i32
    %dma_wait3A_2480 = tpu.memref_slice %arg6[%dma_wait3A_2471, %dma_wait3A_2478, %dma_wait3A_2479] : memref<32x16x128xf32, #tpu.memory_space<vmem>> -> memref<1x16x128xf32, #tpu.memory_space<vmem>>
    %dma_wait3A_2481 = tpu.memref_squeeze %dma_wait3A_2480 : memref<1x16x128xf32, #tpu.memory_space<vmem>> -> memref<16x128xf32, #tpu.memory_space<vmem>>
    %dma_wait3A_2482 = arith.constant 0 : i32
    %dma_wait3A_2483 = tpu.memref_slice %arg2[%dma_wait3A_2482, %multiple_of3A_1133] : memref<16x100000xf32, #tpu.memory_space<hbm>> -> memref<16x128xf32, #tpu.memory_space<hbm>>
    tpu.wait_dma2 semaphore(%arg8 : memref<!tpu.dma_semaphore, #tpu.memory_space<semaphore_mem>>) src(%dma_wait3A_2483 : memref<16x128xf32, #tpu.memory_space<hbm>>) dst(%dma_wait3A_2481 : memref<16x128xf32, #tpu.memory_space<vmem>>)
    %broadcast_in_dim3A_2484 = arith.constant 1 : i32
    %broadcast_in_dim3A_2485 = vector.broadcast %broadcast_in_dim3A_2484 : i32 to vector<16xi32>
    %jit3A_2486 = arith.constant 128 : i32
    %eq3A_2487 = arith.constant 0 : i32
    %eq3A_2488 = arith.cmpi eq, %jit3A_2486, %eq3A_2487 : i32
    %jit3A_2489 = arith.constant 1 : i32
    %select_n3A_2490 = arith.select %eq3A_2488, %jit3A_2489, %jit3A_2486 : i32
    %rem3A_2491 = arith.remsi %reduce_sum3A_1106, %select_n3A_2490 : i32
    %ne3A_2492 = arith.constant 0 : i32
    %ne3A_2493 = arith.cmpi ne, %rem3A_2491, %ne3A_2492 : i32
    %lt3A_2494 = arith.constant 0 : i32
    %lt3A_2495 = arith.cmpi slt, %rem3A_2491, %lt3A_2494 : i32
    %lt3A_2496 = arith.constant 0 : i32
    %lt3A_2497 = arith.cmpi slt, %select_n3A_2490, %lt3A_2496 : i32
    %ne3A_2498 = arith.xori %lt3A_2495, %lt3A_2497 : i1
    %and3A_2499 = arith.andi %ne3A_2498, %ne3A_2493 : i1
    %add3A_2500 = arith.addi %rem3A_2491, %select_n3A_2490 : i32
    %select_n3A_2501 = arith.select %and3A_2499, %add3A_2500, %rem3A_2491 : i32
    %mul3A_2502 = vector.broadcast %select_n3A_2501 : i32 to vector<16xi32>
    %mul3A_2503 = arith.muli %broadcast_in_dim3A_2485, %mul3A_2502 : vector<16xi32>
    %gather3A_2504 = arith.constant 23 : i32
    %gather3A_2505 = arith.constant 0 : i32
    %gather3A_2506 = arith.constant 0 : i32
    %gather3A_2507 = tpu.memref_slice %arg6[%gather3A_2504, %gather3A_2505, %gather3A_2506] : memref<32x16x128xf32, #tpu.memory_space<vmem>> -> memref<1x16x128xf32, #tpu.memory_space<vmem>>
    %gather3A_2508 = tpu.memref_squeeze %gather3A_2507 : memref<1x16x128xf32, #tpu.memory_space<vmem>> -> memref<16x128xf32, #tpu.memory_space<vmem>>
    %gather3A_2509 = tpu.vector_load_idx %gather3A_2508[%iota3A, %mul3A_2503] : memref<16x128xf32, #tpu.memory_space<vmem>>[vector<16xi32>, vector<16xi32>], vector<16xf32>,
    %broadcast_in_dim3A_2510 = arith.constant 23 : i32
    %broadcast_in_dim3A_2511 = vector.broadcast %broadcast_in_dim3A_2510 : i32 to vector<16xi32>
    tpu.vector_store_idx %arg7[%broadcast_in_dim3A_2511, %iota3A], %gather3A_2509 : memref<32x17xf32, #tpu.memory_space<vmem>>[vector<16xi32>, vector<16xi32>], vector<16xf32>,
    %dma_wait3A_2512 = arith.constant 24 : i32
    %dma_wait3A_2513 = arith.constant 0 : i32
    %dma_wait3A_2514 = arith.constant 0 : i32
    %dma_wait3A_2515 = tpu.memref_slice %arg6[%dma_wait3A_2512, %dma_wait3A_2513, %dma_wait3A_2514] : memref<32x16x128xf32, #tpu.memory_space<vmem>> -> memref<1x16x128xf32, #tpu.memory_space<vmem>>
    %dma_wait3A_2516 = tpu.memref_squeeze %dma_wait3A_2515 : memref<1x16x128xf32, #tpu.memory_space<vmem>> -> memref<16x128xf32, #tpu.memory_space<vmem>>
    %dma_wait3A_2517 = arith.constant 0 : i32
    %dma_wait3A_2518 = tpu.memref_slice %arg2[%dma_wait3A_2517, %multiple_of3A_1181] : memref<16x100000xf32, #tpu.memory_space<hbm>> -> memref<16x128xf32, #tpu.memory_space<hbm>>
    %dma_wait3A_2519 = arith.constant 0 : i32
    %dma_wait3A_2520 = arith.constant 0 : i32
    %dma_wait3A_2521 = tpu.memref_slice %arg6[%dma_wait3A_2512, %dma_wait3A_2519, %dma_wait3A_2520] : memref<32x16x128xf32, #tpu.memory_space<vmem>> -> memref<1x16x128xf32, #tpu.memory_space<vmem>>
    %dma_wait3A_2522 = tpu.memref_squeeze %dma_wait3A_2521 : memref<1x16x128xf32, #tpu.memory_space<vmem>> -> memref<16x128xf32, #tpu.memory_space<vmem>>
    %dma_wait3A_2523 = arith.constant 0 : i32
    %dma_wait3A_2524 = tpu.memref_slice %arg2[%dma_wait3A_2523, %multiple_of3A_1181] : memref<16x100000xf32, #tpu.memory_space<hbm>> -> memref<16x128xf32, #tpu.memory_space<hbm>>
    tpu.wait_dma2 semaphore(%arg8 : memref<!tpu.dma_semaphore, #tpu.memory_space<semaphore_mem>>) src(%dma_wait3A_2524 : memref<16x128xf32, #tpu.memory_space<hbm>>) dst(%dma_wait3A_2522 : memref<16x128xf32, #tpu.memory_space<vmem>>)
    %broadcast_in_dim3A_2525 = arith.constant 1 : i32
    %broadcast_in_dim3A_2526 = vector.broadcast %broadcast_in_dim3A_2525 : i32 to vector<16xi32>
    %jit3A_2527 = arith.constant 128 : i32
    %eq3A_2528 = arith.constant 0 : i32
    %eq3A_2529 = arith.cmpi eq, %jit3A_2527, %eq3A_2528 : i32
    %jit3A_2530 = arith.constant 1 : i32
    %select_n3A_2531 = arith.select %eq3A_2529, %jit3A_2530, %jit3A_2527 : i32
    %rem3A_2532 = arith.remsi %reduce_sum3A_1154, %select_n3A_2531 : i32
    %ne3A_2533 = arith.constant 0 : i32
    %ne3A_2534 = arith.cmpi ne, %rem3A_2532, %ne3A_2533 : i32
    %lt3A_2535 = arith.constant 0 : i32
    %lt3A_2536 = arith.cmpi slt, %rem3A_2532, %lt3A_2535 : i32
    %lt3A_2537 = arith.constant 0 : i32
    %lt3A_2538 = arith.cmpi slt, %select_n3A_2531, %lt3A_2537 : i32
    %ne3A_2539 = arith.xori %lt3A_2536, %lt3A_2538 : i1
    %and3A_2540 = arith.andi %ne3A_2539, %ne3A_2534 : i1
    %add3A_2541 = arith.addi %rem3A_2532, %select_n3A_2531 : i32
    %select_n3A_2542 = arith.select %and3A_2540, %add3A_2541, %rem3A_2532 : i32
    %mul3A_2543 = vector.broadcast %select_n3A_2542 : i32 to vector<16xi32>
    %mul3A_2544 = arith.muli %broadcast_in_dim3A_2526, %mul3A_2543 : vector<16xi32>
    %gather3A_2545 = arith.constant 24 : i32
    %gather3A_2546 = arith.constant 0 : i32
    %gather3A_2547 = arith.constant 0 : i32
    %gather3A_2548 = tpu.memref_slice %arg6[%gather3A_2545, %gather3A_2546, %gather3A_2547] : memref<32x16x128xf32, #tpu.memory_space<vmem>> -> memref<1x16x128xf32, #tpu.memory_space<vmem>>
    %gather3A_2549 = tpu.memref_squeeze %gather3A_2548 : memref<1x16x128xf32, #tpu.memory_space<vmem>> -> memref<16x128xf32, #tpu.memory_space<vmem>>
    %gather3A_2550 = tpu.vector_load_idx %gather3A_2549[%iota3A, %mul3A_2544] : memref<16x128xf32, #tpu.memory_space<vmem>>[vector<16xi32>, vector<16xi32>], vector<16xf32>,
    %broadcast_in_dim3A_2551 = arith.constant 24 : i32
    %broadcast_in_dim3A_2552 = vector.broadcast %broadcast_in_dim3A_2551 : i32 to vector<16xi32>
    tpu.vector_store_idx %arg7[%broadcast_in_dim3A_2552, %iota3A], %gather3A_2550 : memref<32x17xf32, #tpu.memory_space<vmem>>[vector<16xi32>, vector<16xi32>], vector<16xf32>,
    %dma_wait3A_2553 = arith.constant 25 : i32
    %dma_wait3A_2554 = arith.constant 0 : i32
    %dma_wait3A_2555 = arith.constant 0 : i32
    %dma_wait3A_2556 = tpu.memref_slice %arg6[%dma_wait3A_2553, %dma_wait3A_2554, %dma_wait3A_2555] : memref<32x16x128xf32, #tpu.memory_space<vmem>> -> memref<1x16x128xf32, #tpu.memory_space<vmem>>
    %dma_wait3A_2557 = tpu.memref_squeeze %dma_wait3A_2556 : memref<1x16x128xf32, #tpu.memory_space<vmem>> -> memref<16x128xf32, #tpu.memory_space<vmem>>
    %dma_wait3A_2558 = arith.constant 0 : i32
    %dma_wait3A_2559 = tpu.memref_slice %arg2[%dma_wait3A_2558, %multiple_of3A_1229] : memref<16x100000xf32, #tpu.memory_space<hbm>> -> memref<16x128xf32, #tpu.memory_space<hbm>>
    %dma_wait3A_2560 = arith.constant 0 : i32
    %dma_wait3A_2561 = arith.constant 0 : i32
    %dma_wait3A_2562 = tpu.memref_slice %arg6[%dma_wait3A_2553, %dma_wait3A_2560, %dma_wait3A_2561] : memref<32x16x128xf32, #tpu.memory_space<vmem>> -> memref<1x16x128xf32, #tpu.memory_space<vmem>>
    %dma_wait3A_2563 = tpu.memref_squeeze %dma_wait3A_2562 : memref<1x16x128xf32, #tpu.memory_space<vmem>> -> memref<16x128xf32, #tpu.memory_space<vmem>>
    %dma_wait3A_2564 = arith.constant 0 : i32
    %dma_wait3A_2565 = tpu.memref_slice %arg2[%dma_wait3A_2564, %multiple_of3A_1229] : memref<16x100000xf32, #tpu.memory_space<hbm>> -> memref<16x128xf32, #tpu.memory_space<hbm>>
    tpu.wait_dma2 semaphore(%arg8 : memref<!tpu.dma_semaphore, #tpu.memory_space<semaphore_mem>>) src(%dma_wait3A_2565 : memref<16x128xf32, #tpu.memory_space<hbm>>) dst(%dma_wait3A_2563 : memref<16x128xf32, #tpu.memory_space<vmem>>)
    %broadcast_in_dim3A_2566 = arith.constant 1 : i32
    %broadcast_in_dim3A_2567 = vector.broadcast %broadcast_in_dim3A_2566 : i32 to vector<16xi32>
    %jit3A_2568 = arith.constant 128 : i32
    %eq3A_2569 = arith.constant 0 : i32
    %eq3A_2570 = arith.cmpi eq, %jit3A_2568, %eq3A_2569 : i32
    %jit3A_2571 = arith.constant 1 : i32
    %select_n3A_2572 = arith.select %eq3A_2570, %jit3A_2571, %jit3A_2568 : i32
    %rem3A_2573 = arith.remsi %reduce_sum3A_1202, %select_n3A_2572 : i32
    %ne3A_2574 = arith.constant 0 : i32
    %ne3A_2575 = arith.cmpi ne, %rem3A_2573, %ne3A_2574 : i32
    %lt3A_2576 = arith.constant 0 : i32
    %lt3A_2577 = arith.cmpi slt, %rem3A_2573, %lt3A_2576 : i32
    %lt3A_2578 = arith.constant 0 : i32
    %lt3A_2579 = arith.cmpi slt, %select_n3A_2572, %lt3A_2578 : i32
    %ne3A_2580 = arith.xori %lt3A_2577, %lt3A_2579 : i1
    %and3A_2581 = arith.andi %ne3A_2580, %ne3A_2575 : i1
    %add3A_2582 = arith.addi %rem3A_2573, %select_n3A_2572 : i32
    %select_n3A_2583 = arith.select %and3A_2581, %add3A_2582, %rem3A_2573 : i32
    %mul3A_2584 = vector.broadcast %select_n3A_2583 : i32 to vector<16xi32>
    %mul3A_2585 = arith.muli %broadcast_in_dim3A_2567, %mul3A_2584 : vector<16xi32>
    %gather3A_2586 = arith.constant 25 : i32
    %gather3A_2587 = arith.constant 0 : i32
    %gather3A_2588 = arith.constant 0 : i32
    %gather3A_2589 = tpu.memref_slice %arg6[%gather3A_2586, %gather3A_2587, %gather3A_2588] : memref<32x16x128xf32, #tpu.memory_space<vmem>> -> memref<1x16x128xf32, #tpu.memory_space<vmem>>
    %gather3A_2590 = tpu.memref_squeeze %gather3A_2589 : memref<1x16x128xf32, #tpu.memory_space<vmem>> -> memref<16x128xf32, #tpu.memory_space<vmem>>
    %gather3A_2591 = tpu.vector_load_idx %gather3A_2590[%iota3A, %mul3A_2585] : memref<16x128xf32, #tpu.memory_space<vmem>>[vector<16xi32>, vector<16xi32>], vector<16xf32>,
    %broadcast_in_dim3A_2592 = arith.constant 25 : i32
    %broadcast_in_dim3A_2593 = vector.broadcast %broadcast_in_dim3A_2592 : i32 to vector<16xi32>
    tpu.vector_store_idx %arg7[%broadcast_in_dim3A_2593, %iota3A], %gather3A_2591 : memref<32x17xf32, #tpu.memory_space<vmem>>[vector<16xi32>, vector<16xi32>], vector<16xf32>,
    %dma_wait3A_2594 = arith.constant 26 : i32
    %dma_wait3A_2595 = arith.constant 0 : i32
    %dma_wait3A_2596 = arith.constant 0 : i32
    %dma_wait3A_2597 = tpu.memref_slice %arg6[%dma_wait3A_2594, %dma_wait3A_2595, %dma_wait3A_2596] : memref<32x16x128xf32, #tpu.memory_space<vmem>> -> memref<1x16x128xf32, #tpu.memory_space<vmem>>
    %dma_wait3A_2598 = tpu.memref_squeeze %dma_wait3A_2597 : memref<1x16x128xf32, #tpu.memory_space<vmem>> -> memref<16x128xf32, #tpu.memory_space<vmem>>
    %dma_wait3A_2599 = arith.constant 0 : i32
    %dma_wait3A_2600 = tpu.memref_slice %arg2[%dma_wait3A_2599, %multiple_of3A_1277] : memref<16x100000xf32, #tpu.memory_space<hbm>> -> memref<16x128xf32, #tpu.memory_space<hbm>>
    %dma_wait3A_2601 = arith.constant 0 : i32
    %dma_wait3A_2602 = arith.constant 0 : i32
    %dma_wait3A_2603 = tpu.memref_slice %arg6[%dma_wait3A_2594, %dma_wait3A_2601, %dma_wait3A_2602] : memref<32x16x128xf32, #tpu.memory_space<vmem>> -> memref<1x16x128xf32, #tpu.memory_space<vmem>>
    %dma_wait3A_2604 = tpu.memref_squeeze %dma_wait3A_2603 : memref<1x16x128xf32, #tpu.memory_space<vmem>> -> memref<16x128xf32, #tpu.memory_space<vmem>>
    %dma_wait3A_2605 = arith.constant 0 : i32
    %dma_wait3A_2606 = tpu.memref_slice %arg2[%dma_wait3A_2605, %multiple_of3A_1277] : memref<16x100000xf32, #tpu.memory_space<hbm>> -> memref<16x128xf32, #tpu.memory_space<hbm>>
    tpu.wait_dma2 semaphore(%arg8 : memref<!tpu.dma_semaphore, #tpu.memory_space<semaphore_mem>>) src(%dma_wait3A_2606 : memref<16x128xf32, #tpu.memory_space<hbm>>) dst(%dma_wait3A_2604 : memref<16x128xf32, #tpu.memory_space<vmem>>)
    %broadcast_in_dim3A_2607 = arith.constant 1 : i32
    %broadcast_in_dim3A_2608 = vector.broadcast %broadcast_in_dim3A_2607 : i32 to vector<16xi32>
    %jit3A_2609 = arith.constant 128 : i32
    %eq3A_2610 = arith.constant 0 : i32
    %eq3A_2611 = arith.cmpi eq, %jit3A_2609, %eq3A_2610 : i32
    %jit3A_2612 = arith.constant 1 : i32
    %select_n3A_2613 = arith.select %eq3A_2611, %jit3A_2612, %jit3A_2609 : i32
    %rem3A_2614 = arith.remsi %reduce_sum3A_1250, %select_n3A_2613 : i32
    %ne3A_2615 = arith.constant 0 : i32
    %ne3A_2616 = arith.cmpi ne, %rem3A_2614, %ne3A_2615 : i32
    %lt3A_2617 = arith.constant 0 : i32
    %lt3A_2618 = arith.cmpi slt, %rem3A_2614, %lt3A_2617 : i32
    %lt3A_2619 = arith.constant 0 : i32
    %lt3A_2620 = arith.cmpi slt, %select_n3A_2613, %lt3A_2619 : i32
    %ne3A_2621 = arith.xori %lt3A_2618, %lt3A_2620 : i1
    %and3A_2622 = arith.andi %ne3A_2621, %ne3A_2616 : i1
    %add3A_2623 = arith.addi %rem3A_2614, %select_n3A_2613 : i32
    %select_n3A_2624 = arith.select %and3A_2622, %add3A_2623, %rem3A_2614 : i32
    %mul3A_2625 = vector.broadcast %select_n3A_2624 : i32 to vector<16xi32>
    %mul3A_2626 = arith.muli %broadcast_in_dim3A_2608, %mul3A_2625 : vector<16xi32>
    %gather3A_2627 = arith.constant 26 : i32
    %gather3A_2628 = arith.constant 0 : i32
    %gather3A_2629 = arith.constant 0 : i32
    %gather3A_2630 = tpu.memref_slice %arg6[%gather3A_2627, %gather3A_2628, %gather3A_2629] : memref<32x16x128xf32, #tpu.memory_space<vmem>> -> memref<1x16x128xf32, #tpu.memory_space<vmem>>
    %gather3A_2631 = tpu.memref_squeeze %gather3A_2630 : memref<1x16x128xf32, #tpu.memory_space<vmem>> -> memref<16x128xf32, #tpu.memory_space<vmem>>
    %gather3A_2632 = tpu.vector_load_idx %gather3A_2631[%iota3A, %mul3A_2626] : memref<16x128xf32, #tpu.memory_space<vmem>>[vector<16xi32>, vector<16xi32>], vector<16xf32>,
    %broadcast_in_dim3A_2633 = arith.constant 26 : i32
    %broadcast_in_dim3A_2634 = vector.broadcast %broadcast_in_dim3A_2633 : i32 to vector<16xi32>
    tpu.vector_store_idx %arg7[%broadcast_in_dim3A_2634, %iota3A], %gather3A_2632 : memref<32x17xf32, #tpu.memory_space<vmem>>[vector<16xi32>, vector<16xi32>], vector<16xf32>,
    %dma_wait3A_2635 = arith.constant 27 : i32
    %dma_wait3A_2636 = arith.constant 0 : i32
    %dma_wait3A_2637 = arith.constant 0 : i32
    %dma_wait3A_2638 = tpu.memref_slice %arg6[%dma_wait3A_2635, %dma_wait3A_2636, %dma_wait3A_2637] : memref<32x16x128xf32, #tpu.memory_space<vmem>> -> memref<1x16x128xf32, #tpu.memory_space<vmem>>
    %dma_wait3A_2639 = tpu.memref_squeeze %dma_wait3A_2638 : memref<1x16x128xf32, #tpu.memory_space<vmem>> -> memref<16x128xf32, #tpu.memory_space<vmem>>
    %dma_wait3A_2640 = arith.constant 0 : i32
    %dma_wait3A_2641 = tpu.memref_slice %arg2[%dma_wait3A_2640, %multiple_of3A_1325] : memref<16x100000xf32, #tpu.memory_space<hbm>> -> memref<16x128xf32, #tpu.memory_space<hbm>>
    %dma_wait3A_2642 = arith.constant 0 : i32
    %dma_wait3A_2643 = arith.constant 0 : i32
    %dma_wait3A_2644 = tpu.memref_slice %arg6[%dma_wait3A_2635, %dma_wait3A_2642, %dma_wait3A_2643] : memref<32x16x128xf32, #tpu.memory_space<vmem>> -> memref<1x16x128xf32, #tpu.memory_space<vmem>>
    %dma_wait3A_2645 = tpu.memref_squeeze %dma_wait3A_2644 : memref<1x16x128xf32, #tpu.memory_space<vmem>> -> memref<16x128xf32, #tpu.memory_space<vmem>>
    %dma_wait3A_2646 = arith.constant 0 : i32
    %dma_wait3A_2647 = tpu.memref_slice %arg2[%dma_wait3A_2646, %multiple_of3A_1325] : memref<16x100000xf32, #tpu.memory_space<hbm>> -> memref<16x128xf32, #tpu.memory_space<hbm>>
    tpu.wait_dma2 semaphore(%arg8 : memref<!tpu.dma_semaphore, #tpu.memory_space<semaphore_mem>>) src(%dma_wait3A_2647 : memref<16x128xf32, #tpu.memory_space<hbm>>) dst(%dma_wait3A_2645 : memref<16x128xf32, #tpu.memory_space<vmem>>)
    %broadcast_in_dim3A_2648 = arith.constant 1 : i32
    %broadcast_in_dim3A_2649 = vector.broadcast %broadcast_in_dim3A_2648 : i32 to vector<16xi32>
    %jit3A_2650 = arith.constant 128 : i32
    %eq3A_2651 = arith.constant 0 : i32
    %eq3A_2652 = arith.cmpi eq, %jit3A_2650, %eq3A_2651 : i32
    %jit3A_2653 = arith.constant 1 : i32
    %select_n3A_2654 = arith.select %eq3A_2652, %jit3A_2653, %jit3A_2650 : i32
    %rem3A_2655 = arith.remsi %reduce_sum3A_1298, %select_n3A_2654 : i32
    %ne3A_2656 = arith.constant 0 : i32
    %ne3A_2657 = arith.cmpi ne, %rem3A_2655, %ne3A_2656 : i32
    %lt3A_2658 = arith.constant 0 : i32
    %lt3A_2659 = arith.cmpi slt, %rem3A_2655, %lt3A_2658 : i32
    %lt3A_2660 = arith.constant 0 : i32
    %lt3A_2661 = arith.cmpi slt, %select_n3A_2654, %lt3A_2660 : i32
    %ne3A_2662 = arith.xori %lt3A_2659, %lt3A_2661 : i1
    %and3A_2663 = arith.andi %ne3A_2662, %ne3A_2657 : i1
    %add3A_2664 = arith.addi %rem3A_2655, %select_n3A_2654 : i32
    %select_n3A_2665 = arith.select %and3A_2663, %add3A_2664, %rem3A_2655 : i32
    %mul3A_2666 = vector.broadcast %select_n3A_2665 : i32 to vector<16xi32>
    %mul3A_2667 = arith.muli %broadcast_in_dim3A_2649, %mul3A_2666 : vector<16xi32>
    %gather3A_2668 = arith.constant 27 : i32
    %gather3A_2669 = arith.constant 0 : i32
    %gather3A_2670 = arith.constant 0 : i32
    %gather3A_2671 = tpu.memref_slice %arg6[%gather3A_2668, %gather3A_2669, %gather3A_2670] : memref<32x16x128xf32, #tpu.memory_space<vmem>> -> memref<1x16x128xf32, #tpu.memory_space<vmem>>
    %gather3A_2672 = tpu.memref_squeeze %gather3A_2671 : memref<1x16x128xf32, #tpu.memory_space<vmem>> -> memref<16x128xf32, #tpu.memory_space<vmem>>
    %gather3A_2673 = tpu.vector_load_idx %gather3A_2672[%iota3A, %mul3A_2667] : memref<16x128xf32, #tpu.memory_space<vmem>>[vector<16xi32>, vector<16xi32>], vector<16xf32>,
    %broadcast_in_dim3A_2674 = arith.constant 27 : i32
    %broadcast_in_dim3A_2675 = vector.broadcast %broadcast_in_dim3A_2674 : i32 to vector<16xi32>
    tpu.vector_store_idx %arg7[%broadcast_in_dim3A_2675, %iota3A], %gather3A_2673 : memref<32x17xf32, #tpu.memory_space<vmem>>[vector<16xi32>, vector<16xi32>], vector<16xf32>,
    %dma_wait3A_2676 = arith.constant 28 : i32
    %dma_wait3A_2677 = arith.constant 0 : i32
    %dma_wait3A_2678 = arith.constant 0 : i32
    %dma_wait3A_2679 = tpu.memref_slice %arg6[%dma_wait3A_2676, %dma_wait3A_2677, %dma_wait3A_2678] : memref<32x16x128xf32, #tpu.memory_space<vmem>> -> memref<1x16x128xf32, #tpu.memory_space<vmem>>
    %dma_wait3A_2680 = tpu.memref_squeeze %dma_wait3A_2679 : memref<1x16x128xf32, #tpu.memory_space<vmem>> -> memref<16x128xf32, #tpu.memory_space<vmem>>
    %dma_wait3A_2681 = arith.constant 0 : i32
    %dma_wait3A_2682 = tpu.memref_slice %arg2[%dma_wait3A_2681, %multiple_of3A_1373] : memref<16x100000xf32, #tpu.memory_space<hbm>> -> memref<16x128xf32, #tpu.memory_space<hbm>>
    %dma_wait3A_2683 = arith.constant 0 : i32
    %dma_wait3A_2684 = arith.constant 0 : i32
    %dma_wait3A_2685 = tpu.memref_slice %arg6[%dma_wait3A_2676, %dma_wait3A_2683, %dma_wait3A_2684] : memref<32x16x128xf32, #tpu.memory_space<vmem>> -> memref<1x16x128xf32, #tpu.memory_space<vmem>>
    %dma_wait3A_2686 = tpu.memref_squeeze %dma_wait3A_2685 : memref<1x16x128xf32, #tpu.memory_space<vmem>> -> memref<16x128xf32, #tpu.memory_space<vmem>>
    %dma_wait3A_2687 = arith.constant 0 : i32
    %dma_wait3A_2688 = tpu.memref_slice %arg2[%dma_wait3A_2687, %multiple_of3A_1373] : memref<16x100000xf32, #tpu.memory_space<hbm>> -> memref<16x128xf32, #tpu.memory_space<hbm>>
    tpu.wait_dma2 semaphore(%arg8 : memref<!tpu.dma_semaphore, #tpu.memory_space<semaphore_mem>>) src(%dma_wait3A_2688 : memref<16x128xf32, #tpu.memory_space<hbm>>) dst(%dma_wait3A_2686 : memref<16x128xf32, #tpu.memory_space<vmem>>)
    %broadcast_in_dim3A_2689 = arith.constant 1 : i32
    %broadcast_in_dim3A_2690 = vector.broadcast %broadcast_in_dim3A_2689 : i32 to vector<16xi32>
    %jit3A_2691 = arith.constant 128 : i32
    %eq3A_2692 = arith.constant 0 : i32
    %eq3A_2693 = arith.cmpi eq, %jit3A_2691, %eq3A_2692 : i32
    %jit3A_2694 = arith.constant 1 : i32
    %select_n3A_2695 = arith.select %eq3A_2693, %jit3A_2694, %jit3A_2691 : i32
    %rem3A_2696 = arith.remsi %reduce_sum3A_1346, %select_n3A_2695 : i32
    %ne3A_2697 = arith.constant 0 : i32
    %ne3A_2698 = arith.cmpi ne, %rem3A_2696, %ne3A_2697 : i32
    %lt3A_2699 = arith.constant 0 : i32
    %lt3A_2700 = arith.cmpi slt, %rem3A_2696, %lt3A_2699 : i32
    %lt3A_2701 = arith.constant 0 : i32
    %lt3A_2702 = arith.cmpi slt, %select_n3A_2695, %lt3A_2701 : i32
    %ne3A_2703 = arith.xori %lt3A_2700, %lt3A_2702 : i1
    %and3A_2704 = arith.andi %ne3A_2703, %ne3A_2698 : i1
    %add3A_2705 = arith.addi %rem3A_2696, %select_n3A_2695 : i32
    %select_n3A_2706 = arith.select %and3A_2704, %add3A_2705, %rem3A_2696 : i32
    %mul3A_2707 = vector.broadcast %select_n3A_2706 : i32 to vector<16xi32>
    %mul3A_2708 = arith.muli %broadcast_in_dim3A_2690, %mul3A_2707 : vector<16xi32>
    %gather3A_2709 = arith.constant 28 : i32
    %gather3A_2710 = arith.constant 0 : i32
    %gather3A_2711 = arith.constant 0 : i32
    %gather3A_2712 = tpu.memref_slice %arg6[%gather3A_2709, %gather3A_2710, %gather3A_2711] : memref<32x16x128xf32, #tpu.memory_space<vmem>> -> memref<1x16x128xf32, #tpu.memory_space<vmem>>
    %gather3A_2713 = tpu.memref_squeeze %gather3A_2712 : memref<1x16x128xf32, #tpu.memory_space<vmem>> -> memref<16x128xf32, #tpu.memory_space<vmem>>
    %gather3A_2714 = tpu.vector_load_idx %gather3A_2713[%iota3A, %mul3A_2708] : memref<16x128xf32, #tpu.memory_space<vmem>>[vector<16xi32>, vector<16xi32>], vector<16xf32>,
    %broadcast_in_dim3A_2715 = arith.constant 28 : i32
    %broadcast_in_dim3A_2716 = vector.broadcast %broadcast_in_dim3A_2715 : i32 to vector<16xi32>
    tpu.vector_store_idx %arg7[%broadcast_in_dim3A_2716, %iota3A], %gather3A_2714 : memref<32x17xf32, #tpu.memory_space<vmem>>[vector<16xi32>, vector<16xi32>], vector<16xf32>,
    %dma_wait3A_2717 = arith.constant 29 : i32
    %dma_wait3A_2718 = arith.constant 0 : i32
    %dma_wait3A_2719 = arith.constant 0 : i32
    %dma_wait3A_2720 = tpu.memref_slice %arg6[%dma_wait3A_2717, %dma_wait3A_2718, %dma_wait3A_2719] : memref<32x16x128xf32, #tpu.memory_space<vmem>> -> memref<1x16x128xf32, #tpu.memory_space<vmem>>
    %dma_wait3A_2721 = tpu.memref_squeeze %dma_wait3A_2720 : memref<1x16x128xf32, #tpu.memory_space<vmem>> -> memref<16x128xf32, #tpu.memory_space<vmem>>
    %dma_wait3A_2722 = arith.constant 0 : i32
    %dma_wait3A_2723 = tpu.memref_slice %arg2[%dma_wait3A_2722, %multiple_of3A_1421] : memref<16x100000xf32, #tpu.memory_space<hbm>> -> memref<16x128xf32, #tpu.memory_space<hbm>>
    %dma_wait3A_2724 = arith.constant 0 : i32
    %dma_wait3A_2725 = arith.constant 0 : i32
    %dma_wait3A_2726 = tpu.memref_slice %arg6[%dma_wait3A_2717, %dma_wait3A_2724, %dma_wait3A_2725] : memref<32x16x128xf32, #tpu.memory_space<vmem>> -> memref<1x16x128xf32, #tpu.memory_space<vmem>>
    %dma_wait3A_2727 = tpu.memref_squeeze %dma_wait3A_2726 : memref<1x16x128xf32, #tpu.memory_space<vmem>> -> memref<16x128xf32, #tpu.memory_space<vmem>>
    %dma_wait3A_2728 = arith.constant 0 : i32
    %dma_wait3A_2729 = tpu.memref_slice %arg2[%dma_wait3A_2728, %multiple_of3A_1421] : memref<16x100000xf32, #tpu.memory_space<hbm>> -> memref<16x128xf32, #tpu.memory_space<hbm>>
    tpu.wait_dma2 semaphore(%arg8 : memref<!tpu.dma_semaphore, #tpu.memory_space<semaphore_mem>>) src(%dma_wait3A_2729 : memref<16x128xf32, #tpu.memory_space<hbm>>) dst(%dma_wait3A_2727 : memref<16x128xf32, #tpu.memory_space<vmem>>)
    %broadcast_in_dim3A_2730 = arith.constant 1 : i32
    %broadcast_in_dim3A_2731 = vector.broadcast %broadcast_in_dim3A_2730 : i32 to vector<16xi32>
    %jit3A_2732 = arith.constant 128 : i32
    %eq3A_2733 = arith.constant 0 : i32
    %eq3A_2734 = arith.cmpi eq, %jit3A_2732, %eq3A_2733 : i32
    %jit3A_2735 = arith.constant 1 : i32
    %select_n3A_2736 = arith.select %eq3A_2734, %jit3A_2735, %jit3A_2732 : i32
    %rem3A_2737 = arith.remsi %reduce_sum3A_1394, %select_n3A_2736 : i32
    %ne3A_2738 = arith.constant 0 : i32
    %ne3A_2739 = arith.cmpi ne, %rem3A_2737, %ne3A_2738 : i32
    %lt3A_2740 = arith.constant 0 : i32
    %lt3A_2741 = arith.cmpi slt, %rem3A_2737, %lt3A_2740 : i32
    %lt3A_2742 = arith.constant 0 : i32
    %lt3A_2743 = arith.cmpi slt, %select_n3A_2736, %lt3A_2742 : i32
    %ne3A_2744 = arith.xori %lt3A_2741, %lt3A_2743 : i1
    %and3A_2745 = arith.andi %ne3A_2744, %ne3A_2739 : i1
    %add3A_2746 = arith.addi %rem3A_2737, %select_n3A_2736 : i32
    %select_n3A_2747 = arith.select %and3A_2745, %add3A_2746, %rem3A_2737 : i32
    %mul3A_2748 = vector.broadcast %select_n3A_2747 : i32 to vector<16xi32>
    %mul3A_2749 = arith.muli %broadcast_in_dim3A_2731, %mul3A_2748 : vector<16xi32>
    %gather3A_2750 = arith.constant 29 : i32
    %gather3A_2751 = arith.constant 0 : i32
    %gather3A_2752 = arith.constant 0 : i32
    %gather3A_2753 = tpu.memref_slice %arg6[%gather3A_2750, %gather3A_2751, %gather3A_2752] : memref<32x16x128xf32, #tpu.memory_space<vmem>> -> memref<1x16x128xf32, #tpu.memory_space<vmem>>
    %gather3A_2754 = tpu.memref_squeeze %gather3A_2753 : memref<1x16x128xf32, #tpu.memory_space<vmem>> -> memref<16x128xf32, #tpu.memory_space<vmem>>
    %gather3A_2755 = tpu.vector_load_idx %gather3A_2754[%iota3A, %mul3A_2749] : memref<16x128xf32, #tpu.memory_space<vmem>>[vector<16xi32>, vector<16xi32>], vector<16xf32>,
    %broadcast_in_dim3A_2756 = arith.constant 29 : i32
    %broadcast_in_dim3A_2757 = vector.broadcast %broadcast_in_dim3A_2756 : i32 to vector<16xi32>
    tpu.vector_store_idx %arg7[%broadcast_in_dim3A_2757, %iota3A], %gather3A_2755 : memref<32x17xf32, #tpu.memory_space<vmem>>[vector<16xi32>, vector<16xi32>], vector<16xf32>,
    %dma_wait3A_2758 = arith.constant 30 : i32
    %dma_wait3A_2759 = arith.constant 0 : i32
    %dma_wait3A_2760 = arith.constant 0 : i32
    %dma_wait3A_2761 = tpu.memref_slice %arg6[%dma_wait3A_2758, %dma_wait3A_2759, %dma_wait3A_2760] : memref<32x16x128xf32, #tpu.memory_space<vmem>> -> memref<1x16x128xf32, #tpu.memory_space<vmem>>
    %dma_wait3A_2762 = tpu.memref_squeeze %dma_wait3A_2761 : memref<1x16x128xf32, #tpu.memory_space<vmem>> -> memref<16x128xf32, #tpu.memory_space<vmem>>
    %dma_wait3A_2763 = arith.constant 0 : i32
    %dma_wait3A_2764 = tpu.memref_slice %arg2[%dma_wait3A_2763, %multiple_of3A_1469] : memref<16x100000xf32, #tpu.memory_space<hbm>> -> memref<16x128xf32, #tpu.memory_space<hbm>>
    %dma_wait3A_2765 = arith.constant 0 : i32
    %dma_wait3A_2766 = arith.constant 0 : i32
    %dma_wait3A_2767 = tpu.memref_slice %arg6[%dma_wait3A_2758, %dma_wait3A_2765, %dma_wait3A_2766] : memref<32x16x128xf32, #tpu.memory_space<vmem>> -> memref<1x16x128xf32, #tpu.memory_space<vmem>>
    %dma_wait3A_2768 = tpu.memref_squeeze %dma_wait3A_2767 : memref<1x16x128xf32, #tpu.memory_space<vmem>> -> memref<16x128xf32, #tpu.memory_space<vmem>>
    %dma_wait3A_2769 = arith.constant 0 : i32
    %dma_wait3A_2770 = tpu.memref_slice %arg2[%dma_wait3A_2769, %multiple_of3A_1469] : memref<16x100000xf32, #tpu.memory_space<hbm>> -> memref<16x128xf32, #tpu.memory_space<hbm>>
    tpu.wait_dma2 semaphore(%arg8 : memref<!tpu.dma_semaphore, #tpu.memory_space<semaphore_mem>>) src(%dma_wait3A_2770 : memref<16x128xf32, #tpu.memory_space<hbm>>) dst(%dma_wait3A_2768 : memref<16x128xf32, #tpu.memory_space<vmem>>)
    %broadcast_in_dim3A_2771 = arith.constant 1 : i32
    %broadcast_in_dim3A_2772 = vector.broadcast %broadcast_in_dim3A_2771 : i32 to vector<16xi32>
    %jit3A_2773 = arith.constant 128 : i32
    %eq3A_2774 = arith.constant 0 : i32
    %eq3A_2775 = arith.cmpi eq, %jit3A_2773, %eq3A_2774 : i32
    %jit3A_2776 = arith.constant 1 : i32
    %select_n3A_2777 = arith.select %eq3A_2775, %jit3A_2776, %jit3A_2773 : i32
    %rem3A_2778 = arith.remsi %reduce_sum3A_1442, %select_n3A_2777 : i32
    %ne3A_2779 = arith.constant 0 : i32
    %ne3A_2780 = arith.cmpi ne, %rem3A_2778, %ne3A_2779 : i32
    %lt3A_2781 = arith.constant 0 : i32
    %lt3A_2782 = arith.cmpi slt, %rem3A_2778, %lt3A_2781 : i32
    %lt3A_2783 = arith.constant 0 : i32
    %lt3A_2784 = arith.cmpi slt, %select_n3A_2777, %lt3A_2783 : i32
    %ne3A_2785 = arith.xori %lt3A_2782, %lt3A_2784 : i1
    %and3A_2786 = arith.andi %ne3A_2785, %ne3A_2780 : i1
    %add3A_2787 = arith.addi %rem3A_2778, %select_n3A_2777 : i32
    %select_n3A_2788 = arith.select %and3A_2786, %add3A_2787, %rem3A_2778 : i32
    %mul3A_2789 = vector.broadcast %select_n3A_2788 : i32 to vector<16xi32>
    %mul3A_2790 = arith.muli %broadcast_in_dim3A_2772, %mul3A_2789 : vector<16xi32>
    %gather3A_2791 = arith.constant 30 : i32
    %gather3A_2792 = arith.constant 0 : i32
    %gather3A_2793 = arith.constant 0 : i32
    %gather3A_2794 = tpu.memref_slice %arg6[%gather3A_2791, %gather3A_2792, %gather3A_2793] : memref<32x16x128xf32, #tpu.memory_space<vmem>> -> memref<1x16x128xf32, #tpu.memory_space<vmem>>
    %gather3A_2795 = tpu.memref_squeeze %gather3A_2794 : memref<1x16x128xf32, #tpu.memory_space<vmem>> -> memref<16x128xf32, #tpu.memory_space<vmem>>
    %gather3A_2796 = tpu.vector_load_idx %gather3A_2795[%iota3A, %mul3A_2790] : memref<16x128xf32, #tpu.memory_space<vmem>>[vector<16xi32>, vector<16xi32>], vector<16xf32>,
    %broadcast_in_dim3A_2797 = arith.constant 30 : i32
    %broadcast_in_dim3A_2798 = vector.broadcast %broadcast_in_dim3A_2797 : i32 to vector<16xi32>
    tpu.vector_store_idx %arg7[%broadcast_in_dim3A_2798, %iota3A], %gather3A_2796 : memref<32x17xf32, #tpu.memory_space<vmem>>[vector<16xi32>, vector<16xi32>], vector<16xf32>,
    %dma_wait3A_2799 = arith.constant 31 : i32
    %dma_wait3A_2800 = arith.constant 0 : i32
    %dma_wait3A_2801 = arith.constant 0 : i32
    %dma_wait3A_2802 = tpu.memref_slice %arg6[%dma_wait3A_2799, %dma_wait3A_2800, %dma_wait3A_2801] : memref<32x16x128xf32, #tpu.memory_space<vmem>> -> memref<1x16x128xf32, #tpu.memory_space<vmem>>
    %dma_wait3A_2803 = tpu.memref_squeeze %dma_wait3A_2802 : memref<1x16x128xf32, #tpu.memory_space<vmem>> -> memref<16x128xf32, #tpu.memory_space<vmem>>
    %dma_wait3A_2804 = arith.constant 0 : i32
    %dma_wait3A_2805 = tpu.memref_slice %arg2[%dma_wait3A_2804, %multiple_of3A_1517] : memref<16x100000xf32, #tpu.memory_space<hbm>> -> memref<16x128xf32, #tpu.memory_space<hbm>>
    %dma_wait3A_2806 = arith.constant 0 : i32
    %dma_wait3A_2807 = arith.constant 0 : i32
    %dma_wait3A_2808 = tpu.memref_slice %arg6[%dma_wait3A_2799, %dma_wait3A_2806, %dma_wait3A_2807] : memref<32x16x128xf32, #tpu.memory_space<vmem>> -> memref<1x16x128xf32, #tpu.memory_space<vmem>>
    %dma_wait3A_2809 = tpu.memref_squeeze %dma_wait3A_2808 : memref<1x16x128xf32, #tpu.memory_space<vmem>> -> memref<16x128xf32, #tpu.memory_space<vmem>>
    %dma_wait3A_2810 = arith.constant 0 : i32
    %dma_wait3A_2811 = tpu.memref_slice %arg2[%dma_wait3A_2810, %multiple_of3A_1517] : memref<16x100000xf32, #tpu.memory_space<hbm>> -> memref<16x128xf32, #tpu.memory_space<hbm>>
    tpu.wait_dma2 semaphore(%arg8 : memref<!tpu.dma_semaphore, #tpu.memory_space<semaphore_mem>>) src(%dma_wait3A_2811 : memref<16x128xf32, #tpu.memory_space<hbm>>) dst(%dma_wait3A_2809 : memref<16x128xf32, #tpu.memory_space<vmem>>)
    %broadcast_in_dim3A_2812 = arith.constant 1 : i32
    %broadcast_in_dim3A_2813 = vector.broadcast %broadcast_in_dim3A_2812 : i32 to vector<16xi32>
    %jit3A_2814 = arith.constant 128 : i32
    %eq3A_2815 = arith.constant 0 : i32
    %eq3A_2816 = arith.cmpi eq, %jit3A_2814, %eq3A_2815 : i32
    %jit3A_2817 = arith.constant 1 : i32
    %select_n3A_2818 = arith.select %eq3A_2816, %jit3A_2817, %jit3A_2814 : i32
    %rem3A_2819 = arith.remsi %reduce_sum3A_1490, %select_n3A_2818 : i32
    %ne3A_2820 = arith.constant 0 : i32
    %ne3A_2821 = arith.cmpi ne, %rem3A_2819, %ne3A_2820 : i32
    %lt3A_2822 = arith.constant 0 : i32
    %lt3A_2823 = arith.cmpi slt, %rem3A_2819, %lt3A_2822 : i32
    %lt3A_2824 = arith.constant 0 : i32
    %lt3A_2825 = arith.cmpi slt, %select_n3A_2818, %lt3A_2824 : i32
    %ne3A_2826 = arith.xori %lt3A_2823, %lt3A_2825 : i1
    %and3A_2827 = arith.andi %ne3A_2826, %ne3A_2821 : i1
    %add3A_2828 = arith.addi %rem3A_2819, %select_n3A_2818 : i32
    %select_n3A_2829 = arith.select %and3A_2827, %add3A_2828, %rem3A_2819 : i32
    %mul3A_2830 = vector.broadcast %select_n3A_2829 : i32 to vector<16xi32>
    %mul3A_2831 = arith.muli %broadcast_in_dim3A_2813, %mul3A_2830 : vector<16xi32>
    %gather3A_2832 = arith.constant 31 : i32
    %gather3A_2833 = arith.constant 0 : i32
    %gather3A_2834 = arith.constant 0 : i32
    %gather3A_2835 = tpu.memref_slice %arg6[%gather3A_2832, %gather3A_2833, %gather3A_2834] : memref<32x16x128xf32, #tpu.memory_space<vmem>> -> memref<1x16x128xf32, #tpu.memory_space<vmem>>
    %gather3A_2836 = tpu.memref_squeeze %gather3A_2835 : memref<1x16x128xf32, #tpu.memory_space<vmem>> -> memref<16x128xf32, #tpu.memory_space<vmem>>
    %gather3A_2837 = tpu.vector_load_idx %gather3A_2836[%iota3A, %mul3A_2831] : memref<16x128xf32, #tpu.memory_space<vmem>>[vector<16xi32>, vector<16xi32>], vector<16xf32>,
    %broadcast_in_dim3A_2838 = arith.constant 31 : i32
    %broadcast_in_dim3A_2839 = vector.broadcast %broadcast_in_dim3A_2838 : i32 to vector<16xi32>
    tpu.vector_store_idx %arg7[%broadcast_in_dim3A_2839, %iota3A], %gather3A_2837 : memref<32x17xf32, #tpu.memory_space<vmem>>[vector<16xi32>, vector<16xi32>], vector<16xf32>,
    %broadcast_in_dim3A_2840 = arith.constant 1.000000e+00 : f32
    %broadcast_in_dim3A_2841 = vector.broadcast %broadcast_in_dim3A_2840 : f32 to vector<16xf32>
    %broadcast_in_dim3A_2842 = arith.constant 16 : i32
    %broadcast_in_dim3A_2843 = vector.broadcast %broadcast_in_dim3A_2842 : i32 to vector<16xi32>
    %add3A_2844 = arith.constant 0 : i32
    %add3A_2845 = vector.broadcast %add3A_2844 : i32 to vector<16xi32>
    %add3A_2846 = arith.addi %add3A_2845, %iota3A : vector<16xi32>
    tpu.vector_store_idx %arg7[%add3A_2846, %broadcast_in_dim3A_2843], %broadcast_in_dim3A_2841 : memref<32x17xf32, #tpu.memory_space<vmem>>[vector<16xi32>, vector<16xi32>], vector<16xf32>,
    %add3A_2847 = arith.constant 16 : i32
    %add3A_2848 = vector.broadcast %add3A_2847 : i32 to vector<16xi32>
    %add3A_2849 = arith.addi %add3A_2848, %iota3A : vector<16xi32>
    tpu.vector_store_idx %arg7[%add3A_2849, %broadcast_in_dim3A_2843], %broadcast_in_dim3A_2841 : memref<32x17xf32, #tpu.memory_space<vmem>>[vector<16xi32>, vector<16xi32>], vector<16xf32>,
    "tpu.region"() ({
      %run_scoped3A = tpu.sem_alloc : memref<!tpu.dma_semaphore, #tpu.memory_space<semaphore_mem>>
      %dma_start3A_2850 = arith.constant 0 : i32
      %dma_start3A_2851 = tpu.memref_slice %arg4[%mul3A_2, %dma_start3A_2850] : memref<1024x17xf32, #tpu.memory_space<hbm>> -> memref<32x17xf32, #tpu.memory_space<hbm>>
      %dma_start3A_2852 = arith.constant 0 : i32
      %dma_start3A_2853 = tpu.memref_slice %arg4[%mul3A_2, %dma_start3A_2852] : memref<1024x17xf32, #tpu.memory_space<hbm>> -> memref<32x17xf32, #tpu.memory_space<hbm>>
      tpu.enqueue_dma source(%arg7 : memref<32x17xf32, #tpu.memory_space<vmem>>) target(%dma_start3A_2853 : memref<32x17xf32, #tpu.memory_space<hbm>>) target_semaphore(%run_scoped3A : memref<!tpu.dma_semaphore, #tpu.memory_space<semaphore_mem>>)
      %dma_wait3A_2854 = arith.constant 0 : i32
      %dma_wait3A_2855 = tpu.memref_slice %arg4[%mul3A_2, %dma_wait3A_2854] : memref<1024x17xf32, #tpu.memory_space<hbm>> -> memref<32x17xf32, #tpu.memory_space<hbm>>
      %dma_wait3A_2856 = arith.constant 0 : i32
      %dma_wait3A_2857 = tpu.memref_slice %arg4[%mul3A_2, %dma_wait3A_2856] : memref<1024x17xf32, #tpu.memory_space<hbm>> -> memref<32x17xf32, #tpu.memory_space<hbm>>
      tpu.wait_dma2 semaphore(%run_scoped3A : memref<!tpu.dma_semaphore, #tpu.memory_space<semaphore_mem>>) src(%arg7 : memref<32x17xf32, #tpu.memory_space<vmem>>) dst(%dma_wait3A_2857 : memref<32x17xf32, #tpu.memory_space<hbm>>)
      tpu.yield
    }) : () -> ()
    return
  }
}

module attributes {stable_mosaic.version = 14 : i64} {
  func.func @_mm_body(%arg0: i32, %arg1: memref<17x2048xf32, #tpu.memory_space<vmem>>, %arg2: memref<1024x17xf32, #tpu.memory_space<vmem>>, %arg3: memref<2048x1024xf32, #tpu.memory_space<vmem>>) attributes {dimension_semantics = [#tpu.dimension_semantics<arbitrary>], iteration_bounds = array<i64: 49>, scalar_prefetch = 0 : i64, scratch_operands = 0 : i64, tpu.core_type = #tpu.core_type<tc>, window_params = [{transform_indices = @transform_0, window_bounds = array<i64: 17, 2048>}, {pipeline_mode = #tpu.pipeline_mode<synchronous>, transform_indices = @transform_1, window_bounds = array<i64: 1024, 17>}, {transform_indices = @transform_2, window_bounds = array<i64: 2048, 1024>}]} {
    %get3A = arith.constant 0 : index
    %get3A_0 = arith.constant 0 : index
    %get3A_1 = vector.load %arg1[%get3A, %get3A_0] : memref<17x2048xf32, #tpu.memory_space<vmem>>, vector<17x2048xf32>
    %get3A_2 = arith.constant 0 : index
    %get3A_3 = arith.constant 0 : index
    %get3A_4 = vector.load %arg2[%get3A_2, %get3A_3] : memref<1024x17xf32, #tpu.memory_space<vmem>>, vector<1024x17xf32>
    %dot_general3A = arith.constant dense<0.000000e+00> : vector<2048x1024xf32>
    %dot_general3A_5 = tpu.matmul %get3A_1, %get3A_4, %dot_general3A {dimension_numbers = #tpu.dot_dimension_numbers<[0], [1], [1], [0], [0, 1, 1, 0], [], []>, transpose_lhs_hint = false} : vector<17x2048xf32>, vector<1024x17xf32>, vector<2048x1024xf32> -> vector<2048x1024xf32>
    %swap3A = arith.constant 0 : index
    %swap3A_6 = arith.constant 0 : index
    %swap3A_7 = vector.load %arg3[%swap3A, %swap3A_6] : memref<2048x1024xf32, #tpu.memory_space<vmem>>, vector<2048x1024xf32>
    tpu.vector_store %arg3[%swap3A, %swap3A_6], %dot_general3A_5 {strides = array<i32>} : memref<2048x1024xf32, #tpu.memory_space<vmem>>, vector<2048x1024xf32>,
    return
  }
  func.func @transform_0(%arg0: i32) -> (i32, i32) {
    %c0_i32 = arith.constant 0 : i32
    %c0_i32_0 = arith.constant 0 : i32
    return %c0_i32, %arg0 : i32, i32
  }
  func.func @transform_1(%arg0: i32) -> (i32, i32) {
    %c0_i32 = arith.constant 0 : i32
    %c0_i32_0 = arith.constant 0 : i32
    %c0_i32_1 = arith.constant 0 : i32
    return %c0_i32, %c0_i32_0 : i32, i32
  }
  func.func @transform_2(%arg0: i32) -> (i32, i32) {
    %c0_i32 = arith.constant 0 : i32
    %c0_i32_0 = arith.constant 0 : i32
    return %arg0, %c0_i32 : i32, i32
  }
}

</mosaic_0001>

<sc_bundles>
// kernel: kernel.4.cloned.1.call-start
scs
__scs_entry_jumppad:
0x0: {  	(pc) =	sbr.rel $0x88, $3  }
0x1: {  	(tag) =	ssettag $0x0;
	lr =	simm.s32 $0x1  }
0x2: {  	[smem:$0x3F9D] =	sst lr;
	_ =	strace $0xD0000000  }
0x3: {  	_ = 	snop  }
0x4: {  	_ = 	snop  }
0x5: {  	_ = 	snop  }
0x6: {  	_ = 	snop  }
0x7: {  	_ = 	snop  }
__scs_overlays_trampoline_lowered:
0x8: {  	[smem:$0x3FAC] =	sst s0  }
0x9: {  	[smem:$0x3FAD] =	sst s1  }
0xa: {  	[smem:$0x3FAE] =	sst s2  }
0xb: {  	[smem:$0x3FAF] =	sst s3  }
0xc: {  	[smem:$0x3FB0] =	sst s4  }
0xd: {  	[smem:$0x3FB1] =	sst s5  }
0xe: {  	[smem:$0x3FB2] =	sst s6  }
0xf: {  	[smem:$0x3FB3] =	sst s7  }
0x10: {  	[smem:$0x3FB4] =	sst s8  }
0x11: {  	[smem:$0x3FB5] =	sst s9;
	s0 =	simm.s32 @!p0 $0x0  }
0x12: {  	s1 =	sld [smem:$0x3F9B];
	s0 =	simm.s32 @p0 $0x1  }
0x13: {  	[smem:$0x3FB6] =	sst s0;
	s0 =	simm.s32 @!p1 $0x0  }
0x14: {  	s2 =	sld [smem:$0x3F9A];
	s0 =	simm.s32 @p1 $0x1  }
0x15: {  	[smem:$0x3FB7] =	sst s0;
	s0 =	simm.s32 @!p2 $0x0  }
0x16: {  	s3 =	sld [smem:$0x3FDB];
	s0 =	simm.s32 @p2 $0x1  }
0x17: {  	s4 =	simm.s32 $0x1BF5;
	[smem:$0x3FB9] =	sst s0  }
0x18: {  	s0 =	sld [smem:$0x3F9C];
	_ =	swait.ge [sflag:s4], $0x0  }
0x19: {  	s7 =	sld [smem:$0x3F9D]  }
0x1a: {  	s8 =	sadd.s32 $0xFFFFE003, lr  }
0x1b: {  	s9 =	sadd.s32 $0xFFFFFEF7, lr;
	s5 =	simm.s32 $0xFFFFFFFF;
	p2 =	slt.u32 s8, $0xFFFFF086  }
0x1c: {  	p1 =	slt.u32 s9, $0xF7A;
	s5 =	simm.s32 @!p2 $0x0  }
0x1d: {  	s5 =	simm.s32 @p1 $0x1;
	p0 =	seq.s32 s7, s2  }
0x1e: {  	s7 =	smul.u32 @!p0 $0xF7A, s2;
	p2 =	seq.s32 @!p0 s5, $0x0  }
0x1f: {  	s9 =	smul.u32 $0xF7A, s1;
	s8 =	simm.s32 @!p0 $0x1BF5;
	p2 =	por !p2, p0  }
0x20: {  	[sflag:s8] =	ssyncset.s32 @!p0 $0xFFFFF086;
	s6 =	sadd.s32 @!p0 s3, s7;
	s7 =	simm.s32 @!p0 $0x108  }
0x21: {  	s3 =	sadd.s32 s3, s9;
	s6 =	sadd.s32 @!p0 $0x88, s6;
	s7 =	simm.s32 @p2 $0x1082  }
0x22: {  	[simem:s7], [sflag:s8] =	dma.local @!p0 [hbm:s6], $0xF7A  }
0x23: {  	s9 =	sor.u32 $0xD0000000, s2;
	s6 =	simm.s32 $0x108;
	_ =	swait.ge @!p0 [sflag:s8], $0x0  }
0x24: {  	s3 =	sadd.s32 $0x88, s3;
	s6 =	simm.s32 @!p1 $0x1082;
	[sflag:s4] =	ssyncset.s32 $0xFFFFF086  }
0x25: {  	[simem:s6], [sflag:s4] =	dma.local [hbm:s3], $0xF7A  }
0x26: {  	[smem:$0x3F9D] =	sst s1;
	(tag) =	ssettag s2;
	_ =	strace s9  }
0x27: {  	s1 =	sld [smem:$0x3FAD]  }
0x28: {  	s2 =	sld [smem:$0x3FAE]  }
0x29: {  	s4 =	sld [smem:$0x3FB0]  }
0x2a: {  	p0 =	seq.s32 s5, $0x0;
	s5 =	sld [smem:$0x3FB1]  }
0x2b: {  	s6 =	sld [smem:$0x3FB2]  }
0x2c: {  	s7 =	sld [smem:$0x3FB3]  }
0x2d: {  	s3 =	simm.s32 $0x108;
	s8 =	sld [smem:$0x3FB4]  }
0x2e: {  	s3 =	simm.s32 @!p0 $0x1082;
	s9 =	sld [smem:$0x3FB5]  }
0x2f: {  	lr =	sadd.s32 s0, s3;
	s0 =	sld [smem:$0x3FAC]  }
0x30: {  	s3 =	sld [smem:$0x3FAF]  }
0x31: {  	[smem:$0x3FB8] =	sst s10  }
0x32: {  	s10 =	sld [smem:$0x3FB6];
	_ =	sdelay $0x3  }
0x33: {  	p0 =	seq.s32 s10, $0x1;
	s10 =	sld [smem:$0x3FB8];
	_ =	sdelay $0x3  }
0x34: {  	[smem:$0x3FB8] =	sst s10  }
0x35: {  	s10 =	sld [smem:$0x3FB7];
	_ =	sdelay $0x3  }
0x36: {  	p1 =	seq.s32 s10, $0x1;
	s10 =	sld [smem:$0x3FB8];
	_ =	sdelay $0x3  }
0x37: {  	[smem:$0x3FB8] =	sst s10  }
0x38: {  	s10 =	sld [smem:$0x3FB9]  }
0x39: {  	_ = 	snop;
	(pc) =	sbr.ind lr, $3  }
0x3a: {  	_ = 	snop  }
0x3b: {  	_ = 	snop  }
0x3c: {  	p2 =	seq.s32 s10, $0x1;
	s10 =	sld [smem:$0x3FB8]  }
0x3d: {  	_ =	shalt  }
0x3e: {  	_ =	shalt  }
0x3f: {  	_ =	shalt  }
0x40: {  	_ =	shalt  }
0x41: {  	_ =	shalt  }
0x42: {  	_ =	shalt  }
0x43: {  	_ =	shalt  }
0x44: {  	_ =	shalt  }
0x45: {  	_ =	shalt  }
0x46: {  	_ =	shalt  }
0x47: {  	_ =	shalt  }
0x48: {  	_ =	shalt  }
0x49: {  	_ =	shalt  }
0x4a: {  	_ =	shalt  }
0x4b: {  	_ =	shalt  }
0x4c: {  	_ =	shalt  }
0x4d: {  	_ =	shalt  }
0x4e: {  	_ =	shalt  }
0x4f: {  	_ =	shalt  }
0x50: {  	_ =	shalt  }
0x51: {  	_ =	shalt  }
0x52: {  	_ =	shalt  }
0x53: {  	_ =	shalt  }
0x54: {  	_ =	shalt  }
0x55: {  	_ =	shalt  }
0x56: {  	_ =	shalt  }
0x57: {  	_ =	shalt  }
0x58: {  	_ =	shalt  }
0x59: {  	_ =	shalt  }
0x5a: {  	_ =	shalt  }
0x5b: {  	_ =	shalt  }
0x5c: {  	_ =	shalt  }
0x5d: {  	_ =	shalt  }
0x5e: {  	_ =	shalt  }
0x5f: {  	_ =	shalt  }
0x60: {  	_ =	shalt  }
0x61: {  	_ =	shalt  }
0x62: {  	_ =	shalt  }
0x63: {  	_ =	shalt  }
0x64: {  	_ =	shalt  }
0x65: {  	_ =	shalt  }
0x66: {  	_ =	shalt  }
0x67: {  	_ =	shalt  }
0x68: {  	_ =	shalt  }
0x69: {  	_ =	shalt  }
0x6a: {  	_ =	shalt  }
0x6b: {  	_ =	shalt  }
0x6c: {  	_ =	shalt  }
0x6d: {  	_ =	shalt  }
0x6e: {  	_ =	shalt  }
0x6f: {  	_ =	shalt  }
0x70: {  	_ =	shalt  }
0x71: {  	_ =	shalt  }
0x72: {  	_ =	shalt  }
0x73: {  	_ =	shalt  }
0x74: {  	_ =	shalt  }
0x75: {  	_ =	shalt  }
0x76: {  	_ =	shalt  }
0x77: {  	_ =	shalt  }
0x78: {  	_ =	shalt  }
0x79: {  	_ =	shalt  }
0x7a: {  	_ =	shalt  }
0x7b: {  	_ =	shalt  }
0x7c: {  	_ =	shalt  }
0x7d: {  	_ =	shalt  }
0x7e: {  	_ =	shalt  }
0x7f: {  	_ =	shalt  }
0x80: {  	_ =	shalt  }
0x81: {  	_ =	shalt  }
0x82: {  	_ =	shalt  }
0x83: {  	_ =	shalt  }
0x84: {  	_ =	shalt  }
0x85: {  	_ =	shalt  }
0x86: {  	_ =	shalt  }
0x87: {  	_ =	shalt  }
.Lfunc_end0:
.L_simem_size_0:
called_computation_lowered:
.L_overlay_start_0:
0x88: {  	s2 =	sld [smem:$0x3FD9]  }
0x89: {  	s3 =	sld [smem:$0x3FFE];
	_ =	sdelay $0x1  }
0x8a: {  	s1 =	srdreg.scid  }
0x8b: {  	s0 =	sand.u32 $0x1, s1  }
0x8c: {  	s18 =	sshll.u32 s0, $0xA;
	s2 =	sadd.s32 s3, s2  }
0x8d: {  	s2 =	sadd.s32 s2, s18  }
0x8e: {  	[smem:$0x3FC4] =	sst s2  }
0x8f: {  	_ = 	snop  }
0x90: {  	s2 =	sld [smem:$0x3FC9]  }
0x91: {  	s19 =	sld [smem:$0x3FC8]  }
0x92: {  	s4 =	sld [smem:$0x3FD0];
	(tm) =	ssettm $0x1  }
0x93: {  	s5 =	sld [smem:$0x3FFB];
	_ =	sdelay $0x3  }
0x94: {  	_ =	strace s5  }
0x95: {  	s5 =	sld [smem:$0x3FFC];
	_ =	sdelay $0x3  }
0x96: {  	_ =	strace s5  }
0x97: {  	s5 =	sld [smem:$0x3FFD];
	_ =	sdelay $0x3  }
0x98: {  	_ =	strace s5  }
0x99: {  	_ =	strace $0x8FFFFFFF  }
0x9a: {  	s20 =	sld [smem:$0x3FDB];
	_ =	sdelay $0x1  }
0x9b: {  	s6 =	simm.s32 $_scs_section_size  }
0x9c: {  	s7 =	simm.s32 $_size__tile_overlayer_lowered;
	s8 =	simm.s32 $_tile_overlayer_lowered  }
0x9d: {  	s23 =	simm.s32 $0x1BFF;
	s22 =	sshll.u32 s8, $0x1;
	s5 =	sadd.s32 s6, s20  }
0x9e: {  	s9 =	simm.s32 $0x0;
	s21 =	sshll.u32 s7, $0x1;
	s7 =	sadd.s32 s22, s5  }
0x9f: {  	[timem:s9], [sflag:s23] =	dma.local [hbm:s7], s21  }
0xa0: {  	_ =	swait.ge [sflag:s23], s21  }
0xa1: {  	s6 =	ssub.s32 $0x0, s21;
	[sflag:s23] =	ssyncset.done $0x0  }
0xa2: {  	[sflag:s23] =	ssyncadd.s32 s6;
	_ =	sdelay $0x1  }
0xa3: {  	s24 =	simm.s32 $0x1B8B  }
0xa4: {  	_ =	swait.ge [sflag:s24], $0x1  }
0xa5: {  	[sflag:s24] =	ssyncset.done $0x0  }
0xa6: {  	s25 =	simm.s32 $0x1B8E;
	[sflag:s24] =	ssyncadd.s32 $0xFFFFFFFF  }
0xa7: {  	s26 =	simm.s32 $execute0_lowered;
	[smem:$0x3FD2] =	sst s25  }
0xa8: {  	s6 =	sshll.u32 s26, $0x1;
	_ =	strace $0x80000046;
	[dreg:$0x1] =	wrdreg $0xFFFFFFFF  }
0xa9: {  	s28 =	simm.s32 $_size_execute0_lowered;
	s5 =	sadd.s32 s5, s6;
	[dreg:$0x0] =	wrdreg $0x0  }
0xaa: {  	s6 =	sshll.u32 s28, $0x1;
	[dreg:$0x2] =	wrdreg s5  }
0xab: {  	[dreg:$0x3] =	wrdreg s6  }
0xac: {  	[dreg:$0x4] =	wrdreg $0xC0  }
0xad: {  	_ =	task [dreg:s9], $0x5FFFF  }
0xae: {  	[dreg:$0x1] =	wrdreg $0xFFFFFFFF  }
0xaf: {  	[dreg:$0x0] =	wrdreg $0x60  }
0xb0: {  	[dreg:$0x2] =	wrdreg s19  }
0xb1: {  	[dreg:$0x3] =	wrdreg s2  }
0xb2: {  	[dreg:$0x4] =	wrdreg s4  }
0xb3: {  	[dreg:$0x5] =	wrdreg $0x9  }
0xb4: {  	_ =	task.clear_ibuf [dreg:s9], $0x6FFFF;
	_ =	strace $0x90000046  }
0xb5: {  	s29 =	simm.s32 $0x9;
	_ =	strace $0x80000048  }
0xb6: {  	_ =	swait.ge [sflag:s29], $0x1  }
0xb7: {  	[sflag:s29] =	ssyncadd.s32 $0xFFFFFFFF  }
0xb8: {  	_ =	strace $0x90000048  }
0xb9: {  	_ =	sfence  }
0xba: {  	s30 =	sld [smem:$0x0];
	_ =	sdelay $0x2  }
0xbb: {  	s31 =	sshll.u32 s1, $0xD;
	s1 =	sshrl.u32 s1, $0x2  }
0xbc: {  	s3 =	sand.u32 $0x4000, s31;
	s1 =	sadd.s32 s1, s30  }
0xbd: {  	s0 =	sor.u32 s3, s0;
	s1 =	sshll.u32 s1, $0x11  }
0xbe: {  	s0 =	sor.u32 s1, s0  }
0xbf: {  	s0 =	sadd.s32 $0x8F2B, s0  }
0xc0: {  	[sflag:s0] =	ssyncadd.remote.s32 $0x1  }
0xc1: {  	_ =	sfence.sel $0xFFFF  }
0xc2: {  	[dreg:$0x0] =	wrdreg $0xFFFFFFFF;
	(pc) =	sbr.abs _section_cstart, $3  }
0xc3: {  	[dreg:$0x1] =	wrdreg $0xFFFFFFFF  }
0xc4: {  	_ =	task.clear_ibuf [dreg:s9], $0x2FFFF;
	_ =	strace $0x9FFFFFFF  }
0xc5: {  	(tm) =	ssettm $0x7FFFFFFF  }
tec
execute0_lowered:
.L_overlay_start_1:
0x0: {  	(tag) =	ssettag $0x1  }
0x1: {  	vm0 =	vmmov $0x1  }
0x2: {  	vm1 =	vcmask $0x308;
	vm2 =	vcmask $0x70C;
	vm3 =	vcmask $0xB10  }
0x3: {  	vm4 =	vcmask $0xF14;
	vm5 =	vcmask $0x1318;
	vm6 =	vcmask $0x171C  }
0x4: {  	vm7 =	vcmask $0x1B20;
	vm8 =	vcmask $0x1F24;
	vm9 =	vcmask $0x2328  }
0x5: {  	vm10 =	vcmask $0x272C;
	vm11 =	vcmask $0x2B30;
	vm12 =	vcmask $0x2F34  }
0x6: {  	vm13 =	vcmask $0x3338;
	vm14 =	vcmask $0x373C;
	v0 =	vlaneseq.u32  }
0x7: {  	vm15 =	vmmov $0x7fff;
	v34 =	vimm.f32 $1.000000000e+00;
	v1 =	vmul.u32 $0x80, v0  }
0x8: {  	s22 =	rddreg [dreg:$0x0];
	v2 =	vor.u32 $0x80, v0;
	v3 =	vor.u32 $0x100, v0;
	v4 =	vor.u32 $0x180, v0  }
0x9: {  	s0 =	rddreg [dreg:$0x1];
	v5 =	vor.u32 $0x200, v0;
	v6 =	vor.u32 $0x280, v0;
	v7 =	vor.u32 $0x300, v0  }
0xa: {  	s1 =	rddreg [dreg:$0x2];
	v8 =	vor.u32 $0x380, v0;
	v9 =	vor.u32 $0x400, v0;
	v10 =	vor.u32 $0x480, v0  }
0xb: {  	s2 =	srdreg.scid;
	s3 =	stileid.u32;
	v11 =	vor.u32 $0x500, v0;
	v12 =	vor.u32 $0x580, v0;
	v13 =	vor.u32 $0x600, v0  }
0xc: {  	s5 =	simm.s32 $0x0;
	s6 =	simm.s32 $0x1;
	s2 =	sand.u32 $0x1, s2;
	v14 =	vor.u32 $0x680, v0;
	v15 =	vor.u32 $0x700, v0;
	v16 =	vor.u32 $0x780, v0  }
0xd: {  	s7 =	simm.s32 $0x400;
	s3 =	sshll.u32 s3, $0x6;
	v17 =	vor.u32 $0x800, v0;
	v18 =	vor.u32 $0x880, v0;
	v19 =	vor.u32 $0x900, v0;
	s4 =	sshll.u32 s2, $0x5  }
0xe: {  	s8 =	simm.s32 $0xC3800;
	[smem:$0x7FF] =	sst s5;
	v20 =	vor.u32 $0x980, v0;
	v21 =	vor.u32 $0xA00, v0;
	v22 =	vor.u32 $0xA80, v0;
	s3 =	sor.u32 s4, s3  }
0xf: {  	v23 =	vor.u32 $0xB00, v0;
	v24 =	vor.u32 $0xB80, v0;
	v25 =	vor.u32 $0xC00, v0;
	_ =	strace $0x80000047;
	s2 =	ssub.s32 $0x2, s2;
	s4 =	sshrl.u32 s3, $0x3  }
0x10: {  	v26 =	vor.u32 $0xC80, v0;
	v27 =	vor.u32 $0xD00, v0;
	v28 =	vor.u32 $0xD80, v0;
	s30 =	sshrl.u32 s2, $0x1;
	s3 =	sshll.u32 s3, $0x4;
	s0 =	sadd.s32 s0, s4  }
0x11: {  	v29 =	vor.u32 $0xE00, v0;
	v30 =	vor.u32 $0xE80, v0;
	v31 =	vor.u32 $0xF00, v0;
	s2 =	ssub.s32 s2, s30;
	s31 =	sadd.s32 s1, s3;
	[dreg:$0x4] =	wrdreg s0  }
0x12: {  	s16 =	simm.s32 $0x10080;
	v32 =	vor.u32 $0xF80, v0;
	v33 =	vor.u32 $0x10, v1;
	v35 =	vor.u32 $0x810, v1;
	[dreg:$0x5] =	wrdreg s31;
	s0 =	smax.u32 s2, $0x1  }
.LBB2_1:
0x13: {  	[dreg:$0x6] =	wrdreg s0  }
0x14: {  	s31 =	rddreg [dreg:$0x4];
	s1 =	simm.s32 $0x0;
	s2 =	simm.s32 $0x2  }
0x15: {  	[tilespmem:s1], [sflag:$0x2] =	stream.linear.gather [hbm4b:s31+s1], $0x20, $0x38;
	[tilespmem:$0x11080] =	vst v63  }
0x16: {  	_ =	swait.ge [sflag:s2], $0x20  }
0x17: {  	[sflag:s2] =	ssyncset.done $0x0  }
0x18: {  	[sflag:s2] =	ssyncadd.s32 $0xFFFFFFE0  }
0x19: {  	v36 =	vld [tilespmem:$0x0];
	_ =	sdelay $0x4  }
0x1a: {  	v37 =	vnsel vm0, $0x0, v36  }
0x1b: {  	(xrf0) =	vadd.scan.msk.s32 $0xffff, v37;
	_ =	sdelay $0x5  }
0x1c: {  	v37, _, _ =	vpop (xrf0)  }
0x1d: {  	(v2sf) =	vpush v37, $0xF;
	_ =	sdelay $0x2  }
0x1e: {  	v43 =	vsel vm1, $0x0, v36  }
0x1f: {  	(xrf0) =	vadd.scan.msk.s32 $0xffff, v43;
	_ =	sdelay $0x5  }
0x20: {  	v37, _, _ =	vpop (xrf0)  }
0x21: {  	(v2sf) =	vpush v37, $0xF;
	_ =	sdelay $0x3  }
0x22: {  	v44 =	vsel vm2, $0x0, v36;
	s2 =	spop (v2sf)  }
0x23: {  	(xrf0) =	vadd.scan.msk.s32 $0xffff, v44;
	s3 =	sshra.s32 s2, $0x1F  }
0x24: {  	s0 =	sshrl.u32 s3, $0x19  }
0x25: {  	s0 =	sadd.s32 s0, s2  }
0x26: {  	s4 =	sand.u32 $0xFFFFFF80, s0  }
0x27: {  	p0 =	slt.s32 s2, $0x1;
	p1 =	sne.s32 s2, s4  }
0x28: {  	p0 =	por !p0, !p1  }
0x29: {  	s1 =	simm.s32 $0x1;
	v37, _, _ =	vpop (xrf0);
	p0 =	por !p0, !p0  }
0x2a: {  	(v2sf) =	vpush v37, $0xF;
	s0 =	sshrl.u32 s0, $0x7;
	s1 =	simm.s32 @!p0 $0x0  }
0x2b: {  	s0 =	ssub.s32 s0, s1  }
0x2c: {  	s0 =	sshll.u32 s0, $0x7  }
0x2d: {  	v45 =	vsel vm3, $0x0, v36;
	s9 =	spop (v2sf);
	s0 =	sand.u32 $0x1FFFFF80, s0  }
0x2e: {  	s5 =	simm.s32 $0x80;
	(xrf0) =	vadd.scan.msk.s32 $0xffff, v45;
	s10 =	sshra.s32 s9, $0x1F;
	s0 =	sadd.s32 s22, s0  }
0x2f: {  	[tilespmem:s5], [sflag:$0x1] =	stream.strided.gather [hbm4b:s0+s7], $0x800, s8, s7, $0x38;
	[tilespmem:$0x11080] =	vst v63  }
0x30: {  	s0 =	sshrl.u32 s10, $0x19  }
0x31: {  	s0 =	sadd.s32 s0, s9  }
0x32: {  	s11 =	sand.u32 $0xFFFFFF80, s0  }
0x33: {  	p5 =	slt.s32 s9, $0x1;
	p6 =	sne.s32 s9, s11  }
0x34: {  	p0 =	por !p5, !p6  }
0x35: {  	v37, _, _ =	vpop (xrf0);
	s1 =	simm.s32 $0x1;
	p0 =	por !p0, !p0  }
0x36: {  	(v2sf) =	vpush v37, $0xF;
	s0 =	sshrl.u32 s0, $0x7;
	s1 =	simm.s32 @!p0 $0x0  }
0x37: {  	s0 =	ssub.s32 s0, s1  }
0x38: {  	s0 =	sshll.u32 s0, $0x7  }
0x39: {  	v46 =	vsel vm4, $0x0, v36;
	s13 =	spop (v2sf);
	s0 =	sand.u32 $0x1FFFFF80, s0  }
0x3a: {  	s12 =	simm.s32 $0x880;
	(xrf0) =	vadd.scan.msk.s32 $0xffff, v46;
	s14 =	sshra.s32 s13, $0x1F;
	s0 =	sadd.s32 s22, s0  }
0x3b: {  	[tilespmem:s12], [sflag:$0x1] =	stream.strided.gather [hbm4b:s0+s7], $0x800, s8, s7, $0x38;
	[tilespmem:$0x11080] =	vst v63  }
0x3c: {  	s0 =	sshrl.u32 s14, $0x19  }
0x3d: {  	s0 =	sadd.s32 s0, s13  }
0x3e: {  	s15 =	sand.u32 $0xFFFFFF80, s0  }
0x3f: {  	p1 =	slt.s32 s13, $0x1;
	p2 =	sne.s32 s13, s15  }
0x40: {  	p0 =	por !p1, !p2  }
0x41: {  	v37, _, _ =	vpop (xrf0);
	s1 =	simm.s32 $0x1;
	p0 =	por !p0, !p0  }
0x42: {  	(v2sf) =	vpush v37, $0xF;
	s0 =	sshrl.u32 s0, $0x7;
	s1 =	simm.s32 @!p0 $0x0  }
0x43: {  	s0 =	ssub.s32 s0, s1  }
0x44: {  	s0 =	sshll.u32 s0, $0x7  }
0x45: {  	v47 =	vsel vm5, $0x0, v36;
	s18 =	spop (v2sf);
	s0 =	sand.u32 $0x1FFFFF80, s0  }
0x46: {  	s17 =	simm.s32 $0x1080;
	(xrf0) =	vadd.scan.msk.s32 $0xffff, v47;
	s19 =	sshra.s32 s18, $0x1F;
	s0 =	sadd.s32 s22, s0  }
0x47: {  	[tilespmem:s17], [sflag:$0x1] =	stream.strided.gather [hbm4b:s0+s7], $0x800, s8, s7, $0x38;
	[tilespmem:$0x11080] =	vst v63  }
0x48: {  	s0 =	sshrl.u32 s19, $0x19  }
0x49: {  	s0 =	sadd.s32 s0, s18  }
0x4a: {  	s20 =	sand.u32 $0xFFFFFF80, s0  }
0x4b: {  	p3 =	slt.s32 s18, $0x1;
	p4 =	sne.s32 s18, s20  }
0x4c: {  	p0 =	por !p3, !p4  }
0x4d: {  	v37, _, _ =	vpop (xrf0);
	s1 =	simm.s32 $0x1;
	p0 =	por !p0, !p0  }
0x4e: {  	(v2sf) =	vpush v37, $0xF;
	s0 =	sshrl.u32 s0, $0x7;
	s1 =	simm.s32 @!p0 $0x0  }
0x4f: {  	s0 =	ssub.s32 s0, s1  }
0x50: {  	s0 =	sshll.u32 s0, $0x7  }
0x51: {  	v48 =	vsel vm6, $0x0, v36;
	s23 =	spop (v2sf);
	s0 =	sand.u32 $0x1FFFFF80, s0  }
0x52: {  	s21 =	simm.s32 $0x1880;
	(xrf0) =	vadd.scan.msk.s32 $0xffff, v48;
	s24 =	sshra.s32 s23, $0x1F;
	s0 =	sadd.s32 s22, s0  }
0x53: {  	[tilespmem:s21], [sflag:$0x1] =	stream.strided.gather [hbm4b:s0+s7], $0x800, s8, s7, $0x38;
	[tilespmem:$0x11080] =	vst v63  }
0x54: {  	s0 =	sshrl.u32 s24, $0x19  }
0x55: {  	s0 =	sadd.s32 s0, s23  }
0x56: {  	s25 =	sand.u32 $0xFFFFFF80, s0  }
0x57: {  	p5 =	slt.s32 s23, $0x1;
	p6 =	sne.s32 s23, s25  }
0x58: {  	p0 =	por !p5, !p6  }
0x59: {  	v37, _, _ =	vpop (xrf0);
	s1 =	simm.s32 $0x1;
	p0 =	por !p0, !p0  }
0x5a: {  	(v2sf) =	vpush v37, $0xF;
	s0 =	sshrl.u32 s0, $0x7;
	s1 =	simm.s32 @!p0 $0x0  }
0x5b: {  	s0 =	ssub.s32 s0, s1  }
0x5c: {  	s0 =	sshll.u32 s0, $0x7  }
0x5d: {  	v49 =	vsel vm7, $0x0, v36;
	s28 =	spop (v2sf);
	s0 =	sand.u32 $0x1FFFFF80, s0  }
0x5e: {  	s26 =	simm.s32 $0x2080;
	(xrf0) =	vadd.scan.msk.s32 $0xffff, v49;
	s29 =	sshra.s32 s28, $0x1F;
	s0 =	sadd.s32 s22, s0  }
0x5f: {  	[tilespmem:s26], [sflag:$0x1] =	stream.strided.gather [hbm4b:s0+s7], $0x800, s8, s7, $0x38;
	[tilespmem:$0x11080] =	vst v63  }
0x60: {  	s0 =	sshrl.u32 s29, $0x19  }
0x61: {  	s0 =	sadd.s32 s0, s28  }
0x62: {  	s30 =	sand.u32 $0xFFFFFF80, s0  }
0x63: {  	p1 =	slt.s32 s28, $0x1;
	p2 =	sne.s32 s28, s30  }
0x64: {  	p0 =	por !p1, !p2  }
0x65: {  	v37, _, _ =	vpop (xrf0);
	s1 =	simm.s32 $0x1;
	p0 =	por !p0, !p0  }
0x66: {  	(v2sf) =	vpush v37, $0xF;
	s0 =	sshrl.u32 s0, $0x7;
	s1 =	simm.s32 @!p0 $0x0  }
0x67: {  	s0 =	ssub.s32 s0, s1  }
0x68: {  	s0 =	sshll.u32 s0, $0x7  }
0x69: {  	v50 =	vsel vm8, $0x0, v36;
	s1 =	spop (v2sf);
	s0 =	sand.u32 $0x1FFFFF80, s0  }
0x6a: {  	s31 =	simm.s32 $0x2880;
	(xrf0) =	vadd.scan.msk.s32 $0xffff, v50;
	s3 =	sshra.s32 s1, $0x1F;
	s0 =	sadd.s32 s22, s0  }
0x6b: {  	[tilespmem:s31], [sflag:$0x1] =	stream.strided.gather [hbm4b:s0+s7], $0x800, s8, s7, $0x38;
	[tilespmem:$0x11080] =	vst v63  }
0x6c: {  	s0 =	sshrl.u32 s3, $0x19  }
0x6d: {  	s0 =	sadd.s32 s0, s1  }
0x6e: {  	s4 =	sand.u32 $0xFFFFFF80, s0  }
0x6f: {  	p3 =	slt.s32 s1, $0x1;
	p4 =	sne.s32 s1, s4  }
0x70: {  	p0 =	por !p3, !p4  }
0x71: {  	v37, _, _ =	vpop (xrf0);
	[dreg:$0xd] =	wrdreg s1;
	s1 =	simm.s32 $0x1;
	p0 =	por !p0, !p0  }
0x72: {  	(v2sf) =	vpush v37, $0xF;
	s0 =	sshrl.u32 s0, $0x7;
	s1 =	simm.s32 @!p0 $0x0  }
0x73: {  	s0 =	ssub.s32 s0, s1  }
0x74: {  	s0 =	sshll.u32 s0, $0x7  }
0x75: {  	v51 =	vsel vm9, $0x0, v36;
	[dreg:$0x8] =	wrdreg s9;
	s9 =	spop (v2sf);
	s0 =	sand.u32 $0x1FFFFF80, s0  }
0x76: {  	s5 =	simm.s32 $0x3080;
	(xrf0) =	vadd.scan.msk.s32 $0xffff, v51;
	s10 =	sshra.s32 s9, $0x1F;
	s0 =	sadd.s32 s22, s0  }
0x77: {  	[tilespmem:s5], [sflag:$0x1] =	stream.strided.gather [hbm4b:s0+s7], $0x800, s8, s7, $0x38;
	[tilespmem:$0x11080] =	vst v63  }
0x78: {  	s0 =	sshrl.u32 s10, $0x19  }
0x79: {  	s0 =	sadd.s32 s0, s9  }
0x7a: {  	s11 =	sand.u32 $0xFFFFFF80, s0  }
0x7b: {  	p5 =	slt.s32 s9, $0x1;
	p6 =	sne.s32 s9, s11  }
0x7c: {  	p0 =	por !p5, !p6  }
0x7d: {  	v37, _, _ =	vpop (xrf0);
	s1 =	simm.s32 $0x1;
	p0 =	por !p0, !p0  }
0x7e: {  	(v2sf) =	vpush v37, $0xF;
	s0 =	sshrl.u32 s0, $0x7;
	s1 =	simm.s32 @!p0 $0x0  }
0x7f: {  	s0 =	ssub.s32 s0, s1  }
0x80: {  	s0 =	sshll.u32 s0, $0x7  }
0x81: {  	v52 =	vsel vm10, $0x0, v36;
	[dreg:$0x9] =	wrdreg s13;
	s25 =	spop (v2sf);
	s0 =	sand.u32 $0x1FFFFF80, s0  }
0x82: {  	s12 =	simm.s32 $0x3880;
	(xrf0) =	vadd.scan.msk.s32 $0xffff, v52;
	s13 =	sshra.s32 s25, $0x1F;
	s0 =	sadd.s32 s22, s0  }
0x83: {  	[tilespmem:s12], [sflag:$0x1] =	stream.strided.gather [hbm4b:s0+s7], $0x800, s8, s7, $0x38;
	[tilespmem:$0x11080] =	vst v63  }
0x84: {  	s0 =	sshrl.u32 s13, $0x19  }
0x85: {  	s0 =	sadd.s32 s0, s25  }
0x86: {  	s14 =	sand.u32 $0xFFFFFF80, s0  }
0x87: {  	p1 =	slt.s32 s25, $0x1;
	p2 =	sne.s32 s25, s14  }
0x88: {  	p0 =	por !p1, !p2  }
0x89: {  	v37, _, _ =	vpop (xrf0);
	s1 =	simm.s32 $0x1;
	p0 =	por !p0, !p0  }
0x8a: {  	(v2sf) =	vpush v37, $0xF;
	s0 =	sshrl.u32 s0, $0x7;
	s1 =	simm.s32 @!p0 $0x0  }
0x8b: {  	s0 =	ssub.s32 s0, s1  }
0x8c: {  	s0 =	sshll.u32 s0, $0x7  }
0x8d: {  	v53 =	vsel vm11, $0x0, v36;
	s26 =	spop (v2sf);
	s0 =	sand.u32 $0x1FFFFF80, s0  }
0x8e: {  	s15 =	simm.s32 $0x4080;
	(xrf0) =	vadd.scan.msk.s32 $0xffff, v53;
	s17 =	sshra.s32 s26, $0x1F;
	s0 =	sadd.s32 s22, s0  }
0x8f: {  	[tilespmem:s15], [sflag:$0x1] =	stream.strided.gather [hbm4b:s0+s7], $0x800, s8, s7, $0x38;
	[tilespmem:$0x11080] =	vst v63  }
0x90: {  	s0 =	sshrl.u32 s17, $0x19  }
0x91: {  	s0 =	sadd.s32 s0, s26  }
0x92: {  	[dreg:$0xa] =	wrdreg s18;
	s18 =	sand.u32 $0xFFFFFF80, s0  }
0x93: {  	p3 =	slt.s32 s26, $0x1;
	p4 =	sne.s32 s26, s18  }
0x94: {  	p0 =	por !p3, !p4  }
0x95: {  	v37, _, _ =	vpop (xrf0);
	s1 =	simm.s32 $0x1;
	p0 =	por !p0, !p0  }
0x96: {  	(v2sf) =	vpush v37, $0xF;
	s0 =	sshrl.u32 s0, $0x7;
	s1 =	simm.s32 @!p0 $0x0  }
0x97: {  	s0 =	ssub.s32 s0, s1  }
0x98: {  	s0 =	sshll.u32 s0, $0x7  }
0x99: {  	v54 =	vsel vm12, $0x0, v36;
	[dreg:$0xc] =	wrdreg s28;
	s28 =	spop (v2sf);
	s0 =	sand.u32 $0x1FFFFF80, s0  }
0x9a: {  	s19 =	simm.s32 $0x4880;
	(xrf0) =	vadd.scan.msk.s32 $0xffff, v54;
	s20 =	sshra.s32 s28, $0x1F;
	s0 =	sadd.s32 s22, s0  }
0x9b: {  	[tilespmem:s19], [sflag:$0x1] =	stream.strided.gather [hbm4b:s0+s7], $0x800, s8, s7, $0x38;
	[tilespmem:$0x11080] =	vst v63  }
0x9c: {  	s0 =	sshrl.u32 s20, $0x19  }
0x9d: {  	s0 =	sadd.s32 s0, s28  }
0x9e: {  	s21 =	sand.u32 $0xFFFFFF80, s0  }
0x9f: {  	p5 =	slt.s32 s28, $0x1;
	p6 =	sne.s32 s28, s21  }
0xa0: {  	p0 =	por !p5, !p6  }
0xa1: {  	v37, _, _ =	vpop (xrf0);
	s1 =	simm.s32 $0x1;
	p0 =	por !p0, !p0  }
0xa2: {  	(v2sf) =	vpush v37, $0xF;
	s0 =	sshrl.u32 s0, $0x7;
	s1 =	simm.s32 @!p0 $0x0  }
0xa3: {  	s0 =	ssub.s32 s0, s1  }
0xa4: {  	s0 =	sshll.u32 s0, $0x7  }
0xa5: {  	v55 =	vsel vm13, $0x0, v36;
	[dreg:$0xb] =	wrdreg s23;
	s29 =	spop (v2sf);
	s0 =	sand.u32 $0x1FFFFF80, s0  }
0xa6: {  	s23 =	simm.s32 $0x5080;
	(xrf0) =	vadd.scan.msk.s32 $0xffff, v55;
	s24 =	sshra.s32 s29, $0x1F;
	s0 =	sadd.s32 s22, s0  }
0xa7: {  	[tilespmem:s23], [sflag:$0x1] =	stream.strided.gather [hbm4b:s0+s7], $0x800, s8, s7, $0x38;
	[tilespmem:$0x11080] =	vst v63  }
0xa8: {  	s0 =	sshrl.u32 s24, $0x19  }
0xa9: {  	s0 =	sadd.s32 s0, s29  }
0xaa: {  	s30 =	sand.u32 $0xFFFFFF80, s0  }
0xab: {  	p1 =	slt.s32 s29, $0x1;
	p2 =	sne.s32 s29, s30  }
0xac: {  	p0 =	por !p1, !p2  }
0xad: {  	v37, _, _ =	vpop (xrf0);
	s1 =	simm.s32 $0x1;
	p0 =	por !p0, !p0  }
0xae: {  	(v2sf) =	vpush v37, $0xF;
	s0 =	sshrl.u32 s0, $0x7;
	s1 =	simm.s32 @!p0 $0x0  }
0xaf: {  	s0 =	ssub.s32 s0, s1  }
0xb0: {  	s0 =	sshll.u32 s0, $0x7  }
0xb1: {  	v56 =	vsel vm14, $0x0, v36;
	[dreg:$0x7] =	wrdreg s2;
	s30 =	spop (v2sf);
	s0 =	sand.u32 $0x1FFFFF80, s0  }
0xb2: {  	s31 =	simm.s32 $0x5880;
	(xrf0) =	vadd.scan.msk.s32 $0xffff, v56;
	s2 =	sshra.s32 s30, $0x1F;
	s0 =	sadd.s32 s22, s0  }
0xb3: {  	[tilespmem:s31], [sflag:$0x1] =	stream.strided.gather [hbm4b:s0+s7], $0x800, s8, s7, $0x38;
	[tilespmem:$0x11080] =	vst v63  }
0xb4: {  	s0 =	sshrl.u32 s2, $0x19  }
0xb5: {  	s0 =	sadd.s32 s0, s30  }
0xb6: {  	s3 =	sand.u32 $0xFFFFFF80, s0  }
0xb7: {  	p3 =	slt.s32 s30, $0x1;
	p4 =	sne.s32 s30, s3  }
0xb8: {  	p0 =	por !p3, !p4  }
0xb9: {  	v37, _, _ =	vpop (xrf0);
	s1 =	simm.s32 $0x1;
	p0 =	por !p0, !p0  }
0xba: {  	(v2sf) =	vpush v37, $0xF;
	s0 =	sshrl.u32 s0, $0x7;
	s1 =	simm.s32 @!p0 $0x0  }
0xbb: {  	s0 =	ssub.s32 s0, s1  }
0xbc: {  	s0 =	sshll.u32 s0, $0x7  }
0xbd: {  	v36 =	vsel vm15, $0x0, v36;
	s31 =	spop (v2sf);
	s0 =	sand.u32 $0x1FFFFF80, s0  }
0xbe: {  	s4 =	simm.s32 $0x6080;
	(xrf0) =	vadd.scan.msk.s32 $0xffff, v36;
	s5 =	sshra.s32 s31, $0x1F;
	s0 =	sadd.s32 s22, s0  }
0xbf: {  	[tilespmem:s4], [sflag:$0x1] =	stream.strided.gather [hbm4b:s0+s7], $0x800, s8, s7, $0x38;
	[tilespmem:$0x11080] =	vst v63  }
0xc0: {  	s0 =	sshrl.u32 s5, $0x19  }
0xc1: {  	s0 =	sadd.s32 s0, s31  }
0xc2: {  	[dreg:$0xe] =	wrdreg s9;
	s9 =	sand.u32 $0xFFFFFF80, s0  }
0xc3: {  	p5 =	slt.s32 s31, $0x1;
	p6 =	sne.s32 s31, s9  }
0xc4: {  	p0 =	por !p5, !p6  }
0xc5: {  	v36, _, _ =	vpop (xrf0);
	s1 =	simm.s32 $0x1;
	p0 =	por !p0, !p0  }
0xc6: {  	(v2sf) =	vpush v36, $0xF;
	s0 =	sshrl.u32 s0, $0x7;
	s1 =	simm.s32 @!p0 $0x0  }
0xc7: {  	s0 =	ssub.s32 s0, s1  }
0xc8: {  	s0 =	sshll.u32 s0, $0x7  }
0xc9: {  	s17 =	spop (v2sf);
	s0 =	sand.u32 $0x1FFFFF80, s0  }
0xca: {  	s10 =	simm.s32 $0x6880;
	s11 =	sshra.s32 s17, $0x1F;
	s0 =	sadd.s32 s22, s0  }
0xcb: {  	[tilespmem:s10], [sflag:$0x1] =	stream.strided.gather [hbm4b:s0+s7], $0x800, s8, s7, $0x38;
	[tilespmem:$0x11080] =	vst v63  }
0xcc: {  	s0 =	sshrl.u32 s11, $0x19  }
0xcd: {  	s0 =	sadd.s32 s0, s17  }
0xce: {  	s12 =	sand.u32 $0xFFFFFF80, s0  }
0xcf: {  	p1 =	slt.s32 s17, $0x1;
	p2 =	sne.s32 s17, s12  }
0xd0: {  	p0 =	por !p1, !p2  }
0xd1: {  	s1 =	simm.s32 $0x1;
	p0 =	por !p0, !p0  }
0xd2: {  	s0 =	sshrl.u32 s0, $0x7;
	s1 =	simm.s32 @!p0 $0x0  }
0xd3: {  	s0 =	ssub.s32 s0, s1  }
0xd4: {  	s0 =	sshll.u32 s0, $0x7  }
0xd5: {  	s2 =	spop (v2sf);
	s0 =	sand.u32 $0x1FFFFF80, s0  }
0xd6: {  	s13 =	simm.s32 $0x7080;
	s14 =	sshra.s32 s2, $0x1F;
	s0 =	sadd.s32 s22, s0  }
0xd7: {  	[tilespmem:s13], [sflag:$0x1] =	stream.strided.gather [hbm4b:s0+s7], $0x800, s8, s7, $0x38;
	[tilespmem:$0x11080] =	vst v63  }
0xd8: {  	s0 =	sshrl.u32 s14, $0x19  }
0xd9: {  	s0 =	sadd.s32 s0, s2  }
0xda: {  	s15 =	sand.u32 $0xFFFFFF80, s0  }
0xdb: {  	p3 =	slt.s32 s2, $0x1;
	p4 =	sne.s32 s2, s15  }
0xdc: {  	p0 =	por !p3, !p4  }
0xdd: {  	s1 =	simm.s32 $0x1;
	p0 =	por !p0, !p0  }
0xde: {  	s0 =	sshrl.u32 s0, $0x7;
	s1 =	simm.s32 @!p0 $0x0  }
0xdf: {  	s0 =	ssub.s32 s0, s1  }
0xe0: {  	s0 =	sshll.u32 s0, $0x7  }
0xe1: {  	s0 =	sand.u32 $0x1FFFFF80, s0  }
0xe2: {  	s18 =	simm.s32 $0x7880;
	s0 =	sadd.s32 s22, s0  }
0xe3: {  	[tilespmem:s18], [sflag:$0x1] =	stream.strided.gather [hbm4b:s0+s7], $0x800, s8, s7, $0x38;
	[tilespmem:$0x11080] =	vst v63  }
0xe4: {  	v57 =	vld [tilespmem:$0x10];
	_ =	sdelay $0x4  }
0xe5: {  	v58 =	vnsel vm0, $0x0, v57  }
0xe6: {  	(xrf0) =	vadd.scan.msk.s32 $0xffff, v58;
	_ =	sdelay $0x5  }
0xe7: {  	v37, _, _ =	vpop (xrf0)  }
0xe8: {  	(v2sf) =	vpush v37, $0xF;
	_ =	sdelay $0x2  }
0xe9: {  	v59 =	vsel vm1, $0x0, v57  }
0xea: {  	(xrf0) =	vadd.scan.msk.s32 $0xffff, v59;
	_ =	sdelay $0x5  }
0xeb: {  	v37, _, _ =	vpop (xrf0)  }
0xec: {  	(v2sf) =	vpush v37, $0xF;
	_ =	sdelay $0x3  }
0xed: {  	v60 =	vsel vm2, $0x0, v57;
	s3 =	spop (v2sf)  }
0xee: {  	(xrf0) =	vadd.scan.msk.s32 $0xffff, v60;
	s19 =	sshra.s32 s3, $0x1F  }
0xef: {  	s0 =	sshrl.u32 s19, $0x19  }
0xf0: {  	s0 =	sadd.s32 s0, s3  }
0xf1: {  	s20 =	sand.u32 $0xFFFFFF80, s0  }
0xf2: {  	p5 =	slt.s32 s3, $0x1;
	p6 =	sne.s32 s3, s20  }
0xf3: {  	p0 =	por !p5, !p6  }
0xf4: {  	s1 =	simm.s32 $0x1;
	v37, _, _ =	vpop (xrf0);
	p0 =	por !p0, !p0  }
0xf5: {  	(v2sf) =	vpush v37, $0xF;
	s0 =	sshrl.u32 s0, $0x7;
	s1 =	simm.s32 @!p0 $0x0  }
0xf6: {  	s0 =	ssub.s32 s0, s1  }
0xf7: {  	s0 =	sshll.u32 s0, $0x7  }
0xf8: {  	v61 =	vsel vm3, $0x0, v57;
	s9 =	spop (v2sf);
	s0 =	sand.u32 $0x1FFFFF80, s0  }
0xf9: {  	s21 =	simm.s32 $0x8080;
	(xrf0) =	vadd.scan.msk.s32 $0xffff, v61;
	s23 =	sshra.s32 s9, $0x1F;
	s0 =	sadd.s32 s22, s0  }
0xfa: {  	[tilespmem:s21], [sflag:$0x1] =	stream.strided.gather [hbm4b:s0+s7], $0x800, s8, s7, $0x38;
	[tilespmem:$0x11080] =	vst v63  }
0xfb: {  	s0 =	sshrl.u32 s23, $0x19  }
0xfc: {  	s0 =	sadd.s32 s0, s9  }
0xfd: {  	s24 =	sand.u32 $0xFFFFFF80, s0  }
0xfe: {  	p1 =	slt.s32 s9, $0x1;
	p2 =	sne.s32 s9, s24  }
0xff: {  	p0 =	por !p1, !p2  }
0x100: {  	v37, _, _ =	vpop (xrf0);
	s1 =	simm.s32 $0x1;
	p0 =	por !p0, !p0  }
0x101: {  	(v2sf) =	vpush v37, $0xF;
	s0 =	sshrl.u32 s0, $0x7;
	s1 =	simm.s32 @!p0 $0x0  }
0x102: {  	s0 =	ssub.s32 s0, s1  }
0x103: {  	s0 =	sshll.u32 s0, $0x7  }
0x104: {  	v62 =	vsel vm4, $0x0, v57;
	s10 =	spop (v2sf);
	s0 =	sand.u32 $0x1FFFFF80, s0  }
0x105: {  	s4 =	simm.s32 $0x8880;
	(xrf0) =	vadd.scan.msk.s32 $0xffff, v62;
	s5 =	sshra.s32 s10, $0x1F;
	s0 =	sadd.s32 s22, s0  }
0x106: {  	[tilespmem:s4], [sflag:$0x1] =	stream.strided.gather [hbm4b:s0+s7], $0x800, s8, s7, $0x38;
	[tilespmem:$0x11080] =	vst v63  }
0x107: {  	s0 =	sshrl.u32 s5, $0x19  }
0x108: {  	s0 =	sadd.s32 s0, s10  }
0x109: {  	s11 =	sand.u32 $0xFFFFFF80, s0  }
0x10a: {  	p3 =	slt.s32 s10, $0x1;
	p4 =	sne.s32 s10, s11  }
0x10b: {  	p0 =	por !p3, !p4  }
0x10c: {  	v37, _, _ =	vpop (xrf0);
	s1 =	simm.s32 $0x1;
	p0 =	por !p0, !p0  }
0x10d: {  	(v2sf) =	vpush v37, $0xF;
	s0 =	sshrl.u32 s0, $0x7;
	s1 =	simm.s32 @!p0 $0x0  }
0x10e: {  	s0 =	ssub.s32 s0, s1  }
0x10f: {  	s0 =	sshll.u32 s0, $0x7  }
0x110: {  	v63 =	vsel vm5, $0x0, v57;
	s11 =	spop (v2sf);
	s0 =	sand.u32 $0x1FFFFF80, s0  }
0x111: {  	s12 =	simm.s32 $0x9080;
	(xrf0) =	vadd.scan.msk.s32 $0xffff, v63;
	s13 =	sshra.s32 s11, $0x1F;
	s0 =	sadd.s32 s22, s0  }
0x112: {  	[tilespmem:s12], [sflag:$0x1] =	stream.strided.gather [hbm4b:s0+s7], $0x800, s8, s7, $0x38;
	[tilespmem:$0x11080] =	vst v63  }
0x113: {  	s0 =	sshrl.u32 s13, $0x19  }
0x114: {  	s0 =	sadd.s32 s0, s11  }
0x115: {  	s14 =	sand.u32 $0xFFFFFF80, s0  }
0x116: {  	p5 =	slt.s32 s11, $0x1;
	p6 =	sne.s32 s11, s14  }
0x117: {  	p0 =	por !p5, !p6  }
0x118: {  	v37, _, _ =	vpop (xrf0);
	s1 =	simm.s32 $0x1;
	p0 =	por !p0, !p0  }
0x119: {  	(v2sf) =	vpush v37, $0xF;
	s0 =	sshrl.u32 s0, $0x7;
	s1 =	simm.s32 @!p0 $0x0  }
0x11a: {  	s0 =	ssub.s32 s0, s1  }
0x11b: {  	s0 =	sshll.u32 s0, $0x7  }
0x11c: {  	v40 =	vsel vm6, $0x0, v57;
	s12 =	spop (v2sf);
	s0 =	sand.u32 $0x1FFFFF80, s0  }
0x11d: {  	s15 =	simm.s32 $0x9880;
	(xrf0) =	vadd.scan.msk.s32 $0xffff, v40;
	s18 =	sshra.s32 s12, $0x1F;
	s0 =	sadd.s32 s22, s0  }
0x11e: {  	[tilespmem:s15], [sflag:$0x1] =	stream.strided.gather [hbm4b:s0+s7], $0x800, s8, s7, $0x38;
	[tilespmem:$0x11080] =	vst v63  }
0x11f: {  	s0 =	sshrl.u32 s18, $0x19  }
0x120: {  	s0 =	sadd.s32 s0, s12  }
0x121: {  	s19 =	sand.u32 $0xFFFFFF80, s0  }
0x122: {  	p1 =	slt.s32 s12, $0x1;
	p2 =	sne.s32 s12, s19  }
0x123: {  	p0 =	por !p1, !p2  }
0x124: {  	v37, _, _ =	vpop (xrf0);
	s1 =	simm.s32 $0x1;
	p0 =	por !p0, !p0  }
0x125: {  	(v2sf) =	vpush v37, $0xF;
	s0 =	sshrl.u32 s0, $0x7;
	s1 =	simm.s32 @!p0 $0x0  }
0x126: {  	s0 =	ssub.s32 s0, s1  }
0x127: {  	s0 =	sshll.u32 s0, $0x7  }
0x128: {  	s13 =	spop (v2sf);
	s0 =	sand.u32 $0x1FFFFF80, s0  }
0x129: {  	s20 =	simm.s32 $0xA080;
	s21 =	sshra.s32 s13, $0x1F;
	s0 =	sadd.s32 s22, s0  }
0x12a: {  	[tilespmem:s20], [sflag:$0x1] =	stream.strided.gather [hbm4b:s0+s7], $0x800, s8, s7, $0x38;
	[tilespmem:$0x11080] =	vst v63  }
0x12b: {  	s0 =	sshrl.u32 s21, $0x19  }
0x12c: {  	v41 =	vsel vm7, $0x0, v57;
	s0 =	sadd.s32 s0, s13  }
0x12d: {  	(xrf0) =	vadd.scan.msk.s32 $0xffff, v41;
	s23 =	sand.u32 $0xFFFFFF80, s0  }
0x12e: {  	p3 =	slt.s32 s13, $0x1;
	p4 =	sne.s32 s13, s23  }
0x12f: {  	p0 =	por !p3, !p4  }
0x130: {  	s1 =	simm.s32 $0x1;
	p0 =	por !p0, !p0  }
0x131: {  	s0 =	sshrl.u32 s0, $0x7;
	s1 =	simm.s32 @!p0 $0x0  }
0x132: {  	s0 =	ssub.s32 s0, s1  }
0x133: {  	v37, _, _ =	vpop (xrf0);
	s0 =	sshll.u32 s0, $0x7  }
0x134: {  	(v2sf) =	vpush v37, $0xF;
	s14 =	spop (v2sf);
	s0 =	sand.u32 $0x1FFFFF80, s0  }
0x135: {  	s24 =	simm.s32 $0xA880;
	s4 =	sshra.s32 s14, $0x1F;
	s0 =	sadd.s32 s22, s0  }
0x136: {  	[tilespmem:s24], [sflag:$0x1] =	stream.strided.gather [hbm4b:s0+s7], $0x800, s8, s7, $0x38;
	[tilespmem:$0x11080] =	vst v63  }
0x137: {  	v42 =	vsel vm8, $0x0, v57;
	s0 =	sshrl.u32 s4, $0x19  }
0x138: {  	(xrf0) =	vadd.scan.msk.s32 $0xffff, v42;
	s0 =	sadd.s32 s0, s14  }
0x139: {  	s5 =	sand.u32 $0xFFFFFF80, s0  }
0x13a: {  	p5 =	slt.s32 s14, $0x1;
	p6 =	sne.s32 s14, s5  }
0x13b: {  	p0 =	por !p5, !p6  }
0x13c: {  	s1 =	simm.s32 $0x1;
	p0 =	por !p0, !p0  }
0x13d: {  	s0 =	sshrl.u32 s0, $0x7;
	s1 =	simm.s32 @!p0 $0x0  }
0x13e: {  	v37, _, _ =	vpop (xrf0);
	s0 =	ssub.s32 s0, s1  }
0x13f: {  	(v2sf) =	vpush v37, $0xF;
	s0 =	sshll.u32 s0, $0x7  }
0x140: {  	s0 =	sand.u32 $0x1FFFFF80, s0  }
0x141: {  	s15 =	simm.s32 $0xB080;
	s0 =	sadd.s32 s22, s0  }
0x142: {  	[tilespmem:s15], [sflag:$0x1] =	stream.strided.gather [hbm4b:s0+s7], $0x800, s8, s7, $0x38;
	[tilespmem:$0x11080] =	vst v63  }
0x143: {  	v43 =	vsel vm9, $0x0, v57;
	s15 =	spop (v2sf)  }
0x144: {  	(xrf0) =	vadd.scan.msk.s32 $0xffff, v43;
	s18 =	sshra.s32 s15, $0x1F  }
0x145: {  	s0 =	sshrl.u32 s18, $0x19  }
0x146: {  	s0 =	sadd.s32 s0, s15  }
0x147: {  	s19 =	sand.u32 $0xFFFFFF80, s0  }
0x148: {  	p1 =	slt.s32 s15, $0x1;
	p2 =	sne.s32 s15, s19  }
0x149: {  	p0 =	por !p1, !p2  }
0x14a: {  	v37, _, _ =	vpop (xrf0);
	s1 =	simm.s32 $0x1;
	p0 =	por !p0, !p0  }
0x14b: {  	(v2sf) =	vpush v37, $0xF;
	s0 =	sshrl.u32 s0, $0x7;
	s1 =	simm.s32 @!p0 $0x0  }
0x14c: {  	s0 =	ssub.s32 s0, s1  }
0x14d: {  	s0 =	sshll.u32 s0, $0x7  }
0x14e: {  	s5 =	spop (v2sf);
	s0 =	sand.u32 $0x1FFFFF80, s0  }
0x14f: {  	s20 =	simm.s32 $0xB880;
	s21 =	sshra.s32 s5, $0x1F;
	s0 =	sadd.s32 s22, s0  }
0x150: {  	[tilespmem:s20], [sflag:$0x1] =	stream.strided.gather [hbm4b:s0+s7], $0x800, s8, s7, $0x38;
	[tilespmem:$0x11080] =	vst v63  }
0x151: {  	s0 =	sshrl.u32 s21, $0x19  }
0x152: {  	v44 =	vsel vm10, $0x0, v57;
	s0 =	sadd.s32 s0, s5  }
0x153: {  	(xrf0) =	vadd.scan.msk.s32 $0xffff, v44;
	s23 =	sand.u32 $0xFFFFFF80, s0  }
0x154: {  	p4 =	slt.s32 s5, $0x1;
	p3 =	sne.s32 s5, s23  }
0x155: {  	p0 =	por !p4, !p3  }
0x156: {  	s1 =	simm.s32 $0x1;
	p0 =	por !p0, !p0  }
0x157: {  	s0 =	sshrl.u32 s0, $0x7;
	s1 =	simm.s32 @!p0 $0x0  }
0x158: {  	s0 =	ssub.s32 s0, s1  }
0x159: {  	v37, _, _ =	vpop (xrf0);
	s0 =	sshll.u32 s0, $0x7  }
0x15a: {  	(v2sf) =	vpush v37, $0xF;
	s4 =	spop (v2sf);
	s0 =	sand.u32 $0x1FFFFF80, s0  }
0x15b: {  	s24 =	simm.s32 $0xC080;
	s1 =	sshra.s32 s4, $0x1F;
	s0 =	sadd.s32 s22, s0  }
0x15c: {  	[tilespmem:s24], [sflag:$0x1] =	stream.strided.gather [hbm4b:s0+s7], $0x800, s8, s7, $0x38;
	[tilespmem:$0x11080] =	vst v63  }
0x15d: {  	s0 =	sshrl.u32 s1, $0x19  }
0x15e: {  	s0 =	sadd.s32 s0, s4  }
0x15f: {  	s18 =	sand.u32 $0xFFFFFF80, s0  }
0x160: {  	v45 =	vsel vm11, $0x0, v57;
	p6 =	slt.s32 s4, $0x1;
	p5 =	sne.s32 s4, s18  }
0x161: {  	(xrf0) =	vadd.scan.msk.s32 $0xffff, v45;
	p0 =	por !p6, !p5  }
0x162: {  	s1 =	simm.s32 $0x1;
	p0 =	por !p0, !p0  }
0x163: {  	s0 =	sshrl.u32 s0, $0x7;
	s1 =	simm.s32 @!p0 $0x0  }
0x164: {  	s0 =	ssub.s32 s0, s1  }
0x165: {  	s0 =	sshll.u32 s0, $0x7  }
0x166: {  	s0 =	sand.u32 $0x1FFFFF80, s0  }
0x167: {  	s19 =	simm.s32 $0xC880;
	v37, _, _ =	vpop (xrf0);
	s0 =	sadd.s32 s22, s0  }
0x168: {  	(v2sf) =	vpush v37, $0xF;
	[tilespmem:s19], [sflag:$0x1] =	stream.strided.gather [hbm4b:s0+s7], $0x800, s8, s7, $0x38;
	[tilespmem:$0x11080] =	vst v63  }
0x169: {  	s0 =	spop (v2sf)  }
0x16a: {  	s20 =	sshra.s32 s0, $0x1F  }
0x16b: {  	s1 =	sshrl.u32 s20, $0x19  }
0x16c: {  	s1 =	sadd.s32 s1, s0  }
0x16d: {  	s18 =	sand.u32 $0xFFFFFF80, s1  }
0x16e: {  	v46 =	vsel vm12, $0x0, v57;
	p2 =	slt.s32 s0, $0x1;
	p1 =	sne.s32 s0, s18  }
0x16f: {  	(xrf0) =	vadd.scan.msk.s32 $0xffff, v46;
	p0 =	por !p2, !p1  }
0x170: {  	s18 =	simm.s32 $0x1;
	p0 =	por !p0, !p0  }
0x171: {  	s1 =	sshrl.u32 s1, $0x7;
	s18 =	simm.s32 @!p0 $0x0  }
0x172: {  	s1 =	ssub.s32 s1, s18  }
0x173: {  	s1 =	sshll.u32 s1, $0x7  }
0x174: {  	s1 =	sand.u32 $0x1FFFFF80, s1  }
0x175: {  	s21 =	simm.s32 $0xD080;
	v37, _, _ =	vpop (xrf0);
	s1 =	sadd.s32 s22, s1  }
0x176: {  	(v2sf) =	vpush v37, $0xF;
	[tilespmem:s21], [sflag:$0x1] =	stream.strided.gather [hbm4b:s1+s7], $0x800, s8, s7, $0x38;
	[tilespmem:$0x11080] =	vst v63  }
0x177: {  	s1 =	spop (v2sf)  }
0x178: {  	s23 =	sshra.s32 s1, $0x1F  }
0x179: {  	s18 =	sshrl.u32 s23, $0x19  }
0x17a: {  	s18 =	sadd.s32 s18, s1  }
0x17b: {  	s19 =	sand.u32 $0xFFFFFF80, s18  }
0x17c: {  	v47 =	vsel vm13, $0x0, v57;
	p4 =	slt.s32 s1, $0x1;
	p3 =	sne.s32 s1, s19  }
0x17d: {  	(xrf0) =	vadd.scan.msk.s32 $0xffff, v47;
	p0 =	por !p4, !p3  }
0x17e: {  	s19 =	simm.s32 $0x1;
	p0 =	por !p0, !p0  }
0x17f: {  	s18 =	sshrl.u32 s18, $0x7;
	s19 =	simm.s32 @!p0 $0x0  }
0x180: {  	s18 =	ssub.s32 s18, s19  }
0x181: {  	s18 =	sshll.u32 s18, $0x7  }
0x182: {  	s18 =	sand.u32 $0x1FFFFF80, s18  }
0x183: {  	s24 =	simm.s32 $0xD880;
	v37, _, _ =	vpop (xrf0);
	s18 =	sadd.s32 s22, s18  }
0x184: {  	(v2sf) =	vpush v37, $0xF;
	[tilespmem:s24], [sflag:$0x1] =	stream.strided.gather [hbm4b:s18+s7], $0x800, s8, s7, $0x38;
	[tilespmem:$0x11080] =	vst v63  }
0x185: {  	s18 =	spop (v2sf)  }
0x186: {  	s20 =	sshra.s32 s18, $0x1F  }
0x187: {  	s19 =	sshrl.u32 s20, $0x19  }
0x188: {  	s19 =	sadd.s32 s19, s18  }
0x189: {  	s20 =	sand.u32 $0xFFFFFF80, s19  }
0x18a: {  	v48 =	vsel vm14, $0x0, v57;
	p6 =	slt.s32 s18, $0x1;
	p5 =	sne.s32 s18, s20  }
0x18b: {  	(xrf0) =	vadd.scan.msk.s32 $0xffff, v48;
	p0 =	por !p6, !p5  }
0x18c: {  	s20 =	simm.s32 $0x1;
	p0 =	por !p0, !p0  }
0x18d: {  	s19 =	sshrl.u32 s19, $0x7;
	s20 =	simm.s32 @!p0 $0x0  }
0x18e: {  	s19 =	ssub.s32 s19, s20  }
0x18f: {  	s19 =	sshll.u32 s19, $0x7  }
0x190: {  	s19 =	sand.u32 $0x1FFFFF80, s19  }
0x191: {  	v37, _, _ =	vpop (xrf0);
	s21 =	simm.s32 $0xE080;
	s19 =	sadd.s32 s22, s19  }
0x192: {  	(v2sf) =	vpush v37, $0xF;
	[tilespmem:s21], [sflag:$0x1] =	stream.strided.gather [hbm4b:s19+s7], $0x800, s8, s7, $0x38;
	[tilespmem:$0x11080] =	vst v63  }
0x193: {  	s19 =	spop (v2sf)  }
0x194: {  	s23 =	sshra.s32 s19, $0x1F  }
0x195: {  	s20 =	sshrl.u32 s23, $0x19  }
0x196: {  	s20 =	sadd.s32 s20, s19  }
0x197: {  	s21 =	sand.u32 $0xFFFFFF80, s20  }
0x198: {  	v36 =	vsel vm15, $0x0, v57;
	p2 =	slt.s32 s19, $0x1;
	p1 =	sne.s32 s19, s21  }
0x199: {  	(xrf0) =	vadd.scan.msk.s32 $0xffff, v36;
	p0 =	por !p2, !p1  }
0x19a: {  	s21 =	simm.s32 $0x1;
	p0 =	por !p0, !p0  }
0x19b: {  	s20 =	sshrl.u32 s20, $0x7;
	s21 =	simm.s32 @!p0 $0x0  }
0x19c: {  	s20 =	ssub.s32 s20, s21  }
0x19d: {  	s20 =	sshll.u32 s20, $0x7  }
0x19e: {  	s20 =	sand.u32 $0x1FFFFF80, s20  }
0x19f: {  	v36, _, _ =	vpop (xrf0);
	s24 =	simm.s32 $0xE880;
	s20 =	sadd.s32 s22, s20  }
0x1a0: {  	(v2sf) =	vpush v36, $0xF;
	[tilespmem:s24], [sflag:$0x1] =	stream.strided.gather [hbm4b:s20+s7], $0x800, s8, s7, $0x38;
	[tilespmem:$0x11080] =	vst v63  }
0x1a1: {  	s20 =	spop (v2sf)  }
0x1a2: {  	s23 =	sshra.s32 s20, $0x1F  }
0x1a3: {  	s21 =	sshrl.u32 s23, $0x19  }
0x1a4: {  	s21 =	sadd.s32 s21, s20  }
0x1a5: {  	s23 =	sand.u32 $0xFFFFFF80, s21  }
0x1a6: {  	p4 =	slt.s32 s20, $0x1;
	p3 =	sne.s32 s20, s23  }
0x1a7: {  	p0 =	por !p4, !p3  }
0x1a8: {  	s23 =	simm.s32 $0x1;
	p0 =	por !p0, !p0  }
0x1a9: {  	s21 =	sshrl.u32 s21, $0x7;
	s23 =	simm.s32 @!p0 $0x0  }
0x1aa: {  	s21 =	ssub.s32 s21, s23  }
0x1ab: {  	s21 =	sshll.u32 s21, $0x7  }
0x1ac: {  	s21 =	sand.u32 $0x1FFFFF80, s21  }
0x1ad: {  	s24 =	simm.s32 $0xF080;
	s21 =	sadd.s32 s22, s21  }
0x1ae: {  	[tilespmem:s24], [sflag:$0x1] =	stream.strided.gather [hbm4b:s21+s7], $0x800, s8, s7, $0x38;
	[tilespmem:$0x11080] =	vst v63  }
0x1af: {  	s21 =	spop (v2sf)  }
0x1b0: {  	s24 =	sshra.s32 s21, $0x1F  }
0x1b1: {  	s23 =	sshrl.u32 s24, $0x19  }
0x1b2: {  	s23 =	sadd.s32 s23, s21  }
0x1b3: {  	s24 =	sand.u32 $0xFFFFFF80, s23  }
0x1b4: {  	p6 =	slt.s32 s21, $0x1;
	p5 =	sne.s32 s21, s24  }
0x1b5: {  	p0 =	por !p6, !p5  }
0x1b6: {  	s24 =	simm.s32 $0x1;
	p0 =	por !p0, !p0  }
0x1b7: {  	s23 =	sshrl.u32 s23, $0x7;
	s24 =	simm.s32 @!p0 $0x0  }
0x1b8: {  	s23 =	ssub.s32 s23, s24  }
0x1b9: {  	s24 =	rddreg [dreg:$0x7];
	s23 =	sshll.u32 s23, $0x7  }
0x1ba: {  	s24 =	sand.u32 $0x7F, s24;
	s23 =	sand.u32 $0x1FFFFF80, s23  }
0x1bb: {  	v49 =	vor.u32 s24, v1;
	s24 =	simm.s32 $0xF880;
	s23 =	sadd.s32 s22, s23  }
0x1bc: {  	[tilespmem:s24], [sflag:$0x1] =	stream.strided.gather [hbm4b:s23+s7], $0x800, s8, s7, $0x38;
	[tilespmem:$0x11080] =	vst v63  }
0x1bd: {  	_ =	swait.ge [sflag:s6], $0x800  }
0x1be: {  	[sflag:s6] =	ssyncset.done $0x0  }
0x1bf: {  	s23 =	simm.s32 $0x80;
	[sflag:s6] =	ssyncadd.s32 $0xFFFFF800  }
0x1c0: {  	v36 =	vld.idx.msk [tilespmem:v49+s23+$0x0], $0xffff;
	_ =	sdelay $0x1  }
0x1c1: {  	s23 =	rddreg [dreg:$0x8]  }
0x1c2: {  	s23 =	sand.u32 $0x7F, s23  }
0x1c3: {  	v50 =	vor.u32 s23, v1  }
0x1c4: {  	[tilespmem:v0+s16+$0x0] =	vst.idx.msk $0xffff, v36  }
0x1c5: {  	_ =	swait.ge [sflag:s6], $0x800  }
0x1c6: {  	[sflag:s6] =	ssyncset.done $0x0  }
0x1c7: {  	s23 =	simm.s32 $0x880;
	[sflag:s6] =	ssyncadd.s32 $0xFFFFF800  }
0x1c8: {  	v51 =	vld.idx.msk [tilespmem:v50+s23+$0x0], $0xffff;
	_ =	sdelay $0x1  }
0x1c9: {  	s23 =	rddreg [dreg:$0x9]  }
0x1ca: {  	s23 =	sand.u32 $0x7F, s23  }
0x1cb: {  	v52 =	vor.u32 s23, v1  }
0x1cc: {  	[tilespmem:v2+s16+$0x0] =	vst.idx.msk $0xffff, v51  }
0x1cd: {  	_ =	swait.ge [sflag:s6], $0x800  }
0x1ce: {  	[sflag:s6] =	ssyncset.done $0x0  }
0x1cf: {  	s23 =	simm.s32 $0x1080;
	[sflag:s6] =	ssyncadd.s32 $0xFFFFF800  }
0x1d0: {  	v53 =	vld.idx.msk [tilespmem:v52+s23+$0x0], $0xffff;
	_ =	sdelay $0x1  }
0x1d1: {  	s23 =	rddreg [dreg:$0xa]  }
0x1d2: {  	s23 =	sand.u32 $0x7F, s23  }
0x1d3: {  	v54 =	vor.u32 s23, v1  }
0x1d4: {  	[tilespmem:v3+s16+$0x0] =	vst.idx.msk $0xffff, v53  }
0x1d5: {  	_ =	swait.ge [sflag:s6], $0x800  }
0x1d6: {  	[sflag:s6] =	ssyncset.done $0x0  }
0x1d7: {  	s23 =	simm.s32 $0x1880;
	[sflag:s6] =	ssyncadd.s32 $0xFFFFF800  }
0x1d8: {  	v55 =	vld.idx.msk [tilespmem:v54+s23+$0x0], $0xffff;
	_ =	sdelay $0x1  }
0x1d9: {  	s23 =	rddreg [dreg:$0xb]  }
0x1da: {  	s23 =	sand.u32 $0x7F, s23  }
0x1db: {  	v56 =	vor.u32 s23, v1  }
0x1dc: {  	[tilespmem:v4+s16+$0x0] =	vst.idx.msk $0xffff, v55  }
0x1dd: {  	_ =	swait.ge [sflag:s6], $0x800  }
0x1de: {  	[sflag:s6] =	ssyncset.done $0x0  }
0x1df: {  	s23 =	simm.s32 $0x2080;
	[sflag:s6] =	ssyncadd.s32 $0xFFFFF800  }
0x1e0: {  	v57 =	vld.idx.msk [tilespmem:v56+s23+$0x0], $0xffff;
	_ =	sdelay $0x1  }
0x1e1: {  	s23 =	rddreg [dreg:$0xc]  }
0x1e2: {  	s23 =	sand.u32 $0x7F, s23  }
0x1e3: {  	v58 =	vor.u32 s23, v1  }
0x1e4: {  	[tilespmem:v5+s16+$0x0] =	vst.idx.msk $0xffff, v57  }
0x1e5: {  	_ =	swait.ge [sflag:s6], $0x800  }
0x1e6: {  	[sflag:s6] =	ssyncset.done $0x0  }
0x1e7: {  	s23 =	simm.s32 $0x2880;
	[sflag:s6] =	ssyncadd.s32 $0xFFFFF800  }
0x1e8: {  	v59 =	vld.idx.msk [tilespmem:v58+s23+$0x0], $0xffff;
	_ =	sdelay $0x1  }
0x1e9: {  	s23 =	rddreg [dreg:$0xd]  }
0x1ea: {  	s23 =	sand.u32 $0x7F, s23  }
0x1eb: {  	v60 =	vor.u32 s23, v1  }
0x1ec: {  	[tilespmem:v6+s16+$0x0] =	vst.idx.msk $0xffff, v59  }
0x1ed: {  	_ =	swait.ge [sflag:s6], $0x800  }
0x1ee: {  	[sflag:s6] =	ssyncset.done $0x0  }
0x1ef: {  	s23 =	simm.s32 $0x3080;
	[sflag:s6] =	ssyncadd.s32 $0xFFFFF800  }
0x1f0: {  	v61 =	vld.idx.msk [tilespmem:v60+s23+$0x0], $0xffff;
	_ =	sdelay $0x1  }
0x1f1: {  	s23 =	rddreg [dreg:$0xe]  }
0x1f2: {  	s23 =	sand.u32 $0x7F, s23  }
0x1f3: {  	v62 =	vor.u32 s23, v1  }
0x1f4: {  	[tilespmem:v7+s16+$0x0] =	vst.idx.msk $0xffff, v61  }
0x1f5: {  	_ =	swait.ge [sflag:s6], $0x800  }
0x1f6: {  	[sflag:s6] =	ssyncset.done $0x0  }
0x1f7: {  	s23 =	simm.s32 $0x3880;
	[sflag:s6] =	ssyncadd.s32 $0xFFFFF800  }
0x1f8: {  	v63 =	vld.idx.msk [tilespmem:v62+s23+$0x0], $0xffff;
	_ =	sdelay $0x2  }
0x1f9: {  	s25 =	sand.u32 $0x7F, s25  }
0x1fa: {  	v40 =	vor.u32 s25, v1  }
0x1fb: {  	[tilespmem:v8+s16+$0x0] =	vst.idx.msk $0xffff, v63  }
0x1fc: {  	_ =	swait.ge [sflag:s6], $0x800  }
0x1fd: {  	[sflag:s6] =	ssyncset.done $0x0  }
0x1fe: {  	s25 =	simm.s32 $0x4080;
	[sflag:s6] =	ssyncadd.s32 $0xFFFFF800  }
0x1ff: {  	v41 =	vld.idx.msk [tilespmem:v40+s25+$0x0], $0xffff;
	_ =	sdelay $0x2  }
0x200: {  	s25 =	sand.u32 $0x7F, s26  }
0x201: {  	v42 =	vor.u32 s25, v1  }
0x202: {  	[tilespmem:v9+s16+$0x0] =	vst.idx.msk $0xffff, v41  }
0x203: {  	_ =	swait.ge [sflag:s6], $0x800  }
0x204: {  	[sflag:s6] =	ssyncset.done $0x0  }
0x205: {  	s26 =	simm.s32 $0x4880;
	[sflag:s6] =	ssyncadd.s32 $0xFFFFF800  }
0x206: {  	v43 =	vld.idx.msk [tilespmem:v42+s26+$0x0], $0xffff;
	_ =	sdelay $0x2  }
0x207: {  	s28 =	sand.u32 $0x7F, s28  }
0x208: {  	v44 =	vor.u32 s28, v1  }
0x209: {  	[tilespmem:v10+s16+$0x0] =	vst.idx.msk $0xffff, v43  }
0x20a: {  	_ =	swait.ge [sflag:s6], $0x800  }
0x20b: {  	[sflag:s6] =	ssyncset.done $0x0  }
0x20c: {  	s25 =	simm.s32 $0x5080;
	[sflag:s6] =	ssyncadd.s32 $0xFFFFF800  }
0x20d: {  	v45 =	vld.idx.msk [tilespmem:v44+s25+$0x0], $0xffff;
	_ =	sdelay $0x2  }
0x20e: {  	s26 =	sand.u32 $0x7F, s29  }
0x20f: {  	v46 =	vor.u32 s26, v1  }
0x210: {  	[tilespmem:v11+s16+$0x0] =	vst.idx.msk $0xffff, v45  }
0x211: {  	_ =	swait.ge [sflag:s6], $0x800  }
0x212: {  	[sflag:s6] =	ssyncset.done $0x0  }
0x213: {  	s28 =	simm.s32 $0x5880;
	[sflag:s6] =	ssyncadd.s32 $0xFFFFF800  }
0x214: {  	v47 =	vld.idx.msk [tilespmem:v46+s28+$0x0], $0xffff;
	_ =	sdelay $0x2  }
0x215: {  	s29 =	sand.u32 $0x7F, s30  }
0x216: {  	v48 =	vor.u32 s29, v1  }
0x217: {  	[tilespmem:v12+s16+$0x0] =	vst.idx.msk $0xffff, v47  }
0x218: {  	_ =	swait.ge [sflag:s6], $0x800  }
0x219: {  	[sflag:s6] =	ssyncset.done $0x0  }
0x21a: {  	s30 =	simm.s32 $0x6080;
	[sflag:s6] =	ssyncadd.s32 $0xFFFFF800  }
0x21b: {  	v49 =	vld.idx.msk [tilespmem:v48+s30+$0x0], $0xffff;
	_ =	sdelay $0x2  }
0x21c: {  	s31 =	sand.u32 $0x7F, s31  }
0x21d: {  	v50 =	vor.u32 s31, v1  }
0x21e: {  	[tilespmem:v13+s16+$0x0] =	vst.idx.msk $0xffff, v49  }
0x21f: {  	_ =	swait.ge [sflag:s6], $0x800  }
0x220: {  	[sflag:s6] =	ssyncset.done $0x0  }
0x221: {  	s25 =	simm.s32 $0x6880;
	[sflag:s6] =	ssyncadd.s32 $0xFFFFF800  }
0x222: {  	v51 =	vld.idx.msk [tilespmem:v50+s25+$0x0], $0xffff;
	_ =	sdelay $0x2  }
0x223: {  	s17 =	sand.u32 $0x7F, s17  }
0x224: {  	v52 =	vor.u32 s17, v1  }
0x225: {  	[tilespmem:v14+s16+$0x0] =	vst.idx.msk $0xffff, v51  }
0x226: {  	_ =	swait.ge [sflag:s6], $0x800  }
0x227: {  	[sflag:s6] =	ssyncset.done $0x0  }
0x228: {  	s26 =	simm.s32 $0x7080;
	[sflag:s6] =	ssyncadd.s32 $0xFFFFF800  }
0x229: {  	v53 =	vld.idx.msk [tilespmem:v52+s26+$0x0], $0xffff;
	_ =	sdelay $0x2  }
0x22a: {  	s2 =	sand.u32 $0x7F, s2  }
0x22b: {  	v54 =	vor.u32 s2, v1  }
0x22c: {  	[tilespmem:v15+s16+$0x0] =	vst.idx.msk $0xffff, v53  }
0x22d: {  	_ =	swait.ge [sflag:s6], $0x800  }
0x22e: {  	[sflag:s6] =	ssyncset.done $0x0  }
0x22f: {  	s28 =	simm.s32 $0x7880;
	[sflag:s6] =	ssyncadd.s32 $0xFFFFF800  }
0x230: {  	v55 =	vld.idx.msk [tilespmem:v54+s28+$0x0], $0xffff;
	_ =	sdelay $0x2  }
0x231: {  	s29 =	sand.u32 $0x7F, s3  }
0x232: {  	v56 =	vor.u32 s29, v1  }
0x233: {  	[tilespmem:v16+s16+$0x0] =	vst.idx.msk $0xffff, v55  }
0x234: {  	_ =	swait.ge [sflag:s6], $0x800  }
0x235: {  	[sflag:s6] =	ssyncset.done $0x0  }
0x236: {  	s30 =	simm.s32 $0x8080;
	[sflag:s6] =	ssyncadd.s32 $0xFFFFF800  }
0x237: {  	v57 =	vld.idx.msk [tilespmem:v56+s30+$0x0], $0xffff;
	_ =	sdelay $0x2  }
0x238: {  	s31 =	sand.u32 $0x7F, s9  }
0x239: {  	v58 =	vor.u32 s31, v1  }
0x23a: {  	[tilespmem:v17+s16+$0x0] =	vst.idx.msk $0xffff, v57  }
0x23b: {  	_ =	swait.ge [sflag:s6], $0x800  }
0x23c: {  	[sflag:s6] =	ssyncset.done $0x0  }
0x23d: {  	s3 =	simm.s32 $0x8880;
	[sflag:s6] =	ssyncadd.s32 $0xFFFFF800  }
0x23e: {  	v59 =	vld.idx.msk [tilespmem:v58+s3+$0x0], $0xffff;
	_ =	sdelay $0x2  }
0x23f: {  	s9 =	sand.u32 $0x7F, s10  }
0x240: {  	v60 =	vor.u32 s9, v1  }
0x241: {  	[tilespmem:v18+s16+$0x0] =	vst.idx.msk $0xffff, v59  }
0x242: {  	_ =	swait.ge [sflag:s6], $0x800  }
0x243: {  	[sflag:s6] =	ssyncset.done $0x0  }
0x244: {  	s10 =	simm.s32 $0x9080;
	[sflag:s6] =	ssyncadd.s32 $0xFFFFF800  }
0x245: {  	v61 =	vld.idx.msk [tilespmem:v60+s10+$0x0], $0xffff;
	_ =	sdelay $0x2  }
0x246: {  	s11 =	sand.u32 $0x7F, s11  }
0x247: {  	v62 =	vor.u32 s11, v1  }
0x248: {  	[tilespmem:v19+s16+$0x0] =	vst.idx.msk $0xffff, v61  }
0x249: {  	_ =	swait.ge [sflag:s6], $0x800  }
0x24a: {  	[sflag:s6] =	ssyncset.done $0x0  }
0x24b: {  	s17 =	simm.s32 $0x9880;
	[sflag:s6] =	ssyncadd.s32 $0xFFFFF800  }
0x24c: {  	v63 =	vld.idx.msk [tilespmem:v62+s17+$0x0], $0xffff;
	_ =	sdelay $0x2  }
0x24d: {  	s23 =	sand.u32 $0x7F, s12  }
0x24e: {  	v40 =	vor.u32 s23, v1  }
0x24f: {  	[tilespmem:v20+s16+$0x0] =	vst.idx.msk $0xffff, v63  }
0x250: {  	_ =	swait.ge [sflag:s6], $0x800  }
0x251: {  	[sflag:s6] =	ssyncset.done $0x0  }
0x252: {  	s25 =	simm.s32 $0xA080;
	[sflag:s6] =	ssyncadd.s32 $0xFFFFF800  }
0x253: {  	v41 =	vld.idx.msk [tilespmem:v40+s25+$0x0], $0xffff;
	_ =	sdelay $0x2  }
0x254: {  	s26 =	sand.u32 $0x7F, s13  }
0x255: {  	v42 =	vor.u32 s26, v1  }
0x256: {  	[tilespmem:v21+s16+$0x0] =	vst.idx.msk $0xffff, v41  }
0x257: {  	_ =	swait.ge [sflag:s6], $0x800  }
0x258: {  	[sflag:s6] =	ssyncset.done $0x0  }
0x259: {  	s28 =	simm.s32 $0xA880;
	[sflag:s6] =	ssyncadd.s32 $0xFFFFF800  }
0x25a: {  	v43 =	vld.idx.msk [tilespmem:v42+s28+$0x0], $0xffff;
	_ =	sdelay $0x2  }
0x25b: {  	s29 =	sand.u32 $0x7F, s14  }
0x25c: {  	v44 =	vor.u32 s29, v1  }
0x25d: {  	[tilespmem:v22+s16+$0x0] =	vst.idx.msk $0xffff, v43  }
0x25e: {  	_ =	swait.ge [sflag:s6], $0x800  }
0x25f: {  	[sflag:s6] =	ssyncset.done $0x0  }
0x260: {  	s30 =	simm.s32 $0xB080;
	[sflag:s6] =	ssyncadd.s32 $0xFFFFF800  }
0x261: {  	v45 =	vld.idx.msk [tilespmem:v44+s30+$0x0], $0xffff;
	_ =	sdelay $0x2  }
0x262: {  	s31 =	sand.u32 $0x7F, s15  }
0x263: {  	v46 =	vor.u32 s31, v1  }
0x264: {  	[tilespmem:v23+s16+$0x0] =	vst.idx.msk $0xffff, v45  }
0x265: {  	_ =	swait.ge [sflag:s6], $0x800  }
0x266: {  	[sflag:s6] =	ssyncset.done $0x0  }
0x267: {  	s3 =	simm.s32 $0xB880;
	[sflag:s6] =	ssyncadd.s32 $0xFFFFF800  }
0x268: {  	v47 =	vld.idx.msk [tilespmem:v46+s3+$0x0], $0xffff;
	_ =	sdelay $0x2  }
0x269: {  	s5 =	sand.u32 $0x7F, s5  }
0x26a: {  	v48 =	vor.u32 s5, v1  }
0x26b: {  	[tilespmem:v24+s16+$0x0] =	vst.idx.msk $0xffff, v47  }
0x26c: {  	_ =	swait.ge [sflag:s6], $0x800  }
0x26d: {  	[sflag:s6] =	ssyncset.done $0x0  }
0x26e: {  	s9 =	simm.s32 $0xC080;
	[sflag:s6] =	ssyncadd.s32 $0xFFFFF800  }
0x26f: {  	v49 =	vld.idx.msk [tilespmem:v48+s9+$0x0], $0xffff;
	_ =	sdelay $0x2  }
0x270: {  	s10 =	sand.u32 $0x7F, s4  }
0x271: {  	v50 =	vor.u32 s10, v1  }
0x272: {  	[tilespmem:v25+s16+$0x0] =	vst.idx.msk $0xffff, v49  }
0x273: {  	_ =	swait.ge [sflag:s6], $0x800  }
0x274: {  	[sflag:s6] =	ssyncset.done $0x0  }
0x275: {  	s11 =	simm.s32 $0xC880;
	[sflag:s6] =	ssyncadd.s32 $0xFFFFF800  }
0x276: {  	v51 =	vld.idx.msk [tilespmem:v50+s11+$0x0], $0xffff;
	_ =	sdelay $0x2  }
0x277: {  	s0 =	sand.u32 $0x7F, s0  }
0x278: {  	v52 =	vor.u32 s0, v1  }
0x279: {  	[tilespmem:v26+s16+$0x0] =	vst.idx.msk $0xffff, v51  }
0x27a: {  	_ =	swait.ge [sflag:s6], $0x800  }
0x27b: {  	[sflag:s6] =	ssyncset.done $0x0  }
0x27c: {  	s12 =	simm.s32 $0xD080;
	[sflag:s6] =	ssyncadd.s32 $0xFFFFF800  }
0x27d: {  	v53 =	vld.idx.msk [tilespmem:v52+s12+$0x0], $0xffff;
	_ =	sdelay $0x2  }
0x27e: {  	s13 =	sand.u32 $0x7F, s1  }
0x27f: {  	v54 =	vor.u32 s13, v1  }
0x280: {  	[tilespmem:v27+s16+$0x0] =	vst.idx.msk $0xffff, v53  }
0x281: {  	_ =	swait.ge [sflag:s6], $0x800  }
0x282: {  	[sflag:s6] =	ssyncset.done $0x0  }
0x283: {  	s14 =	simm.s32 $0xD880;
	[sflag:s6] =	ssyncadd.s32 $0xFFFFF800  }
0x284: {  	v55 =	vld.idx.msk [tilespmem:v54+s14+$0x0], $0xffff;
	_ =	sdelay $0x2  }
0x285: {  	s15 =	sand.u32 $0x7F, s18  }
0x286: {  	v56 =	vor.u32 s15, v1  }
0x287: {  	[tilespmem:v28+s16+$0x0] =	vst.idx.msk $0xffff, v55  }
0x288: {  	_ =	swait.ge [sflag:s6], $0x800  }
0x289: {  	[sflag:s6] =	ssyncset.done $0x0  }
0x28a: {  	s17 =	simm.s32 $0xE080;
	[sflag:s6] =	ssyncadd.s32 $0xFFFFF800  }
0x28b: {  	v57 =	vld.idx.msk [tilespmem:v56+s17+$0x0], $0xffff;
	_ =	sdelay $0x2  }
0x28c: {  	s18 =	sand.u32 $0x7F, s19  }
0x28d: {  	v58 =	vor.u32 s18, v1  }
0x28e: {  	[tilespmem:v29+s16+$0x0] =	vst.idx.msk $0xffff, v57  }
0x28f: {  	_ =	swait.ge [sflag:s6], $0x800  }
0x290: {  	[sflag:s6] =	ssyncset.done $0x0  }
0x291: {  	s19 =	simm.s32 $0xE880;
	[sflag:s6] =	ssyncadd.s32 $0xFFFFF800  }
0x292: {  	v59 =	vld.idx.msk [tilespmem:v58+s19+$0x0], $0xffff;
	_ =	sdelay $0x2  }
0x293: {  	s20 =	sand.u32 $0x7F, s20  }
0x294: {  	v60 =	vor.u32 s20, v1  }
0x295: {  	[tilespmem:v30+s16+$0x0] =	vst.idx.msk $0xffff, v59  }
0x296: {  	_ =	swait.ge [sflag:s6], $0x800  }
0x297: {  	[sflag:s6] =	ssyncset.done $0x0  }
0x298: {  	s23 =	simm.s32 $0xF080;
	[sflag:s6] =	ssyncadd.s32 $0xFFFFF800  }
0x299: {  	v61 =	vld.idx.msk [tilespmem:v60+s23+$0x0], $0xffff;
	_ =	sdelay $0x2  }
0x29a: {  	s25 =	sand.u32 $0x7F, s21  }
0x29b: {  	v62 =	vor.u32 s25, v1  }
0x29c: {  	[tilespmem:v31+s16+$0x0] =	vst.idx.msk $0xffff, v61  }
0x29d: {  	_ =	swait.ge [sflag:s6], $0x800  }
0x29e: {  	[sflag:s6] =	ssyncset.done $0x0  }
0x29f: {  	[sflag:s6] =	ssyncadd.s32 $0xFFFFF800  }
0x2a0: {  	v63 =	vld.idx.msk [tilespmem:v62+s24+$0x0], $0xffff;
	_ =	sdelay $0x4  }
0x2a1: {  	s29 =	rddreg [dreg:$0x6];
	[tilespmem:v32+s16+$0x0] =	vst.idx.msk $0xffff, v63  }
0x2a2: {  	s28 =	simm.s32 $0x0;
	p0 =	sne.s32 s29, $0x1;
	[tilespmem:v33+s16+$0x0] =	vst.idx.msk $0xffff, v34  }
.Ltmp0:
0x2a3: {  	s30 =	simm.s32 $0x2;
	s26 =	rddreg [dreg:$0x5];
	[tilespmem:v35+s16+$0x0] =	vst.idx.msk $0xffff, v34;
	(pc) =	sbr.rel @p0 .LBB2_1-.Ltmp0, $4  }
0x2a4: {  	[hbm4b:s26+s28] =	stream.linear.scatter [tilespmem:s16], [sflag:$0x2], $0x1000, $0x38;
	[tilespmem:$0x11080] =	vst v63  }
0x2a5: {  	_ =	swait.ge [sflag:s30], $0x1000  }
0x2a6: {  	s31 =	simm.s32 $0x2;
	[sflag:s30] =	ssyncset.done $0x0  }
0x2a7: {  	s0 =	sadd.s32 $0xFFFFFFFF, s29;
	[sflag:s31] =	ssyncadd.s32 $0xFFFFF000  }
0x2a8: {  	_ =	sfence.sel $0x180000  }
0x2a9: {  	[bflag:$0x0] =	sbarrier.arrive $0xFFFF  }
0x2aa: {  	_ =	strace $0x90000047  }
0x2ab: {  	s0 =	stileid.u32;
	[bflag:$0x2] =	sbarrier.arrive $0xFFFF  }
0x2ac: {  	p0 =	sne.s32 s0, $0x0;
	s0 =	rddreg [dreg:$0x3]  }
0x2ad: {  	s0 =	sadd.s32 @!p0 $0x100000, s0  }
0x2ae: {  	[sflag:s0] =	ssyncadd.tile.s32 @!p0 $0x1;
	_ =	shalt  }
.Lfunc_end2:
_tile_overlayer_lowered:
.L_overlay_start_2:
0x2af: {  	(tag) =	ssettag $0x2  }
0x2b0: {  	s0 =	rddreg [dreg:$0x0];
	s2 =	stileid.u32  }
0x2b1: {  	s1 =	rddreg [dreg:$0x1];
	p0 =	sne.s32 s2, $0x0  }
0x2b2: {  	s3 =	rddreg [dreg:$0x2];
	[bflag:$0x3] =	sbarrier.arrive $0xFFFF;
	s2 =	simm.s32 @!p0 $0x1C02  }
0x2b3: {  	[timem:s3], [sflag:s2] =	dma.local @!p0 [hbm:s0], s1  }
0x2b4: {  	s0 =	simm.s32 @!p0 $0x2  }
0x2b5: {  	_ =	swait.ge @!p0 [sflag:s0], s1  }
0x2b6: {  	s1 =	ssub.s32 @!p0 $0x0, s1;
	[sflag:s0] =	ssyncset.done @!p0 $0x0  }
0x2b7: {  	[sflag:s0] =	ssyncadd.s32 @!p0 s1  }
0x2b8: {  	[bflag:$0x3] =	sbarrier.arrive $0xFFFF  }
0x2b9: {  	_ =	shalt  }

</sc_bundles>
